<compile_context>
chip_gen: v7x
topology: tpu7x:2x2x1
jax: 0.10.2.dev20260603
libtpu: 0.0.44.dev20260713+nightly
codegen_flags: <defaults>
</compile_context>

<pallas_src>
import functools

import jax
import jax.numpy as jnp
from jax import lax
from jax.experimental import pallas as pl
from jax.experimental.pallas import tpu as pltpu
from jax.experimental.pallas import tpu_sc as plsc

N = 10000
NP = 10112
DIN = 256
H = 512
HC = 128
NCH = H // HC
E = 160000
NC = 2
NS = 16
NW = NC * NS
EPT = 5120
EP = NW * EPT
EB = 128
NB = EPT // EB
RPT = NP // NS

EBG = 32
NB0 = 64
NB1 = 16
NBP = NB0 * NS + NB1 * (NS - 1) + NB0
NBG = EPT // EBG

BR = 1264
GRID_N = NP // BR
BE = 2048
GRID_E = EP // BE

_mesh = plsc.VectorSubcoreMesh(core_axis_name="c", subcore_axis_name="s",
                               num_cores=NC, num_subcores=NS)


def _hist_body(dst_hbm, ones_hbm, zv_hbm, hist_hbm, idx_v, ones_v, acc):
    cid = lax.axis_index("c")
    sid = lax.axis_index("s")
    wid = sid * NC + cid
    pltpu.sync_copy(dst_hbm.at[wid], idx_v)
    pltpu.sync_copy(ones_hbm, ones_v)
    pltpu.sync_copy(zv_hbm.at[pl.ds(sid * RPT, RPT)],
                    acc.at[pl.ds(sid * RPT, RPT)])
    plsc.subcore_barrier()

    @pl.loop(0, NB)
    def _batches(j):
        pltpu.sync_copy(ones_v, acc.at[idx_v.at[j]], add=True)

    plsc.subcore_barrier()
    pltpu.sync_copy(acc.at[pl.ds(sid * RPT, RPT)],
                    hist_hbm.at[cid, pl.ds(sid * RPT, RPT)])


_hist = pl.kernel(
    _hist_body,
    out_type=jax.ShapeDtypeStruct((NC, NP, HC), jnp.float32),
    mesh=_mesh,
    scratch_types=[
        pltpu.VMEM((NB, EB), jnp.int32),
        pltpu.VMEM((EB, HC), jnp.float32),
        pltpu.VMEM_SHARED((NP, HC), jnp.float32),
    ],
)


def _scatter_body(g0, g1, g2, g3, src_hbm, dst_hbm, z_hbm, s_hbm,
                  idxs_v, idxd_v, bufa, bufb, acc, sema, semb):
    cid = lax.axis_index("c")
    sid = lax.axis_index("s")
    start = jnp.where(cid == 0, sid * NB0, NB0 * NS + sid * NB1)
    nb2 = jnp.where(cid == 0, NB0 // 2, NB1 // 2)
    pltpu.sync_copy(src_hbm.at[pl.ds(start, NB0)], idxs_v)
    pltpu.sync_copy(dst_hbm.at[pl.ds(start, NB0)], idxd_v)
    for c, gc in enumerate((g0, g1, g2, g3)):
        pltpu.sync_copy(z_hbm.at[pl.ds(sid * RPT, RPT)],
                        acc.at[pl.ds(sid * RPT, RPT)])
        plsc.subcore_barrier()

        pltpu.async_copy(gc.at[idxs_v.at[0]], bufa, sema)

        @pl.loop(0, nb2)
        def _batches(j2):
            j = j2 * 2
            pltpu.make_async_copy(gc.at[idxs_v.at[j]], bufa, sema).wait()
            pltpu.async_copy(gc.at[idxs_v.at[j + 1]], bufb, semb)
            pltpu.sync_copy(bufa, acc.at[idxd_v.at[j]], add=True)
            pltpu.make_async_copy(gc.at[idxs_v.at[j + 1]], bufb, semb).wait()

            @pl.when(j2 < nb2 - 1)
            def _():
                pltpu.async_copy(gc.at[idxs_v.at[j + 2]], bufa, sema)

            pltpu.sync_copy(bufb, acc.at[idxd_v.at[j + 1]], add=True)

        plsc.subcore_barrier()
        pltpu.sync_copy(acc.at[pl.ds(sid * RPT, RPT)],
                        s_hbm.at[c, cid, pl.ds(sid * RPT, RPT)])
        plsc.subcore_barrier()


_scatter = pl.kernel(
    _scatter_body,
    out_type=jax.ShapeDtypeStruct((NCH, NC, NP, HC), jnp.float32),
    mesh=_mesh,
    scratch_types=[
        pltpu.VMEM((NB0, EB), jnp.int32),
        pltpu.VMEM((NB0, EB), jnp.int32),
        pltpu.VMEM((EB, HC), jnp.float32),
        pltpu.VMEM((EB, HC), jnp.float32),
        pltpu.VMEM_SHARED((NP, HC), jnp.float32),
        pltpu.SemaphoreType.DMA,
        pltpu.SemaphoreType.DMA,
    ],
)


def _gather_body(p_hbm, q_hbm, src_hbm, dst_hbm, rp_hbm, rq_hbm,
                 idxs_v, idxd_v, bufpa, bufqa, bufpb, bufqb,
                 gpa, gqa, gpb, gqb, wpa, wqa, wpb, wqb):
    cid = lax.axis_index("c")
    sid = lax.axis_index("s")
    wid = sid * NC + cid
    pltpu.sync_copy(src_hbm.at[wid], idxs_v)
    pltpu.sync_copy(dst_hbm.at[wid], idxd_v)
    base = wid * EPT

    def _start_g(j, bp, bq, sp, sq):
        pltpu.async_copy(p_hbm.at[idxs_v.at[j]], bp, sp)
        pltpu.async_copy(q_hbm.at[idxd_v.at[j]], bq, sq)

    def _wait_g(j, bp, bq, sp, sq):
        pltpu.make_async_copy(p_hbm.at[idxs_v.at[j]], bp, sp).wait()
        pltpu.make_async_copy(q_hbm.at[idxd_v.at[j]], bq, sq).wait()

    def _start_w(j, bp, bq, sp, sq):
        pltpu.async_copy(bp, rp_hbm.at[pl.ds(base + j * EBG, EBG)], sp)
        pltpu.async_copy(bq, rq_hbm.at[pl.ds(base + j * EBG, EBG)], sq)

    def _wait_w(j, bp, bq, sp, sq):
        pltpu.make_async_copy(bp, rp_hbm.at[pl.ds(base + j * EBG, EBG)],
                              sp).wait()
        pltpu.make_async_copy(bq, rq_hbm.at[pl.ds(base + j * EBG, EBG)],
                              sq).wait()

    _start_g(0, bufpa, bufqa, gpa, gqa)

    @pl.loop(0, NBG // 2)
    def _batches(j2):
        j = j2 * 2
        _wait_g(j, bufpa, bufqa, gpa, gqa)

        @pl.when(j2 > 0)
        def _():
            _wait_w(j - 1, bufpb, bufqb, wpb, wqb)

        _start_g(j + 1, bufpb, bufqb, gpb, gqb)
        _start_w(j, bufpa, bufqa, wpa, wqa)
        _wait_g(j + 1, bufpb, bufqb, gpb, gqb)
        _wait_w(j, bufpa, bufqa, wpa, wqa)

        @pl.when(j2 < NBG // 2 - 1)
        def _():
            _start_g(j + 2, bufpa, bufqa, gpa, gqa)

        _start_w(j + 1, bufpb, bufqb, wpb, wqb)

    _wait_w(NBG - 1, bufpb, bufqb, wpb, wqb)


_gather = pl.kernel(
    _gather_body,
    out_type=[jax.ShapeDtypeStruct((EP, H), jnp.float32),
              jax.ShapeDtypeStruct((EP, H), jnp.float32)],
    mesh=_mesh,
    scratch_types=[
        pltpu.VMEM((NBG, EBG), jnp.int32),
        pltpu.VMEM((NBG, EBG), jnp.int32),
        pltpu.VMEM((EBG, H), jnp.float32),
        pltpu.VMEM((EBG, H), jnp.float32),
        pltpu.VMEM((EBG, H), jnp.float32),
        pltpu.VMEM((EBG, H), jnp.float32),
    ] + [pltpu.SemaphoreType.DMA] * 8,
)


def _deg_inv_sqrt(hist_blk):
    deg = hist_blk[0, :, 0] + hist_blk[1, :, 0] + 1.0
    return lax.rsqrt(deg)


def _tc1_body(x_ref, hist_ref, w1_ref, o0, o1, o2, o3):
    dinv = _deg_inv_sqrt(hist_ref[...])
    h = jnp.dot(x_ref[...], w1_ref[...], preferred_element_type=jnp.float32)
    g = h * dinv[:, None]
    for c, o in enumerate((o0, o1, o2, o3)):
        o[...] = g[:, c * HC:(c + 1) * HC]


def _tc_mid_body(s_ref, g0, g1, g2, g3, hist_ref, w_ref, b_ref,
                 o0, o1, o2, o3):
    dinv = _deg_inv_sqrt(hist_ref[...])
    parts = [s_ref[c, 0] + s_ref[c, 1] + (g0, g1, g2, g3)[c][...]
             for c in range(NCH)]
    s = jnp.concatenate(parts, axis=1)
    h = jnp.maximum(s * dinv[:, None] + b_ref[...], 0.0)
    g = jnp.dot(h, w_ref[...], preferred_element_type=jnp.float32) * dinv[:, None]
    for c, o in enumerate((o0, o1, o2, o3)):
        o[...] = g[:, c * HC:(c + 1) * HC]


def _tc3_body(s_ref, g0, g1, g2, g3, hist_ref, m1a_ref, m1b_ref, b2_ref,
              bm1_ref, p_ref, q_ref):
    dinv = _deg_inv_sqrt(hist_ref[...])
    parts = [s_ref[c, 0] + s_ref[c, 1] + (g0, g1, g2, g3)[c][...]
             for c in range(NCH)]
    s = jnp.concatenate(parts, axis=1)
    h = jnp.maximum(s * dinv[:, None] + b2_ref[...], 0.0)
    p_ref[...] = jnp.dot(h, m1a_ref[...],
                         preferred_element_type=jnp.float32) + bm1_ref[...]
    q_ref[...] = jnp.dot(h, m1b_ref[...], preferred_element_type=jnp.float32)


def _tc4_body(rp_ref, rq_ref, m2_ref, bm2_ref, m3_ref, bm3_ref, o_ref):
    e = jnp.maximum(rp_ref[...] + rq_ref[...], 0.0)
    f = jnp.maximum(
        jnp.dot(e, m2_ref[...], preferred_element_type=jnp.float32)
        + bm2_ref[...], 0.0)
    o_ref[...] = jnp.sum(f * m3_ref[...], axis=1, keepdims=True) + bm3_ref[...]


def _row_spec(shape2):
    return pl.BlockSpec(shape2, lambda i: (i, 0))


def _full_spec(shape):
    nd = len(shape)
    return pl.BlockSpec(shape, lambda i: (0,) * nd)


_gchunk_specs = [_row_spec((BR, HC)) for _ in range(NCH)]
_gchunk_out = [jax.ShapeDtypeStruct((NP, HC), jnp.float32) for _ in range(NCH)]

_tc1 = pl.pallas_call(
    _tc1_body,
    grid=(GRID_N,),
    in_specs=[
        _row_spec((BR, DIN)),
        pl.BlockSpec((NC, BR, HC), lambda i: (0, i, 0)),
        _full_spec((DIN, H)),
    ],
    out_specs=_gchunk_specs,
    out_shape=_gchunk_out,
)

_tc_mid = pl.pallas_call(
    _tc_mid_body,
    grid=(GRID_N,),
    in_specs=[
        pl.BlockSpec((NCH, NC, BR, HC), lambda i: (0, 0, i, 0)),
        *_gchunk_specs,
        pl.BlockSpec((NC, BR, HC), lambda i: (0, i, 0)),
        _full_spec((H, H)),
        _full_spec((1, H)),
    ],
    out_specs=_gchunk_specs,
    out_shape=_gchunk_out,
)

_tc3 = pl.pallas_call(
    _tc3_body,
    grid=(GRID_N,),
    in_specs=[
        pl.BlockSpec((NCH, NC, BR, HC), lambda i: (0, 0, i, 0)),
        *_gchunk_specs,
        pl.BlockSpec((NC, BR, HC), lambda i: (0, i, 0)),
        _full_spec((H, H)),
        _full_spec((H, H)),
        _full_spec((1, H)),
        _full_spec((1, H)),
    ],
    out_specs=[_row_spec((BR, H)), _row_spec((BR, H))],
    out_shape=[jax.ShapeDtypeStruct((NP, H), jnp.float32),
               jax.ShapeDtypeStruct((NP, H), jnp.float32)],
)

_tc4 = pl.pallas_call(
    _tc4_body,
    grid=(GRID_E,),
    in_specs=[
        _row_spec((BE, H)),
        _row_spec((BE, H)),
        _full_spec((H, H // 2)),
        _full_spec((1, H // 2)),
        _full_spec((1, H // 2)),
        _full_spec((1, 1)),
    ],
    out_specs=_row_spec((BE, 1)),
    out_shape=jax.ShapeDtypeStruct((EP, 1), jnp.float32),
)


def kernel(x, edge_index, W1, b1, W2, b2, M1, bm1, M2, bm2, M3, bm3):
    src = edge_index[0].astype(jnp.int32)
    dst = edge_index[1].astype(jnp.int32)
    pad = jnp.full((EP - E,), N, jnp.int32)
    src3 = jnp.concatenate([src, pad]).reshape(NW, NB, EB)
    dst3 = jnp.concatenate([dst, pad]).reshape(NW, NB, EB)
    padf = jnp.full((NBP * EB - E,), N, jnp.int32)
    src4 = jnp.concatenate([src, padf]).reshape(NBP, EB)
    dst4 = jnp.concatenate([dst, padf]).reshape(NBP, EB)
    xp = jnp.pad(x, ((0, NP - N), (0, 0)))
    ones_h = jnp.ones((EB, HC), jnp.float32)
    zc = jnp.zeros((NP, HC), jnp.float32)
    b1r = b1.reshape(1, H)
    b2r = b2.reshape(1, H)
    bm1r = bm1.reshape(1, H)
    bm2r = bm2.reshape(1, H // 2)
    m3r = M3.reshape(1, H // 2)
    bm3r = bm3.reshape(1, 1)
    M1a = M1[:H]
    M1b = M1[H:]

    hist = _hist(dst3, ones_h, zc)

    g1 = _tc1(xp, hist, W1)
    s1 = _scatter(*g1, src4, dst4, zc)
    g2 = _tc_mid(s1, *g1, hist, W2, b1r)
    s2 = _scatter(*g2, src4, dst4, zc)
    p, q = _tc3(s2, *g2, hist, M1a, M1b, b2r, bm1r)
    srcg = src3.reshape(NW, NBG, EBG)
    dstg = dst3.reshape(NW, NBG, EBG)
    rp, rq = _gather(p, q, srcg, dstg)
    out = _tc4(rp, rq, M2, bm2r, m3r, bm3r)
    return out[:E]

# --- scband reference (transcript-rebuilt; emitter-appended) ---
"""Pipeline reference for scband-gnnmodel-29918742184171 (READ-ONLY COPY).

The authoritative reference and input builder live on the scoring server;
editing this copy changes nothing except your own understanding.
"""

import jax, jax.numpy as jnp
import numpy as np

N_NODES = 10000
D_IN = 256
H = 512

def _gcn_conv(x, src, dst, W, b, num_nodes):
    # add self loops
    loop = jnp.arange(num_nodes, dtype=src.dtype)
    s = jnp.concatenate([src, loop])
    d = jnp.concatenate([dst, loop])
    deg = jnp.zeros((num_nodes,), dtype=x.dtype).at[d].add(1.0)
    dinv = jnp.where(deg > 0, deg ** -0.5, 0.0)
    norm = dinv[s] * dinv[d]
    h = x @ W
    msg = h[s] * norm[:, None]
    out = jnp.zeros((num_nodes, h.shape[1]), dtype=x.dtype).at[d].add(msg)
    return out + b

def setup_inputs(seed: int = 0) -> dict:
    key = jax.random.key(seed)
    ks = jax.random.split(key, 12)
    x = jax.random.normal(ks[0], (N_NODES, D_IN), dtype=jnp.float32)
    edge_index = jax.random.randint(ks[1], (2, 160000), 0, N_NODES, dtype=jnp.int64)
    def glorot(k, shape):
        fan_in = shape[0]
        return jax.random.normal(k, shape, dtype=jnp.float32) * (1.0 / np.sqrt(fan_in))
    W1 = glorot(ks[2], (D_IN, H)); b1 = jnp.zeros((H,), jnp.float32)
    W2 = glorot(ks[3], (H, H)); b2 = jnp.zeros((H,), jnp.float32)
    M1 = glorot(ks[4], (2 * H, H)); bm1 = jnp.zeros((H,), jnp.float32)
    M2 = glorot(ks[5], (H, H // 2)); bm2 = jnp.zeros((H // 2,), jnp.float32)
    M3 = glorot(ks[6], (H // 2, 1)); bm3 = jnp.zeros((1,), jnp.float32)
    return {"x": x, "edge_index": edge_index, "W1": W1, "b1": b1, "W2": W2, "b2": b2,
            "M1": M1, "bm1": bm1, "M2": M2, "bm2": bm2, "M3": M3, "bm3": bm3}

def reference(x, edge_index, W1, b1, W2, b2, M1, bm1, M2, bm2, M3, bm3):
    src, dst = edge_index[0], edge_index[1]
    h = _gcn_conv(x, src, dst, W1, b1, N_NODES)
    h = jax.nn.relu(h)
    h = _gcn_conv(h, src, dst, W2, b2, N_NODES)
    h = jax.nn.relu(h)
    edge_feat = jnp.concatenate([h[src], h[dst]], axis=-1)
    e = jax.nn.relu(edge_feat @ M1 + bm1)  # dropout is identity in eval mode
    e = jax.nn.relu(e @ M2 + bm2)
    out = e @ M3 + bm3
    return out

if __name__ == "__main__":
    import jax
    _d = setup_inputs()
    print(jax.jit(kernel)(*tuple(_d.values())))

</pallas_src>

<mosaic_0001>
#map = affine_map<(d0, d1) -> (0, 0, 0)>
#map1 = affine_map<(d0, d1) -> (0, 0)>
module attributes {stable_mosaic.version = 14 : i64} {
  func.func @_hist_body(%arg0: i32, %arg1: i32, %arg2: memref<32x40x128xi32, #tpu.memory_space<hbm>>, %arg3: memref<128x128xf32, #tpu.memory_space<hbm>>, %arg4: memref<10112x128xf32, #tpu.memory_space<hbm>>, %arg5: memref<2x10112x128xf32, #tpu.memory_space<hbm>>, %arg6: memref<40x128xi32, #tpu.memory_space<vmem>>, %arg7: memref<128x128xf32, #tpu.memory_space<vmem>>, %arg8: memref<10112x128xf32, #tpu.memory_space<vmem_shared>>) attributes {dimension_semantics = [#tpu.dimension_semantics<core_parallel>, #tpu.dimension_semantics<subcore_parallel>], iteration_bounds = array<i64: 2, 16>, scalar_prefetch = 0 : i64, scratch_operands = 3 : i64, tpu.core_type = #tpu.core_type<sc_vector_subcore>, window_params = [{transform_indices = #map}, {transform_indices = #map1}, {transform_indices = #map1}, {transform_indices = #map}]} {
    %mul3A = arith.constant 2 : i32
    %mul3A_0 = arith.muli %arg1, %mul3A : i32
    %add3A = arith.addi %mul3A_0, %arg0 : i32
    "tpu.region"() ({
      %run_scoped3A = tpu.sem_alloc : memref<!tpu.dma_semaphore, #tpu.memory_space<semaphore_mem>>
      %dma_start3A = arith.constant 0 : i32
      %dma_start3A_14 = arith.constant 0 : i32
      %dma_start3A_15 = tpu.memref_slice %arg2[%add3A, %dma_start3A, %dma_start3A_14] : memref<32x40x128xi32, #tpu.memory_space<hbm>> -> memref<1x40x128xi32, #tpu.memory_space<hbm>>
      %dma_start3A_16 = tpu.memref_squeeze %dma_start3A_15 : memref<1x40x128xi32, #tpu.memory_space<hbm>> -> memref<40x128xi32, #tpu.memory_space<hbm>>
      %dma_start3A_17 = arith.constant 0 : i32
      %dma_start3A_18 = arith.constant 0 : i32
      %dma_start3A_19 = tpu.memref_slice %arg2[%add3A, %dma_start3A_17, %dma_start3A_18] : memref<32x40x128xi32, #tpu.memory_space<hbm>> -> memref<1x40x128xi32, #tpu.memory_space<hbm>>
      %dma_start3A_20 = tpu.memref_squeeze %dma_start3A_19 : memref<1x40x128xi32, #tpu.memory_space<hbm>> -> memref<40x128xi32, #tpu.memory_space<hbm>>
      tpu.enqueue_dma source(%dma_start3A_20 : memref<40x128xi32, #tpu.memory_space<hbm>>) target(%arg6 : memref<40x128xi32, #tpu.memory_space<vmem>>) target_semaphore(%run_scoped3A : memref<!tpu.dma_semaphore, #tpu.memory_space<semaphore_mem>>)
      %dma_wait3A = arith.constant 0 : i32
      %dma_wait3A_21 = arith.constant 0 : i32
      %dma_wait3A_22 = tpu.memref_slice %arg2[%add3A, %dma_wait3A, %dma_wait3A_21] : memref<32x40x128xi32, #tpu.memory_space<hbm>> -> memref<1x40x128xi32, #tpu.memory_space<hbm>>
      %dma_wait3A_23 = tpu.memref_squeeze %dma_wait3A_22 : memref<1x40x128xi32, #tpu.memory_space<hbm>> -> memref<40x128xi32, #tpu.memory_space<hbm>>
      %dma_wait3A_24 = arith.constant 0 : i32
      %dma_wait3A_25 = arith.constant 0 : i32
      %dma_wait3A_26 = tpu.memref_slice %arg2[%add3A, %dma_wait3A_24, %dma_wait3A_25] : memref<32x40x128xi32, #tpu.memory_space<hbm>> -> memref<1x40x128xi32, #tpu.memory_space<hbm>>
      %dma_wait3A_27 = tpu.memref_squeeze %dma_wait3A_26 : memref<1x40x128xi32, #tpu.memory_space<hbm>> -> memref<40x128xi32, #tpu.memory_space<hbm>>
      tpu.wait_dma2 semaphore(%run_scoped3A : memref<!tpu.dma_semaphore, #tpu.memory_space<semaphore_mem>>) src(%dma_wait3A_27 : memref<40x128xi32, #tpu.memory_space<hbm>>) dst(%arg6 : memref<40x128xi32, #tpu.memory_space<vmem>>)
      tpu.yield
    }) : () -> ()
    "tpu.region"() ({
      %run_scoped3A = tpu.sem_alloc : memref<!tpu.dma_semaphore, #tpu.memory_space<semaphore_mem>>
      tpu.enqueue_dma source(%arg3 : memref<128x128xf32, #tpu.memory_space<hbm>>) target(%arg7 : memref<128x128xf32, #tpu.memory_space<vmem>>) target_semaphore(%run_scoped3A : memref<!tpu.dma_semaphore, #tpu.memory_space<semaphore_mem>>)
      tpu.wait_dma2 semaphore(%run_scoped3A : memref<!tpu.dma_semaphore, #tpu.memory_space<semaphore_mem>>) src(%arg3 : memref<128x128xf32, #tpu.memory_space<hbm>>) dst(%arg7 : memref<128x128xf32, #tpu.memory_space<vmem>>)
      tpu.yield
    }) : () -> ()
    %mul3A_1 = arith.constant 632 : i32
    %mul3A_2 = arith.muli %arg1, %mul3A_1 : i32
    %mul3A_3 = arith.constant 632 : i32
    %mul3A_4 = arith.muli %arg1, %mul3A_3 : i32
    "tpu.region"() ({
      %run_scoped3A = tpu.sem_alloc : memref<!tpu.dma_semaphore, #tpu.memory_space<semaphore_mem>>
      %dma_start3A = arith.constant 0 : i32
      %dma_start3A_14 = tpu.memref_slice %arg8[%mul3A_4, %dma_start3A] : memref<10112x128xf32, #tpu.memory_space<vmem_shared>> -> memref<632x128xf32, #tpu.memory_space<vmem_shared>>
      %dma_start3A_15 = arith.constant 0 : i32
      %dma_start3A_16 = tpu.memref_slice %arg4[%mul3A_2, %dma_start3A_15] : memref<10112x128xf32, #tpu.memory_space<hbm>> -> memref<632x128xf32, #tpu.memory_space<hbm>>
      tpu.enqueue_dma source(%dma_start3A_16 : memref<632x128xf32, #tpu.memory_space<hbm>>) target(%dma_start3A_14 : memref<632x128xf32, #tpu.memory_space<vmem_shared>>) target_semaphore(%run_scoped3A : memref<!tpu.dma_semaphore, #tpu.memory_space<semaphore_mem>>)
      %dma_wait3A = arith.constant 0 : i32
      %dma_wait3A_17 = tpu.memref_slice %arg8[%mul3A_4, %dma_wait3A] : memref<10112x128xf32, #tpu.memory_space<vmem_shared>> -> memref<632x128xf32, #tpu.memory_space<vmem_shared>>
      %dma_wait3A_18 = arith.constant 0 : i32
      %dma_wait3A_19 = tpu.memref_slice %arg4[%mul3A_2, %dma_wait3A_18] : memref<10112x128xf32, #tpu.memory_space<hbm>> -> memref<632x128xf32, #tpu.memory_space<hbm>>
      tpu.wait_dma2 semaphore(%run_scoped3A : memref<!tpu.dma_semaphore, #tpu.memory_space<semaphore_mem>>) src(%dma_wait3A_19 : memref<632x128xf32, #tpu.memory_space<hbm>>) dst(%dma_wait3A_17 : memref<632x128xf32, #tpu.memory_space<vmem_shared>>)
      tpu.yield
    }) : () -> ()
    %barrier3A = arith.constant 0 : index
    tpu.barrier barrier_id(%barrier3A)
    %scan3A = arith.constant 0 : i32
    %scan3A_5 = arith.constant 40 : i32
    %scan3A_6 = arith.addi %scan3A, %scan3A_5 : i32
    %scan3A_7 = arith.constant 1 : i32
    scf.for %scan3A_14 = %scan3A to %scan3A_6 step %scan3A_7  : i32 {
      %mul3A_15 = arith.constant 1 : i32
      %mul3A_16 = arith.muli %scan3A_14, %mul3A_15 : i32
      %add3A_17 = arith.constant 0 : i32
      %add3A_18 = arith.addi %add3A_17, %mul3A_16 : i32
      "tpu.region"() ({
        %run_scoped3A = tpu.sem_alloc : memref<!tpu.dma_semaphore, #tpu.memory_space<semaphore_mem>>
        %dma_start3A = arith.constant 0 : i32
        %dma_start3A_19 = tpu.memref_slice %arg6[%add3A_18, %dma_start3A] : memref<40x128xi32, #tpu.memory_space<vmem>> -> memref<1x128xi32, #tpu.memory_space<vmem>>
        %dma_start3A_20 = tpu.memref_squeeze %dma_start3A_19 : memref<1x128xi32, #tpu.memory_space<vmem>> -> memref<128xi32, #tpu.memory_space<vmem>>
        %dma_start3A_21 = arith.constant 0 : i32
        %dma_start3A_22 = arith.constant 0 : i32
        %dma_start3A_23 = tpu.memref_slice %arg8[%dma_start3A_21, %dma_start3A_22] : memref<10112x128xf32, #tpu.memory_space<vmem_shared>> -> memref<10112x128xf32, #tpu.memory_space<vmem_shared>>
        tpu.enqueue_indirect_dma source(%arg7 : memref<128x128xf32, #tpu.memory_space<vmem>>) target(%dma_start3A_23 : memref<10112x128xf32, #tpu.memory_space<vmem_shared>>) offsets(%dma_start3A_20 : memref<128xi32, #tpu.memory_space<vmem>>) semaphore(%run_scoped3A : memref<!tpu.dma_semaphore, #tpu.memory_space<semaphore_mem>>) {add = true}
        %dma_wait3A = arith.constant 0 : i32
        %dma_wait3A_24 = tpu.memref_slice %arg6[%add3A_18, %dma_wait3A] : memref<40x128xi32, #tpu.memory_space<vmem>> -> memref<1x128xi32, #tpu.memory_space<vmem>>
        %dma_wait3A_25 = tpu.memref_squeeze %dma_wait3A_24 : memref<1x128xi32, #tpu.memory_space<vmem>> -> memref<128xi32, #tpu.memory_space<vmem>>
        %dma_wait3A_26 = arith.constant 0 : i32
        %dma_wait3A_27 = arith.constant 0 : i32
        %dma_wait3A_28 = tpu.memref_slice %arg8[%dma_wait3A_26, %dma_wait3A_27] : memref<10112x128xf32, #tpu.memory_space<vmem_shared>> -> memref<10112x128xf32, #tpu.memory_space<vmem_shared>>
        tpu.wait_indirect_dma semaphore(%run_scoped3A : memref<!tpu.dma_semaphore, #tpu.memory_space<semaphore_mem>>) src(%arg7 : memref<128x128xf32, #tpu.memory_space<vmem>>) dst(%dma_wait3A_28 : memref<10112x128xf32, #tpu.memory_space<vmem_shared>>)
        tpu.yield
      }) : () -> ()
    }
    %scan3A_8 = arith.constant 40 : i32
    %barrier3A_9 = arith.constant 0 : index
    tpu.barrier barrier_id(%barrier3A_9)
    %mul3A_10 = arith.constant 632 : i32
    %mul3A_11 = arith.muli %arg1, %mul3A_10 : i32
    %mul3A_12 = arith.constant 632 : i32
    %mul3A_13 = arith.muli %arg1, %mul3A_12 : i32
    "tpu.region"() ({
      %run_scoped3A = tpu.sem_alloc : memref<!tpu.dma_semaphore, #tpu.memory_space<semaphore_mem>>
      %dma_start3A = arith.constant 0 : i32
      %dma_start3A_14 = tpu.memref_slice %arg5[%arg0, %mul3A_13, %dma_start3A] : memref<2x10112x128xf32, #tpu.memory_space<hbm>> -> memref<1x632x128xf32, #tpu.memory_space<hbm>>
      %dma_start3A_15 = tpu.memref_squeeze %dma_start3A_14 : memref<1x632x128xf32, #tpu.memory_space<hbm>> -> memref<632x128xf32, #tpu.memory_space<hbm>>
      %dma_start3A_16 = arith.constant 0 : i32
      %dma_start3A_17 = tpu.memref_slice %arg8[%mul3A_11, %dma_start3A_16] : memref<10112x128xf32, #tpu.memory_space<vmem_shared>> -> memref<632x128xf32, #tpu.memory_space<vmem_shared>>
      tpu.enqueue_dma source(%dma_start3A_17 : memref<632x128xf32, #tpu.memory_space<vmem_shared>>) target(%dma_start3A_15 : memref<632x128xf32, #tpu.memory_space<hbm>>) target_semaphore(%run_scoped3A : memref<!tpu.dma_semaphore, #tpu.memory_space<semaphore_mem>>)
      %dma_wait3A = arith.constant 0 : i32
      %dma_wait3A_18 = tpu.memref_slice %arg5[%arg0, %mul3A_13, %dma_wait3A] : memref<2x10112x128xf32, #tpu.memory_space<hbm>> -> memref<1x632x128xf32, #tpu.memory_space<hbm>>
      %dma_wait3A_19 = tpu.memref_squeeze %dma_wait3A_18 : memref<1x632x128xf32, #tpu.memory_space<hbm>> -> memref<632x128xf32, #tpu.memory_space<hbm>>
      %dma_wait3A_20 = arith.constant 0 : i32
      %dma_wait3A_21 = tpu.memref_slice %arg8[%mul3A_11, %dma_wait3A_20] : memref<10112x128xf32, #tpu.memory_space<vmem_shared>> -> memref<632x128xf32, #tpu.memory_space<vmem_shared>>
      tpu.wait_dma2 semaphore(%run_scoped3A : memref<!tpu.dma_semaphore, #tpu.memory_space<semaphore_mem>>) src(%dma_wait3A_21 : memref<632x128xf32, #tpu.memory_space<vmem_shared>>) dst(%dma_wait3A_19 : memref<632x128xf32, #tpu.memory_space<hbm>>)
      tpu.yield
    }) : () -> ()
    return
  }
}

#map = affine_map<(d0, d1) -> (0, 0)>
#map1 = affine_map<(d0, d1) -> (0, 0, 0, 0)>
module attributes {stable_mosaic.version = 14 : i64} {
  func.func @_scatter_body(%arg0: i32, %arg1: i32, %arg2: memref<10112x128xf32, #tpu.memory_space<hbm>>, %arg3: memref<10112x128xf32, #tpu.memory_space<hbm>>, %arg4: memref<10112x128xf32, #tpu.memory_space<hbm>>, %arg5: memref<10112x128xf32, #tpu.memory_space<hbm>>, %arg6: memref<1328x128xi32, #tpu.memory_space<hbm>>, %arg7: memref<1328x128xi32, #tpu.memory_space<hbm>>, %arg8: memref<10112x128xf32, #tpu.memory_space<hbm>>, %arg9: memref<4x2x10112x128xf32, #tpu.memory_space<hbm>>, %arg10: memref<64x128xi32, #tpu.memory_space<vmem>>, %arg11: memref<64x128xi32, #tpu.memory_space<vmem>>, %arg12: memref<128x128xf32, #tpu.memory_space<vmem>>, %arg13: memref<128x128xf32, #tpu.memory_space<vmem>>, %arg14: memref<10112x128xf32, #tpu.memory_space<vmem_shared>>, %arg15: memref<!tpu.dma_semaphore, #tpu.memory_space<semaphore_mem>>, %arg16: memref<!tpu.dma_semaphore, #tpu.memory_space<semaphore_mem>>) attributes {dimension_semantics = [#tpu.dimension_semantics<core_parallel>, #tpu.dimension_semantics<subcore_parallel>], iteration_bounds = array<i64: 2, 16>, scalar_prefetch = 0 : i64, scratch_operands = 7 : i64, tpu.core_type = #tpu.core_type<sc_vector_subcore>, window_params = [{transform_indices = #map}, {transform_indices = #map}, {transform_indices = #map}, {transform_indices = #map}, {transform_indices = #map}, {transform_indices = #map}, {transform_indices = #map}, {transform_indices = #map1}]} {
    %eq3A = arith.constant 0 : i32
    %eq3A_0 = arith.cmpi eq, %arg0, %eq3A : i32
    %mul3A = arith.constant 64 : i32
    %mul3A_1 = arith.muli %arg1, %mul3A : i32
    %mul3A_2 = arith.constant 16 : i32
    %mul3A_3 = arith.muli %arg1, %mul3A_2 : i32
    %add3A = arith.constant 1024 : i32
    %add3A_4 = arith.addi %add3A, %mul3A_3 : i32
    %select_n3A = arith.select %eq3A_0, %mul3A_1, %add3A_4 : i32
    %eq3A_5 = arith.constant 0 : i32
    %eq3A_6 = arith.cmpi eq, %arg0, %eq3A_5 : i32
    %jit3A = arith.constant 32 : i32
    %jit3A_7 = arith.constant 8 : i32
    %select_n3A_8 = arith.select %eq3A_6, %jit3A, %jit3A_7 : i32
    "tpu.region"() ({
      %run_scoped3A_155 = tpu.sem_alloc : memref<!tpu.dma_semaphore, #tpu.memory_space<semaphore_mem>>
      %dma_start3A_156 = arith.constant 0 : i32
      %dma_start3A_157 = tpu.memref_slice %arg6[%select_n3A, %dma_start3A_156] : memref<1328x128xi32, #tpu.memory_space<hbm>> -> memref<64x128xi32, #tpu.memory_space<hbm>>
      %dma_start3A_158 = arith.constant 0 : i32
      %dma_start3A_159 = tpu.memref_slice %arg6[%select_n3A, %dma_start3A_158] : memref<1328x128xi32, #tpu.memory_space<hbm>> -> memref<64x128xi32, #tpu.memory_space<hbm>>
      tpu.enqueue_dma source(%dma_start3A_159 : memref<64x128xi32, #tpu.memory_space<hbm>>) target(%arg10 : memref<64x128xi32, #tpu.memory_space<vmem>>) target_semaphore(%run_scoped3A_155 : memref<!tpu.dma_semaphore, #tpu.memory_space<semaphore_mem>>)
      %dma_wait3A = arith.constant 0 : i32
      %dma_wait3A_160 = tpu.memref_slice %arg6[%select_n3A, %dma_wait3A] : memref<1328x128xi32, #tpu.memory_space<hbm>> -> memref<64x128xi32, #tpu.memory_space<hbm>>
      %dma_wait3A_161 = arith.constant 0 : i32
      %dma_wait3A_162 = tpu.memref_slice %arg6[%select_n3A, %dma_wait3A_161] : memref<1328x128xi32, #tpu.memory_space<hbm>> -> memref<64x128xi32, #tpu.memory_space<hbm>>
      tpu.wait_dma2 semaphore(%run_scoped3A_155 : memref<!tpu.dma_semaphore, #tpu.memory_space<semaphore_mem>>) src(%dma_wait3A_162 : memref<64x128xi32, #tpu.memory_space<hbm>>) dst(%arg10 : memref<64x128xi32, #tpu.memory_space<vmem>>)
      tpu.yield
    }) : () -> ()
    "tpu.region"() ({
      %run_scoped3A_155 = tpu.sem_alloc : memref<!tpu.dma_semaphore, #tpu.memory_space<semaphore_mem>>
      %dma_start3A_156 = arith.constant 0 : i32
      %dma_start3A_157 = tpu.memref_slice %arg7[%select_n3A, %dma_start3A_156] : memref<1328x128xi32, #tpu.memory_space<hbm>> -> memref<64x128xi32, #tpu.memory_space<hbm>>
      %dma_start3A_158 = arith.constant 0 : i32
      %dma_start3A_159 = tpu.memref_slice %arg7[%select_n3A, %dma_start3A_158] : memref<1328x128xi32, #tpu.memory_space<hbm>> -> memref<64x128xi32, #tpu.memory_space<hbm>>
      tpu.enqueue_dma source(%dma_start3A_159 : memref<64x128xi32, #tpu.memory_space<hbm>>) target(%arg11 : memref<64x128xi32, #tpu.memory_space<vmem>>) target_semaphore(%run_scoped3A_155 : memref<!tpu.dma_semaphore, #tpu.memory_space<semaphore_mem>>)
      %dma_wait3A = arith.constant 0 : i32
      %dma_wait3A_160 = tpu.memref_slice %arg7[%select_n3A, %dma_wait3A] : memref<1328x128xi32, #tpu.memory_space<hbm>> -> memref<64x128xi32, #tpu.memory_space<hbm>>
      %dma_wait3A_161 = arith.constant 0 : i32
      %dma_wait3A_162 = tpu.memref_slice %arg7[%select_n3A, %dma_wait3A_161] : memref<1328x128xi32, #tpu.memory_space<hbm>> -> memref<64x128xi32, #tpu.memory_space<hbm>>
      tpu.wait_dma2 semaphore(%run_scoped3A_155 : memref<!tpu.dma_semaphore, #tpu.memory_space<semaphore_mem>>) src(%dma_wait3A_162 : memref<64x128xi32, #tpu.memory_space<hbm>>) dst(%arg11 : memref<64x128xi32, #tpu.memory_space<vmem>>)
      tpu.yield
    }) : () -> ()
    %mul3A_9 = arith.constant 632 : i32
    %mul3A_10 = arith.muli %arg1, %mul3A_9 : i32
    %mul3A_11 = arith.constant 632 : i32
    %mul3A_12 = arith.muli %arg1, %mul3A_11 : i32
    "tpu.region"() ({
      %run_scoped3A_155 = tpu.sem_alloc : memref<!tpu.dma_semaphore, #tpu.memory_space<semaphore_mem>>
      %dma_start3A_156 = arith.constant 0 : i32
      %dma_start3A_157 = tpu.memref_slice %arg14[%mul3A_12, %dma_start3A_156] : memref<10112x128xf32, #tpu.memory_space<vmem_shared>> -> memref<632x128xf32, #tpu.memory_space<vmem_shared>>
      %dma_start3A_158 = arith.constant 0 : i32
      %dma_start3A_159 = tpu.memref_slice %arg8[%mul3A_10, %dma_start3A_158] : memref<10112x128xf32, #tpu.memory_space<hbm>> -> memref<632x128xf32, #tpu.memory_space<hbm>>
      tpu.enqueue_dma source(%dma_start3A_159 : memref<632x128xf32, #tpu.memory_space<hbm>>) target(%dma_start3A_157 : memref<632x128xf32, #tpu.memory_space<vmem_shared>>) target_semaphore(%run_scoped3A_155 : memref<!tpu.dma_semaphore, #tpu.memory_space<semaphore_mem>>)
      %dma_wait3A = arith.constant 0 : i32
      %dma_wait3A_160 = tpu.memref_slice %arg14[%mul3A_12, %dma_wait3A] : memref<10112x128xf32, #tpu.memory_space<vmem_shared>> -> memref<632x128xf32, #tpu.memory_space<vmem_shared>>
      %dma_wait3A_161 = arith.constant 0 : i32
      %dma_wait3A_162 = tpu.memref_slice %arg8[%mul3A_10, %dma_wait3A_161] : memref<10112x128xf32, #tpu.memory_space<hbm>> -> memref<632x128xf32, #tpu.memory_space<hbm>>
      tpu.wait_dma2 semaphore(%run_scoped3A_155 : memref<!tpu.dma_semaphore, #tpu.memory_space<semaphore_mem>>) src(%dma_wait3A_162 : memref<632x128xf32, #tpu.memory_space<hbm>>) dst(%dma_wait3A_160 : memref<632x128xf32, #tpu.memory_space<vmem_shared>>)
      tpu.yield
    }) : () -> ()
    %barrier3A = arith.constant 0 : index
    tpu.barrier barrier_id(%barrier3A)
    %dma_start3A = arith.constant 0 : i32
    %dma_start3A_13 = arith.constant 0 : i32
    %dma_start3A_14 = tpu.memref_slice %arg10[%dma_start3A, %dma_start3A_13] : memref<64x128xi32, #tpu.memory_space<vmem>> -> memref<1x128xi32, #tpu.memory_space<vmem>>
    %dma_start3A_15 = tpu.memref_squeeze %dma_start3A_14 : memref<1x128xi32, #tpu.memory_space<vmem>> -> memref<128xi32, #tpu.memory_space<vmem>>
    %dma_start3A_16 = arith.constant 0 : i32
    %dma_start3A_17 = arith.constant 0 : i32
    %dma_start3A_18 = tpu.memref_slice %arg2[%dma_start3A_16, %dma_start3A_17] : memref<10112x128xf32, #tpu.memory_space<hbm>> -> memref<10112x128xf32, #tpu.memory_space<hbm>>
    tpu.enqueue_indirect_dma source(%dma_start3A_18 : memref<10112x128xf32, #tpu.memory_space<hbm>>) target(%arg12 : memref<128x128xf32, #tpu.memory_space<vmem>>) offsets(%dma_start3A_15 : memref<128xi32, #tpu.memory_space<vmem>>) semaphore(%arg15 : memref<!tpu.dma_semaphore, #tpu.memory_space<semaphore_mem>>)
    %sub3A = arith.constant 0 : i32
    %sub3A_19 = arith.subi %select_n3A_8, %sub3A : i32
    %sub3A_20 = arith.constant 1 : i32
    %sub3A_21 = arith.constant 1 : i32
    %sub3A_22 = arith.subi %sub3A_20, %sub3A_21 : i32
    %add3A_23 = arith.addi %sub3A_19, %sub3A_22 : i32
    %div3A = arith.constant 1 : i32
    %div3A_24 = arith.divsi %add3A_23, %div3A : i32
    %while3A = arith.constant 1 : i32
    %while3A_25 = arith.constant 0 : i32
    %while3A_26 = arith.constant 0 : i32
    %while3A_27 = arith.subi %div3A_24, %while3A_26 : i32
    %while3A_28 = arith.addi %while3A_26, %while3A_27 : i32
    %while3A_29 = arith.constant 1 : i32
    %while3A_30 = arith.divsi %while3A_27, %while3A_29 : i32
    %while3A_31 = arith.muli %while3A_30, %while3A_29 : i32
    %while3A_32 = arith.addi %while3A_26, %while3A_31 : i32
    %while3A_33 = arith.constant 1 : i32
    scf.for %while3A_155 = %while3A_26 to %while3A_32 step %while3A_33  : i32 {
      %mul3A_156 = arith.muli %while3A_155, %while3A : i32
      %add3A_157 = arith.addi %while3A_25, %mul3A_156 : i32
      %mul3A_158 = arith.constant 2 : i32
      %mul3A_159 = arith.muli %add3A_157, %mul3A_158 : i32
      %dma_wait3A = arith.constant 0 : i32
      %dma_wait3A_160 = tpu.memref_slice %arg10[%mul3A_159, %dma_wait3A] : memref<64x128xi32, #tpu.memory_space<vmem>> -> memref<1x128xi32, #tpu.memory_space<vmem>>
      %dma_wait3A_161 = tpu.memref_squeeze %dma_wait3A_160 : memref<1x128xi32, #tpu.memory_space<vmem>> -> memref<128xi32, #tpu.memory_space<vmem>>
      %dma_wait3A_162 = arith.constant 0 : i32
      %dma_wait3A_163 = arith.constant 0 : i32
      %dma_wait3A_164 = tpu.memref_slice %arg2[%dma_wait3A_162, %dma_wait3A_163] : memref<10112x128xf32, #tpu.memory_space<hbm>> -> memref<10112x128xf32, #tpu.memory_space<hbm>>
      tpu.wait_indirect_dma semaphore(%arg15 : memref<!tpu.dma_semaphore, #tpu.memory_space<semaphore_mem>>) src(%dma_wait3A_164 : memref<10112x128xf32, #tpu.memory_space<hbm>>) dst(%arg12 : memref<128x128xf32, #tpu.memory_space<vmem>>)
      %add3A_165 = arith.constant 1 : i32
      %add3A_166 = arith.addi %mul3A_159, %add3A_165 : i32
      %dma_start3A_167 = arith.constant 0 : i32
      %dma_start3A_168 = tpu.memref_slice %arg10[%add3A_166, %dma_start3A_167] : memref<64x128xi32, #tpu.memory_space<vmem>> -> memref<1x128xi32, #tpu.memory_space<vmem>>
      %dma_start3A_169 = tpu.memref_squeeze %dma_start3A_168 : memref<1x128xi32, #tpu.memory_space<vmem>> -> memref<128xi32, #tpu.memory_space<vmem>>
      %dma_start3A_170 = arith.constant 0 : i32
      %dma_start3A_171 = arith.constant 0 : i32
      %dma_start3A_172 = tpu.memref_slice %arg2[%dma_start3A_170, %dma_start3A_171] : memref<10112x128xf32, #tpu.memory_space<hbm>> -> memref<10112x128xf32, #tpu.memory_space<hbm>>
      tpu.enqueue_indirect_dma source(%dma_start3A_172 : memref<10112x128xf32, #tpu.memory_space<hbm>>) target(%arg13 : memref<128x128xf32, #tpu.memory_space<vmem>>) offsets(%dma_start3A_169 : memref<128xi32, #tpu.memory_space<vmem>>) semaphore(%arg16 : memref<!tpu.dma_semaphore, #tpu.memory_space<semaphore_mem>>)
      "tpu.region"() ({
        %run_scoped3A_186 = tpu.sem_alloc : memref<!tpu.dma_semaphore, #tpu.memory_space<semaphore_mem>>
        %dma_start3A_187 = arith.constant 0 : i32
        %dma_start3A_188 = tpu.memref_slice %arg11[%mul3A_159, %dma_start3A_187] : memref<64x128xi32, #tpu.memory_space<vmem>> -> memref<1x128xi32, #tpu.memory_space<vmem>>
        %dma_start3A_189 = tpu.memref_squeeze %dma_start3A_188 : memref<1x128xi32, #tpu.memory_space<vmem>> -> memref<128xi32, #tpu.memory_space<vmem>>
        %dma_start3A_190 = arith.constant 0 : i32
        %dma_start3A_191 = arith.constant 0 : i32
        %dma_start3A_192 = tpu.memref_slice %arg14[%dma_start3A_190, %dma_start3A_191] : memref<10112x128xf32, #tpu.memory_space<vmem_shared>> -> memref<10112x128xf32, #tpu.memory_space<vmem_shared>>
        tpu.enqueue_indirect_dma source(%arg12 : memref<128x128xf32, #tpu.memory_space<vmem>>) target(%dma_start3A_192 : memref<10112x128xf32, #tpu.memory_space<vmem_shared>>) offsets(%dma_start3A_189 : memref<128xi32, #tpu.memory_space<vmem>>) semaphore(%run_scoped3A_186 : memref<!tpu.dma_semaphore, #tpu.memory_space<semaphore_mem>>) {add = true}
        %dma_wait3A_193 = arith.constant 0 : i32
        %dma_wait3A_194 = tpu.memref_slice %arg11[%mul3A_159, %dma_wait3A_193] : memref<64x128xi32, #tpu.memory_space<vmem>> -> memref<1x128xi32, #tpu.memory_space<vmem>>
        %dma_wait3A_195 = tpu.memref_squeeze %dma_wait3A_194 : memref<1x128xi32, #tpu.memory_space<vmem>> -> memref<128xi32, #tpu.memory_space<vmem>>
        %dma_wait3A_196 = arith.constant 0 : i32
        %dma_wait3A_197 = arith.constant 0 : i32
        %dma_wait3A_198 = tpu.memref_slice %arg14[%dma_wait3A_196, %dma_wait3A_197] : memref<10112x128xf32, #tpu.memory_space<vmem_shared>> -> memref<10112x128xf32, #tpu.memory_space<vmem_shared>>
        tpu.wait_indirect_dma semaphore(%run_scoped3A_186 : memref<!tpu.dma_semaphore, #tpu.memory_space<semaphore_mem>>) src(%arg12 : memref<128x128xf32, #tpu.memory_space<vmem>>) dst(%dma_wait3A_198 : memref<10112x128xf32, #tpu.memory_space<vmem_shared>>)
        tpu.yield
      }) : () -> ()
      %add3A_173 = arith.constant 1 : i32
      %add3A_174 = arith.addi %mul3A_159, %add3A_173 : i32
      %dma_wait3A_175 = arith.constant 0 : i32
      %dma_wait3A_176 = tpu.memref_slice %arg10[%add3A_174, %dma_wait3A_175] : memref<64x128xi32, #tpu.memory_space<vmem>> -> memref<1x128xi32, #tpu.memory_space<vmem>>
      %dma_wait3A_177 = tpu.memref_squeeze %dma_wait3A_176 : memref<1x128xi32, #tpu.memory_space<vmem>> -> memref<128xi32, #tpu.memory_space<vmem>>
      %dma_wait3A_178 = arith.constant 0 : i32
      %dma_wait3A_179 = arith.constant 0 : i32
      %dma_wait3A_180 = tpu.memref_slice %arg2[%dma_wait3A_178, %dma_wait3A_179] : memref<10112x128xf32, #tpu.memory_space<hbm>> -> memref<10112x128xf32, #tpu.memory_space<hbm>>
      tpu.wait_indirect_dma semaphore(%arg16 : memref<!tpu.dma_semaphore, #tpu.memory_space<semaphore_mem>>) src(%dma_wait3A_180 : memref<10112x128xf32, #tpu.memory_space<hbm>>) dst(%arg13 : memref<128x128xf32, #tpu.memory_space<vmem>>)
      %sub3A_181 = arith.constant 1 : i32
      %sub3A_182 = arith.subi %select_n3A_8, %sub3A_181 : i32
      %lt3A = arith.cmpi slt, %add3A_157, %sub3A_182 : i32
      %convert_element_type3A = arith.extui %lt3A : i1 to i32
      %cond3A = arith.constant 0 : i32
      %cond3A_183 = arith.cmpi ne, %convert_element_type3A, %cond3A : i32
      scf.if %cond3A_183 {
        %add3A_186 = arith.constant 2 : i32
        %add3A_187 = arith.addi %mul3A_159, %add3A_186 : i32
        %dma_start3A_188 = arith.constant 0 : i32
        %dma_start3A_189 = tpu.memref_slice %arg10[%add3A_187, %dma_start3A_188] : memref<64x128xi32, #tpu.memory_space<vmem>> -> memref<1x128xi32, #tpu.memory_space<vmem>>
        %dma_start3A_190 = tpu.memref_squeeze %dma_start3A_189 : memref<1x128xi32, #tpu.memory_space<vmem>> -> memref<128xi32, #tpu.memory_space<vmem>>
        %dma_start3A_191 = arith.constant 0 : i32
        %dma_start3A_192 = arith.constant 0 : i32
        %dma_start3A_193 = tpu.memref_slice %arg2[%dma_start3A_191, %dma_start3A_192] : memref<10112x128xf32, #tpu.memory_space<hbm>> -> memref<10112x128xf32, #tpu.memory_space<hbm>>
        tpu.enqueue_indirect_dma source(%dma_start3A_193 : memref<10112x128xf32, #tpu.memory_space<hbm>>) target(%arg12 : memref<128x128xf32, #tpu.memory_space<vmem>>) offsets(%dma_start3A_190 : memref<128xi32, #tpu.memory_space<vmem>>) semaphore(%arg15 : memref<!tpu.dma_semaphore, #tpu.memory_space<semaphore_mem>>)
      } else {
      }
      %add3A_184 = arith.constant 1 : i32
      %add3A_185 = arith.addi %mul3A_159, %add3A_184 : i32
      "tpu.region"() ({
        %run_scoped3A_186 = tpu.sem_alloc : memref<!tpu.dma_semaphore, #tpu.memory_space<semaphore_mem>>
        %dma_start3A_187 = arith.constant 0 : i32
        %dma_start3A_188 = tpu.memref_slice %arg11[%add3A_185, %dma_start3A_187] : memref<64x128xi32, #tpu.memory_space<vmem>> -> memref<1x128xi32, #tpu.memory_space<vmem>>
        %dma_start3A_189 = tpu.memref_squeeze %dma_start3A_188 : memref<1x128xi32, #tpu.memory_space<vmem>> -> memref<128xi32, #tpu.memory_space<vmem>>
        %dma_start3A_190 = arith.constant 0 : i32
        %dma_start3A_191 = arith.constant 0 : i32
        %dma_start3A_192 = tpu.memref_slice %arg14[%dma_start3A_190, %dma_start3A_191] : memref<10112x128xf32, #tpu.memory_space<vmem_shared>> -> memref<10112x128xf32, #tpu.memory_space<vmem_shared>>
        tpu.enqueue_indirect_dma source(%arg13 : memref<128x128xf32, #tpu.memory_space<vmem>>) target(%dma_start3A_192 : memref<10112x128xf32, #tpu.memory_space<vmem_shared>>) offsets(%dma_start3A_189 : memref<128xi32, #tpu.memory_space<vmem>>) semaphore(%run_scoped3A_186 : memref<!tpu.dma_semaphore, #tpu.memory_space<semaphore_mem>>) {add = true}
        %dma_wait3A_193 = arith.constant 0 : i32
        %dma_wait3A_194 = tpu.memref_slice %arg11[%add3A_185, %dma_wait3A_193] : memref<64x128xi32, #tpu.memory_space<vmem>> -> memref<1x128xi32, #tpu.memory_space<vmem>>
        %dma_wait3A_195 = tpu.memref_squeeze %dma_wait3A_194 : memref<1x128xi32, #tpu.memory_space<vmem>> -> memref<128xi32, #tpu.memory_space<vmem>>
        %dma_wait3A_196 = arith.constant 0 : i32
        %dma_wait3A_197 = arith.constant 0 : i32
        %dma_wait3A_198 = tpu.memref_slice %arg14[%dma_wait3A_196, %dma_wait3A_197] : memref<10112x128xf32, #tpu.memory_space<vmem_shared>> -> memref<10112x128xf32, #tpu.memory_space<vmem_shared>>
        tpu.wait_indirect_dma semaphore(%run_scoped3A_186 : memref<!tpu.dma_semaphore, #tpu.memory_space<semaphore_mem>>) src(%arg13 : memref<128x128xf32, #tpu.memory_space<vmem>>) dst(%dma_wait3A_198 : memref<10112x128xf32, #tpu.memory_space<vmem_shared>>)
        tpu.yield
      }) : () -> ()
    }
    %while3A_34 = arith.constant 1 : i32
    scf.for %while3A_155 = %while3A_32 to %while3A_28 step %while3A_34  : i32 {
      %mul3A_156 = arith.muli %while3A_155, %while3A : i32
      %add3A_157 = arith.addi %while3A_25, %mul3A_156 : i32
      %mul3A_158 = arith.constant 2 : i32
      %mul3A_159 = arith.muli %add3A_157, %mul3A_158 : i32
      %dma_wait3A = arith.constant 0 : i32
      %dma_wait3A_160 = tpu.memref_slice %arg10[%mul3A_159, %dma_wait3A] : memref<64x128xi32, #tpu.memory_space<vmem>> -> memref<1x128xi32, #tpu.memory_space<vmem>>
      %dma_wait3A_161 = tpu.memref_squeeze %dma_wait3A_160 : memref<1x128xi32, #tpu.memory_space<vmem>> -> memref<128xi32, #tpu.memory_space<vmem>>
      %dma_wait3A_162 = arith.constant 0 : i32
      %dma_wait3A_163 = arith.constant 0 : i32
      %dma_wait3A_164 = tpu.memref_slice %arg2[%dma_wait3A_162, %dma_wait3A_163] : memref<10112x128xf32, #tpu.memory_space<hbm>> -> memref<10112x128xf32, #tpu.memory_space<hbm>>
      tpu.wait_indirect_dma semaphore(%arg15 : memref<!tpu.dma_semaphore, #tpu.memory_space<semaphore_mem>>) src(%dma_wait3A_164 : memref<10112x128xf32, #tpu.memory_space<hbm>>) dst(%arg12 : memref<128x128xf32, #tpu.memory_space<vmem>>)
      %add3A_165 = arith.constant 1 : i32
      %add3A_166 = arith.addi %mul3A_159, %add3A_165 : i32
      %dma_start3A_167 = arith.constant 0 : i32
      %dma_start3A_168 = tpu.memref_slice %arg10[%add3A_166, %dma_start3A_167] : memref<64x128xi32, #tpu.memory_space<vmem>> -> memref<1x128xi32, #tpu.memory_space<vmem>>
      %dma_start3A_169 = tpu.memref_squeeze %dma_start3A_168 : memref<1x128xi32, #tpu.memory_space<vmem>> -> memref<128xi32, #tpu.memory_space<vmem>>
      %dma_start3A_170 = arith.constant 0 : i32
      %dma_start3A_171 = arith.constant 0 : i32
      %dma_start3A_172 = tpu.memref_slice %arg2[%dma_start3A_170, %dma_start3A_171] : memref<10112x128xf32, #tpu.memory_space<hbm>> -> memref<10112x128xf32, #tpu.memory_space<hbm>>
      tpu.enqueue_indirect_dma source(%dma_start3A_172 : memref<10112x128xf32, #tpu.memory_space<hbm>>) target(%arg13 : memref<128x128xf32, #tpu.memory_space<vmem>>) offsets(%dma_start3A_169 : memref<128xi32, #tpu.memory_space<vmem>>) semaphore(%arg16 : memref<!tpu.dma_semaphore, #tpu.memory_space<semaphore_mem>>)
      "tpu.region"() ({
        %run_scoped3A_186 = tpu.sem_alloc : memref<!tpu.dma_semaphore, #tpu.memory_space<semaphore_mem>>
        %dma_start3A_187 = arith.constant 0 : i32
        %dma_start3A_188 = tpu.memref_slice %arg11[%mul3A_159, %dma_start3A_187] : memref<64x128xi32, #tpu.memory_space<vmem>> -> memref<1x128xi32, #tpu.memory_space<vmem>>
        %dma_start3A_189 = tpu.memref_squeeze %dma_start3A_188 : memref<1x128xi32, #tpu.memory_space<vmem>> -> memref<128xi32, #tpu.memory_space<vmem>>
        %dma_start3A_190 = arith.constant 0 : i32
        %dma_start3A_191 = arith.constant 0 : i32
        %dma_start3A_192 = tpu.memref_slice %arg14[%dma_start3A_190, %dma_start3A_191] : memref<10112x128xf32, #tpu.memory_space<vmem_shared>> -> memref<10112x128xf32, #tpu.memory_space<vmem_shared>>
        tpu.enqueue_indirect_dma source(%arg12 : memref<128x128xf32, #tpu.memory_space<vmem>>) target(%dma_start3A_192 : memref<10112x128xf32, #tpu.memory_space<vmem_shared>>) offsets(%dma_start3A_189 : memref<128xi32, #tpu.memory_space<vmem>>) semaphore(%run_scoped3A_186 : memref<!tpu.dma_semaphore, #tpu.memory_space<semaphore_mem>>) {add = true}
        %dma_wait3A_193 = arith.constant 0 : i32
        %dma_wait3A_194 = tpu.memref_slice %arg11[%mul3A_159, %dma_wait3A_193] : memref<64x128xi32, #tpu.memory_space<vmem>> -> memref<1x128xi32, #tpu.memory_space<vmem>>
        %dma_wait3A_195 = tpu.memref_squeeze %dma_wait3A_194 : memref<1x128xi32, #tpu.memory_space<vmem>> -> memref<128xi32, #tpu.memory_space<vmem>>
        %dma_wait3A_196 = arith.constant 0 : i32
        %dma_wait3A_197 = arith.constant 0 : i32
        %dma_wait3A_198 = tpu.memref_slice %arg14[%dma_wait3A_196, %dma_wait3A_197] : memref<10112x128xf32, #tpu.memory_space<vmem_shared>> -> memref<10112x128xf32, #tpu.memory_space<vmem_shared>>
        tpu.wait_indirect_dma semaphore(%run_scoped3A_186 : memref<!tpu.dma_semaphore, #tpu.memory_space<semaphore_mem>>) src(%arg12 : memref<128x128xf32, #tpu.memory_space<vmem>>) dst(%dma_wait3A_198 : memref<10112x128xf32, #tpu.memory_space<vmem_shared>>)
        tpu.yield
      }) : () -> ()
      %add3A_173 = arith.constant 1 : i32
      %add3A_174 = arith.addi %mul3A_159, %add3A_173 : i32
      %dma_wait3A_175 = arith.constant 0 : i32
      %dma_wait3A_176 = tpu.memref_slice %arg10[%add3A_174, %dma_wait3A_175] : memref<64x128xi32, #tpu.memory_space<vmem>> -> memref<1x128xi32, #tpu.memory_space<vmem>>
      %dma_wait3A_177 = tpu.memref_squeeze %dma_wait3A_176 : memref<1x128xi32, #tpu.memory_space<vmem>> -> memref<128xi32, #tpu.memory_space<vmem>>
      %dma_wait3A_178 = arith.constant 0 : i32
      %dma_wait3A_179 = arith.constant 0 : i32
      %dma_wait3A_180 = tpu.memref_slice %arg2[%dma_wait3A_178, %dma_wait3A_179] : memref<10112x128xf32, #tpu.memory_space<hbm>> -> memref<10112x128xf32, #tpu.memory_space<hbm>>
      tpu.wait_indirect_dma semaphore(%arg16 : memref<!tpu.dma_semaphore, #tpu.memory_space<semaphore_mem>>) src(%dma_wait3A_180 : memref<10112x128xf32, #tpu.memory_space<hbm>>) dst(%arg13 : memref<128x128xf32, #tpu.memory_space<vmem>>)
      %sub3A_181 = arith.constant 1 : i32
      %sub3A_182 = arith.subi %select_n3A_8, %sub3A_181 : i32
      %lt3A = arith.cmpi slt, %add3A_157, %sub3A_182 : i32
      %convert_element_type3A = arith.extui %lt3A : i1 to i32
      %cond3A = arith.constant 0 : i32
      %cond3A_183 = arith.cmpi ne, %convert_element_type3A, %cond3A : i32
      scf.if %cond3A_183 {
        %add3A_186 = arith.constant 2 : i32
        %add3A_187 = arith.addi %mul3A_159, %add3A_186 : i32
        %dma_start3A_188 = arith.constant 0 : i32
        %dma_start3A_189 = tpu.memref_slice %arg10[%add3A_187, %dma_start3A_188] : memref<64x128xi32, #tpu.memory_space<vmem>> -> memref<1x128xi32, #tpu.memory_space<vmem>>
        %dma_start3A_190 = tpu.memref_squeeze %dma_start3A_189 : memref<1x128xi32, #tpu.memory_space<vmem>> -> memref<128xi32, #tpu.memory_space<vmem>>
        %dma_start3A_191 = arith.constant 0 : i32
        %dma_start3A_192 = arith.constant 0 : i32
        %dma_start3A_193 = tpu.memref_slice %arg2[%dma_start3A_191, %dma_start3A_192] : memref<10112x128xf32, #tpu.memory_space<hbm>> -> memref<10112x128xf32, #tpu.memory_space<hbm>>
        tpu.enqueue_indirect_dma source(%dma_start3A_193 : memref<10112x128xf32, #tpu.memory_space<hbm>>) target(%arg12 : memref<128x128xf32, #tpu.memory_space<vmem>>) offsets(%dma_start3A_190 : memref<128xi32, #tpu.memory_space<vmem>>) semaphore(%arg15 : memref<!tpu.dma_semaphore, #tpu.memory_space<semaphore_mem>>)
      } else {
      }
      %add3A_184 = arith.constant 1 : i32
      %add3A_185 = arith.addi %mul3A_159, %add3A_184 : i32
      "tpu.region"() ({
        %run_scoped3A_186 = tpu.sem_alloc : memref<!tpu.dma_semaphore, #tpu.memory_space<semaphore_mem>>
        %dma_start3A_187 = arith.constant 0 : i32
        %dma_start3A_188 = tpu.memref_slice %arg11[%add3A_185, %dma_start3A_187] : memref<64x128xi32, #tpu.memory_space<vmem>> -> memref<1x128xi32, #tpu.memory_space<vmem>>
        %dma_start3A_189 = tpu.memref_squeeze %dma_start3A_188 : memref<1x128xi32, #tpu.memory_space<vmem>> -> memref<128xi32, #tpu.memory_space<vmem>>
        %dma_start3A_190 = arith.constant 0 : i32
        %dma_start3A_191 = arith.constant 0 : i32
        %dma_start3A_192 = tpu.memref_slice %arg14[%dma_start3A_190, %dma_start3A_191] : memref<10112x128xf32, #tpu.memory_space<vmem_shared>> -> memref<10112x128xf32, #tpu.memory_space<vmem_shared>>
        tpu.enqueue_indirect_dma source(%arg13 : memref<128x128xf32, #tpu.memory_space<vmem>>) target(%dma_start3A_192 : memref<10112x128xf32, #tpu.memory_space<vmem_shared>>) offsets(%dma_start3A_189 : memref<128xi32, #tpu.memory_space<vmem>>) semaphore(%run_scoped3A_186 : memref<!tpu.dma_semaphore, #tpu.memory_space<semaphore_mem>>) {add = true}
        %dma_wait3A_193 = arith.constant 0 : i32
        %dma_wait3A_194 = tpu.memref_slice %arg11[%add3A_185, %dma_wait3A_193] : memref<64x128xi32, #tpu.memory_space<vmem>> -> memref<1x128xi32, #tpu.memory_space<vmem>>
        %dma_wait3A_195 = tpu.memref_squeeze %dma_wait3A_194 : memref<1x128xi32, #tpu.memory_space<vmem>> -> memref<128xi32, #tpu.memory_space<vmem>>
        %dma_wait3A_196 = arith.constant 0 : i32
        %dma_wait3A_197 = arith.constant 0 : i32
        %dma_wait3A_198 = tpu.memref_slice %arg14[%dma_wait3A_196, %dma_wait3A_197] : memref<10112x128xf32, #tpu.memory_space<vmem_shared>> -> memref<10112x128xf32, #tpu.memory_space<vmem_shared>>
        tpu.wait_indirect_dma semaphore(%run_scoped3A_186 : memref<!tpu.dma_semaphore, #tpu.memory_space<semaphore_mem>>) src(%arg13 : memref<128x128xf32, #tpu.memory_space<vmem>>) dst(%dma_wait3A_198 : memref<10112x128xf32, #tpu.memory_space<vmem_shared>>)
        tpu.yield
      }) : () -> ()
    }
    %barrier3A_35 = arith.constant 0 : index
    tpu.barrier barrier_id(%barrier3A_35)
    %mul3A_36 = arith.constant 632 : i32
    %mul3A_37 = arith.muli %arg1, %mul3A_36 : i32
    %mul3A_38 = arith.constant 632 : i32
    %mul3A_39 = arith.muli %arg1, %mul3A_38 : i32
    %run_scoped3A = arith.constant 0 : i32
    "tpu.region"() ({
      %run_scoped3A_155 = tpu.sem_alloc : memref<!tpu.dma_semaphore, #tpu.memory_space<semaphore_mem>>
      %dma_start3A_156 = arith.constant 0 : i32
      %dma_start3A_157 = tpu.memref_slice %arg9[%run_scoped3A, %arg0, %mul3A_39, %dma_start3A_156] : memref<4x2x10112x128xf32, #tpu.memory_space<hbm>> -> memref<1x1x632x128xf32, #tpu.memory_space<hbm>>
      %dma_start3A_158 = tpu.memref_squeeze %dma_start3A_157 : memref<1x1x632x128xf32, #tpu.memory_space<hbm>> -> memref<632x128xf32, #tpu.memory_space<hbm>>
      %dma_start3A_159 = arith.constant 0 : i32
      %dma_start3A_160 = tpu.memref_slice %arg14[%mul3A_37, %dma_start3A_159] : memref<10112x128xf32, #tpu.memory_space<vmem_shared>> -> memref<632x128xf32, #tpu.memory_space<vmem_shared>>
      tpu.enqueue_dma source(%dma_start3A_160 : memref<632x128xf32, #tpu.memory_space<vmem_shared>>) target(%dma_start3A_158 : memref<632x128xf32, #tpu.memory_space<hbm>>) target_semaphore(%run_scoped3A_155 : memref<!tpu.dma_semaphore, #tpu.memory_space<semaphore_mem>>)
      %dma_wait3A = arith.constant 0 : i32
      %dma_wait3A_161 = tpu.memref_slice %arg9[%run_scoped3A, %arg0, %mul3A_39, %dma_wait3A] : memref<4x2x10112x128xf32, #tpu.memory_space<hbm>> -> memref<1x1x632x128xf32, #tpu.memory_space<hbm>>
      %dma_wait3A_162 = tpu.memref_squeeze %dma_wait3A_161 : memref<1x1x632x128xf32, #tpu.memory_space<hbm>> -> memref<632x128xf32, #tpu.memory_space<hbm>>
      %dma_wait3A_163 = arith.constant 0 : i32
      %dma_wait3A_164 = tpu.memref_slice %arg14[%mul3A_37, %dma_wait3A_163] : memref<10112x128xf32, #tpu.memory_space<vmem_shared>> -> memref<632x128xf32, #tpu.memory_space<vmem_shared>>
      tpu.wait_dma2 semaphore(%run_scoped3A_155 : memref<!tpu.dma_semaphore, #tpu.memory_space<semaphore_mem>>) src(%dma_wait3A_164 : memref<632x128xf32, #tpu.memory_space<vmem_shared>>) dst(%dma_wait3A_162 : memref<632x128xf32, #tpu.memory_space<hbm>>)
      tpu.yield
    }) : () -> ()
    %barrier3A_40 = arith.constant 0 : index
    tpu.barrier barrier_id(%barrier3A_40)
    %mul3A_41 = arith.constant 632 : i32
    %mul3A_42 = arith.muli %arg1, %mul3A_41 : i32
    %mul3A_43 = arith.constant 632 : i32
    %mul3A_44 = arith.muli %arg1, %mul3A_43 : i32
    "tpu.region"() ({
      %run_scoped3A_155 = tpu.sem_alloc : memref<!tpu.dma_semaphore, #tpu.memory_space<semaphore_mem>>
      %dma_start3A_156 = arith.constant 0 : i32
      %dma_start3A_157 = tpu.memref_slice %arg14[%mul3A_44, %dma_start3A_156] : memref<10112x128xf32, #tpu.memory_space<vmem_shared>> -> memref<632x128xf32, #tpu.memory_space<vmem_shared>>
      %dma_start3A_158 = arith.constant 0 : i32
      %dma_start3A_159 = tpu.memref_slice %arg8[%mul3A_42, %dma_start3A_158] : memref<10112x128xf32, #tpu.memory_space<hbm>> -> memref<632x128xf32, #tpu.memory_space<hbm>>
      tpu.enqueue_dma source(%dma_start3A_159 : memref<632x128xf32, #tpu.memory_space<hbm>>) target(%dma_start3A_157 : memref<632x128xf32, #tpu.memory_space<vmem_shared>>) target_semaphore(%run_scoped3A_155 : memref<!tpu.dma_semaphore, #tpu.memory_space<semaphore_mem>>)
      %dma_wait3A = arith.constant 0 : i32
      %dma_wait3A_160 = tpu.memref_slice %arg14[%mul3A_44, %dma_wait3A] : memref<10112x128xf32, #tpu.memory_space<vmem_shared>> -> memref<632x128xf32, #tpu.memory_space<vmem_shared>>
      %dma_wait3A_161 = arith.constant 0 : i32
      %dma_wait3A_162 = tpu.memref_slice %arg8[%mul3A_42, %dma_wait3A_161] : memref<10112x128xf32, #tpu.memory_space<hbm>> -> memref<632x128xf32, #tpu.memory_space<hbm>>
      tpu.wait_dma2 semaphore(%run_scoped3A_155 : memref<!tpu.dma_semaphore, #tpu.memory_space<semaphore_mem>>) src(%dma_wait3A_162 : memref<632x128xf32, #tpu.memory_space<hbm>>) dst(%dma_wait3A_160 : memref<632x128xf32, #tpu.memory_space<vmem_shared>>)
      tpu.yield
    }) : () -> ()
    %barrier3A_45 = arith.constant 0 : index
    tpu.barrier barrier_id(%barrier3A_45)
    %dma_start3A_46 = arith.constant 0 : i32
    %dma_start3A_47 = arith.constant 0 : i32
    %dma_start3A_48 = tpu.memref_slice %arg10[%dma_start3A_46, %dma_start3A_47] : memref<64x128xi32, #tpu.memory_space<vmem>> -> memref<1x128xi32, #tpu.memory_space<vmem>>
    %dma_start3A_49 = tpu.memref_squeeze %dma_start3A_48 : memref<1x128xi32, #tpu.memory_space<vmem>> -> memref<128xi32, #tpu.memory_space<vmem>>
    %dma_start3A_50 = arith.constant 0 : i32
    %dma_start3A_51 = arith.constant 0 : i32
    %dma_start3A_52 = tpu.memref_slice %arg3[%dma_start3A_50, %dma_start3A_51] : memref<10112x128xf32, #tpu.memory_space<hbm>> -> memref<10112x128xf32, #tpu.memory_space<hbm>>
    tpu.enqueue_indirect_dma source(%dma_start3A_52 : memref<10112x128xf32, #tpu.memory_space<hbm>>) target(%arg12 : memref<128x128xf32, #tpu.memory_space<vmem>>) offsets(%dma_start3A_49 : memref<128xi32, #tpu.memory_space<vmem>>) semaphore(%arg15 : memref<!tpu.dma_semaphore, #tpu.memory_space<semaphore_mem>>)
    %sub3A_53 = arith.constant 0 : i32
    %sub3A_54 = arith.subi %select_n3A_8, %sub3A_53 : i32
    %sub3A_55 = arith.constant 1 : i32
    %sub3A_56 = arith.constant 1 : i32
    %sub3A_57 = arith.subi %sub3A_55, %sub3A_56 : i32
    %add3A_58 = arith.addi %sub3A_54, %sub3A_57 : i32
    %div3A_59 = arith.constant 1 : i32
    %div3A_60 = arith.divsi %add3A_58, %div3A_59 : i32
    %while3A_61 = arith.constant 1 : i32
    %while3A_62 = arith.constant 0 : i32
    %while3A_63 = arith.constant 0 : i32
    %while3A_64 = arith.subi %div3A_60, %while3A_63 : i32
    %while3A_65 = arith.addi %while3A_63, %while3A_64 : i32
    %while3A_66 = arith.constant 1 : i32
    %while3A_67 = arith.divsi %while3A_64, %while3A_66 : i32
    %while3A_68 = arith.muli %while3A_67, %while3A_66 : i32
    %while3A_69 = arith.addi %while3A_63, %while3A_68 : i32
    %while3A_70 = arith.constant 1 : i32
    scf.for %while3A_155 = %while3A_63 to %while3A_69 step %while3A_70  : i32 {
      %mul3A_156 = arith.muli %while3A_155, %while3A_61 : i32
      %add3A_157 = arith.addi %while3A_62, %mul3A_156 : i32
      %mul3A_158 = arith.constant 2 : i32
      %mul3A_159 = arith.muli %add3A_157, %mul3A_158 : i32
      %dma_wait3A = arith.constant 0 : i32
      %dma_wait3A_160 = tpu.memref_slice %arg10[%mul3A_159, %dma_wait3A] : memref<64x128xi32, #tpu.memory_space<vmem>> -> memref<1x128xi32, #tpu.memory_space<vmem>>
      %dma_wait3A_161 = tpu.memref_squeeze %dma_wait3A_160 : memref<1x128xi32, #tpu.memory_space<vmem>> -> memref<128xi32, #tpu.memory_space<vmem>>
      %dma_wait3A_162 = arith.constant 0 : i32
      %dma_wait3A_163 = arith.constant 0 : i32
      %dma_wait3A_164 = tpu.memref_slice %arg3[%dma_wait3A_162, %dma_wait3A_163] : memref<10112x128xf32, #tpu.memory_space<hbm>> -> memref<10112x128xf32, #tpu.memory_space<hbm>>
      tpu.wait_indirect_dma semaphore(%arg15 : memref<!tpu.dma_semaphore, #tpu.memory_space<semaphore_mem>>) src(%dma_wait3A_164 : memref<10112x128xf32, #tpu.memory_space<hbm>>) dst(%arg12 : memref<128x128xf32, #tpu.memory_space<vmem>>)
      %add3A_165 = arith.constant 1 : i32
      %add3A_166 = arith.addi %mul3A_159, %add3A_165 : i32
      %dma_start3A_167 = arith.constant 0 : i32
      %dma_start3A_168 = tpu.memref_slice %arg10[%add3A_166, %dma_start3A_167] : memref<64x128xi32, #tpu.memory_space<vmem>> -> memref<1x128xi32, #tpu.memory_space<vmem>>
      %dma_start3A_169 = tpu.memref_squeeze %dma_start3A_168 : memref<1x128xi32, #tpu.memory_space<vmem>> -> memref<128xi32, #tpu.memory_space<vmem>>
      %dma_start3A_170 = arith.constant 0 : i32
      %dma_start3A_171 = arith.constant 0 : i32
      %dma_start3A_172 = tpu.memref_slice %arg3[%dma_start3A_170, %dma_start3A_171] : memref<10112x128xf32, #tpu.memory_space<hbm>> -> memref<10112x128xf32, #tpu.memory_space<hbm>>
      tpu.enqueue_indirect_dma source(%dma_start3A_172 : memref<10112x128xf32, #tpu.memory_space<hbm>>) target(%arg13 : memref<128x128xf32, #tpu.memory_space<vmem>>) offsets(%dma_start3A_169 : memref<128xi32, #tpu.memory_space<vmem>>) semaphore(%arg16 : memref<!tpu.dma_semaphore, #tpu.memory_space<semaphore_mem>>)
      "tpu.region"() ({
        %run_scoped3A_186 = tpu.sem_alloc : memref<!tpu.dma_semaphore, #tpu.memory_space<semaphore_mem>>
        %dma_start3A_187 = arith.constant 0 : i32
        %dma_start3A_188 = tpu.memref_slice %arg11[%mul3A_159, %dma_start3A_187] : memref<64x128xi32, #tpu.memory_space<vmem>> -> memref<1x128xi32, #tpu.memory_space<vmem>>
        %dma_start3A_189 = tpu.memref_squeeze %dma_start3A_188 : memref<1x128xi32, #tpu.memory_space<vmem>> -> memref<128xi32, #tpu.memory_space<vmem>>
        %dma_start3A_190 = arith.constant 0 : i32
        %dma_start3A_191 = arith.constant 0 : i32
        %dma_start3A_192 = tpu.memref_slice %arg14[%dma_start3A_190, %dma_start3A_191] : memref<10112x128xf32, #tpu.memory_space<vmem_shared>> -> memref<10112x128xf32, #tpu.memory_space<vmem_shared>>
        tpu.enqueue_indirect_dma source(%arg12 : memref<128x128xf32, #tpu.memory_space<vmem>>) target(%dma_start3A_192 : memref<10112x128xf32, #tpu.memory_space<vmem_shared>>) offsets(%dma_start3A_189 : memref<128xi32, #tpu.memory_space<vmem>>) semaphore(%run_scoped3A_186 : memref<!tpu.dma_semaphore, #tpu.memory_space<semaphore_mem>>) {add = true}
        %dma_wait3A_193 = arith.constant 0 : i32
        %dma_wait3A_194 = tpu.memref_slice %arg11[%mul3A_159, %dma_wait3A_193] : memref<64x128xi32, #tpu.memory_space<vmem>> -> memref<1x128xi32, #tpu.memory_space<vmem>>
        %dma_wait3A_195 = tpu.memref_squeeze %dma_wait3A_194 : memref<1x128xi32, #tpu.memory_space<vmem>> -> memref<128xi32, #tpu.memory_space<vmem>>
        %dma_wait3A_196 = arith.constant 0 : i32
        %dma_wait3A_197 = arith.constant 0 : i32
        %dma_wait3A_198 = tpu.memref_slice %arg14[%dma_wait3A_196, %dma_wait3A_197] : memref<10112x128xf32, #tpu.memory_space<vmem_shared>> -> memref<10112x128xf32, #tpu.memory_space<vmem_shared>>
        tpu.wait_indirect_dma semaphore(%run_scoped3A_186 : memref<!tpu.dma_semaphore, #tpu.memory_space<semaphore_mem>>) src(%arg12 : memref<128x128xf32, #tpu.memory_space<vmem>>) dst(%dma_wait3A_198 : memref<10112x128xf32, #tpu.memory_space<vmem_shared>>)
        tpu.yield
      }) : () -> ()
      %add3A_173 = arith.constant 1 : i32
      %add3A_174 = arith.addi %mul3A_159, %add3A_173 : i32
      %dma_wait3A_175 = arith.constant 0 : i32
      %dma_wait3A_176 = tpu.memref_slice %arg10[%add3A_174, %dma_wait3A_175] : memref<64x128xi32, #tpu.memory_space<vmem>> -> memref<1x128xi32, #tpu.memory_space<vmem>>
      %dma_wait3A_177 = tpu.memref_squeeze %dma_wait3A_176 : memref<1x128xi32, #tpu.memory_space<vmem>> -> memref<128xi32, #tpu.memory_space<vmem>>
      %dma_wait3A_178 = arith.constant 0 : i32
      %dma_wait3A_179 = arith.constant 0 : i32
      %dma_wait3A_180 = tpu.memref_slice %arg3[%dma_wait3A_178, %dma_wait3A_179] : memref<10112x128xf32, #tpu.memory_space<hbm>> -> memref<10112x128xf32, #tpu.memory_space<hbm>>
      tpu.wait_indirect_dma semaphore(%arg16 : memref<!tpu.dma_semaphore, #tpu.memory_space<semaphore_mem>>) src(%dma_wait3A_180 : memref<10112x128xf32, #tpu.memory_space<hbm>>) dst(%arg13 : memref<128x128xf32, #tpu.memory_space<vmem>>)
      %sub3A_181 = arith.constant 1 : i32
      %sub3A_182 = arith.subi %select_n3A_8, %sub3A_181 : i32
      %lt3A = arith.cmpi slt, %add3A_157, %sub3A_182 : i32
      %convert_element_type3A = arith.extui %lt3A : i1 to i32
      %cond3A = arith.constant 0 : i32
      %cond3A_183 = arith.cmpi ne, %convert_element_type3A, %cond3A : i32
      scf.if %cond3A_183 {
        %add3A_186 = arith.constant 2 : i32
        %add3A_187 = arith.addi %mul3A_159, %add3A_186 : i32
        %dma_start3A_188 = arith.constant 0 : i32
        %dma_start3A_189 = tpu.memref_slice %arg10[%add3A_187, %dma_start3A_188] : memref<64x128xi32, #tpu.memory_space<vmem>> -> memref<1x128xi32, #tpu.memory_space<vmem>>
        %dma_start3A_190 = tpu.memref_squeeze %dma_start3A_189 : memref<1x128xi32, #tpu.memory_space<vmem>> -> memref<128xi32, #tpu.memory_space<vmem>>
        %dma_start3A_191 = arith.constant 0 : i32
        %dma_start3A_192 = arith.constant 0 : i32
        %dma_start3A_193 = tpu.memref_slice %arg3[%dma_start3A_191, %dma_start3A_192] : memref<10112x128xf32, #tpu.memory_space<hbm>> -> memref<10112x128xf32, #tpu.memory_space<hbm>>
        tpu.enqueue_indirect_dma source(%dma_start3A_193 : memref<10112x128xf32, #tpu.memory_space<hbm>>) target(%arg12 : memref<128x128xf32, #tpu.memory_space<vmem>>) offsets(%dma_start3A_190 : memref<128xi32, #tpu.memory_space<vmem>>) semaphore(%arg15 : memref<!tpu.dma_semaphore, #tpu.memory_space<semaphore_mem>>)
      } else {
      }
      %add3A_184 = arith.constant 1 : i32
      %add3A_185 = arith.addi %mul3A_159, %add3A_184 : i32
      "tpu.region"() ({
        %run_scoped3A_186 = tpu.sem_alloc : memref<!tpu.dma_semaphore, #tpu.memory_space<semaphore_mem>>
        %dma_start3A_187 = arith.constant 0 : i32
        %dma_start3A_188 = tpu.memref_slice %arg11[%add3A_185, %dma_start3A_187] : memref<64x128xi32, #tpu.memory_space<vmem>> -> memref<1x128xi32, #tpu.memory_space<vmem>>
        %dma_start3A_189 = tpu.memref_squeeze %dma_start3A_188 : memref<1x128xi32, #tpu.memory_space<vmem>> -> memref<128xi32, #tpu.memory_space<vmem>>
        %dma_start3A_190 = arith.constant 0 : i32
        %dma_start3A_191 = arith.constant 0 : i32
        %dma_start3A_192 = tpu.memref_slice %arg14[%dma_start3A_190, %dma_start3A_191] : memref<10112x128xf32, #tpu.memory_space<vmem_shared>> -> memref<10112x128xf32, #tpu.memory_space<vmem_shared>>
        tpu.enqueue_indirect_dma source(%arg13 : memref<128x128xf32, #tpu.memory_space<vmem>>) target(%dma_start3A_192 : memref<10112x128xf32, #tpu.memory_space<vmem_shared>>) offsets(%dma_start3A_189 : memref<128xi32, #tpu.memory_space<vmem>>) semaphore(%run_scoped3A_186 : memref<!tpu.dma_semaphore, #tpu.memory_space<semaphore_mem>>) {add = true}
        %dma_wait3A_193 = arith.constant 0 : i32
        %dma_wait3A_194 = tpu.memref_slice %arg11[%add3A_185, %dma_wait3A_193] : memref<64x128xi32, #tpu.memory_space<vmem>> -> memref<1x128xi32, #tpu.memory_space<vmem>>
        %dma_wait3A_195 = tpu.memref_squeeze %dma_wait3A_194 : memref<1x128xi32, #tpu.memory_space<vmem>> -> memref<128xi32, #tpu.memory_space<vmem>>
        %dma_wait3A_196 = arith.constant 0 : i32
        %dma_wait3A_197 = arith.constant 0 : i32
        %dma_wait3A_198 = tpu.memref_slice %arg14[%dma_wait3A_196, %dma_wait3A_197] : memref<10112x128xf32, #tpu.memory_space<vmem_shared>> -> memref<10112x128xf32, #tpu.memory_space<vmem_shared>>
        tpu.wait_indirect_dma semaphore(%run_scoped3A_186 : memref<!tpu.dma_semaphore, #tpu.memory_space<semaphore_mem>>) src(%arg13 : memref<128x128xf32, #tpu.memory_space<vmem>>) dst(%dma_wait3A_198 : memref<10112x128xf32, #tpu.memory_space<vmem_shared>>)
        tpu.yield
      }) : () -> ()
    }
    %while3A_71 = arith.constant 1 : i32
    scf.for %while3A_155 = %while3A_69 to %while3A_65 step %while3A_71  : i32 {
      %mul3A_156 = arith.muli %while3A_155, %while3A_61 : i32
      %add3A_157 = arith.addi %while3A_62, %mul3A_156 : i32
      %mul3A_158 = arith.constant 2 : i32
      %mul3A_159 = arith.muli %add3A_157, %mul3A_158 : i32
      %dma_wait3A = arith.constant 0 : i32
      %dma_wait3A_160 = tpu.memref_slice %arg10[%mul3A_159, %dma_wait3A] : memref<64x128xi32, #tpu.memory_space<vmem>> -> memref<1x128xi32, #tpu.memory_space<vmem>>
      %dma_wait3A_161 = tpu.memref_squeeze %dma_wait3A_160 : memref<1x128xi32, #tpu.memory_space<vmem>> -> memref<128xi32, #tpu.memory_space<vmem>>
      %dma_wait3A_162 = arith.constant 0 : i32
      %dma_wait3A_163 = arith.constant 0 : i32
      %dma_wait3A_164 = tpu.memref_slice %arg3[%dma_wait3A_162, %dma_wait3A_163] : memref<10112x128xf32, #tpu.memory_space<hbm>> -> memref<10112x128xf32, #tpu.memory_space<hbm>>
      tpu.wait_indirect_dma semaphore(%arg15 : memref<!tpu.dma_semaphore, #tpu.memory_space<semaphore_mem>>) src(%dma_wait3A_164 : memref<10112x128xf32, #tpu.memory_space<hbm>>) dst(%arg12 : memref<128x128xf32, #tpu.memory_space<vmem>>)
      %add3A_165 = arith.constant 1 : i32
      %add3A_166 = arith.addi %mul3A_159, %add3A_165 : i32
      %dma_start3A_167 = arith.constant 0 : i32
      %dma_start3A_168 = tpu.memref_slice %arg10[%add3A_166, %dma_start3A_167] : memref<64x128xi32, #tpu.memory_space<vmem>> -> memref<1x128xi32, #tpu.memory_space<vmem>>
      %dma_start3A_169 = tpu.memref_squeeze %dma_start3A_168 : memref<1x128xi32, #tpu.memory_space<vmem>> -> memref<128xi32, #tpu.memory_space<vmem>>
      %dma_start3A_170 = arith.constant 0 : i32
      %dma_start3A_171 = arith.constant 0 : i32
      %dma_start3A_172 = tpu.memref_slice %arg3[%dma_start3A_170, %dma_start3A_171] : memref<10112x128xf32, #tpu.memory_space<hbm>> -> memref<10112x128xf32, #tpu.memory_space<hbm>>
      tpu.enqueue_indirect_dma source(%dma_start3A_172 : memref<10112x128xf32, #tpu.memory_space<hbm>>) target(%arg13 : memref<128x128xf32, #tpu.memory_space<vmem>>) offsets(%dma_start3A_169 : memref<128xi32, #tpu.memory_space<vmem>>) semaphore(%arg16 : memref<!tpu.dma_semaphore, #tpu.memory_space<semaphore_mem>>)
      "tpu.region"() ({
        %run_scoped3A_186 = tpu.sem_alloc : memref<!tpu.dma_semaphore, #tpu.memory_space<semaphore_mem>>
        %dma_start3A_187 = arith.constant 0 : i32
        %dma_start3A_188 = tpu.memref_slice %arg11[%mul3A_159, %dma_start3A_187] : memref<64x128xi32, #tpu.memory_space<vmem>> -> memref<1x128xi32, #tpu.memory_space<vmem>>
        %dma_start3A_189 = tpu.memref_squeeze %dma_start3A_188 : memref<1x128xi32, #tpu.memory_space<vmem>> -> memref<128xi32, #tpu.memory_space<vmem>>
        %dma_start3A_190 = arith.constant 0 : i32
        %dma_start3A_191 = arith.constant 0 : i32
        %dma_start3A_192 = tpu.memref_slice %arg14[%dma_start3A_190, %dma_start3A_191] : memref<10112x128xf32, #tpu.memory_space<vmem_shared>> -> memref<10112x128xf32, #tpu.memory_space<vmem_shared>>
        tpu.enqueue_indirect_dma source(%arg12 : memref<128x128xf32, #tpu.memory_space<vmem>>) target(%dma_start3A_192 : memref<10112x128xf32, #tpu.memory_space<vmem_shared>>) offsets(%dma_start3A_189 : memref<128xi32, #tpu.memory_space<vmem>>) semaphore(%run_scoped3A_186 : memref<!tpu.dma_semaphore, #tpu.memory_space<semaphore_mem>>) {add = true}
        %dma_wait3A_193 = arith.constant 0 : i32
        %dma_wait3A_194 = tpu.memref_slice %arg11[%mul3A_159, %dma_wait3A_193] : memref<64x128xi32, #tpu.memory_space<vmem>> -> memref<1x128xi32, #tpu.memory_space<vmem>>
        %dma_wait3A_195 = tpu.memref_squeeze %dma_wait3A_194 : memref<1x128xi32, #tpu.memory_space<vmem>> -> memref<128xi32, #tpu.memory_space<vmem>>
        %dma_wait3A_196 = arith.constant 0 : i32
        %dma_wait3A_197 = arith.constant 0 : i32
        %dma_wait3A_198 = tpu.memref_slice %arg14[%dma_wait3A_196, %dma_wait3A_197] : memref<10112x128xf32, #tpu.memory_space<vmem_shared>> -> memref<10112x128xf32, #tpu.memory_space<vmem_shared>>
        tpu.wait_indirect_dma semaphore(%run_scoped3A_186 : memref<!tpu.dma_semaphore, #tpu.memory_space<semaphore_mem>>) src(%arg12 : memref<128x128xf32, #tpu.memory_space<vmem>>) dst(%dma_wait3A_198 : memref<10112x128xf32, #tpu.memory_space<vmem_shared>>)
        tpu.yield
      }) : () -> ()
      %add3A_173 = arith.constant 1 : i32
      %add3A_174 = arith.addi %mul3A_159, %add3A_173 : i32
      %dma_wait3A_175 = arith.constant 0 : i32
      %dma_wait3A_176 = tpu.memref_slice %arg10[%add3A_174, %dma_wait3A_175] : memref<64x128xi32, #tpu.memory_space<vmem>> -> memref<1x128xi32, #tpu.memory_space<vmem>>
      %dma_wait3A_177 = tpu.memref_squeeze %dma_wait3A_176 : memref<1x128xi32, #tpu.memory_space<vmem>> -> memref<128xi32, #tpu.memory_space<vmem>>
      %dma_wait3A_178 = arith.constant 0 : i32
      %dma_wait3A_179 = arith.constant 0 : i32
      %dma_wait3A_180 = tpu.memref_slice %arg3[%dma_wait3A_178, %dma_wait3A_179] : memref<10112x128xf32, #tpu.memory_space<hbm>> -> memref<10112x128xf32, #tpu.memory_space<hbm>>
      tpu.wait_indirect_dma semaphore(%arg16 : memref<!tpu.dma_semaphore, #tpu.memory_space<semaphore_mem>>) src(%dma_wait3A_180 : memref<10112x128xf32, #tpu.memory_space<hbm>>) dst(%arg13 : memref<128x128xf32, #tpu.memory_space<vmem>>)
      %sub3A_181 = arith.constant 1 : i32
      %sub3A_182 = arith.subi %select_n3A_8, %sub3A_181 : i32
      %lt3A = arith.cmpi slt, %add3A_157, %sub3A_182 : i32
      %convert_element_type3A = arith.extui %lt3A : i1 to i32
      %cond3A = arith.constant 0 : i32
      %cond3A_183 = arith.cmpi ne, %convert_element_type3A, %cond3A : i32
      scf.if %cond3A_183 {
        %add3A_186 = arith.constant 2 : i32
        %add3A_187 = arith.addi %mul3A_159, %add3A_186 : i32
        %dma_start3A_188 = arith.constant 0 : i32
        %dma_start3A_189 = tpu.memref_slice %arg10[%add3A_187, %dma_start3A_188] : memref<64x128xi32, #tpu.memory_space<vmem>> -> memref<1x128xi32, #tpu.memory_space<vmem>>
        %dma_start3A_190 = tpu.memref_squeeze %dma_start3A_189 : memref<1x128xi32, #tpu.memory_space<vmem>> -> memref<128xi32, #tpu.memory_space<vmem>>
        %dma_start3A_191 = arith.constant 0 : i32
        %dma_start3A_192 = arith.constant 0 : i32
        %dma_start3A_193 = tpu.memref_slice %arg3[%dma_start3A_191, %dma_start3A_192] : memref<10112x128xf32, #tpu.memory_space<hbm>> -> memref<10112x128xf32, #tpu.memory_space<hbm>>
        tpu.enqueue_indirect_dma source(%dma_start3A_193 : memref<10112x128xf32, #tpu.memory_space<hbm>>) target(%arg12 : memref<128x128xf32, #tpu.memory_space<vmem>>) offsets(%dma_start3A_190 : memref<128xi32, #tpu.memory_space<vmem>>) semaphore(%arg15 : memref<!tpu.dma_semaphore, #tpu.memory_space<semaphore_mem>>)
      } else {
      }
      %add3A_184 = arith.constant 1 : i32
      %add3A_185 = arith.addi %mul3A_159, %add3A_184 : i32
      "tpu.region"() ({
        %run_scoped3A_186 = tpu.sem_alloc : memref<!tpu.dma_semaphore, #tpu.memory_space<semaphore_mem>>
        %dma_start3A_187 = arith.constant 0 : i32
        %dma_start3A_188 = tpu.memref_slice %arg11[%add3A_185, %dma_start3A_187] : memref<64x128xi32, #tpu.memory_space<vmem>> -> memref<1x128xi32, #tpu.memory_space<vmem>>
        %dma_start3A_189 = tpu.memref_squeeze %dma_start3A_188 : memref<1x128xi32, #tpu.memory_space<vmem>> -> memref<128xi32, #tpu.memory_space<vmem>>
        %dma_start3A_190 = arith.constant 0 : i32
        %dma_start3A_191 = arith.constant 0 : i32
        %dma_start3A_192 = tpu.memref_slice %arg14[%dma_start3A_190, %dma_start3A_191] : memref<10112x128xf32, #tpu.memory_space<vmem_shared>> -> memref<10112x128xf32, #tpu.memory_space<vmem_shared>>
        tpu.enqueue_indirect_dma source(%arg13 : memref<128x128xf32, #tpu.memory_space<vmem>>) target(%dma_start3A_192 : memref<10112x128xf32, #tpu.memory_space<vmem_shared>>) offsets(%dma_start3A_189 : memref<128xi32, #tpu.memory_space<vmem>>) semaphore(%run_scoped3A_186 : memref<!tpu.dma_semaphore, #tpu.memory_space<semaphore_mem>>) {add = true}
        %dma_wait3A_193 = arith.constant 0 : i32
        %dma_wait3A_194 = tpu.memref_slice %arg11[%add3A_185, %dma_wait3A_193] : memref<64x128xi32, #tpu.memory_space<vmem>> -> memref<1x128xi32, #tpu.memory_space<vmem>>
        %dma_wait3A_195 = tpu.memref_squeeze %dma_wait3A_194 : memref<1x128xi32, #tpu.memory_space<vmem>> -> memref<128xi32, #tpu.memory_space<vmem>>
        %dma_wait3A_196 = arith.constant 0 : i32
        %dma_wait3A_197 = arith.constant 0 : i32
        %dma_wait3A_198 = tpu.memref_slice %arg14[%dma_wait3A_196, %dma_wait3A_197] : memref<10112x128xf32, #tpu.memory_space<vmem_shared>> -> memref<10112x128xf32, #tpu.memory_space<vmem_shared>>
        tpu.wait_indirect_dma semaphore(%run_scoped3A_186 : memref<!tpu.dma_semaphore, #tpu.memory_space<semaphore_mem>>) src(%arg13 : memref<128x128xf32, #tpu.memory_space<vmem>>) dst(%dma_wait3A_198 : memref<10112x128xf32, #tpu.memory_space<vmem_shared>>)
        tpu.yield
      }) : () -> ()
    }
    %barrier3A_72 = arith.constant 0 : index
    tpu.barrier barrier_id(%barrier3A_72)
    %mul3A_73 = arith.constant 632 : i32
    %mul3A_74 = arith.muli %arg1, %mul3A_73 : i32
    %mul3A_75 = arith.constant 632 : i32
    %mul3A_76 = arith.muli %arg1, %mul3A_75 : i32
    %run_scoped3A_77 = arith.constant 1 : i32
    "tpu.region"() ({
      %run_scoped3A_155 = tpu.sem_alloc : memref<!tpu.dma_semaphore, #tpu.memory_space<semaphore_mem>>
      %dma_start3A_156 = arith.constant 0 : i32
      %dma_start3A_157 = tpu.memref_slice %arg9[%run_scoped3A_77, %arg0, %mul3A_76, %dma_start3A_156] : memref<4x2x10112x128xf32, #tpu.memory_space<hbm>> -> memref<1x1x632x128xf32, #tpu.memory_space<hbm>>
      %dma_start3A_158 = tpu.memref_squeeze %dma_start3A_157 : memref<1x1x632x128xf32, #tpu.memory_space<hbm>> -> memref<632x128xf32, #tpu.memory_space<hbm>>
      %dma_start3A_159 = arith.constant 0 : i32
      %dma_start3A_160 = tpu.memref_slice %arg14[%mul3A_74, %dma_start3A_159] : memref<10112x128xf32, #tpu.memory_space<vmem_shared>> -> memref<632x128xf32, #tpu.memory_space<vmem_shared>>
      tpu.enqueue_dma source(%dma_start3A_160 : memref<632x128xf32, #tpu.memory_space<vmem_shared>>) target(%dma_start3A_158 : memref<632x128xf32, #tpu.memory_space<hbm>>) target_semaphore(%run_scoped3A_155 : memref<!tpu.dma_semaphore, #tpu.memory_space<semaphore_mem>>)
      %dma_wait3A = arith.constant 0 : i32
      %dma_wait3A_161 = tpu.memref_slice %arg9[%run_scoped3A_77, %arg0, %mul3A_76, %dma_wait3A] : memref<4x2x10112x128xf32, #tpu.memory_space<hbm>> -> memref<1x1x632x128xf32, #tpu.memory_space<hbm>>
      %dma_wait3A_162 = tpu.memref_squeeze %dma_wait3A_161 : memref<1x1x632x128xf32, #tpu.memory_space<hbm>> -> memref<632x128xf32, #tpu.memory_space<hbm>>
      %dma_wait3A_163 = arith.constant 0 : i32
      %dma_wait3A_164 = tpu.memref_slice %arg14[%mul3A_74, %dma_wait3A_163] : memref<10112x128xf32, #tpu.memory_space<vmem_shared>> -> memref<632x128xf32, #tpu.memory_space<vmem_shared>>
      tpu.wait_dma2 semaphore(%run_scoped3A_155 : memref<!tpu.dma_semaphore, #tpu.memory_space<semaphore_mem>>) src(%dma_wait3A_164 : memref<632x128xf32, #tpu.memory_space<vmem_shared>>) dst(%dma_wait3A_162 : memref<632x128xf32, #tpu.memory_space<hbm>>)
      tpu.yield
    }) : () -> ()
    %barrier3A_78 = arith.constant 0 : index
    tpu.barrier barrier_id(%barrier3A_78)
    %mul3A_79 = arith.constant 632 : i32
    %mul3A_80 = arith.muli %arg1, %mul3A_79 : i32
    %mul3A_81 = arith.constant 632 : i32
    %mul3A_82 = arith.muli %arg1, %mul3A_81 : i32
    "tpu.region"() ({
      %run_scoped3A_155 = tpu.sem_alloc : memref<!tpu.dma_semaphore, #tpu.memory_space<semaphore_mem>>
      %dma_start3A_156 = arith.constant 0 : i32
      %dma_start3A_157 = tpu.memref_slice %arg14[%mul3A_82, %dma_start3A_156] : memref<10112x128xf32, #tpu.memory_space<vmem_shared>> -> memref<632x128xf32, #tpu.memory_space<vmem_shared>>
      %dma_start3A_158 = arith.constant 0 : i32
      %dma_start3A_159 = tpu.memref_slice %arg8[%mul3A_80, %dma_start3A_158] : memref<10112x128xf32, #tpu.memory_space<hbm>> -> memref<632x128xf32, #tpu.memory_space<hbm>>
      tpu.enqueue_dma source(%dma_start3A_159 : memref<632x128xf32, #tpu.memory_space<hbm>>) target(%dma_start3A_157 : memref<632x128xf32, #tpu.memory_space<vmem_shared>>) target_semaphore(%run_scoped3A_155 : memref<!tpu.dma_semaphore, #tpu.memory_space<semaphore_mem>>)
      %dma_wait3A = arith.constant 0 : i32
      %dma_wait3A_160 = tpu.memref_slice %arg14[%mul3A_82, %dma_wait3A] : memref<10112x128xf32, #tpu.memory_space<vmem_shared>> -> memref<632x128xf32, #tpu.memory_space<vmem_shared>>
      %dma_wait3A_161 = arith.constant 0 : i32
      %dma_wait3A_162 = tpu.memref_slice %arg8[%mul3A_80, %dma_wait3A_161] : memref<10112x128xf32, #tpu.memory_space<hbm>> -> memref<632x128xf32, #tpu.memory_space<hbm>>
      tpu.wait_dma2 semaphore(%run_scoped3A_155 : memref<!tpu.dma_semaphore, #tpu.memory_space<semaphore_mem>>) src(%dma_wait3A_162 : memref<632x128xf32, #tpu.memory_space<hbm>>) dst(%dma_wait3A_160 : memref<632x128xf32, #tpu.memory_space<vmem_shared>>)
      tpu.yield
    }) : () -> ()
    %barrier3A_83 = arith.constant 0 : index
    tpu.barrier barrier_id(%barrier3A_83)
    %dma_start3A_84 = arith.constant 0 : i32
    %dma_start3A_85 = arith.constant 0 : i32
    %dma_start3A_86 = tpu.memref_slice %arg10[%dma_start3A_84, %dma_start3A_85] : memref<64x128xi32, #tpu.memory_space<vmem>> -> memref<1x128xi32, #tpu.memory_space<vmem>>
    %dma_start3A_87 = tpu.memref_squeeze %dma_start3A_86 : memref<1x128xi32, #tpu.memory_space<vmem>> -> memref<128xi32, #tpu.memory_space<vmem>>
    %dma_start3A_88 = arith.constant 0 : i32
    %dma_start3A_89 = arith.constant 0 : i32
    %dma_start3A_90 = tpu.memref_slice %arg4[%dma_start3A_88, %dma_start3A_89] : memref<10112x128xf32, #tpu.memory_space<hbm>> -> memref<10112x128xf32, #tpu.memory_space<hbm>>
    tpu.enqueue_indirect_dma source(%dma_start3A_90 : memref<10112x128xf32, #tpu.memory_space<hbm>>) target(%arg12 : memref<128x128xf32, #tpu.memory_space<vmem>>) offsets(%dma_start3A_87 : memref<128xi32, #tpu.memory_space<vmem>>) semaphore(%arg15 : memref<!tpu.dma_semaphore, #tpu.memory_space<semaphore_mem>>)
    %sub3A_91 = arith.constant 0 : i32
    %sub3A_92 = arith.subi %select_n3A_8, %sub3A_91 : i32
    %sub3A_93 = arith.constant 1 : i32
    %sub3A_94 = arith.constant 1 : i32
    %sub3A_95 = arith.subi %sub3A_93, %sub3A_94 : i32
    %add3A_96 = arith.addi %sub3A_92, %sub3A_95 : i32
    %div3A_97 = arith.constant 1 : i32
    %div3A_98 = arith.divsi %add3A_96, %div3A_97 : i32
    %while3A_99 = arith.constant 1 : i32
    %while3A_100 = arith.constant 0 : i32
    %while3A_101 = arith.constant 0 : i32
    %while3A_102 = arith.subi %div3A_98, %while3A_101 : i32
    %while3A_103 = arith.addi %while3A_101, %while3A_102 : i32
    %while3A_104 = arith.constant 1 : i32
    %while3A_105 = arith.divsi %while3A_102, %while3A_104 : i32
    %while3A_106 = arith.muli %while3A_105, %while3A_104 : i32
    %while3A_107 = arith.addi %while3A_101, %while3A_106 : i32
    %while3A_108 = arith.constant 1 : i32
    scf.for %while3A_155 = %while3A_101 to %while3A_107 step %while3A_108  : i32 {
      %mul3A_156 = arith.muli %while3A_155, %while3A_99 : i32
      %add3A_157 = arith.addi %while3A_100, %mul3A_156 : i32
      %mul3A_158 = arith.constant 2 : i32
      %mul3A_159 = arith.muli %add3A_157, %mul3A_158 : i32
      %dma_wait3A = arith.constant 0 : i32
      %dma_wait3A_160 = tpu.memref_slice %arg10[%mul3A_159, %dma_wait3A] : memref<64x128xi32, #tpu.memory_space<vmem>> -> memref<1x128xi32, #tpu.memory_space<vmem>>
      %dma_wait3A_161 = tpu.memref_squeeze %dma_wait3A_160 : memref<1x128xi32, #tpu.memory_space<vmem>> -> memref<128xi32, #tpu.memory_space<vmem>>
      %dma_wait3A_162 = arith.constant 0 : i32
      %dma_wait3A_163 = arith.constant 0 : i32
      %dma_wait3A_164 = tpu.memref_slice %arg4[%dma_wait3A_162, %dma_wait3A_163] : memref<10112x128xf32, #tpu.memory_space<hbm>> -> memref<10112x128xf32, #tpu.memory_space<hbm>>
      tpu.wait_indirect_dma semaphore(%arg15 : memref<!tpu.dma_semaphore, #tpu.memory_space<semaphore_mem>>) src(%dma_wait3A_164 : memref<10112x128xf32, #tpu.memory_space<hbm>>) dst(%arg12 : memref<128x128xf32, #tpu.memory_space<vmem>>)
      %add3A_165 = arith.constant 1 : i32
      %add3A_166 = arith.addi %mul3A_159, %add3A_165 : i32
      %dma_start3A_167 = arith.constant 0 : i32
      %dma_start3A_168 = tpu.memref_slice %arg10[%add3A_166, %dma_start3A_167] : memref<64x128xi32, #tpu.memory_space<vmem>> -> memref<1x128xi32, #tpu.memory_space<vmem>>
      %dma_start3A_169 = tpu.memref_squeeze %dma_start3A_168 : memref<1x128xi32, #tpu.memory_space<vmem>> -> memref<128xi32, #tpu.memory_space<vmem>>
      %dma_start3A_170 = arith.constant 0 : i32
      %dma_start3A_171 = arith.constant 0 : i32
      %dma_start3A_172 = tpu.memref_slice %arg4[%dma_start3A_170, %dma_start3A_171] : memref<10112x128xf32, #tpu.memory_space<hbm>> -> memref<10112x128xf32, #tpu.memory_space<hbm>>
      tpu.enqueue_indirect_dma source(%dma_start3A_172 : memref<10112x128xf32, #tpu.memory_space<hbm>>) target(%arg13 : memref<128x128xf32, #tpu.memory_space<vmem>>) offsets(%dma_start3A_169 : memref<128xi32, #tpu.memory_space<vmem>>) semaphore(%arg16 : memref<!tpu.dma_semaphore, #tpu.memory_space<semaphore_mem>>)
      "tpu.region"() ({
        %run_scoped3A_186 = tpu.sem_alloc : memref<!tpu.dma_semaphore, #tpu.memory_space<semaphore_mem>>
        %dma_start3A_187 = arith.constant 0 : i32
        %dma_start3A_188 = tpu.memref_slice %arg11[%mul3A_159, %dma_start3A_187] : memref<64x128xi32, #tpu.memory_space<vmem>> -> memref<1x128xi32, #tpu.memory_space<vmem>>
        %dma_start3A_189 = tpu.memref_squeeze %dma_start3A_188 : memref<1x128xi32, #tpu.memory_space<vmem>> -> memref<128xi32, #tpu.memory_space<vmem>>
        %dma_start3A_190 = arith.constant 0 : i32
        %dma_start3A_191 = arith.constant 0 : i32
        %dma_start3A_192 = tpu.memref_slice %arg14[%dma_start3A_190, %dma_start3A_191] : memref<10112x128xf32, #tpu.memory_space<vmem_shared>> -> memref<10112x128xf32, #tpu.memory_space<vmem_shared>>
        tpu.enqueue_indirect_dma source(%arg12 : memref<128x128xf32, #tpu.memory_space<vmem>>) target(%dma_start3A_192 : memref<10112x128xf32, #tpu.memory_space<vmem_shared>>) offsets(%dma_start3A_189 : memref<128xi32, #tpu.memory_space<vmem>>) semaphore(%run_scoped3A_186 : memref<!tpu.dma_semaphore, #tpu.memory_space<semaphore_mem>>) {add = true}
        %dma_wait3A_193 = arith.constant 0 : i32
        %dma_wait3A_194 = tpu.memref_slice %arg11[%mul3A_159, %dma_wait3A_193] : memref<64x128xi32, #tpu.memory_space<vmem>> -> memref<1x128xi32, #tpu.memory_space<vmem>>
        %dma_wait3A_195 = tpu.memref_squeeze %dma_wait3A_194 : memref<1x128xi32, #tpu.memory_space<vmem>> -> memref<128xi32, #tpu.memory_space<vmem>>
        %dma_wait3A_196 = arith.constant 0 : i32
        %dma_wait3A_197 = arith.constant 0 : i32
        %dma_wait3A_198 = tpu.memref_slice %arg14[%dma_wait3A_196, %dma_wait3A_197] : memref<10112x128xf32, #tpu.memory_space<vmem_shared>> -> memref<10112x128xf32, #tpu.memory_space<vmem_shared>>
        tpu.wait_indirect_dma semaphore(%run_scoped3A_186 : memref<!tpu.dma_semaphore, #tpu.memory_space<semaphore_mem>>) src(%arg12 : memref<128x128xf32, #tpu.memory_space<vmem>>) dst(%dma_wait3A_198 : memref<10112x128xf32, #tpu.memory_space<vmem_shared>>)
        tpu.yield
      }) : () -> ()
      %add3A_173 = arith.constant 1 : i32
      %add3A_174 = arith.addi %mul3A_159, %add3A_173 : i32
      %dma_wait3A_175 = arith.constant 0 : i32
      %dma_wait3A_176 = tpu.memref_slice %arg10[%add3A_174, %dma_wait3A_175] : memref<64x128xi32, #tpu.memory_space<vmem>> -> memref<1x128xi32, #tpu.memory_space<vmem>>
      %dma_wait3A_177 = tpu.memref_squeeze %dma_wait3A_176 : memref<1x128xi32, #tpu.memory_space<vmem>> -> memref<128xi32, #tpu.memory_space<vmem>>
      %dma_wait3A_178 = arith.constant 0 : i32
      %dma_wait3A_179 = arith.constant 0 : i32
      %dma_wait3A_180 = tpu.memref_slice %arg4[%dma_wait3A_178, %dma_wait3A_179] : memref<10112x128xf32, #tpu.memory_space<hbm>> -> memref<10112x128xf32, #tpu.memory_space<hbm>>
      tpu.wait_indirect_dma semaphore(%arg16 : memref<!tpu.dma_semaphore, #tpu.memory_space<semaphore_mem>>) src(%dma_wait3A_180 : memref<10112x128xf32, #tpu.memory_space<hbm>>) dst(%arg13 : memref<128x128xf32, #tpu.memory_space<vmem>>)
      %sub3A_181 = arith.constant 1 : i32
      %sub3A_182 = arith.subi %select_n3A_8, %sub3A_181 : i32
      %lt3A = arith.cmpi slt, %add3A_157, %sub3A_182 : i32
      %convert_element_type3A = arith.extui %lt3A : i1 to i32
      %cond3A = arith.constant 0 : i32
      %cond3A_183 = arith.cmpi ne, %convert_element_type3A, %cond3A : i32
      scf.if %cond3A_183 {
        %add3A_186 = arith.constant 2 : i32
        %add3A_187 = arith.addi %mul3A_159, %add3A_186 : i32
        %dma_start3A_188 = arith.constant 0 : i32
        %dma_start3A_189 = tpu.memref_slice %arg10[%add3A_187, %dma_start3A_188] : memref<64x128xi32, #tpu.memory_space<vmem>> -> memref<1x128xi32, #tpu.memory_space<vmem>>
        %dma_start3A_190 = tpu.memref_squeeze %dma_start3A_189 : memref<1x128xi32, #tpu.memory_space<vmem>> -> memref<128xi32, #tpu.memory_space<vmem>>
        %dma_start3A_191 = arith.constant 0 : i32
        %dma_start3A_192 = arith.constant 0 : i32
        %dma_start3A_193 = tpu.memref_slice %arg4[%dma_start3A_191, %dma_start3A_192] : memref<10112x128xf32, #tpu.memory_space<hbm>> -> memref<10112x128xf32, #tpu.memory_space<hbm>>
        tpu.enqueue_indirect_dma source(%dma_start3A_193 : memref<10112x128xf32, #tpu.memory_space<hbm>>) target(%arg12 : memref<128x128xf32, #tpu.memory_space<vmem>>) offsets(%dma_start3A_190 : memref<128xi32, #tpu.memory_space<vmem>>) semaphore(%arg15 : memref<!tpu.dma_semaphore, #tpu.memory_space<semaphore_mem>>)
      } else {
      }
      %add3A_184 = arith.constant 1 : i32
      %add3A_185 = arith.addi %mul3A_159, %add3A_184 : i32
      "tpu.region"() ({
        %run_scoped3A_186 = tpu.sem_alloc : memref<!tpu.dma_semaphore, #tpu.memory_space<semaphore_mem>>
        %dma_start3A_187 = arith.constant 0 : i32
        %dma_start3A_188 = tpu.memref_slice %arg11[%add3A_185, %dma_start3A_187] : memref<64x128xi32, #tpu.memory_space<vmem>> -> memref<1x128xi32, #tpu.memory_space<vmem>>
        %dma_start3A_189 = tpu.memref_squeeze %dma_start3A_188 : memref<1x128xi32, #tpu.memory_space<vmem>> -> memref<128xi32, #tpu.memory_space<vmem>>
        %dma_start3A_190 = arith.constant 0 : i32
        %dma_start3A_191 = arith.constant 0 : i32
        %dma_start3A_192 = tpu.memref_slice %arg14[%dma_start3A_190, %dma_start3A_191] : memref<10112x128xf32, #tpu.memory_space<vmem_shared>> -> memref<10112x128xf32, #tpu.memory_space<vmem_shared>>
        tpu.enqueue_indirect_dma source(%arg13 : memref<128x128xf32, #tpu.memory_space<vmem>>) target(%dma_start3A_192 : memref<10112x128xf32, #tpu.memory_space<vmem_shared>>) offsets(%dma_start3A_189 : memref<128xi32, #tpu.memory_space<vmem>>) semaphore(%run_scoped3A_186 : memref<!tpu.dma_semaphore, #tpu.memory_space<semaphore_mem>>) {add = true}
        %dma_wait3A_193 = arith.constant 0 : i32
        %dma_wait3A_194 = tpu.memref_slice %arg11[%add3A_185, %dma_wait3A_193] : memref<64x128xi32, #tpu.memory_space<vmem>> -> memref<1x128xi32, #tpu.memory_space<vmem>>
        %dma_wait3A_195 = tpu.memref_squeeze %dma_wait3A_194 : memref<1x128xi32, #tpu.memory_space<vmem>> -> memref<128xi32, #tpu.memory_space<vmem>>
        %dma_wait3A_196 = arith.constant 0 : i32
        %dma_wait3A_197 = arith.constant 0 : i32
        %dma_wait3A_198 = tpu.memref_slice %arg14[%dma_wait3A_196, %dma_wait3A_197] : memref<10112x128xf32, #tpu.memory_space<vmem_shared>> -> memref<10112x128xf32, #tpu.memory_space<vmem_shared>>
        tpu.wait_indirect_dma semaphore(%run_scoped3A_186 : memref<!tpu.dma_semaphore, #tpu.memory_space<semaphore_mem>>) src(%arg13 : memref<128x128xf32, #tpu.memory_space<vmem>>) dst(%dma_wait3A_198 : memref<10112x128xf32, #tpu.memory_space<vmem_shared>>)
        tpu.yield
      }) : () -> ()
    }
    %while3A_109 = arith.constant 1 : i32
    scf.for %while3A_155 = %while3A_107 to %while3A_103 step %while3A_109  : i32 {
      %mul3A_156 = arith.muli %while3A_155, %while3A_99 : i32
      %add3A_157 = arith.addi %while3A_100, %mul3A_156 : i32
      %mul3A_158 = arith.constant 2 : i32
      %mul3A_159 = arith.muli %add3A_157, %mul3A_158 : i32
      %dma_wait3A = arith.constant 0 : i32
      %dma_wait3A_160 = tpu.memref_slice %arg10[%mul3A_159, %dma_wait3A] : memref<64x128xi32, #tpu.memory_space<vmem>> -> memref<1x128xi32, #tpu.memory_space<vmem>>
      %dma_wait3A_161 = tpu.memref_squeeze %dma_wait3A_160 : memref<1x128xi32, #tpu.memory_space<vmem>> -> memref<128xi32, #tpu.memory_space<vmem>>
      %dma_wait3A_162 = arith.constant 0 : i32
      %dma_wait3A_163 = arith.constant 0 : i32
      %dma_wait3A_164 = tpu.memref_slice %arg4[%dma_wait3A_162, %dma_wait3A_163] : memref<10112x128xf32, #tpu.memory_space<hbm>> -> memref<10112x128xf32, #tpu.memory_space<hbm>>
      tpu.wait_indirect_dma semaphore(%arg15 : memref<!tpu.dma_semaphore, #tpu.memory_space<semaphore_mem>>) src(%dma_wait3A_164 : memref<10112x128xf32, #tpu.memory_space<hbm>>) dst(%arg12 : memref<128x128xf32, #tpu.memory_space<vmem>>)
      %add3A_165 = arith.constant 1 : i32
      %add3A_166 = arith.addi %mul3A_159, %add3A_165 : i32
      %dma_start3A_167 = arith.constant 0 : i32
      %dma_start3A_168 = tpu.memref_slice %arg10[%add3A_166, %dma_start3A_167] : memref<64x128xi32, #tpu.memory_space<vmem>> -> memref<1x128xi32, #tpu.memory_space<vmem>>
      %dma_start3A_169 = tpu.memref_squeeze %dma_start3A_168 : memref<1x128xi32, #tpu.memory_space<vmem>> -> memref<128xi32, #tpu.memory_space<vmem>>
      %dma_start3A_170 = arith.constant 0 : i32
      %dma_start3A_171 = arith.constant 0 : i32
      %dma_start3A_172 = tpu.memref_slice %arg4[%dma_start3A_170, %dma_start3A_171] : memref<10112x128xf32, #tpu.memory_space<hbm>> -> memref<10112x128xf32, #tpu.memory_space<hbm>>
      tpu.enqueue_indirect_dma source(%dma_start3A_172 : memref<10112x128xf32, #tpu.memory_space<hbm>>) target(%arg13 : memref<128x128xf32, #tpu.memory_space<vmem>>) offsets(%dma_start3A_169 : memref<128xi32, #tpu.memory_space<vmem>>) semaphore(%arg16 : memref<!tpu.dma_semaphore, #tpu.memory_space<semaphore_mem>>)
      "tpu.region"() ({
        %run_scoped3A_186 = tpu.sem_alloc : memref<!tpu.dma_semaphore, #tpu.memory_space<semaphore_mem>>
        %dma_start3A_187 = arith.constant 0 : i32
        %dma_start3A_188 = tpu.memref_slice %arg11[%mul3A_159, %dma_start3A_187] : memref<64x128xi32, #tpu.memory_space<vmem>> -> memref<1x128xi32, #tpu.memory_space<vmem>>
        %dma_start3A_189 = tpu.memref_squeeze %dma_start3A_188 : memref<1x128xi32, #tpu.memory_space<vmem>> -> memref<128xi32, #tpu.memory_space<vmem>>
        %dma_start3A_190 = arith.constant 0 : i32
        %dma_start3A_191 = arith.constant 0 : i32
        %dma_start3A_192 = tpu.memref_slice %arg14[%dma_start3A_190, %dma_start3A_191] : memref<10112x128xf32, #tpu.memory_space<vmem_shared>> -> memref<10112x128xf32, #tpu.memory_space<vmem_shared>>
        tpu.enqueue_indirect_dma source(%arg12 : memref<128x128xf32, #tpu.memory_space<vmem>>) target(%dma_start3A_192 : memref<10112x128xf32, #tpu.memory_space<vmem_shared>>) offsets(%dma_start3A_189 : memref<128xi32, #tpu.memory_space<vmem>>) semaphore(%run_scoped3A_186 : memref<!tpu.dma_semaphore, #tpu.memory_space<semaphore_mem>>) {add = true}
        %dma_wait3A_193 = arith.constant 0 : i32
        %dma_wait3A_194 = tpu.memref_slice %arg11[%mul3A_159, %dma_wait3A_193] : memref<64x128xi32, #tpu.memory_space<vmem>> -> memref<1x128xi32, #tpu.memory_space<vmem>>
        %dma_wait3A_195 = tpu.memref_squeeze %dma_wait3A_194 : memref<1x128xi32, #tpu.memory_space<vmem>> -> memref<128xi32, #tpu.memory_space<vmem>>
        %dma_wait3A_196 = arith.constant 0 : i32
        %dma_wait3A_197 = arith.constant 0 : i32
        %dma_wait3A_198 = tpu.memref_slice %arg14[%dma_wait3A_196, %dma_wait3A_197] : memref<10112x128xf32, #tpu.memory_space<vmem_shared>> -> memref<10112x128xf32, #tpu.memory_space<vmem_shared>>
        tpu.wait_indirect_dma semaphore(%run_scoped3A_186 : memref<!tpu.dma_semaphore, #tpu.memory_space<semaphore_mem>>) src(%arg12 : memref<128x128xf32, #tpu.memory_space<vmem>>) dst(%dma_wait3A_198 : memref<10112x128xf32, #tpu.memory_space<vmem_shared>>)
        tpu.yield
      }) : () -> ()
      %add3A_173 = arith.constant 1 : i32
      %add3A_174 = arith.addi %mul3A_159, %add3A_173 : i32
      %dma_wait3A_175 = arith.constant 0 : i32
      %dma_wait3A_176 = tpu.memref_slice %arg10[%add3A_174, %dma_wait3A_175] : memref<64x128xi32, #tpu.memory_space<vmem>> -> memref<1x128xi32, #tpu.memory_space<vmem>>
      %dma_wait3A_177 = tpu.memref_squeeze %dma_wait3A_176 : memref<1x128xi32, #tpu.memory_space<vmem>> -> memref<128xi32, #tpu.memory_space<vmem>>
      %dma_wait3A_178 = arith.constant 0 : i32
      %dma_wait3A_179 = arith.constant 0 : i32
      %dma_wait3A_180 = tpu.memref_slice %arg4[%dma_wait3A_178, %dma_wait3A_179] : memref<10112x128xf32, #tpu.memory_space<hbm>> -> memref<10112x128xf32, #tpu.memory_space<hbm>>
      tpu.wait_indirect_dma semaphore(%arg16 : memref<!tpu.dma_semaphore, #tpu.memory_space<semaphore_mem>>) src(%dma_wait3A_180 : memref<10112x128xf32, #tpu.memory_space<hbm>>) dst(%arg13 : memref<128x128xf32, #tpu.memory_space<vmem>>)
      %sub3A_181 = arith.constant 1 : i32
      %sub3A_182 = arith.subi %select_n3A_8, %sub3A_181 : i32
      %lt3A = arith.cmpi slt, %add3A_157, %sub3A_182 : i32
      %convert_element_type3A = arith.extui %lt3A : i1 to i32
      %cond3A = arith.constant 0 : i32
      %cond3A_183 = arith.cmpi ne, %convert_element_type3A, %cond3A : i32
      scf.if %cond3A_183 {
        %add3A_186 = arith.constant 2 : i32
        %add3A_187 = arith.addi %mul3A_159, %add3A_186 : i32
        %dma_start3A_188 = arith.constant 0 : i32
        %dma_start3A_189 = tpu.memref_slice %arg10[%add3A_187, %dma_start3A_188] : memref<64x128xi32, #tpu.memory_space<vmem>> -> memref<1x128xi32, #tpu.memory_space<vmem>>
        %dma_start3A_190 = tpu.memref_squeeze %dma_start3A_189 : memref<1x128xi32, #tpu.memory_space<vmem>> -> memref<128xi32, #tpu.memory_space<vmem>>
        %dma_start3A_191 = arith.constant 0 : i32
        %dma_start3A_192 = arith.constant 0 : i32
        %dma_start3A_193 = tpu.memref_slice %arg4[%dma_start3A_191, %dma_start3A_192] : memref<10112x128xf32, #tpu.memory_space<hbm>> -> memref<10112x128xf32, #tpu.memory_space<hbm>>
        tpu.enqueue_indirect_dma source(%dma_start3A_193 : memref<10112x128xf32, #tpu.memory_space<hbm>>) target(%arg12 : memref<128x128xf32, #tpu.memory_space<vmem>>) offsets(%dma_start3A_190 : memref<128xi32, #tpu.memory_space<vmem>>) semaphore(%arg15 : memref<!tpu.dma_semaphore, #tpu.memory_space<semaphore_mem>>)
      } else {
      }
      %add3A_184 = arith.constant 1 : i32
      %add3A_185 = arith.addi %mul3A_159, %add3A_184 : i32
      "tpu.region"() ({
        %run_scoped3A_186 = tpu.sem_alloc : memref<!tpu.dma_semaphore, #tpu.memory_space<semaphore_mem>>
        %dma_start3A_187 = arith.constant 0 : i32
        %dma_start3A_188 = tpu.memref_slice %arg11[%add3A_185, %dma_start3A_187] : memref<64x128xi32, #tpu.memory_space<vmem>> -> memref<1x128xi32, #tpu.memory_space<vmem>>
        %dma_start3A_189 = tpu.memref_squeeze %dma_start3A_188 : memref<1x128xi32, #tpu.memory_space<vmem>> -> memref<128xi32, #tpu.memory_space<vmem>>
        %dma_start3A_190 = arith.constant 0 : i32
        %dma_start3A_191 = arith.constant 0 : i32
        %dma_start3A_192 = tpu.memref_slice %arg14[%dma_start3A_190, %dma_start3A_191] : memref<10112x128xf32, #tpu.memory_space<vmem_shared>> -> memref<10112x128xf32, #tpu.memory_space<vmem_shared>>
        tpu.enqueue_indirect_dma source(%arg13 : memref<128x128xf32, #tpu.memory_space<vmem>>) target(%dma_start3A_192 : memref<10112x128xf32, #tpu.memory_space<vmem_shared>>) offsets(%dma_start3A_189 : memref<128xi32, #tpu.memory_space<vmem>>) semaphore(%run_scoped3A_186 : memref<!tpu.dma_semaphore, #tpu.memory_space<semaphore_mem>>) {add = true}
        %dma_wait3A_193 = arith.constant 0 : i32
        %dma_wait3A_194 = tpu.memref_slice %arg11[%add3A_185, %dma_wait3A_193] : memref<64x128xi32, #tpu.memory_space<vmem>> -> memref<1x128xi32, #tpu.memory_space<vmem>>
        %dma_wait3A_195 = tpu.memref_squeeze %dma_wait3A_194 : memref<1x128xi32, #tpu.memory_space<vmem>> -> memref<128xi32, #tpu.memory_space<vmem>>
        %dma_wait3A_196 = arith.constant 0 : i32
        %dma_wait3A_197 = arith.constant 0 : i32
        %dma_wait3A_198 = tpu.memref_slice %arg14[%dma_wait3A_196, %dma_wait3A_197] : memref<10112x128xf32, #tpu.memory_space<vmem_shared>> -> memref<10112x128xf32, #tpu.memory_space<vmem_shared>>
        tpu.wait_indirect_dma semaphore(%run_scoped3A_186 : memref<!tpu.dma_semaphore, #tpu.memory_space<semaphore_mem>>) src(%arg13 : memref<128x128xf32, #tpu.memory_space<vmem>>) dst(%dma_wait3A_198 : memref<10112x128xf32, #tpu.memory_space<vmem_shared>>)
        tpu.yield
      }) : () -> ()
    }
    %barrier3A_110 = arith.constant 0 : index
    tpu.barrier barrier_id(%barrier3A_110)
    %mul3A_111 = arith.constant 632 : i32
    %mul3A_112 = arith.muli %arg1, %mul3A_111 : i32
    %mul3A_113 = arith.constant 632 : i32
    %mul3A_114 = arith.muli %arg1, %mul3A_113 : i32
    %run_scoped3A_115 = arith.constant 2 : i32
    "tpu.region"() ({
      %run_scoped3A_155 = tpu.sem_alloc : memref<!tpu.dma_semaphore, #tpu.memory_space<semaphore_mem>>
      %dma_start3A_156 = arith.constant 0 : i32
      %dma_start3A_157 = tpu.memref_slice %arg9[%run_scoped3A_115, %arg0, %mul3A_114, %dma_start3A_156] : memref<4x2x10112x128xf32, #tpu.memory_space<hbm>> -> memref<1x1x632x128xf32, #tpu.memory_space<hbm>>
      %dma_start3A_158 = tpu.memref_squeeze %dma_start3A_157 : memref<1x1x632x128xf32, #tpu.memory_space<hbm>> -> memref<632x128xf32, #tpu.memory_space<hbm>>
      %dma_start3A_159 = arith.constant 0 : i32
      %dma_start3A_160 = tpu.memref_slice %arg14[%mul3A_112, %dma_start3A_159] : memref<10112x128xf32, #tpu.memory_space<vmem_shared>> -> memref<632x128xf32, #tpu.memory_space<vmem_shared>>
      tpu.enqueue_dma source(%dma_start3A_160 : memref<632x128xf32, #tpu.memory_space<vmem_shared>>) target(%dma_start3A_158 : memref<632x128xf32, #tpu.memory_space<hbm>>) target_semaphore(%run_scoped3A_155 : memref<!tpu.dma_semaphore, #tpu.memory_space<semaphore_mem>>)
      %dma_wait3A = arith.constant 0 : i32
      %dma_wait3A_161 = tpu.memref_slice %arg9[%run_scoped3A_115, %arg0, %mul3A_114, %dma_wait3A] : memref<4x2x10112x128xf32, #tpu.memory_space<hbm>> -> memref<1x1x632x128xf32, #tpu.memory_space<hbm>>
      %dma_wait3A_162 = tpu.memref_squeeze %dma_wait3A_161 : memref<1x1x632x128xf32, #tpu.memory_space<hbm>> -> memref<632x128xf32, #tpu.memory_space<hbm>>
      %dma_wait3A_163 = arith.constant 0 : i32
      %dma_wait3A_164 = tpu.memref_slice %arg14[%mul3A_112, %dma_wait3A_163] : memref<10112x128xf32, #tpu.memory_space<vmem_shared>> -> memref<632x128xf32, #tpu.memory_space<vmem_shared>>
      tpu.wait_dma2 semaphore(%run_scoped3A_155 : memref<!tpu.dma_semaphore, #tpu.memory_space<semaphore_mem>>) src(%dma_wait3A_164 : memref<632x128xf32, #tpu.memory_space<vmem_shared>>) dst(%dma_wait3A_162 : memref<632x128xf32, #tpu.memory_space<hbm>>)
      tpu.yield
    }) : () -> ()
    %barrier3A_116 = arith.constant 0 : index
    tpu.barrier barrier_id(%barrier3A_116)
    %mul3A_117 = arith.constant 632 : i32
    %mul3A_118 = arith.muli %arg1, %mul3A_117 : i32
    %mul3A_119 = arith.constant 632 : i32
    %mul3A_120 = arith.muli %arg1, %mul3A_119 : i32
    "tpu.region"() ({
      %run_scoped3A_155 = tpu.sem_alloc : memref<!tpu.dma_semaphore, #tpu.memory_space<semaphore_mem>>
      %dma_start3A_156 = arith.constant 0 : i32
      %dma_start3A_157 = tpu.memref_slice %arg14[%mul3A_120, %dma_start3A_156] : memref<10112x128xf32, #tpu.memory_space<vmem_shared>> -> memref<632x128xf32, #tpu.memory_space<vmem_shared>>
      %dma_start3A_158 = arith.constant 0 : i32
      %dma_start3A_159 = tpu.memref_slice %arg8[%mul3A_118, %dma_start3A_158] : memref<10112x128xf32, #tpu.memory_space<hbm>> -> memref<632x128xf32, #tpu.memory_space<hbm>>
      tpu.enqueue_dma source(%dma_start3A_159 : memref<632x128xf32, #tpu.memory_space<hbm>>) target(%dma_start3A_157 : memref<632x128xf32, #tpu.memory_space<vmem_shared>>) target_semaphore(%run_scoped3A_155 : memref<!tpu.dma_semaphore, #tpu.memory_space<semaphore_mem>>)
      %dma_wait3A = arith.constant 0 : i32
      %dma_wait3A_160 = tpu.memref_slice %arg14[%mul3A_120, %dma_wait3A] : memref<10112x128xf32, #tpu.memory_space<vmem_shared>> -> memref<632x128xf32, #tpu.memory_space<vmem_shared>>
      %dma_wait3A_161 = arith.constant 0 : i32
      %dma_wait3A_162 = tpu.memref_slice %arg8[%mul3A_118, %dma_wait3A_161] : memref<10112x128xf32, #tpu.memory_space<hbm>> -> memref<632x128xf32, #tpu.memory_space<hbm>>
      tpu.wait_dma2 semaphore(%run_scoped3A_155 : memref<!tpu.dma_semaphore, #tpu.memory_space<semaphore_mem>>) src(%dma_wait3A_162 : memref<632x128xf32, #tpu.memory_space<hbm>>) dst(%dma_wait3A_160 : memref<632x128xf32, #tpu.memory_space<vmem_shared>>)
      tpu.yield
    }) : () -> ()
    %barrier3A_121 = arith.constant 0 : index
    tpu.barrier barrier_id(%barrier3A_121)
    %dma_start3A_122 = arith.constant 0 : i32
    %dma_start3A_123 = arith.constant 0 : i32
    %dma_start3A_124 = tpu.memref_slice %arg10[%dma_start3A_122, %dma_start3A_123] : memref<64x128xi32, #tpu.memory_space<vmem>> -> memref<1x128xi32, #tpu.memory_space<vmem>>
    %dma_start3A_125 = tpu.memref_squeeze %dma_start3A_124 : memref<1x128xi32, #tpu.memory_space<vmem>> -> memref<128xi32, #tpu.memory_space<vmem>>
    %dma_start3A_126 = arith.constant 0 : i32
    %dma_start3A_127 = arith.constant 0 : i32
    %dma_start3A_128 = tpu.memref_slice %arg5[%dma_start3A_126, %dma_start3A_127] : memref<10112x128xf32, #tpu.memory_space<hbm>> -> memref<10112x128xf32, #tpu.memory_space<hbm>>
    tpu.enqueue_indirect_dma source(%dma_start3A_128 : memref<10112x128xf32, #tpu.memory_space<hbm>>) target(%arg12 : memref<128x128xf32, #tpu.memory_space<vmem>>) offsets(%dma_start3A_125 : memref<128xi32, #tpu.memory_space<vmem>>) semaphore(%arg15 : memref<!tpu.dma_semaphore, #tpu.memory_space<semaphore_mem>>)
    %sub3A_129 = arith.constant 0 : i32
    %sub3A_130 = arith.subi %select_n3A_8, %sub3A_129 : i32
    %sub3A_131 = arith.constant 1 : i32
    %sub3A_132 = arith.constant 1 : i32
    %sub3A_133 = arith.subi %sub3A_131, %sub3A_132 : i32
    %add3A_134 = arith.addi %sub3A_130, %sub3A_133 : i32
    %div3A_135 = arith.constant 1 : i32
    %div3A_136 = arith.divsi %add3A_134, %div3A_135 : i32
    %while3A_137 = arith.constant 1 : i32
    %while3A_138 = arith.constant 0 : i32
    %while3A_139 = arith.constant 0 : i32
    %while3A_140 = arith.subi %div3A_136, %while3A_139 : i32
    %while3A_141 = arith.addi %while3A_139, %while3A_140 : i32
    %while3A_142 = arith.constant 1 : i32
    %while3A_143 = arith.divsi %while3A_140, %while3A_142 : i32
    %while3A_144 = arith.muli %while3A_143, %while3A_142 : i32
    %while3A_145 = arith.addi %while3A_139, %while3A_144 : i32
    %while3A_146 = arith.constant 1 : i32
    scf.for %while3A_155 = %while3A_139 to %while3A_145 step %while3A_146  : i32 {
      %mul3A_156 = arith.muli %while3A_155, %while3A_137 : i32
      %add3A_157 = arith.addi %while3A_138, %mul3A_156 : i32
      %mul3A_158 = arith.constant 2 : i32
      %mul3A_159 = arith.muli %add3A_157, %mul3A_158 : i32
      %dma_wait3A = arith.constant 0 : i32
      %dma_wait3A_160 = tpu.memref_slice %arg10[%mul3A_159, %dma_wait3A] : memref<64x128xi32, #tpu.memory_space<vmem>> -> memref<1x128xi32, #tpu.memory_space<vmem>>
      %dma_wait3A_161 = tpu.memref_squeeze %dma_wait3A_160 : memref<1x128xi32, #tpu.memory_space<vmem>> -> memref<128xi32, #tpu.memory_space<vmem>>
      %dma_wait3A_162 = arith.constant 0 : i32
      %dma_wait3A_163 = arith.constant 0 : i32
      %dma_wait3A_164 = tpu.memref_slice %arg5[%dma_wait3A_162, %dma_wait3A_163] : memref<10112x128xf32, #tpu.memory_space<hbm>> -> memref<10112x128xf32, #tpu.memory_space<hbm>>
      tpu.wait_indirect_dma semaphore(%arg15 : memref<!tpu.dma_semaphore, #tpu.memory_space<semaphore_mem>>) src(%dma_wait3A_164 : memref<10112x128xf32, #tpu.memory_space<hbm>>) dst(%arg12 : memref<128x128xf32, #tpu.memory_space<vmem>>)
      %add3A_165 = arith.constant 1 : i32
      %add3A_166 = arith.addi %mul3A_159, %add3A_165 : i32
      %dma_start3A_167 = arith.constant 0 : i32
      %dma_start3A_168 = tpu.memref_slice %arg10[%add3A_166, %dma_start3A_167] : memref<64x128xi32, #tpu.memory_space<vmem>> -> memref<1x128xi32, #tpu.memory_space<vmem>>
      %dma_start3A_169 = tpu.memref_squeeze %dma_start3A_168 : memref<1x128xi32, #tpu.memory_space<vmem>> -> memref<128xi32, #tpu.memory_space<vmem>>
      %dma_start3A_170 = arith.constant 0 : i32
      %dma_start3A_171 = arith.constant 0 : i32
      %dma_start3A_172 = tpu.memref_slice %arg5[%dma_start3A_170, %dma_start3A_171] : memref<10112x128xf32, #tpu.memory_space<hbm>> -> memref<10112x128xf32, #tpu.memory_space<hbm>>
      tpu.enqueue_indirect_dma source(%dma_start3A_172 : memref<10112x128xf32, #tpu.memory_space<hbm>>) target(%arg13 : memref<128x128xf32, #tpu.memory_space<vmem>>) offsets(%dma_start3A_169 : memref<128xi32, #tpu.memory_space<vmem>>) semaphore(%arg16 : memref<!tpu.dma_semaphore, #tpu.memory_space<semaphore_mem>>)
      "tpu.region"() ({
        %run_scoped3A_186 = tpu.sem_alloc : memref<!tpu.dma_semaphore, #tpu.memory_space<semaphore_mem>>
        %dma_start3A_187 = arith.constant 0 : i32
        %dma_start3A_188 = tpu.memref_slice %arg11[%mul3A_159, %dma_start3A_187] : memref<64x128xi32, #tpu.memory_space<vmem>> -> memref<1x128xi32, #tpu.memory_space<vmem>>
        %dma_start3A_189 = tpu.memref_squeeze %dma_start3A_188 : memref<1x128xi32, #tpu.memory_space<vmem>> -> memref<128xi32, #tpu.memory_space<vmem>>
        %dma_start3A_190 = arith.constant 0 : i32
        %dma_start3A_191 = arith.constant 0 : i32
        %dma_start3A_192 = tpu.memref_slice %arg14[%dma_start3A_190, %dma_start3A_191] : memref<10112x128xf32, #tpu.memory_space<vmem_shared>> -> memref<10112x128xf32, #tpu.memory_space<vmem_shared>>
        tpu.enqueue_indirect_dma source(%arg12 : memref<128x128xf32, #tpu.memory_space<vmem>>) target(%dma_start3A_192 : memref<10112x128xf32, #tpu.memory_space<vmem_shared>>) offsets(%dma_start3A_189 : memref<128xi32, #tpu.memory_space<vmem>>) semaphore(%run_scoped3A_186 : memref<!tpu.dma_semaphore, #tpu.memory_space<semaphore_mem>>) {add = true}
        %dma_wait3A_193 = arith.constant 0 : i32
        %dma_wait3A_194 = tpu.memref_slice %arg11[%mul3A_159, %dma_wait3A_193] : memref<64x128xi32, #tpu.memory_space<vmem>> -> memref<1x128xi32, #tpu.memory_space<vmem>>
        %dma_wait3A_195 = tpu.memref_squeeze %dma_wait3A_194 : memref<1x128xi32, #tpu.memory_space<vmem>> -> memref<128xi32, #tpu.memory_space<vmem>>
        %dma_wait3A_196 = arith.constant 0 : i32
        %dma_wait3A_197 = arith.constant 0 : i32
        %dma_wait3A_198 = tpu.memref_slice %arg14[%dma_wait3A_196, %dma_wait3A_197] : memref<10112x128xf32, #tpu.memory_space<vmem_shared>> -> memref<10112x128xf32, #tpu.memory_space<vmem_shared>>
        tpu.wait_indirect_dma semaphore(%run_scoped3A_186 : memref<!tpu.dma_semaphore, #tpu.memory_space<semaphore_mem>>) src(%arg12 : memref<128x128xf32, #tpu.memory_space<vmem>>) dst(%dma_wait3A_198 : memref<10112x128xf32, #tpu.memory_space<vmem_shared>>)
        tpu.yield
      }) : () -> ()
      %add3A_173 = arith.constant 1 : i32
      %add3A_174 = arith.addi %mul3A_159, %add3A_173 : i32
      %dma_wait3A_175 = arith.constant 0 : i32
      %dma_wait3A_176 = tpu.memref_slice %arg10[%add3A_174, %dma_wait3A_175] : memref<64x128xi32, #tpu.memory_space<vmem>> -> memref<1x128xi32, #tpu.memory_space<vmem>>
      %dma_wait3A_177 = tpu.memref_squeeze %dma_wait3A_176 : memref<1x128xi32, #tpu.memory_space<vmem>> -> memref<128xi32, #tpu.memory_space<vmem>>
      %dma_wait3A_178 = arith.constant 0 : i32
      %dma_wait3A_179 = arith.constant 0 : i32
      %dma_wait3A_180 = tpu.memref_slice %arg5[%dma_wait3A_178, %dma_wait3A_179] : memref<10112x128xf32, #tpu.memory_space<hbm>> -> memref<10112x128xf32, #tpu.memory_space<hbm>>
      tpu.wait_indirect_dma semaphore(%arg16 : memref<!tpu.dma_semaphore, #tpu.memory_space<semaphore_mem>>) src(%dma_wait3A_180 : memref<10112x128xf32, #tpu.memory_space<hbm>>) dst(%arg13 : memref<128x128xf32, #tpu.memory_space<vmem>>)
      %sub3A_181 = arith.constant 1 : i32
      %sub3A_182 = arith.subi %select_n3A_8, %sub3A_181 : i32
      %lt3A = arith.cmpi slt, %add3A_157, %sub3A_182 : i32
      %convert_element_type3A = arith.extui %lt3A : i1 to i32
      %cond3A = arith.constant 0 : i32
      %cond3A_183 = arith.cmpi ne, %convert_element_type3A, %cond3A : i32
      scf.if %cond3A_183 {
        %add3A_186 = arith.constant 2 : i32
        %add3A_187 = arith.addi %mul3A_159, %add3A_186 : i32
        %dma_start3A_188 = arith.constant 0 : i32
        %dma_start3A_189 = tpu.memref_slice %arg10[%add3A_187, %dma_start3A_188] : memref<64x128xi32, #tpu.memory_space<vmem>> -> memref<1x128xi32, #tpu.memory_space<vmem>>
        %dma_start3A_190 = tpu.memref_squeeze %dma_start3A_189 : memref<1x128xi32, #tpu.memory_space<vmem>> -> memref<128xi32, #tpu.memory_space<vmem>>
        %dma_start3A_191 = arith.constant 0 : i32
        %dma_start3A_192 = arith.constant 0 : i32
        %dma_start3A_193 = tpu.memref_slice %arg5[%dma_start3A_191, %dma_start3A_192] : memref<10112x128xf32, #tpu.memory_space<hbm>> -> memref<10112x128xf32, #tpu.memory_space<hbm>>
        tpu.enqueue_indirect_dma source(%dma_start3A_193 : memref<10112x128xf32, #tpu.memory_space<hbm>>) target(%arg12 : memref<128x128xf32, #tpu.memory_space<vmem>>) offsets(%dma_start3A_190 : memref<128xi32, #tpu.memory_space<vmem>>) semaphore(%arg15 : memref<!tpu.dma_semaphore, #tpu.memory_space<semaphore_mem>>)
      } else {
      }
      %add3A_184 = arith.constant 1 : i32
      %add3A_185 = arith.addi %mul3A_159, %add3A_184 : i32
      "tpu.region"() ({
        %run_scoped3A_186 = tpu.sem_alloc : memref<!tpu.dma_semaphore, #tpu.memory_space<semaphore_mem>>
        %dma_start3A_187 = arith.constant 0 : i32
        %dma_start3A_188 = tpu.memref_slice %arg11[%add3A_185, %dma_start3A_187] : memref<64x128xi32, #tpu.memory_space<vmem>> -> memref<1x128xi32, #tpu.memory_space<vmem>>
        %dma_start3A_189 = tpu.memref_squeeze %dma_start3A_188 : memref<1x128xi32, #tpu.memory_space<vmem>> -> memref<128xi32, #tpu.memory_space<vmem>>
        %dma_start3A_190 = arith.constant 0 : i32
        %dma_start3A_191 = arith.constant 0 : i32
        %dma_start3A_192 = tpu.memref_slice %arg14[%dma_start3A_190, %dma_start3A_191] : memref<10112x128xf32, #tpu.memory_space<vmem_shared>> -> memref<10112x128xf32, #tpu.memory_space<vmem_shared>>
        tpu.enqueue_indirect_dma source(%arg13 : memref<128x128xf32, #tpu.memory_space<vmem>>) target(%dma_start3A_192 : memref<10112x128xf32, #tpu.memory_space<vmem_shared>>) offsets(%dma_start3A_189 : memref<128xi32, #tpu.memory_space<vmem>>) semaphore(%run_scoped3A_186 : memref<!tpu.dma_semaphore, #tpu.memory_space<semaphore_mem>>) {add = true}
        %dma_wait3A_193 = arith.constant 0 : i32
        %dma_wait3A_194 = tpu.memref_slice %arg11[%add3A_185, %dma_wait3A_193] : memref<64x128xi32, #tpu.memory_space<vmem>> -> memref<1x128xi32, #tpu.memory_space<vmem>>
        %dma_wait3A_195 = tpu.memref_squeeze %dma_wait3A_194 : memref<1x128xi32, #tpu.memory_space<vmem>> -> memref<128xi32, #tpu.memory_space<vmem>>
        %dma_wait3A_196 = arith.constant 0 : i32
        %dma_wait3A_197 = arith.constant 0 : i32
        %dma_wait3A_198 = tpu.memref_slice %arg14[%dma_wait3A_196, %dma_wait3A_197] : memref<10112x128xf32, #tpu.memory_space<vmem_shared>> -> memref<10112x128xf32, #tpu.memory_space<vmem_shared>>
        tpu.wait_indirect_dma semaphore(%run_scoped3A_186 : memref<!tpu.dma_semaphore, #tpu.memory_space<semaphore_mem>>) src(%arg13 : memref<128x128xf32, #tpu.memory_space<vmem>>) dst(%dma_wait3A_198 : memref<10112x128xf32, #tpu.memory_space<vmem_shared>>)
        tpu.yield
      }) : () -> ()
    }
    %while3A_147 = arith.constant 1 : i32
    scf.for %while3A_155 = %while3A_145 to %while3A_141 step %while3A_147  : i32 {
      %mul3A_156 = arith.muli %while3A_155, %while3A_137 : i32
      %add3A_157 = arith.addi %while3A_138, %mul3A_156 : i32
      %mul3A_158 = arith.constant 2 : i32
      %mul3A_159 = arith.muli %add3A_157, %mul3A_158 : i32
      %dma_wait3A = arith.constant 0 : i32
      %dma_wait3A_160 = tpu.memref_slice %arg10[%mul3A_159, %dma_wait3A] : memref<64x128xi32, #tpu.memory_space<vmem>> -> memref<1x128xi32, #tpu.memory_space<vmem>>
      %dma_wait3A_161 = tpu.memref_squeeze %dma_wait3A_160 : memref<1x128xi32, #tpu.memory_space<vmem>> -> memref<128xi32, #tpu.memory_space<vmem>>
      %dma_wait3A_162 = arith.constant 0 : i32
      %dma_wait3A_163 = arith.constant 0 : i32
      %dma_wait3A_164 = tpu.memref_slice %arg5[%dma_wait3A_162, %dma_wait3A_163] : memref<10112x128xf32, #tpu.memory_space<hbm>> -> memref<10112x128xf32, #tpu.memory_space<hbm>>
      tpu.wait_indirect_dma semaphore(%arg15 : memref<!tpu.dma_semaphore, #tpu.memory_space<semaphore_mem>>) src(%dma_wait3A_164 : memref<10112x128xf32, #tpu.memory_space<hbm>>) dst(%arg12 : memref<128x128xf32, #tpu.memory_space<vmem>>)
      %add3A_165 = arith.constant 1 : i32
      %add3A_166 = arith.addi %mul3A_159, %add3A_165 : i32
      %dma_start3A_167 = arith.constant 0 : i32
      %dma_start3A_168 = tpu.memref_slice %arg10[%add3A_166, %dma_start3A_167] : memref<64x128xi32, #tpu.memory_space<vmem>> -> memref<1x128xi32, #tpu.memory_space<vmem>>
      %dma_start3A_169 = tpu.memref_squeeze %dma_start3A_168 : memref<1x128xi32, #tpu.memory_space<vmem>> -> memref<128xi32, #tpu.memory_space<vmem>>
      %dma_start3A_170 = arith.constant 0 : i32
      %dma_start3A_171 = arith.constant 0 : i32
      %dma_start3A_172 = tpu.memref_slice %arg5[%dma_start3A_170, %dma_start3A_171] : memref<10112x128xf32, #tpu.memory_space<hbm>> -> memref<10112x128xf32, #tpu.memory_space<hbm>>
      tpu.enqueue_indirect_dma source(%dma_start3A_172 : memref<10112x128xf32, #tpu.memory_space<hbm>>) target(%arg13 : memref<128x128xf32, #tpu.memory_space<vmem>>) offsets(%dma_start3A_169 : memref<128xi32, #tpu.memory_space<vmem>>) semaphore(%arg16 : memref<!tpu.dma_semaphore, #tpu.memory_space<semaphore_mem>>)
      "tpu.region"() ({
        %run_scoped3A_186 = tpu.sem_alloc : memref<!tpu.dma_semaphore, #tpu.memory_space<semaphore_mem>>
        %dma_start3A_187 = arith.constant 0 : i32
        %dma_start3A_188 = tpu.memref_slice %arg11[%mul3A_159, %dma_start3A_187] : memref<64x128xi32, #tpu.memory_space<vmem>> -> memref<1x128xi32, #tpu.memory_space<vmem>>
        %dma_start3A_189 = tpu.memref_squeeze %dma_start3A_188 : memref<1x128xi32, #tpu.memory_space<vmem>> -> memref<128xi32, #tpu.memory_space<vmem>>
        %dma_start3A_190 = arith.constant 0 : i32
        %dma_start3A_191 = arith.constant 0 : i32
        %dma_start3A_192 = tpu.memref_slice %arg14[%dma_start3A_190, %dma_start3A_191] : memref<10112x128xf32, #tpu.memory_space<vmem_shared>> -> memref<10112x128xf32, #tpu.memory_space<vmem_shared>>
        tpu.enqueue_indirect_dma source(%arg12 : memref<128x128xf32, #tpu.memory_space<vmem>>) target(%dma_start3A_192 : memref<10112x128xf32, #tpu.memory_space<vmem_shared>>) offsets(%dma_start3A_189 : memref<128xi32, #tpu.memory_space<vmem>>) semaphore(%run_scoped3A_186 : memref<!tpu.dma_semaphore, #tpu.memory_space<semaphore_mem>>) {add = true}
        %dma_wait3A_193 = arith.constant 0 : i32
        %dma_wait3A_194 = tpu.memref_slice %arg11[%mul3A_159, %dma_wait3A_193] : memref<64x128xi32, #tpu.memory_space<vmem>> -> memref<1x128xi32, #tpu.memory_space<vmem>>
        %dma_wait3A_195 = tpu.memref_squeeze %dma_wait3A_194 : memref<1x128xi32, #tpu.memory_space<vmem>> -> memref<128xi32, #tpu.memory_space<vmem>>
        %dma_wait3A_196 = arith.constant 0 : i32
        %dma_wait3A_197 = arith.constant 0 : i32
        %dma_wait3A_198 = tpu.memref_slice %arg14[%dma_wait3A_196, %dma_wait3A_197] : memref<10112x128xf32, #tpu.memory_space<vmem_shared>> -> memref<10112x128xf32, #tpu.memory_space<vmem_shared>>
        tpu.wait_indirect_dma semaphore(%run_scoped3A_186 : memref<!tpu.dma_semaphore, #tpu.memory_space<semaphore_mem>>) src(%arg12 : memref<128x128xf32, #tpu.memory_space<vmem>>) dst(%dma_wait3A_198 : memref<10112x128xf32, #tpu.memory_space<vmem_shared>>)
        tpu.yield
      }) : () -> ()
      %add3A_173 = arith.constant 1 : i32
      %add3A_174 = arith.addi %mul3A_159, %add3A_173 : i32
      %dma_wait3A_175 = arith.constant 0 : i32
      %dma_wait3A_176 = tpu.memref_slice %arg10[%add3A_174, %dma_wait3A_175] : memref<64x128xi32, #tpu.memory_space<vmem>> -> memref<1x128xi32, #tpu.memory_space<vmem>>
      %dma_wait3A_177 = tpu.memref_squeeze %dma_wait3A_176 : memref<1x128xi32, #tpu.memory_space<vmem>> -> memref<128xi32, #tpu.memory_space<vmem>>
      %dma_wait3A_178 = arith.constant 0 : i32
      %dma_wait3A_179 = arith.constant 0 : i32
      %dma_wait3A_180 = tpu.memref_slice %arg5[%dma_wait3A_178, %dma_wait3A_179] : memref<10112x128xf32, #tpu.memory_space<hbm>> -> memref<10112x128xf32, #tpu.memory_space<hbm>>
      tpu.wait_indirect_dma semaphore(%arg16 : memref<!tpu.dma_semaphore, #tpu.memory_space<semaphore_mem>>) src(%dma_wait3A_180 : memref<10112x128xf32, #tpu.memory_space<hbm>>) dst(%arg13 : memref<128x128xf32, #tpu.memory_space<vmem>>)
      %sub3A_181 = arith.constant 1 : i32
      %sub3A_182 = arith.subi %select_n3A_8, %sub3A_181 : i32
      %lt3A = arith.cmpi slt, %add3A_157, %sub3A_182 : i32
      %convert_element_type3A = arith.extui %lt3A : i1 to i32
      %cond3A = arith.constant 0 : i32
      %cond3A_183 = arith.cmpi ne, %convert_element_type3A, %cond3A : i32
      scf.if %cond3A_183 {
        %add3A_186 = arith.constant 2 : i32
        %add3A_187 = arith.addi %mul3A_159, %add3A_186 : i32
        %dma_start3A_188 = arith.constant 0 : i32
        %dma_start3A_189 = tpu.memref_slice %arg10[%add3A_187, %dma_start3A_188] : memref<64x128xi32, #tpu.memory_space<vmem>> -> memref<1x128xi32, #tpu.memory_space<vmem>>
        %dma_start3A_190 = tpu.memref_squeeze %dma_start3A_189 : memref<1x128xi32, #tpu.memory_space<vmem>> -> memref<128xi32, #tpu.memory_space<vmem>>
        %dma_start3A_191 = arith.constant 0 : i32
        %dma_start3A_192 = arith.constant 0 : i32
        %dma_start3A_193 = tpu.memref_slice %arg5[%dma_start3A_191, %dma_start3A_192] : memref<10112x128xf32, #tpu.memory_space<hbm>> -> memref<10112x128xf32, #tpu.memory_space<hbm>>
        tpu.enqueue_indirect_dma source(%dma_start3A_193 : memref<10112x128xf32, #tpu.memory_space<hbm>>) target(%arg12 : memref<128x128xf32, #tpu.memory_space<vmem>>) offsets(%dma_start3A_190 : memref<128xi32, #tpu.memory_space<vmem>>) semaphore(%arg15 : memref<!tpu.dma_semaphore, #tpu.memory_space<semaphore_mem>>)
      } else {
      }
      %add3A_184 = arith.constant 1 : i32
      %add3A_185 = arith.addi %mul3A_159, %add3A_184 : i32
      "tpu.region"() ({
        %run_scoped3A_186 = tpu.sem_alloc : memref<!tpu.dma_semaphore, #tpu.memory_space<semaphore_mem>>
        %dma_start3A_187 = arith.constant 0 : i32
        %dma_start3A_188 = tpu.memref_slice %arg11[%add3A_185, %dma_start3A_187] : memref<64x128xi32, #tpu.memory_space<vmem>> -> memref<1x128xi32, #tpu.memory_space<vmem>>
        %dma_start3A_189 = tpu.memref_squeeze %dma_start3A_188 : memref<1x128xi32, #tpu.memory_space<vmem>> -> memref<128xi32, #tpu.memory_space<vmem>>
        %dma_start3A_190 = arith.constant 0 : i32
        %dma_start3A_191 = arith.constant 0 : i32
        %dma_start3A_192 = tpu.memref_slice %arg14[%dma_start3A_190, %dma_start3A_191] : memref<10112x128xf32, #tpu.memory_space<vmem_shared>> -> memref<10112x128xf32, #tpu.memory_space<vmem_shared>>
        tpu.enqueue_indirect_dma source(%arg13 : memref<128x128xf32, #tpu.memory_space<vmem>>) target(%dma_start3A_192 : memref<10112x128xf32, #tpu.memory_space<vmem_shared>>) offsets(%dma_start3A_189 : memref<128xi32, #tpu.memory_space<vmem>>) semaphore(%run_scoped3A_186 : memref<!tpu.dma_semaphore, #tpu.memory_space<semaphore_mem>>) {add = true}
        %dma_wait3A_193 = arith.constant 0 : i32
        %dma_wait3A_194 = tpu.memref_slice %arg11[%add3A_185, %dma_wait3A_193] : memref<64x128xi32, #tpu.memory_space<vmem>> -> memref<1x128xi32, #tpu.memory_space<vmem>>
        %dma_wait3A_195 = tpu.memref_squeeze %dma_wait3A_194 : memref<1x128xi32, #tpu.memory_space<vmem>> -> memref<128xi32, #tpu.memory_space<vmem>>
        %dma_wait3A_196 = arith.constant 0 : i32
        %dma_wait3A_197 = arith.constant 0 : i32
        %dma_wait3A_198 = tpu.memref_slice %arg14[%dma_wait3A_196, %dma_wait3A_197] : memref<10112x128xf32, #tpu.memory_space<vmem_shared>> -> memref<10112x128xf32, #tpu.memory_space<vmem_shared>>
        tpu.wait_indirect_dma semaphore(%run_scoped3A_186 : memref<!tpu.dma_semaphore, #tpu.memory_space<semaphore_mem>>) src(%arg13 : memref<128x128xf32, #tpu.memory_space<vmem>>) dst(%dma_wait3A_198 : memref<10112x128xf32, #tpu.memory_space<vmem_shared>>)
        tpu.yield
      }) : () -> ()
    }
    %barrier3A_148 = arith.constant 0 : index
    tpu.barrier barrier_id(%barrier3A_148)
    %mul3A_149 = arith.constant 632 : i32
    %mul3A_150 = arith.muli %arg1, %mul3A_149 : i32
    %mul3A_151 = arith.constant 632 : i32
    %mul3A_152 = arith.muli %arg1, %mul3A_151 : i32
    %run_scoped3A_153 = arith.constant 3 : i32
    "tpu.region"() ({
      %run_scoped3A_155 = tpu.sem_alloc : memref<!tpu.dma_semaphore, #tpu.memory_space<semaphore_mem>>
      %dma_start3A_156 = arith.constant 0 : i32
      %dma_start3A_157 = tpu.memref_slice %arg9[%run_scoped3A_153, %arg0, %mul3A_152, %dma_start3A_156] : memref<4x2x10112x128xf32, #tpu.memory_space<hbm>> -> memref<1x1x632x128xf32, #tpu.memory_space<hbm>>
      %dma_start3A_158 = tpu.memref_squeeze %dma_start3A_157 : memref<1x1x632x128xf32, #tpu.memory_space<hbm>> -> memref<632x128xf32, #tpu.memory_space<hbm>>
      %dma_start3A_159 = arith.constant 0 : i32
      %dma_start3A_160 = tpu.memref_slice %arg14[%mul3A_150, %dma_start3A_159] : memref<10112x128xf32, #tpu.memory_space<vmem_shared>> -> memref<632x128xf32, #tpu.memory_space<vmem_shared>>
      tpu.enqueue_dma source(%dma_start3A_160 : memref<632x128xf32, #tpu.memory_space<vmem_shared>>) target(%dma_start3A_158 : memref<632x128xf32, #tpu.memory_space<hbm>>) target_semaphore(%run_scoped3A_155 : memref<!tpu.dma_semaphore, #tpu.memory_space<semaphore_mem>>)
      %dma_wait3A = arith.constant 0 : i32
      %dma_wait3A_161 = tpu.memref_slice %arg9[%run_scoped3A_153, %arg0, %mul3A_152, %dma_wait3A] : memref<4x2x10112x128xf32, #tpu.memory_space<hbm>> -> memref<1x1x632x128xf32, #tpu.memory_space<hbm>>
      %dma_wait3A_162 = tpu.memref_squeeze %dma_wait3A_161 : memref<1x1x632x128xf32, #tpu.memory_space<hbm>> -> memref<632x128xf32, #tpu.memory_space<hbm>>
      %dma_wait3A_163 = arith.constant 0 : i32
      %dma_wait3A_164 = tpu.memref_slice %arg14[%mul3A_150, %dma_wait3A_163] : memref<10112x128xf32, #tpu.memory_space<vmem_shared>> -> memref<632x128xf32, #tpu.memory_space<vmem_shared>>
      tpu.wait_dma2 semaphore(%run_scoped3A_155 : memref<!tpu.dma_semaphore, #tpu.memory_space<semaphore_mem>>) src(%dma_wait3A_164 : memref<632x128xf32, #tpu.memory_space<vmem_shared>>) dst(%dma_wait3A_162 : memref<632x128xf32, #tpu.memory_space<hbm>>)
      tpu.yield
    }) : () -> ()
    %barrier3A_154 = arith.constant 0 : index
    tpu.barrier barrier_id(%barrier3A_154)
    return
  }
}

#map = affine_map<(d0, d1) -> (0, 0)>
#map1 = affine_map<(d0, d1) -> (0, 0, 0)>
module attributes {stable_mosaic.version = 14 : i64} {
  func.func @_gather_body(%arg0: i32, %arg1: i32, %arg2: memref<10112x512xf32, #tpu.memory_space<hbm>>, %arg3: memref<10112x512xf32, #tpu.memory_space<hbm>>, %arg4: memref<32x160x32xi32, #tpu.memory_space<hbm>>, %arg5: memref<32x160x32xi32, #tpu.memory_space<hbm>>, %arg6: memref<163840x512xf32, #tpu.memory_space<hbm>>, %arg7: memref<163840x512xf32, #tpu.memory_space<hbm>>, %arg8: memref<160x32xi32, #tpu.memory_space<vmem>>, %arg9: memref<160x32xi32, #tpu.memory_space<vmem>>, %arg10: memref<32x512xf32, #tpu.memory_space<vmem>>, %arg11: memref<32x512xf32, #tpu.memory_space<vmem>>, %arg12: memref<32x512xf32, #tpu.memory_space<vmem>>, %arg13: memref<32x512xf32, #tpu.memory_space<vmem>>, %arg14: memref<!tpu.dma_semaphore, #tpu.memory_space<semaphore_mem>>, %arg15: memref<!tpu.dma_semaphore, #tpu.memory_space<semaphore_mem>>, %arg16: memref<!tpu.dma_semaphore, #tpu.memory_space<semaphore_mem>>, %arg17: memref<!tpu.dma_semaphore, #tpu.memory_space<semaphore_mem>>, %arg18: memref<!tpu.dma_semaphore, #tpu.memory_space<semaphore_mem>>, %arg19: memref<!tpu.dma_semaphore, #tpu.memory_space<semaphore_mem>>, %arg20: memref<!tpu.dma_semaphore, #tpu.memory_space<semaphore_mem>>, %arg21: memref<!tpu.dma_semaphore, #tpu.memory_space<semaphore_mem>>) attributes {dimension_semantics = [#tpu.dimension_semantics<core_parallel>, #tpu.dimension_semantics<subcore_parallel>], iteration_bounds = array<i64: 2, 16>, scalar_prefetch = 0 : i64, scratch_operands = 14 : i64, tpu.core_type = #tpu.core_type<sc_vector_subcore>, window_params = [{transform_indices = #map}, {transform_indices = #map}, {transform_indices = #map1}, {transform_indices = #map1}, {transform_indices = #map}, {transform_indices = #map}]} {
    %mul3A = arith.constant 2 : i32
    %mul3A_0 = arith.muli %arg1, %mul3A : i32
    %add3A = arith.addi %mul3A_0, %arg0 : i32
    "tpu.region"() ({
      %run_scoped3A = tpu.sem_alloc : memref<!tpu.dma_semaphore, #tpu.memory_space<semaphore_mem>>
      %dma_start3A_31 = arith.constant 0 : i32
      %dma_start3A_32 = arith.constant 0 : i32
      %dma_start3A_33 = tpu.memref_slice %arg4[%add3A, %dma_start3A_31, %dma_start3A_32] : memref<32x160x32xi32, #tpu.memory_space<hbm>> -> memref<1x160x32xi32, #tpu.memory_space<hbm>>
      %dma_start3A_34 = tpu.memref_squeeze %dma_start3A_33 : memref<1x160x32xi32, #tpu.memory_space<hbm>> -> memref<160x32xi32, #tpu.memory_space<hbm>>
      %dma_start3A_35 = arith.constant 0 : i32
      %dma_start3A_36 = arith.constant 0 : i32
      %dma_start3A_37 = tpu.memref_slice %arg4[%add3A, %dma_start3A_35, %dma_start3A_36] : memref<32x160x32xi32, #tpu.memory_space<hbm>> -> memref<1x160x32xi32, #tpu.memory_space<hbm>>
      %dma_start3A_38 = tpu.memref_squeeze %dma_start3A_37 : memref<1x160x32xi32, #tpu.memory_space<hbm>> -> memref<160x32xi32, #tpu.memory_space<hbm>>
      tpu.enqueue_dma source(%dma_start3A_38 : memref<160x32xi32, #tpu.memory_space<hbm>>) target(%arg8 : memref<160x32xi32, #tpu.memory_space<vmem>>) target_semaphore(%run_scoped3A : memref<!tpu.dma_semaphore, #tpu.memory_space<semaphore_mem>>)
      %dma_wait3A_39 = arith.constant 0 : i32
      %dma_wait3A_40 = arith.constant 0 : i32
      %dma_wait3A_41 = tpu.memref_slice %arg4[%add3A, %dma_wait3A_39, %dma_wait3A_40] : memref<32x160x32xi32, #tpu.memory_space<hbm>> -> memref<1x160x32xi32, #tpu.memory_space<hbm>>
      %dma_wait3A_42 = tpu.memref_squeeze %dma_wait3A_41 : memref<1x160x32xi32, #tpu.memory_space<hbm>> -> memref<160x32xi32, #tpu.memory_space<hbm>>
      %dma_wait3A_43 = arith.constant 0 : i32
      %dma_wait3A_44 = arith.constant 0 : i32
      %dma_wait3A_45 = tpu.memref_slice %arg4[%add3A, %dma_wait3A_43, %dma_wait3A_44] : memref<32x160x32xi32, #tpu.memory_space<hbm>> -> memref<1x160x32xi32, #tpu.memory_space<hbm>>
      %dma_wait3A_46 = tpu.memref_squeeze %dma_wait3A_45 : memref<1x160x32xi32, #tpu.memory_space<hbm>> -> memref<160x32xi32, #tpu.memory_space<hbm>>
      tpu.wait_dma2 semaphore(%run_scoped3A : memref<!tpu.dma_semaphore, #tpu.memory_space<semaphore_mem>>) src(%dma_wait3A_46 : memref<160x32xi32, #tpu.memory_space<hbm>>) dst(%arg8 : memref<160x32xi32, #tpu.memory_space<vmem>>)
      tpu.yield
    }) : () -> ()
    "tpu.region"() ({
      %run_scoped3A = tpu.sem_alloc : memref<!tpu.dma_semaphore, #tpu.memory_space<semaphore_mem>>
      %dma_start3A_31 = arith.constant 0 : i32
      %dma_start3A_32 = arith.constant 0 : i32
      %dma_start3A_33 = tpu.memref_slice %arg5[%add3A, %dma_start3A_31, %dma_start3A_32] : memref<32x160x32xi32, #tpu.memory_space<hbm>> -> memref<1x160x32xi32, #tpu.memory_space<hbm>>
      %dma_start3A_34 = tpu.memref_squeeze %dma_start3A_33 : memref<1x160x32xi32, #tpu.memory_space<hbm>> -> memref<160x32xi32, #tpu.memory_space<hbm>>
      %dma_start3A_35 = arith.constant 0 : i32
      %dma_start3A_36 = arith.constant 0 : i32
      %dma_start3A_37 = tpu.memref_slice %arg5[%add3A, %dma_start3A_35, %dma_start3A_36] : memref<32x160x32xi32, #tpu.memory_space<hbm>> -> memref<1x160x32xi32, #tpu.memory_space<hbm>>
      %dma_start3A_38 = tpu.memref_squeeze %dma_start3A_37 : memref<1x160x32xi32, #tpu.memory_space<hbm>> -> memref<160x32xi32, #tpu.memory_space<hbm>>
      tpu.enqueue_dma source(%dma_start3A_38 : memref<160x32xi32, #tpu.memory_space<hbm>>) target(%arg9 : memref<160x32xi32, #tpu.memory_space<vmem>>) target_semaphore(%run_scoped3A : memref<!tpu.dma_semaphore, #tpu.memory_space<semaphore_mem>>)
      %dma_wait3A_39 = arith.constant 0 : i32
      %dma_wait3A_40 = arith.constant 0 : i32
      %dma_wait3A_41 = tpu.memref_slice %arg5[%add3A, %dma_wait3A_39, %dma_wait3A_40] : memref<32x160x32xi32, #tpu.memory_space<hbm>> -> memref<1x160x32xi32, #tpu.memory_space<hbm>>
      %dma_wait3A_42 = tpu.memref_squeeze %dma_wait3A_41 : memref<1x160x32xi32, #tpu.memory_space<hbm>> -> memref<160x32xi32, #tpu.memory_space<hbm>>
      %dma_wait3A_43 = arith.constant 0 : i32
      %dma_wait3A_44 = arith.constant 0 : i32
      %dma_wait3A_45 = tpu.memref_slice %arg5[%add3A, %dma_wait3A_43, %dma_wait3A_44] : memref<32x160x32xi32, #tpu.memory_space<hbm>> -> memref<1x160x32xi32, #tpu.memory_space<hbm>>
      %dma_wait3A_46 = tpu.memref_squeeze %dma_wait3A_45 : memref<1x160x32xi32, #tpu.memory_space<hbm>> -> memref<160x32xi32, #tpu.memory_space<hbm>>
      tpu.wait_dma2 semaphore(%run_scoped3A : memref<!tpu.dma_semaphore, #tpu.memory_space<semaphore_mem>>) src(%dma_wait3A_46 : memref<160x32xi32, #tpu.memory_space<hbm>>) dst(%arg9 : memref<160x32xi32, #tpu.memory_space<vmem>>)
      tpu.yield
    }) : () -> ()
    %mul3A_1 = arith.constant 5120 : i32
    %mul3A_2 = arith.muli %add3A, %mul3A_1 : i32
    %dma_start3A = arith.constant 0 : i32
    %dma_start3A_3 = arith.constant 0 : i32
    %dma_start3A_4 = tpu.memref_slice %arg8[%dma_start3A, %dma_start3A_3] : memref<160x32xi32, #tpu.memory_space<vmem>> -> memref<1x32xi32, #tpu.memory_space<vmem>>
    %dma_start3A_5 = tpu.memref_squeeze %dma_start3A_4 : memref<1x32xi32, #tpu.memory_space<vmem>> -> memref<32xi32, #tpu.memory_space<vmem>>
    %dma_start3A_6 = arith.constant 0 : i32
    %dma_start3A_7 = arith.constant 0 : i32
    %dma_start3A_8 = tpu.memref_slice %arg2[%dma_start3A_6, %dma_start3A_7] : memref<10112x512xf32, #tpu.memory_space<hbm>> -> memref<10112x512xf32, #tpu.memory_space<hbm>>
    tpu.enqueue_indirect_dma source(%dma_start3A_8 : memref<10112x512xf32, #tpu.memory_space<hbm>>) target(%arg10 : memref<32x512xf32, #tpu.memory_space<vmem>>) offsets(%dma_start3A_5 : memref<32xi32, #tpu.memory_space<vmem>>) semaphore(%arg14 : memref<!tpu.dma_semaphore, #tpu.memory_space<semaphore_mem>>)
    %dma_start3A_9 = arith.constant 0 : i32
    %dma_start3A_10 = arith.constant 0 : i32
    %dma_start3A_11 = tpu.memref_slice %arg9[%dma_start3A_9, %dma_start3A_10] : memref<160x32xi32, #tpu.memory_space<vmem>> -> memref<1x32xi32, #tpu.memory_space<vmem>>
    %dma_start3A_12 = tpu.memref_squeeze %dma_start3A_11 : memref<1x32xi32, #tpu.memory_space<vmem>> -> memref<32xi32, #tpu.memory_space<vmem>>
    %dma_start3A_13 = arith.constant 0 : i32
    %dma_start3A_14 = arith.constant 0 : i32
    %dma_start3A_15 = tpu.memref_slice %arg3[%dma_start3A_13, %dma_start3A_14] : memref<10112x512xf32, #tpu.memory_space<hbm>> -> memref<10112x512xf32, #tpu.memory_space<hbm>>
    tpu.enqueue_indirect_dma source(%dma_start3A_15 : memref<10112x512xf32, #tpu.memory_space<hbm>>) target(%arg11 : memref<32x512xf32, #tpu.memory_space<vmem>>) offsets(%dma_start3A_12 : memref<32xi32, #tpu.memory_space<vmem>>) semaphore(%arg15 : memref<!tpu.dma_semaphore, #tpu.memory_space<semaphore_mem>>)
    %scan3A = arith.constant 0 : i32
    %scan3A_16 = arith.constant 80 : i32
    %scan3A_17 = arith.addi %scan3A, %scan3A_16 : i32
    %scan3A_18 = arith.constant 1 : i32
    scf.for %scan3A_31 = %scan3A to %scan3A_17 step %scan3A_18  : i32 {
      %mul3A_32 = arith.constant 1 : i32
      %mul3A_33 = arith.muli %scan3A_31, %mul3A_32 : i32
      %add3A_34 = arith.constant 0 : i32
      %add3A_35 = arith.addi %add3A_34, %mul3A_33 : i32
      %mul3A_36 = arith.constant 2 : i32
      %mul3A_37 = arith.muli %add3A_35, %mul3A_36 : i32
      %dma_wait3A_38 = arith.constant 0 : i32
      %dma_wait3A_39 = tpu.memref_slice %arg8[%mul3A_37, %dma_wait3A_38] : memref<160x32xi32, #tpu.memory_space<vmem>> -> memref<1x32xi32, #tpu.memory_space<vmem>>
      %dma_wait3A_40 = tpu.memref_squeeze %dma_wait3A_39 : memref<1x32xi32, #tpu.memory_space<vmem>> -> memref<32xi32, #tpu.memory_space<vmem>>
      %dma_wait3A_41 = arith.constant 0 : i32
      %dma_wait3A_42 = arith.constant 0 : i32
      %dma_wait3A_43 = tpu.memref_slice %arg2[%dma_wait3A_41, %dma_wait3A_42] : memref<10112x512xf32, #tpu.memory_space<hbm>> -> memref<10112x512xf32, #tpu.memory_space<hbm>>
      tpu.wait_indirect_dma semaphore(%arg14 : memref<!tpu.dma_semaphore, #tpu.memory_space<semaphore_mem>>) src(%dma_wait3A_43 : memref<10112x512xf32, #tpu.memory_space<hbm>>) dst(%arg10 : memref<32x512xf32, #tpu.memory_space<vmem>>)
      %dma_wait3A_44 = arith.constant 0 : i32
      %dma_wait3A_45 = tpu.memref_slice %arg9[%mul3A_37, %dma_wait3A_44] : memref<160x32xi32, #tpu.memory_space<vmem>> -> memref<1x32xi32, #tpu.memory_space<vmem>>
      %dma_wait3A_46 = tpu.memref_squeeze %dma_wait3A_45 : memref<1x32xi32, #tpu.memory_space<vmem>> -> memref<32xi32, #tpu.memory_space<vmem>>
      %dma_wait3A_47 = arith.constant 0 : i32
      %dma_wait3A_48 = arith.constant 0 : i32
      %dma_wait3A_49 = tpu.memref_slice %arg3[%dma_wait3A_47, %dma_wait3A_48] : memref<10112x512xf32, #tpu.memory_space<hbm>> -> memref<10112x512xf32, #tpu.memory_space<hbm>>
      tpu.wait_indirect_dma semaphore(%arg15 : memref<!tpu.dma_semaphore, #tpu.memory_space<semaphore_mem>>) src(%dma_wait3A_49 : memref<10112x512xf32, #tpu.memory_space<hbm>>) dst(%arg11 : memref<32x512xf32, #tpu.memory_space<vmem>>)
      %gt3A = arith.constant 0 : i32
      %gt3A_50 = arith.cmpi sgt, %add3A_35, %gt3A : i32
      %convert_element_type3A = arith.extui %gt3A_50 : i1 to i32
      %cond3A = arith.constant 0 : i32
      %cond3A_51 = arith.cmpi ne, %convert_element_type3A, %cond3A : i32
      scf.if %cond3A_51 {
        %sub3A = arith.constant 1 : i32
        %sub3A_128 = arith.subi %mul3A_37, %sub3A : i32
        %mul3A_129 = arith.constant 32 : i32
        %mul3A_130 = arith.muli %sub3A_128, %mul3A_129 : i32
        %add3A_131 = arith.addi %mul3A_2, %mul3A_130 : i32
        %dma_wait3A_132 = arith.constant 0 : i32
        %dma_wait3A_133 = tpu.memref_slice %arg6[%add3A_131, %dma_wait3A_132] : memref<163840x512xf32, #tpu.memory_space<hbm>> -> memref<32x512xf32, #tpu.memory_space<hbm>>
        %dma_wait3A_134 = arith.constant 0 : i32
        %dma_wait3A_135 = tpu.memref_slice %arg6[%add3A_131, %dma_wait3A_134] : memref<163840x512xf32, #tpu.memory_space<hbm>> -> memref<32x512xf32, #tpu.memory_space<hbm>>
        tpu.wait_dma2 semaphore(%arg20 : memref<!tpu.dma_semaphore, #tpu.memory_space<semaphore_mem>>) src(%arg12 : memref<32x512xf32, #tpu.memory_space<vmem>>) dst(%dma_wait3A_135 : memref<32x512xf32, #tpu.memory_space<hbm>>)
        %mul3A_136 = arith.constant 32 : i32
        %mul3A_137 = arith.muli %sub3A_128, %mul3A_136 : i32
        %add3A_138 = arith.addi %mul3A_2, %mul3A_137 : i32
        %dma_wait3A_139 = arith.constant 0 : i32
        %dma_wait3A_140 = tpu.memref_slice %arg7[%add3A_138, %dma_wait3A_139] : memref<163840x512xf32, #tpu.memory_space<hbm>> -> memref<32x512xf32, #tpu.memory_space<hbm>>
        %dma_wait3A_141 = arith.constant 0 : i32
        %dma_wait3A_142 = tpu.memref_slice %arg7[%add3A_138, %dma_wait3A_141] : memref<163840x512xf32, #tpu.memory_space<hbm>> -> memref<32x512xf32, #tpu.memory_space<hbm>>
        tpu.wait_dma2 semaphore(%arg21 : memref<!tpu.dma_semaphore, #tpu.memory_space<semaphore_mem>>) src(%arg13 : memref<32x512xf32, #tpu.memory_space<vmem>>) dst(%dma_wait3A_142 : memref<32x512xf32, #tpu.memory_space<hbm>>)
      } else {
      }
      %add3A_52 = arith.constant 1 : i32
      %add3A_53 = arith.addi %mul3A_37, %add3A_52 : i32
      %dma_start3A_54 = arith.constant 0 : i32
      %dma_start3A_55 = tpu.memref_slice %arg8[%add3A_53, %dma_start3A_54] : memref<160x32xi32, #tpu.memory_space<vmem>> -> memref<1x32xi32, #tpu.memory_space<vmem>>
      %dma_start3A_56 = tpu.memref_squeeze %dma_start3A_55 : memref<1x32xi32, #tpu.memory_space<vmem>> -> memref<32xi32, #tpu.memory_space<vmem>>
      %dma_start3A_57 = arith.constant 0 : i32
      %dma_start3A_58 = arith.constant 0 : i32
      %dma_start3A_59 = tpu.memref_slice %arg2[%dma_start3A_57, %dma_start3A_58] : memref<10112x512xf32, #tpu.memory_space<hbm>> -> memref<10112x512xf32, #tpu.memory_space<hbm>>
      tpu.enqueue_indirect_dma source(%dma_start3A_59 : memref<10112x512xf32, #tpu.memory_space<hbm>>) target(%arg12 : memref<32x512xf32, #tpu.memory_space<vmem>>) offsets(%dma_start3A_56 : memref<32xi32, #tpu.memory_space<vmem>>) semaphore(%arg16 : memref<!tpu.dma_semaphore, #tpu.memory_space<semaphore_mem>>)
      %dma_start3A_60 = arith.constant 0 : i32
      %dma_start3A_61 = tpu.memref_slice %arg9[%add3A_53, %dma_start3A_60] : memref<160x32xi32, #tpu.memory_space<vmem>> -> memref<1x32xi32, #tpu.memory_space<vmem>>
      %dma_start3A_62 = tpu.memref_squeeze %dma_start3A_61 : memref<1x32xi32, #tpu.memory_space<vmem>> -> memref<32xi32, #tpu.memory_space<vmem>>
      %dma_start3A_63 = arith.constant 0 : i32
      %dma_start3A_64 = arith.constant 0 : i32
      %dma_start3A_65 = tpu.memref_slice %arg3[%dma_start3A_63, %dma_start3A_64] : memref<10112x512xf32, #tpu.memory_space<hbm>> -> memref<10112x512xf32, #tpu.memory_space<hbm>>
      tpu.enqueue_indirect_dma source(%dma_start3A_65 : memref<10112x512xf32, #tpu.memory_space<hbm>>) target(%arg13 : memref<32x512xf32, #tpu.memory_space<vmem>>) offsets(%dma_start3A_62 : memref<32xi32, #tpu.memory_space<vmem>>) semaphore(%arg17 : memref<!tpu.dma_semaphore, #tpu.memory_space<semaphore_mem>>)
      %mul3A_66 = arith.constant 32 : i32
      %mul3A_67 = arith.muli %mul3A_37, %mul3A_66 : i32
      %add3A_68 = arith.addi %mul3A_2, %mul3A_67 : i32
      %dma_start3A_69 = arith.constant 0 : i32
      %dma_start3A_70 = tpu.memref_slice %arg6[%add3A_68, %dma_start3A_69] : memref<163840x512xf32, #tpu.memory_space<hbm>> -> memref<32x512xf32, #tpu.memory_space<hbm>>
      %dma_start3A_71 = arith.constant 0 : i32
      %dma_start3A_72 = tpu.memref_slice %arg6[%add3A_68, %dma_start3A_71] : memref<163840x512xf32, #tpu.memory_space<hbm>> -> memref<32x512xf32, #tpu.memory_space<hbm>>
      tpu.enqueue_dma source(%arg10 : memref<32x512xf32, #tpu.memory_space<vmem>>) target(%dma_start3A_72 : memref<32x512xf32, #tpu.memory_space<hbm>>) target_semaphore(%arg18 : memref<!tpu.dma_semaphore, #tpu.memory_space<semaphore_mem>>)
      %mul3A_73 = arith.constant 32 : i32
      %mul3A_74 = arith.muli %mul3A_37, %mul3A_73 : i32
      %add3A_75 = arith.addi %mul3A_2, %mul3A_74 : i32
      %dma_start3A_76 = arith.constant 0 : i32
      %dma_start3A_77 = tpu.memref_slice %arg7[%add3A_75, %dma_start3A_76] : memref<163840x512xf32, #tpu.memory_space<hbm>> -> memref<32x512xf32, #tpu.memory_space<hbm>>
      %dma_start3A_78 = arith.constant 0 : i32
      %dma_start3A_79 = tpu.memref_slice %arg7[%add3A_75, %dma_start3A_78] : memref<163840x512xf32, #tpu.memory_space<hbm>> -> memref<32x512xf32, #tpu.memory_space<hbm>>
      tpu.enqueue_dma source(%arg11 : memref<32x512xf32, #tpu.memory_space<vmem>>) target(%dma_start3A_79 : memref<32x512xf32, #tpu.memory_space<hbm>>) target_semaphore(%arg19 : memref<!tpu.dma_semaphore, #tpu.memory_space<semaphore_mem>>)
      %add3A_80 = arith.constant 1 : i32
      %add3A_81 = arith.addi %mul3A_37, %add3A_80 : i32
      %dma_wait3A_82 = arith.constant 0 : i32
      %dma_wait3A_83 = tpu.memref_slice %arg8[%add3A_81, %dma_wait3A_82] : memref<160x32xi32, #tpu.memory_space<vmem>> -> memref<1x32xi32, #tpu.memory_space<vmem>>
      %dma_wait3A_84 = tpu.memref_squeeze %dma_wait3A_83 : memref<1x32xi32, #tpu.memory_space<vmem>> -> memref<32xi32, #tpu.memory_space<vmem>>
      %dma_wait3A_85 = arith.constant 0 : i32
      %dma_wait3A_86 = arith.constant 0 : i32
      %dma_wait3A_87 = tpu.memref_slice %arg2[%dma_wait3A_85, %dma_wait3A_86] : memref<10112x512xf32, #tpu.memory_space<hbm>> -> memref<10112x512xf32, #tpu.memory_space<hbm>>
      tpu.wait_indirect_dma semaphore(%arg16 : memref<!tpu.dma_semaphore, #tpu.memory_space<semaphore_mem>>) src(%dma_wait3A_87 : memref<10112x512xf32, #tpu.memory_space<hbm>>) dst(%arg12 : memref<32x512xf32, #tpu.memory_space<vmem>>)
      %dma_wait3A_88 = arith.constant 0 : i32
      %dma_wait3A_89 = tpu.memref_slice %arg9[%add3A_81, %dma_wait3A_88] : memref<160x32xi32, #tpu.memory_space<vmem>> -> memref<1x32xi32, #tpu.memory_space<vmem>>
      %dma_wait3A_90 = tpu.memref_squeeze %dma_wait3A_89 : memref<1x32xi32, #tpu.memory_space<vmem>> -> memref<32xi32, #tpu.memory_space<vmem>>
      %dma_wait3A_91 = arith.constant 0 : i32
      %dma_wait3A_92 = arith.constant 0 : i32
      %dma_wait3A_93 = tpu.memref_slice %arg3[%dma_wait3A_91, %dma_wait3A_92] : memref<10112x512xf32, #tpu.memory_space<hbm>> -> memref<10112x512xf32, #tpu.memory_space<hbm>>
      tpu.wait_indirect_dma semaphore(%arg17 : memref<!tpu.dma_semaphore, #tpu.memory_space<semaphore_mem>>) src(%dma_wait3A_93 : memref<10112x512xf32, #tpu.memory_space<hbm>>) dst(%arg13 : memref<32x512xf32, #tpu.memory_space<vmem>>)
      %mul3A_94 = arith.constant 32 : i32
      %mul3A_95 = arith.muli %mul3A_37, %mul3A_94 : i32
      %add3A_96 = arith.addi %mul3A_2, %mul3A_95 : i32
      %dma_wait3A_97 = arith.constant 0 : i32
      %dma_wait3A_98 = tpu.memref_slice %arg6[%add3A_96, %dma_wait3A_97] : memref<163840x512xf32, #tpu.memory_space<hbm>> -> memref<32x512xf32, #tpu.memory_space<hbm>>
      %dma_wait3A_99 = arith.constant 0 : i32
      %dma_wait3A_100 = tpu.memref_slice %arg6[%add3A_96, %dma_wait3A_99] : memref<163840x512xf32, #tpu.memory_space<hbm>> -> memref<32x512xf32, #tpu.memory_space<hbm>>
      tpu.wait_dma2 semaphore(%arg18 : memref<!tpu.dma_semaphore, #tpu.memory_space<semaphore_mem>>) src(%arg10 : memref<32x512xf32, #tpu.memory_space<vmem>>) dst(%dma_wait3A_100 : memref<32x512xf32, #tpu.memory_space<hbm>>)
      %mul3A_101 = arith.constant 32 : i32
      %mul3A_102 = arith.muli %mul3A_37, %mul3A_101 : i32
      %add3A_103 = arith.addi %mul3A_2, %mul3A_102 : i32
      %dma_wait3A_104 = arith.constant 0 : i32
      %dma_wait3A_105 = tpu.memref_slice %arg7[%add3A_103, %dma_wait3A_104] : memref<163840x512xf32, #tpu.memory_space<hbm>> -> memref<32x512xf32, #tpu.memory_space<hbm>>
      %dma_wait3A_106 = arith.constant 0 : i32
      %dma_wait3A_107 = tpu.memref_slice %arg7[%add3A_103, %dma_wait3A_106] : memref<163840x512xf32, #tpu.memory_space<hbm>> -> memref<32x512xf32, #tpu.memory_space<hbm>>
      tpu.wait_dma2 semaphore(%arg19 : memref<!tpu.dma_semaphore, #tpu.memory_space<semaphore_mem>>) src(%arg11 : memref<32x512xf32, #tpu.memory_space<vmem>>) dst(%dma_wait3A_107 : memref<32x512xf32, #tpu.memory_space<hbm>>)
      %lt3A = arith.constant 79 : i32
      %lt3A_108 = arith.cmpi slt, %add3A_35, %lt3A : i32
      %convert_element_type3A_109 = arith.extui %lt3A_108 : i1 to i32
      %cond3A_110 = arith.constant 0 : i32
      %cond3A_111 = arith.cmpi ne, %convert_element_type3A_109, %cond3A_110 : i32
      scf.if %cond3A_111 {
        %add3A_128 = arith.constant 2 : i32
        %add3A_129 = arith.addi %mul3A_37, %add3A_128 : i32
        %dma_start3A_130 = arith.constant 0 : i32
        %dma_start3A_131 = tpu.memref_slice %arg8[%add3A_129, %dma_start3A_130] : memref<160x32xi32, #tpu.memory_space<vmem>> -> memref<1x32xi32, #tpu.memory_space<vmem>>
        %dma_start3A_132 = tpu.memref_squeeze %dma_start3A_131 : memref<1x32xi32, #tpu.memory_space<vmem>> -> memref<32xi32, #tpu.memory_space<vmem>>
        %dma_start3A_133 = arith.constant 0 : i32
        %dma_start3A_134 = arith.constant 0 : i32
        %dma_start3A_135 = tpu.memref_slice %arg2[%dma_start3A_133, %dma_start3A_134] : memref<10112x512xf32, #tpu.memory_space<hbm>> -> memref<10112x512xf32, #tpu.memory_space<hbm>>
        tpu.enqueue_indirect_dma source(%dma_start3A_135 : memref<10112x512xf32, #tpu.memory_space<hbm>>) target(%arg10 : memref<32x512xf32, #tpu.memory_space<vmem>>) offsets(%dma_start3A_132 : memref<32xi32, #tpu.memory_space<vmem>>) semaphore(%arg14 : memref<!tpu.dma_semaphore, #tpu.memory_space<semaphore_mem>>)
        %dma_start3A_136 = arith.constant 0 : i32
        %dma_start3A_137 = tpu.memref_slice %arg9[%add3A_129, %dma_start3A_136] : memref<160x32xi32, #tpu.memory_space<vmem>> -> memref<1x32xi32, #tpu.memory_space<vmem>>
        %dma_start3A_138 = tpu.memref_squeeze %dma_start3A_137 : memref<1x32xi32, #tpu.memory_space<vmem>> -> memref<32xi32, #tpu.memory_space<vmem>>
        %dma_start3A_139 = arith.constant 0 : i32
        %dma_start3A_140 = arith.constant 0 : i32
        %dma_start3A_141 = tpu.memref_slice %arg3[%dma_start3A_139, %dma_start3A_140] : memref<10112x512xf32, #tpu.memory_space<hbm>> -> memref<10112x512xf32, #tpu.memory_space<hbm>>
        tpu.enqueue_indirect_dma source(%dma_start3A_141 : memref<10112x512xf32, #tpu.memory_space<hbm>>) target(%arg11 : memref<32x512xf32, #tpu.memory_space<vmem>>) offsets(%dma_start3A_138 : memref<32xi32, #tpu.memory_space<vmem>>) semaphore(%arg15 : memref<!tpu.dma_semaphore, #tpu.memory_space<semaphore_mem>>)
      } else {
      }
      %add3A_112 = arith.constant 1 : i32
      %add3A_113 = arith.addi %mul3A_37, %add3A_112 : i32
      %mul3A_114 = arith.constant 32 : i32
      %mul3A_115 = arith.muli %add3A_113, %mul3A_114 : i32
      %add3A_116 = arith.addi %mul3A_2, %mul3A_115 : i32
      %dma_start3A_117 = arith.constant 0 : i32
      %dma_start3A_118 = tpu.memref_slice %arg6[%add3A_116, %dma_start3A_117] : memref<163840x512xf32, #tpu.memory_space<hbm>> -> memref<32x512xf32, #tpu.memory_space<hbm>>
      %dma_start3A_119 = arith.constant 0 : i32
      %dma_start3A_120 = tpu.memref_slice %arg6[%add3A_116, %dma_start3A_119] : memref<163840x512xf32, #tpu.memory_space<hbm>> -> memref<32x512xf32, #tpu.memory_space<hbm>>
      tpu.enqueue_dma source(%arg12 : memref<32x512xf32, #tpu.memory_space<vmem>>) target(%dma_start3A_120 : memref<32x512xf32, #tpu.memory_space<hbm>>) target_semaphore(%arg20 : memref<!tpu.dma_semaphore, #tpu.memory_space<semaphore_mem>>)
      %mul3A_121 = arith.constant 32 : i32
      %mul3A_122 = arith.muli %add3A_113, %mul3A_121 : i32
      %add3A_123 = arith.addi %mul3A_2, %mul3A_122 : i32
      %dma_start3A_124 = arith.constant 0 : i32
      %dma_start3A_125 = tpu.memref_slice %arg7[%add3A_123, %dma_start3A_124] : memref<163840x512xf32, #tpu.memory_space<hbm>> -> memref<32x512xf32, #tpu.memory_space<hbm>>
      %dma_start3A_126 = arith.constant 0 : i32
      %dma_start3A_127 = tpu.memref_slice %arg7[%add3A_123, %dma_start3A_126] : memref<163840x512xf32, #tpu.memory_space<hbm>> -> memref<32x512xf32, #tpu.memory_space<hbm>>
      tpu.enqueue_dma source(%arg13 : memref<32x512xf32, #tpu.memory_space<vmem>>) target(%dma_start3A_127 : memref<32x512xf32, #tpu.memory_space<hbm>>) target_semaphore(%arg21 : memref<!tpu.dma_semaphore, #tpu.memory_space<semaphore_mem>>)
    }
    %scan3A_19 = arith.constant 80 : i32
    %add3A_20 = arith.constant 5088 : i32
    %add3A_21 = arith.addi %mul3A_2, %add3A_20 : i32
    %dma_wait3A = arith.constant 0 : i32
    %dma_wait3A_22 = tpu.memref_slice %arg6[%add3A_21, %dma_wait3A] : memref<163840x512xf32, #tpu.memory_space<hbm>> -> memref<32x512xf32, #tpu.memory_space<hbm>>
    %dma_wait3A_23 = arith.constant 0 : i32
    %dma_wait3A_24 = tpu.memref_slice %arg6[%add3A_21, %dma_wait3A_23] : memref<163840x512xf32, #tpu.memory_space<hbm>> -> memref<32x512xf32, #tpu.memory_space<hbm>>
    tpu.wait_dma2 semaphore(%arg20 : memref<!tpu.dma_semaphore, #tpu.memory_space<semaphore_mem>>) src(%arg12 : memref<32x512xf32, #tpu.memory_space<vmem>>) dst(%dma_wait3A_24 : memref<32x512xf32, #tpu.memory_space<hbm>>)
    %add3A_25 = arith.constant 5088 : i32
    %add3A_26 = arith.addi %mul3A_2, %add3A_25 : i32
    %dma_wait3A_27 = arith.constant 0 : i32
    %dma_wait3A_28 = tpu.memref_slice %arg7[%add3A_26, %dma_wait3A_27] : memref<163840x512xf32, #tpu.memory_space<hbm>> -> memref<32x512xf32, #tpu.memory_space<hbm>>
    %dma_wait3A_29 = arith.constant 0 : i32
    %dma_wait3A_30 = tpu.memref_slice %arg7[%add3A_26, %dma_wait3A_29] : memref<163840x512xf32, #tpu.memory_space<hbm>> -> memref<32x512xf32, #tpu.memory_space<hbm>>
    tpu.wait_dma2 semaphore(%arg21 : memref<!tpu.dma_semaphore, #tpu.memory_space<semaphore_mem>>) src(%arg13 : memref<32x512xf32, #tpu.memory_space<vmem>>) dst(%dma_wait3A_30 : memref<32x512xf32, #tpu.memory_space<hbm>>)
    return
  }
}

#map = affine_map<(d0, d1) -> (0, 0)>
#map1 = affine_map<(d0, d1) -> (0, 0, 0, 0)>
module attributes {stable_mosaic.version = 14 : i64} {
  func.func @_scatter_body(%arg0: i32, %arg1: i32, %arg2: memref<10112x128xf32, #tpu.memory_space<hbm>>, %arg3: memref<10112x128xf32, #tpu.memory_space<hbm>>, %arg4: memref<10112x128xf32, #tpu.memory_space<hbm>>, %arg5: memref<10112x128xf32, #tpu.memory_space<hbm>>, %arg6: memref<1328x128xi32, #tpu.memory_space<hbm>>, %arg7: memref<1328x128xi32, #tpu.memory_space<hbm>>, %arg8: memref<10112x128xf32, #tpu.memory_space<hbm>>, %arg9: memref<4x2x10112x128xf32, #tpu.memory_space<hbm>>, %arg10: memref<64x128xi32, #tpu.memory_space<vmem>>, %arg11: memref<64x128xi32, #tpu.memory_space<vmem>>, %arg12: memref<128x128xf32, #tpu.memory_space<vmem>>, %arg13: memref<128x128xf32, #tpu.memory_space<vmem>>, %arg14: memref<10112x128xf32, #tpu.memory_space<vmem_shared>>, %arg15: memref<!tpu.dma_semaphore, #tpu.memory_space<semaphore_mem>>, %arg16: memref<!tpu.dma_semaphore, #tpu.memory_space<semaphore_mem>>) attributes {dimension_semantics = [#tpu.dimension_semantics<core_parallel>, #tpu.dimension_semantics<subcore_parallel>], iteration_bounds = array<i64: 2, 16>, scalar_prefetch = 0 : i64, scratch_operands = 7 : i64, tpu.core_type = #tpu.core_type<sc_vector_subcore>, window_params = [{transform_indices = #map}, {transform_indices = #map}, {transform_indices = #map}, {transform_indices = #map}, {transform_indices = #map}, {transform_indices = #map}, {transform_indices = #map}, {transform_indices = #map1}]} {
    %eq3A = arith.constant 0 : i32
    %eq3A_0 = arith.cmpi eq, %arg0, %eq3A : i32
    %mul3A = arith.constant 64 : i32
    %mul3A_1 = arith.muli %arg1, %mul3A : i32
    %mul3A_2 = arith.constant 16 : i32
    %mul3A_3 = arith.muli %arg1, %mul3A_2 : i32
    %add3A = arith.constant 1024 : i32
    %add3A_4 = arith.addi %add3A, %mul3A_3 : i32
    %select_n3A = arith.select %eq3A_0, %mul3A_1, %add3A_4 : i32
    %eq3A_5 = arith.constant 0 : i32
    %eq3A_6 = arith.cmpi eq, %arg0, %eq3A_5 : i32
    %jit3A = arith.constant 32 : i32
    %jit3A_7 = arith.constant 8 : i32
    %select_n3A_8 = arith.select %eq3A_6, %jit3A, %jit3A_7 : i32
    "tpu.region"() ({
      %run_scoped3A_155 = tpu.sem_alloc : memref<!tpu.dma_semaphore, #tpu.memory_space<semaphore_mem>>
      %dma_start3A_156 = arith.constant 0 : i32
      %dma_start3A_157 = tpu.memref_slice %arg6[%select_n3A, %dma_start3A_156] : memref<1328x128xi32, #tpu.memory_space<hbm>> -> memref<64x128xi32, #tpu.memory_space<hbm>>
      %dma_start3A_158 = arith.constant 0 : i32
      %dma_start3A_159 = tpu.memref_slice %arg6[%select_n3A, %dma_start3A_158] : memref<1328x128xi32, #tpu.memory_space<hbm>> -> memref<64x128xi32, #tpu.memory_space<hbm>>
      tpu.enqueue_dma source(%dma_start3A_159 : memref<64x128xi32, #tpu.memory_space<hbm>>) target(%arg10 : memref<64x128xi32, #tpu.memory_space<vmem>>) target_semaphore(%run_scoped3A_155 : memref<!tpu.dma_semaphore, #tpu.memory_space<semaphore_mem>>)
      %dma_wait3A = arith.constant 0 : i32
      %dma_wait3A_160 = tpu.memref_slice %arg6[%select_n3A, %dma_wait3A] : memref<1328x128xi32, #tpu.memory_space<hbm>> -> memref<64x128xi32, #tpu.memory_space<hbm>>
      %dma_wait3A_161 = arith.constant 0 : i32
      %dma_wait3A_162 = tpu.memref_slice %arg6[%select_n3A, %dma_wait3A_161] : memref<1328x128xi32, #tpu.memory_space<hbm>> -> memref<64x128xi32, #tpu.memory_space<hbm>>
      tpu.wait_dma2 semaphore(%run_scoped3A_155 : memref<!tpu.dma_semaphore, #tpu.memory_space<semaphore_mem>>) src(%dma_wait3A_162 : memref<64x128xi32, #tpu.memory_space<hbm>>) dst(%arg10 : memref<64x128xi32, #tpu.memory_space<vmem>>)
      tpu.yield
    }) : () -> ()
    "tpu.region"() ({
      %run_scoped3A_155 = tpu.sem_alloc : memref<!tpu.dma_semaphore, #tpu.memory_space<semaphore_mem>>
      %dma_start3A_156 = arith.constant 0 : i32
      %dma_start3A_157 = tpu.memref_slice %arg7[%select_n3A, %dma_start3A_156] : memref<1328x128xi32, #tpu.memory_space<hbm>> -> memref<64x128xi32, #tpu.memory_space<hbm>>
      %dma_start3A_158 = arith.constant 0 : i32
      %dma_start3A_159 = tpu.memref_slice %arg7[%select_n3A, %dma_start3A_158] : memref<1328x128xi32, #tpu.memory_space<hbm>> -> memref<64x128xi32, #tpu.memory_space<hbm>>
      tpu.enqueue_dma source(%dma_start3A_159 : memref<64x128xi32, #tpu.memory_space<hbm>>) target(%arg11 : memref<64x128xi32, #tpu.memory_space<vmem>>) target_semaphore(%run_scoped3A_155 : memref<!tpu.dma_semaphore, #tpu.memory_space<semaphore_mem>>)
      %dma_wait3A = arith.constant 0 : i32
      %dma_wait3A_160 = tpu.memref_slice %arg7[%select_n3A, %dma_wait3A] : memref<1328x128xi32, #tpu.memory_space<hbm>> -> memref<64x128xi32, #tpu.memory_space<hbm>>
      %dma_wait3A_161 = arith.constant 0 : i32
      %dma_wait3A_162 = tpu.memref_slice %arg7[%select_n3A, %dma_wait3A_161] : memref<1328x128xi32, #tpu.memory_space<hbm>> -> memref<64x128xi32, #tpu.memory_space<hbm>>
      tpu.wait_dma2 semaphore(%run_scoped3A_155 : memref<!tpu.dma_semaphore, #tpu.memory_space<semaphore_mem>>) src(%dma_wait3A_162 : memref<64x128xi32, #tpu.memory_space<hbm>>) dst(%arg11 : memref<64x128xi32, #tpu.memory_space<vmem>>)
      tpu.yield
    }) : () -> ()
    %mul3A_9 = arith.constant 632 : i32
    %mul3A_10 = arith.muli %arg1, %mul3A_9 : i32
    %mul3A_11 = arith.constant 632 : i32
    %mul3A_12 = arith.muli %arg1, %mul3A_11 : i32
    "tpu.region"() ({
      %run_scoped3A_155 = tpu.sem_alloc : memref<!tpu.dma_semaphore, #tpu.memory_space<semaphore_mem>>
      %dma_start3A_156 = arith.constant 0 : i32
      %dma_start3A_157 = tpu.memref_slice %arg14[%mul3A_12, %dma_start3A_156] : memref<10112x128xf32, #tpu.memory_space<vmem_shared>> -> memref<632x128xf32, #tpu.memory_space<vmem_shared>>
      %dma_start3A_158 = arith.constant 0 : i32
      %dma_start3A_159 = tpu.memref_slice %arg8[%mul3A_10, %dma_start3A_158] : memref<10112x128xf32, #tpu.memory_space<hbm>> -> memref<632x128xf32, #tpu.memory_space<hbm>>
      tpu.enqueue_dma source(%dma_start3A_159 : memref<632x128xf32, #tpu.memory_space<hbm>>) target(%dma_start3A_157 : memref<632x128xf32, #tpu.memory_space<vmem_shared>>) target_semaphore(%run_scoped3A_155 : memref<!tpu.dma_semaphore, #tpu.memory_space<semaphore_mem>>)
      %dma_wait3A = arith.constant 0 : i32
      %dma_wait3A_160 = tpu.memref_slice %arg14[%mul3A_12, %dma_wait3A] : memref<10112x128xf32, #tpu.memory_space<vmem_shared>> -> memref<632x128xf32, #tpu.memory_space<vmem_shared>>
      %dma_wait3A_161 = arith.constant 0 : i32
      %dma_wait3A_162 = tpu.memref_slice %arg8[%mul3A_10, %dma_wait3A_161] : memref<10112x128xf32, #tpu.memory_space<hbm>> -> memref<632x128xf32, #tpu.memory_space<hbm>>
      tpu.wait_dma2 semaphore(%run_scoped3A_155 : memref<!tpu.dma_semaphore, #tpu.memory_space<semaphore_mem>>) src(%dma_wait3A_162 : memref<632x128xf32, #tpu.memory_space<hbm>>) dst(%dma_wait3A_160 : memref<632x128xf32, #tpu.memory_space<vmem_shared>>)
      tpu.yield
    }) : () -> ()
    %barrier3A = arith.constant 0 : index
    tpu.barrier barrier_id(%barrier3A)
    %dma_start3A = arith.constant 0 : i32
    %dma_start3A_13 = arith.constant 0 : i32
    %dma_start3A_14 = tpu.memref_slice %arg10[%dma_start3A, %dma_start3A_13] : memref<64x128xi32, #tpu.memory_space<vmem>> -> memref<1x128xi32, #tpu.memory_space<vmem>>
    %dma_start3A_15 = tpu.memref_squeeze %dma_start3A_14 : memref<1x128xi32, #tpu.memory_space<vmem>> -> memref<128xi32, #tpu.memory_space<vmem>>
    %dma_start3A_16 = arith.constant 0 : i32
    %dma_start3A_17 = arith.constant 0 : i32
    %dma_start3A_18 = tpu.memref_slice %arg2[%dma_start3A_16, %dma_start3A_17] : memref<10112x128xf32, #tpu.memory_space<hbm>> -> memref<10112x128xf32, #tpu.memory_space<hbm>>
    tpu.enqueue_indirect_dma source(%dma_start3A_18 : memref<10112x128xf32, #tpu.memory_space<hbm>>) target(%arg12 : memref<128x128xf32, #tpu.memory_space<vmem>>) offsets(%dma_start3A_15 : memref<128xi32, #tpu.memory_space<vmem>>) semaphore(%arg15 : memref<!tpu.dma_semaphore, #tpu.memory_space<semaphore_mem>>)
    %sub3A = arith.constant 0 : i32
    %sub3A_19 = arith.subi %select_n3A_8, %sub3A : i32
    %sub3A_20 = arith.constant 1 : i32
    %sub3A_21 = arith.constant 1 : i32
    %sub3A_22 = arith.subi %sub3A_20, %sub3A_21 : i32
    %add3A_23 = arith.addi %sub3A_19, %sub3A_22 : i32
    %div3A = arith.constant 1 : i32
    %div3A_24 = arith.divsi %add3A_23, %div3A : i32
    %while3A = arith.constant 1 : i32
    %while3A_25 = arith.constant 0 : i32
    %while3A_26 = arith.constant 0 : i32
    %while3A_27 = arith.subi %div3A_24, %while3A_26 : i32
    %while3A_28 = arith.addi %while3A_26, %while3A_27 : i32
    %while3A_29 = arith.constant 1 : i32
    %while3A_30 = arith.divsi %while3A_27, %while3A_29 : i32
    %while3A_31 = arith.muli %while3A_30, %while3A_29 : i32
    %while3A_32 = arith.addi %while3A_26, %while3A_31 : i32
    %while3A_33 = arith.constant 1 : i32
    scf.for %while3A_155 = %while3A_26 to %while3A_32 step %while3A_33  : i32 {
      %mul3A_156 = arith.muli %while3A_155, %while3A : i32
      %add3A_157 = arith.addi %while3A_25, %mul3A_156 : i32
      %mul3A_158 = arith.constant 2 : i32
      %mul3A_159 = arith.muli %add3A_157, %mul3A_158 : i32
      %dma_wait3A = arith.constant 0 : i32
      %dma_wait3A_160 = tpu.memref_slice %arg10[%mul3A_159, %dma_wait3A] : memref<64x128xi32, #tpu.memory_space<vmem>> -> memref<1x128xi32, #tpu.memory_space<vmem>>
      %dma_wait3A_161 = tpu.memref_squeeze %dma_wait3A_160 : memref<1x128xi32, #tpu.memory_space<vmem>> -> memref<128xi32, #tpu.memory_space<vmem>>
      %dma_wait3A_162 = arith.constant 0 : i32
      %dma_wait3A_163 = arith.constant 0 : i32
      %dma_wait3A_164 = tpu.memref_slice %arg2[%dma_wait3A_162, %dma_wait3A_163] : memref<10112x128xf32, #tpu.memory_space<hbm>> -> memref<10112x128xf32, #tpu.memory_space<hbm>>
      tpu.wait_indirect_dma semaphore(%arg15 : memref<!tpu.dma_semaphore, #tpu.memory_space<semaphore_mem>>) src(%dma_wait3A_164 : memref<10112x128xf32, #tpu.memory_space<hbm>>) dst(%arg12 : memref<128x128xf32, #tpu.memory_space<vmem>>)
      %add3A_165 = arith.constant 1 : i32
      %add3A_166 = arith.addi %mul3A_159, %add3A_165 : i32
      %dma_start3A_167 = arith.constant 0 : i32
      %dma_start3A_168 = tpu.memref_slice %arg10[%add3A_166, %dma_start3A_167] : memref<64x128xi32, #tpu.memory_space<vmem>> -> memref<1x128xi32, #tpu.memory_space<vmem>>
      %dma_start3A_169 = tpu.memref_squeeze %dma_start3A_168 : memref<1x128xi32, #tpu.memory_space<vmem>> -> memref<128xi32, #tpu.memory_space<vmem>>
      %dma_start3A_170 = arith.constant 0 : i32
      %dma_start3A_171 = arith.constant 0 : i32
      %dma_start3A_172 = tpu.memref_slice %arg2[%dma_start3A_170, %dma_start3A_171] : memref<10112x128xf32, #tpu.memory_space<hbm>> -> memref<10112x128xf32, #tpu.memory_space<hbm>>
      tpu.enqueue_indirect_dma source(%dma_start3A_172 : memref<10112x128xf32, #tpu.memory_space<hbm>>) target(%arg13 : memref<128x128xf32, #tpu.memory_space<vmem>>) offsets(%dma_start3A_169 : memref<128xi32, #tpu.memory_space<vmem>>) semaphore(%arg16 : memref<!tpu.dma_semaphore, #tpu.memory_space<semaphore_mem>>)
      "tpu.region"() ({
        %run_scoped3A_186 = tpu.sem_alloc : memref<!tpu.dma_semaphore, #tpu.memory_space<semaphore_mem>>
        %dma_start3A_187 = arith.constant 0 : i32
        %dma_start3A_188 = tpu.memref_slice %arg11[%mul3A_159, %dma_start3A_187] : memref<64x128xi32, #tpu.memory_space<vmem>> -> memref<1x128xi32, #tpu.memory_space<vmem>>
        %dma_start3A_189 = tpu.memref_squeeze %dma_start3A_188 : memref<1x128xi32, #tpu.memory_space<vmem>> -> memref<128xi32, #tpu.memory_space<vmem>>
        %dma_start3A_190 = arith.constant 0 : i32
        %dma_start3A_191 = arith.constant 0 : i32
        %dma_start3A_192 = tpu.memref_slice %arg14[%dma_start3A_190, %dma_start3A_191] : memref<10112x128xf32, #tpu.memory_space<vmem_shared>> -> memref<10112x128xf32, #tpu.memory_space<vmem_shared>>
        tpu.enqueue_indirect_dma source(%arg12 : memref<128x128xf32, #tpu.memory_space<vmem>>) target(%dma_start3A_192 : memref<10112x128xf32, #tpu.memory_space<vmem_shared>>) offsets(%dma_start3A_189 : memref<128xi32, #tpu.memory_space<vmem>>) semaphore(%run_scoped3A_186 : memref<!tpu.dma_semaphore, #tpu.memory_space<semaphore_mem>>) {add = true}
        %dma_wait3A_193 = arith.constant 0 : i32
        %dma_wait3A_194 = tpu.memref_slice %arg11[%mul3A_159, %dma_wait3A_193] : memref<64x128xi32, #tpu.memory_space<vmem>> -> memref<1x128xi32, #tpu.memory_space<vmem>>
        %dma_wait3A_195 = tpu.memref_squeeze %dma_wait3A_194 : memref<1x128xi32, #tpu.memory_space<vmem>> -> memref<128xi32, #tpu.memory_space<vmem>>
        %dma_wait3A_196 = arith.constant 0 : i32
        %dma_wait3A_197 = arith.constant 0 : i32
        %dma_wait3A_198 = tpu.memref_slice %arg14[%dma_wait3A_196, %dma_wait3A_197] : memref<10112x128xf32, #tpu.memory_space<vmem_shared>> -> memref<10112x128xf32, #tpu.memory_space<vmem_shared>>
        tpu.wait_indirect_dma semaphore(%run_scoped3A_186 : memref<!tpu.dma_semaphore, #tpu.memory_space<semaphore_mem>>) src(%arg12 : memref<128x128xf32, #tpu.memory_space<vmem>>) dst(%dma_wait3A_198 : memref<10112x128xf32, #tpu.memory_space<vmem_shared>>)
        tpu.yield
      }) : () -> ()
      %add3A_173 = arith.constant 1 : i32
      %add3A_174 = arith.addi %mul3A_159, %add3A_173 : i32
      %dma_wait3A_175 = arith.constant 0 : i32
      %dma_wait3A_176 = tpu.memref_slice %arg10[%add3A_174, %dma_wait3A_175] : memref<64x128xi32, #tpu.memory_space<vmem>> -> memref<1x128xi32, #tpu.memory_space<vmem>>
      %dma_wait3A_177 = tpu.memref_squeeze %dma_wait3A_176 : memref<1x128xi32, #tpu.memory_space<vmem>> -> memref<128xi32, #tpu.memory_space<vmem>>
      %dma_wait3A_178 = arith.constant 0 : i32
      %dma_wait3A_179 = arith.constant 0 : i32
      %dma_wait3A_180 = tpu.memref_slice %arg2[%dma_wait3A_178, %dma_wait3A_179] : memref<10112x128xf32, #tpu.memory_space<hbm>> -> memref<10112x128xf32, #tpu.memory_space<hbm>>
      tpu.wait_indirect_dma semaphore(%arg16 : memref<!tpu.dma_semaphore, #tpu.memory_space<semaphore_mem>>) src(%dma_wait3A_180 : memref<10112x128xf32, #tpu.memory_space<hbm>>) dst(%arg13 : memref<128x128xf32, #tpu.memory_space<vmem>>)
      %sub3A_181 = arith.constant 1 : i32
      %sub3A_182 = arith.subi %select_n3A_8, %sub3A_181 : i32
      %lt3A = arith.cmpi slt, %add3A_157, %sub3A_182 : i32
      %convert_element_type3A = arith.extui %lt3A : i1 to i32
      %cond3A = arith.constant 0 : i32
      %cond3A_183 = arith.cmpi ne, %convert_element_type3A, %cond3A : i32
      scf.if %cond3A_183 {
        %add3A_186 = arith.constant 2 : i32
        %add3A_187 = arith.addi %mul3A_159, %add3A_186 : i32
        %dma_start3A_188 = arith.constant 0 : i32
        %dma_start3A_189 = tpu.memref_slice %arg10[%add3A_187, %dma_start3A_188] : memref<64x128xi32, #tpu.memory_space<vmem>> -> memref<1x128xi32, #tpu.memory_space<vmem>>
        %dma_start3A_190 = tpu.memref_squeeze %dma_start3A_189 : memref<1x128xi32, #tpu.memory_space<vmem>> -> memref<128xi32, #tpu.memory_space<vmem>>
        %dma_start3A_191 = arith.constant 0 : i32
        %dma_start3A_192 = arith.constant 0 : i32
        %dma_start3A_193 = tpu.memref_slice %arg2[%dma_start3A_191, %dma_start3A_192] : memref<10112x128xf32, #tpu.memory_space<hbm>> -> memref<10112x128xf32, #tpu.memory_space<hbm>>
        tpu.enqueue_indirect_dma source(%dma_start3A_193 : memref<10112x128xf32, #tpu.memory_space<hbm>>) target(%arg12 : memref<128x128xf32, #tpu.memory_space<vmem>>) offsets(%dma_start3A_190 : memref<128xi32, #tpu.memory_space<vmem>>) semaphore(%arg15 : memref<!tpu.dma_semaphore, #tpu.memory_space<semaphore_mem>>)
      } else {
      }
      %add3A_184 = arith.constant 1 : i32
      %add3A_185 = arith.addi %mul3A_159, %add3A_184 : i32
      "tpu.region"() ({
        %run_scoped3A_186 = tpu.sem_alloc : memref<!tpu.dma_semaphore, #tpu.memory_space<semaphore_mem>>
        %dma_start3A_187 = arith.constant 0 : i32
        %dma_start3A_188 = tpu.memref_slice %arg11[%add3A_185, %dma_start3A_187] : memref<64x128xi32, #tpu.memory_space<vmem>> -> memref<1x128xi32, #tpu.memory_space<vmem>>
        %dma_start3A_189 = tpu.memref_squeeze %dma_start3A_188 : memref<1x128xi32, #tpu.memory_space<vmem>> -> memref<128xi32, #tpu.memory_space<vmem>>
        %dma_start3A_190 = arith.constant 0 : i32
        %dma_start3A_191 = arith.constant 0 : i32
        %dma_start3A_192 = tpu.memref_slice %arg14[%dma_start3A_190, %dma_start3A_191] : memref<10112x128xf32, #tpu.memory_space<vmem_shared>> -> memref<10112x128xf32, #tpu.memory_space<vmem_shared>>
        tpu.enqueue_indirect_dma source(%arg13 : memref<128x128xf32, #tpu.memory_space<vmem>>) target(%dma_start3A_192 : memref<10112x128xf32, #tpu.memory_space<vmem_shared>>) offsets(%dma_start3A_189 : memref<128xi32, #tpu.memory_space<vmem>>) semaphore(%run_scoped3A_186 : memref<!tpu.dma_semaphore, #tpu.memory_space<semaphore_mem>>) {add = true}
        %dma_wait3A_193 = arith.constant 0 : i32
        %dma_wait3A_194 = tpu.memref_slice %arg11[%add3A_185, %dma_wait3A_193] : memref<64x128xi32, #tpu.memory_space<vmem>> -> memref<1x128xi32, #tpu.memory_space<vmem>>
        %dma_wait3A_195 = tpu.memref_squeeze %dma_wait3A_194 : memref<1x128xi32, #tpu.memory_space<vmem>> -> memref<128xi32, #tpu.memory_space<vmem>>
        %dma_wait3A_196 = arith.constant 0 : i32
        %dma_wait3A_197 = arith.constant 0 : i32
        %dma_wait3A_198 = tpu.memref_slice %arg14[%dma_wait3A_196, %dma_wait3A_197] : memref<10112x128xf32, #tpu.memory_space<vmem_shared>> -> memref<10112x128xf32, #tpu.memory_space<vmem_shared>>
        tpu.wait_indirect_dma semaphore(%run_scoped3A_186 : memref<!tpu.dma_semaphore, #tpu.memory_space<semaphore_mem>>) src(%arg13 : memref<128x128xf32, #tpu.memory_space<vmem>>) dst(%dma_wait3A_198 : memref<10112x128xf32, #tpu.memory_space<vmem_shared>>)
        tpu.yield
      }) : () -> ()
    }
    %while3A_34 = arith.constant 1 : i32
    scf.for %while3A_155 = %while3A_32 to %while3A_28 step %while3A_34  : i32 {
      %mul3A_156 = arith.muli %while3A_155, %while3A : i32
      %add3A_157 = arith.addi %while3A_25, %mul3A_156 : i32
      %mul3A_158 = arith.constant 2 : i32
      %mul3A_159 = arith.muli %add3A_157, %mul3A_158 : i32
      %dma_wait3A = arith.constant 0 : i32
      %dma_wait3A_160 = tpu.memref_slice %arg10[%mul3A_159, %dma_wait3A] : memref<64x128xi32, #tpu.memory_space<vmem>> -> memref<1x128xi32, #tpu.memory_space<vmem>>
      %dma_wait3A_161 = tpu.memref_squeeze %dma_wait3A_160 : memref<1x128xi32, #tpu.memory_space<vmem>> -> memref<128xi32, #tpu.memory_space<vmem>>
      %dma_wait3A_162 = arith.constant 0 : i32
      %dma_wait3A_163 = arith.constant 0 : i32
      %dma_wait3A_164 = tpu.memref_slice %arg2[%dma_wait3A_162, %dma_wait3A_163] : memref<10112x128xf32, #tpu.memory_space<hbm>> -> memref<10112x128xf32, #tpu.memory_space<hbm>>
      tpu.wait_indirect_dma semaphore(%arg15 : memref<!tpu.dma_semaphore, #tpu.memory_space<semaphore_mem>>) src(%dma_wait3A_164 : memref<10112x128xf32, #tpu.memory_space<hbm>>) dst(%arg12 : memref<128x128xf32, #tpu.memory_space<vmem>>)
      %add3A_165 = arith.constant 1 : i32
      %add3A_166 = arith.addi %mul3A_159, %add3A_165 : i32
      %dma_start3A_167 = arith.constant 0 : i32
      %dma_start3A_168 = tpu.memref_slice %arg10[%add3A_166, %dma_start3A_167] : memref<64x128xi32, #tpu.memory_space<vmem>> -> memref<1x128xi32, #tpu.memory_space<vmem>>
      %dma_start3A_169 = tpu.memref_squeeze %dma_start3A_168 : memref<1x128xi32, #tpu.memory_space<vmem>> -> memref<128xi32, #tpu.memory_space<vmem>>
      %dma_start3A_170 = arith.constant 0 : i32
      %dma_start3A_171 = arith.constant 0 : i32
      %dma_start3A_172 = tpu.memref_slice %arg2[%dma_start3A_170, %dma_start3A_171] : memref<10112x128xf32, #tpu.memory_space<hbm>> -> memref<10112x128xf32, #tpu.memory_space<hbm>>
      tpu.enqueue_indirect_dma source(%dma_start3A_172 : memref<10112x128xf32, #tpu.memory_space<hbm>>) target(%arg13 : memref<128x128xf32, #tpu.memory_space<vmem>>) offsets(%dma_start3A_169 : memref<128xi32, #tpu.memory_space<vmem>>) semaphore(%arg16 : memref<!tpu.dma_semaphore, #tpu.memory_space<semaphore_mem>>)
      "tpu.region"() ({
        %run_scoped3A_186 = tpu.sem_alloc : memref<!tpu.dma_semaphore, #tpu.memory_space<semaphore_mem>>
        %dma_start3A_187 = arith.constant 0 : i32
        %dma_start3A_188 = tpu.memref_slice %arg11[%mul3A_159, %dma_start3A_187] : memref<64x128xi32, #tpu.memory_space<vmem>> -> memref<1x128xi32, #tpu.memory_space<vmem>>
        %dma_start3A_189 = tpu.memref_squeeze %dma_start3A_188 : memref<1x128xi32, #tpu.memory_space<vmem>> -> memref<128xi32, #tpu.memory_space<vmem>>
        %dma_start3A_190 = arith.constant 0 : i32
        %dma_start3A_191 = arith.constant 0 : i32
        %dma_start3A_192 = tpu.memref_slice %arg14[%dma_start3A_190, %dma_start3A_191] : memref<10112x128xf32, #tpu.memory_space<vmem_shared>> -> memref<10112x128xf32, #tpu.memory_space<vmem_shared>>
        tpu.enqueue_indirect_dma source(%arg12 : memref<128x128xf32, #tpu.memory_space<vmem>>) target(%dma_start3A_192 : memref<10112x128xf32, #tpu.memory_space<vmem_shared>>) offsets(%dma_start3A_189 : memref<128xi32, #tpu.memory_space<vmem>>) semaphore(%run_scoped3A_186 : memref<!tpu.dma_semaphore, #tpu.memory_space<semaphore_mem>>) {add = true}
        %dma_wait3A_193 = arith.constant 0 : i32
        %dma_wait3A_194 = tpu.memref_slice %arg11[%mul3A_159, %dma_wait3A_193] : memref<64x128xi32, #tpu.memory_space<vmem>> -> memref<1x128xi32, #tpu.memory_space<vmem>>
        %dma_wait3A_195 = tpu.memref_squeeze %dma_wait3A_194 : memref<1x128xi32, #tpu.memory_space<vmem>> -> memref<128xi32, #tpu.memory_space<vmem>>
        %dma_wait3A_196 = arith.constant 0 : i32
        %dma_wait3A_197 = arith.constant 0 : i32
        %dma_wait3A_198 = tpu.memref_slice %arg14[%dma_wait3A_196, %dma_wait3A_197] : memref<10112x128xf32, #tpu.memory_space<vmem_shared>> -> memref<10112x128xf32, #tpu.memory_space<vmem_shared>>
        tpu.wait_indirect_dma semaphore(%run_scoped3A_186 : memref<!tpu.dma_semaphore, #tpu.memory_space<semaphore_mem>>) src(%arg12 : memref<128x128xf32, #tpu.memory_space<vmem>>) dst(%dma_wait3A_198 : memref<10112x128xf32, #tpu.memory_space<vmem_shared>>)
        tpu.yield
      }) : () -> ()
      %add3A_173 = arith.constant 1 : i32
      %add3A_174 = arith.addi %mul3A_159, %add3A_173 : i32
      %dma_wait3A_175 = arith.constant 0 : i32
      %dma_wait3A_176 = tpu.memref_slice %arg10[%add3A_174, %dma_wait3A_175] : memref<64x128xi32, #tpu.memory_space<vmem>> -> memref<1x128xi32, #tpu.memory_space<vmem>>
      %dma_wait3A_177 = tpu.memref_squeeze %dma_wait3A_176 : memref<1x128xi32, #tpu.memory_space<vmem>> -> memref<128xi32, #tpu.memory_space<vmem>>
      %dma_wait3A_178 = arith.constant 0 : i32
      %dma_wait3A_179 = arith.constant 0 : i32
      %dma_wait3A_180 = tpu.memref_slice %arg2[%dma_wait3A_178, %dma_wait3A_179] : memref<10112x128xf32, #tpu.memory_space<hbm>> -> memref<10112x128xf32, #tpu.memory_space<hbm>>
      tpu.wait_indirect_dma semaphore(%arg16 : memref<!tpu.dma_semaphore, #tpu.memory_space<semaphore_mem>>) src(%dma_wait3A_180 : memref<10112x128xf32, #tpu.memory_space<hbm>>) dst(%arg13 : memref<128x128xf32, #tpu.memory_space<vmem>>)
      %sub3A_181 = arith.constant 1 : i32
      %sub3A_182 = arith.subi %select_n3A_8, %sub3A_181 : i32
      %lt3A = arith.cmpi slt, %add3A_157, %sub3A_182 : i32
      %convert_element_type3A = arith.extui %lt3A : i1 to i32
      %cond3A = arith.constant 0 : i32
      %cond3A_183 = arith.cmpi ne, %convert_element_type3A, %cond3A : i32
      scf.if %cond3A_183 {
        %add3A_186 = arith.constant 2 : i32
        %add3A_187 = arith.addi %mul3A_159, %add3A_186 : i32
        %dma_start3A_188 = arith.constant 0 : i32
        %dma_start3A_189 = tpu.memref_slice %arg10[%add3A_187, %dma_start3A_188] : memref<64x128xi32, #tpu.memory_space<vmem>> -> memref<1x128xi32, #tpu.memory_space<vmem>>
        %dma_start3A_190 = tpu.memref_squeeze %dma_start3A_189 : memref<1x128xi32, #tpu.memory_space<vmem>> -> memref<128xi32, #tpu.memory_space<vmem>>
        %dma_start3A_191 = arith.constant 0 : i32
        %dma_start3A_192 = arith.constant 0 : i32
        %dma_start3A_193 = tpu.memref_slice %arg2[%dma_start3A_191, %dma_start3A_192] : memref<10112x128xf32, #tpu.memory_space<hbm>> -> memref<10112x128xf32, #tpu.memory_space<hbm>>
        tpu.enqueue_indirect_dma source(%dma_start3A_193 : memref<10112x128xf32, #tpu.memory_space<hbm>>) target(%arg12 : memref<128x128xf32, #tpu.memory_space<vmem>>) offsets(%dma_start3A_190 : memref<128xi32, #tpu.memory_space<vmem>>) semaphore(%arg15 : memref<!tpu.dma_semaphore, #tpu.memory_space<semaphore_mem>>)
      } else {
      }
      %add3A_184 = arith.constant 1 : i32
      %add3A_185 = arith.addi %mul3A_159, %add3A_184 : i32
      "tpu.region"() ({
        %run_scoped3A_186 = tpu.sem_alloc : memref<!tpu.dma_semaphore, #tpu.memory_space<semaphore_mem>>
        %dma_start3A_187 = arith.constant 0 : i32
        %dma_start3A_188 = tpu.memref_slice %arg11[%add3A_185, %dma_start3A_187] : memref<64x128xi32, #tpu.memory_space<vmem>> -> memref<1x128xi32, #tpu.memory_space<vmem>>
        %dma_start3A_189 = tpu.memref_squeeze %dma_start3A_188 : memref<1x128xi32, #tpu.memory_space<vmem>> -> memref<128xi32, #tpu.memory_space<vmem>>
        %dma_start3A_190 = arith.constant 0 : i32
        %dma_start3A_191 = arith.constant 0 : i32
        %dma_start3A_192 = tpu.memref_slice %arg14[%dma_start3A_190, %dma_start3A_191] : memref<10112x128xf32, #tpu.memory_space<vmem_shared>> -> memref<10112x128xf32, #tpu.memory_space<vmem_shared>>
        tpu.enqueue_indirect_dma source(%arg13 : memref<128x128xf32, #tpu.memory_space<vmem>>) target(%dma_start3A_192 : memref<10112x128xf32, #tpu.memory_space<vmem_shared>>) offsets(%dma_start3A_189 : memref<128xi32, #tpu.memory_space<vmem>>) semaphore(%run_scoped3A_186 : memref<!tpu.dma_semaphore, #tpu.memory_space<semaphore_mem>>) {add = true}
        %dma_wait3A_193 = arith.constant 0 : i32
        %dma_wait3A_194 = tpu.memref_slice %arg11[%add3A_185, %dma_wait3A_193] : memref<64x128xi32, #tpu.memory_space<vmem>> -> memref<1x128xi32, #tpu.memory_space<vmem>>
        %dma_wait3A_195 = tpu.memref_squeeze %dma_wait3A_194 : memref<1x128xi32, #tpu.memory_space<vmem>> -> memref<128xi32, #tpu.memory_space<vmem>>
        %dma_wait3A_196 = arith.constant 0 : i32
        %dma_wait3A_197 = arith.constant 0 : i32
        %dma_wait3A_198 = tpu.memref_slice %arg14[%dma_wait3A_196, %dma_wait3A_197] : memref<10112x128xf32, #tpu.memory_space<vmem_shared>> -> memref<10112x128xf32, #tpu.memory_space<vmem_shared>>
        tpu.wait_indirect_dma semaphore(%run_scoped3A_186 : memref<!tpu.dma_semaphore, #tpu.memory_space<semaphore_mem>>) src(%arg13 : memref<128x128xf32, #tpu.memory_space<vmem>>) dst(%dma_wait3A_198 : memref<10112x128xf32, #tpu.memory_space<vmem_shared>>)
        tpu.yield
      }) : () -> ()
    }
    %barrier3A_35 = arith.constant 0 : index
    tpu.barrier barrier_id(%barrier3A_35)
    %mul3A_36 = arith.constant 632 : i32
    %mul3A_37 = arith.muli %arg1, %mul3A_36 : i32
    %mul3A_38 = arith.constant 632 : i32
    %mul3A_39 = arith.muli %arg1, %mul3A_38 : i32
    %run_scoped3A = arith.constant 0 : i32
    "tpu.region"() ({
      %run_scoped3A_155 = tpu.sem_alloc : memref<!tpu.dma_semaphore, #tpu.memory_space<semaphore_mem>>
      %dma_start3A_156 = arith.constant 0 : i32
      %dma_start3A_157 = tpu.memref_slice %arg9[%run_scoped3A, %arg0, %mul3A_39, %dma_start3A_156] : memref<4x2x10112x128xf32, #tpu.memory_space<hbm>> -> memref<1x1x632x128xf32, #tpu.memory_space<hbm>>
      %dma_start3A_158 = tpu.memref_squeeze %dma_start3A_157 : memref<1x1x632x128xf32, #tpu.memory_space<hbm>> -> memref<632x128xf32, #tpu.memory_space<hbm>>
      %dma_start3A_159 = arith.constant 0 : i32
      %dma_start3A_160 = tpu.memref_slice %arg14[%mul3A_37, %dma_start3A_159] : memref<10112x128xf32, #tpu.memory_space<vmem_shared>> -> memref<632x128xf32, #tpu.memory_space<vmem_shared>>
      tpu.enqueue_dma source(%dma_start3A_160 : memref<632x128xf32, #tpu.memory_space<vmem_shared>>) target(%dma_start3A_158 : memref<632x128xf32, #tpu.memory_space<hbm>>) target_semaphore(%run_scoped3A_155 : memref<!tpu.dma_semaphore, #tpu.memory_space<semaphore_mem>>)
      %dma_wait3A = arith.constant 0 : i32
      %dma_wait3A_161 = tpu.memref_slice %arg9[%run_scoped3A, %arg0, %mul3A_39, %dma_wait3A] : memref<4x2x10112x128xf32, #tpu.memory_space<hbm>> -> memref<1x1x632x128xf32, #tpu.memory_space<hbm>>
      %dma_wait3A_162 = tpu.memref_squeeze %dma_wait3A_161 : memref<1x1x632x128xf32, #tpu.memory_space<hbm>> -> memref<632x128xf32, #tpu.memory_space<hbm>>
      %dma_wait3A_163 = arith.constant 0 : i32
      %dma_wait3A_164 = tpu.memref_slice %arg14[%mul3A_37, %dma_wait3A_163] : memref<10112x128xf32, #tpu.memory_space<vmem_shared>> -> memref<632x128xf32, #tpu.memory_space<vmem_shared>>
      tpu.wait_dma2 semaphore(%run_scoped3A_155 : memref<!tpu.dma_semaphore, #tpu.memory_space<semaphore_mem>>) src(%dma_wait3A_164 : memref<632x128xf32, #tpu.memory_space<vmem_shared>>) dst(%dma_wait3A_162 : memref<632x128xf32, #tpu.memory_space<hbm>>)
      tpu.yield
    }) : () -> ()
    %barrier3A_40 = arith.constant 0 : index
    tpu.barrier barrier_id(%barrier3A_40)
    %mul3A_41 = arith.constant 632 : i32
    %mul3A_42 = arith.muli %arg1, %mul3A_41 : i32
    %mul3A_43 = arith.constant 632 : i32
    %mul3A_44 = arith.muli %arg1, %mul3A_43 : i32
    "tpu.region"() ({
      %run_scoped3A_155 = tpu.sem_alloc : memref<!tpu.dma_semaphore, #tpu.memory_space<semaphore_mem>>
      %dma_start3A_156 = arith.constant 0 : i32
      %dma_start3A_157 = tpu.memref_slice %arg14[%mul3A_44, %dma_start3A_156] : memref<10112x128xf32, #tpu.memory_space<vmem_shared>> -> memref<632x128xf32, #tpu.memory_space<vmem_shared>>
      %dma_start3A_158 = arith.constant 0 : i32
      %dma_start3A_159 = tpu.memref_slice %arg8[%mul3A_42, %dma_start3A_158] : memref<10112x128xf32, #tpu.memory_space<hbm>> -> memref<632x128xf32, #tpu.memory_space<hbm>>
      tpu.enqueue_dma source(%dma_start3A_159 : memref<632x128xf32, #tpu.memory_space<hbm>>) target(%dma_start3A_157 : memref<632x128xf32, #tpu.memory_space<vmem_shared>>) target_semaphore(%run_scoped3A_155 : memref<!tpu.dma_semaphore, #tpu.memory_space<semaphore_mem>>)
      %dma_wait3A = arith.constant 0 : i32
      %dma_wait3A_160 = tpu.memref_slice %arg14[%mul3A_44, %dma_wait3A] : memref<10112x128xf32, #tpu.memory_space<vmem_shared>> -> memref<632x128xf32, #tpu.memory_space<vmem_shared>>
      %dma_wait3A_161 = arith.constant 0 : i32
      %dma_wait3A_162 = tpu.memref_slice %arg8[%mul3A_42, %dma_wait3A_161] : memref<10112x128xf32, #tpu.memory_space<hbm>> -> memref<632x128xf32, #tpu.memory_space<hbm>>
      tpu.wait_dma2 semaphore(%run_scoped3A_155 : memref<!tpu.dma_semaphore, #tpu.memory_space<semaphore_mem>>) src(%dma_wait3A_162 : memref<632x128xf32, #tpu.memory_space<hbm>>) dst(%dma_wait3A_160 : memref<632x128xf32, #tpu.memory_space<vmem_shared>>)
      tpu.yield
    }) : () -> ()
    %barrier3A_45 = arith.constant 0 : index
    tpu.barrier barrier_id(%barrier3A_45)
    %dma_start3A_46 = arith.constant 0 : i32
    %dma_start3A_47 = arith.constant 0 : i32
    %dma_start3A_48 = tpu.memref_slice %arg10[%dma_start3A_46, %dma_start3A_47] : memref<64x128xi32, #tpu.memory_space<vmem>> -> memref<1x128xi32, #tpu.memory_space<vmem>>
    %dma_start3A_49 = tpu.memref_squeeze %dma_start3A_48 : memref<1x128xi32, #tpu.memory_space<vmem>> -> memref<128xi32, #tpu.memory_space<vmem>>
    %dma_start3A_50 = arith.constant 0 : i32
    %dma_start3A_51 = arith.constant 0 : i32
    %dma_start3A_52 = tpu.memref_slice %arg3[%dma_start3A_50, %dma_start3A_51] : memref<10112x128xf32, #tpu.memory_space<hbm>> -> memref<10112x128xf32, #tpu.memory_space<hbm>>
    tpu.enqueue_indirect_dma source(%dma_start3A_52 : memref<10112x128xf32, #tpu.memory_space<hbm>>) target(%arg12 : memref<128x128xf32, #tpu.memory_space<vmem>>) offsets(%dma_start3A_49 : memref<128xi32, #tpu.memory_space<vmem>>) semaphore(%arg15 : memref<!tpu.dma_semaphore, #tpu.memory_space<semaphore_mem>>)
    %sub3A_53 = arith.constant 0 : i32
    %sub3A_54 = arith.subi %select_n3A_8, %sub3A_53 : i32
    %sub3A_55 = arith.constant 1 : i32
    %sub3A_56 = arith.constant 1 : i32
    %sub3A_57 = arith.subi %sub3A_55, %sub3A_56 : i32
    %add3A_58 = arith.addi %sub3A_54, %sub3A_57 : i32
    %div3A_59 = arith.constant 1 : i32
    %div3A_60 = arith.divsi %add3A_58, %div3A_59 : i32
    %while3A_61 = arith.constant 1 : i32
    %while3A_62 = arith.constant 0 : i32
    %while3A_63 = arith.constant 0 : i32
    %while3A_64 = arith.subi %div3A_60, %while3A_63 : i32
    %while3A_65 = arith.addi %while3A_63, %while3A_64 : i32
    %while3A_66 = arith.constant 1 : i32
    %while3A_67 = arith.divsi %while3A_64, %while3A_66 : i32
    %while3A_68 = arith.muli %while3A_67, %while3A_66 : i32
    %while3A_69 = arith.addi %while3A_63, %while3A_68 : i32
    %while3A_70 = arith.constant 1 : i32
    scf.for %while3A_155 = %while3A_63 to %while3A_69 step %while3A_70  : i32 {
      %mul3A_156 = arith.muli %while3A_155, %while3A_61 : i32
      %add3A_157 = arith.addi %while3A_62, %mul3A_156 : i32
      %mul3A_158 = arith.constant 2 : i32
      %mul3A_159 = arith.muli %add3A_157, %mul3A_158 : i32
      %dma_wait3A = arith.constant 0 : i32
      %dma_wait3A_160 = tpu.memref_slice %arg10[%mul3A_159, %dma_wait3A] : memref<64x128xi32, #tpu.memory_space<vmem>> -> memref<1x128xi32, #tpu.memory_space<vmem>>
      %dma_wait3A_161 = tpu.memref_squeeze %dma_wait3A_160 : memref<1x128xi32, #tpu.memory_space<vmem>> -> memref<128xi32, #tpu.memory_space<vmem>>
      %dma_wait3A_162 = arith.constant 0 : i32
      %dma_wait3A_163 = arith.constant 0 : i32
      %dma_wait3A_164 = tpu.memref_slice %arg3[%dma_wait3A_162, %dma_wait3A_163] : memref<10112x128xf32, #tpu.memory_space<hbm>> -> memref<10112x128xf32, #tpu.memory_space<hbm>>
      tpu.wait_indirect_dma semaphore(%arg15 : memref<!tpu.dma_semaphore, #tpu.memory_space<semaphore_mem>>) src(%dma_wait3A_164 : memref<10112x128xf32, #tpu.memory_space<hbm>>) dst(%arg12 : memref<128x128xf32, #tpu.memory_space<vmem>>)
      %add3A_165 = arith.constant 1 : i32
      %add3A_166 = arith.addi %mul3A_159, %add3A_165 : i32
      %dma_start3A_167 = arith.constant 0 : i32
      %dma_start3A_168 = tpu.memref_slice %arg10[%add3A_166, %dma_start3A_167] : memref<64x128xi32, #tpu.memory_space<vmem>> -> memref<1x128xi32, #tpu.memory_space<vmem>>
      %dma_start3A_169 = tpu.memref_squeeze %dma_start3A_168 : memref<1x128xi32, #tpu.memory_space<vmem>> -> memref<128xi32, #tpu.memory_space<vmem>>
      %dma_start3A_170 = arith.constant 0 : i32
      %dma_start3A_171 = arith.constant 0 : i32
      %dma_start3A_172 = tpu.memref_slice %arg3[%dma_start3A_170, %dma_start3A_171] : memref<10112x128xf32, #tpu.memory_space<hbm>> -> memref<10112x128xf32, #tpu.memory_space<hbm>>
      tpu.enqueue_indirect_dma source(%dma_start3A_172 : memref<10112x128xf32, #tpu.memory_space<hbm>>) target(%arg13 : memref<128x128xf32, #tpu.memory_space<vmem>>) offsets(%dma_start3A_169 : memref<128xi32, #tpu.memory_space<vmem>>) semaphore(%arg16 : memref<!tpu.dma_semaphore, #tpu.memory_space<semaphore_mem>>)
      "tpu.region"() ({
        %run_scoped3A_186 = tpu.sem_alloc : memref<!tpu.dma_semaphore, #tpu.memory_space<semaphore_mem>>
        %dma_start3A_187 = arith.constant 0 : i32
        %dma_start3A_188 = tpu.memref_slice %arg11[%mul3A_159, %dma_start3A_187] : memref<64x128xi32, #tpu.memory_space<vmem>> -> memref<1x128xi32, #tpu.memory_space<vmem>>
        %dma_start3A_189 = tpu.memref_squeeze %dma_start3A_188 : memref<1x128xi32, #tpu.memory_space<vmem>> -> memref<128xi32, #tpu.memory_space<vmem>>
        %dma_start3A_190 = arith.constant 0 : i32
        %dma_start3A_191 = arith.constant 0 : i32
        %dma_start3A_192 = tpu.memref_slice %arg14[%dma_start3A_190, %dma_start3A_191] : memref<10112x128xf32, #tpu.memory_space<vmem_shared>> -> memref<10112x128xf32, #tpu.memory_space<vmem_shared>>
        tpu.enqueue_indirect_dma source(%arg12 : memref<128x128xf32, #tpu.memory_space<vmem>>) target(%dma_start3A_192 : memref<10112x128xf32, #tpu.memory_space<vmem_shared>>) offsets(%dma_start3A_189 : memref<128xi32, #tpu.memory_space<vmem>>) semaphore(%run_scoped3A_186 : memref<!tpu.dma_semaphore, #tpu.memory_space<semaphore_mem>>) {add = true}
        %dma_wait3A_193 = arith.constant 0 : i32
        %dma_wait3A_194 = tpu.memref_slice %arg11[%mul3A_159, %dma_wait3A_193] : memref<64x128xi32, #tpu.memory_space<vmem>> -> memref<1x128xi32, #tpu.memory_space<vmem>>
        %dma_wait3A_195 = tpu.memref_squeeze %dma_wait3A_194 : memref<1x128xi32, #tpu.memory_space<vmem>> -> memref<128xi32, #tpu.memory_space<vmem>>
        %dma_wait3A_196 = arith.constant 0 : i32
        %dma_wait3A_197 = arith.constant 0 : i32
        %dma_wait3A_198 = tpu.memref_slice %arg14[%dma_wait3A_196, %dma_wait3A_197] : memref<10112x128xf32, #tpu.memory_space<vmem_shared>> -> memref<10112x128xf32, #tpu.memory_space<vmem_shared>>
        tpu.wait_indirect_dma semaphore(%run_scoped3A_186 : memref<!tpu.dma_semaphore, #tpu.memory_space<semaphore_mem>>) src(%arg12 : memref<128x128xf32, #tpu.memory_space<vmem>>) dst(%dma_wait3A_198 : memref<10112x128xf32, #tpu.memory_space<vmem_shared>>)
        tpu.yield
      }) : () -> ()
      %add3A_173 = arith.constant 1 : i32
      %add3A_174 = arith.addi %mul3A_159, %add3A_173 : i32
      %dma_wait3A_175 = arith.constant 0 : i32
      %dma_wait3A_176 = tpu.memref_slice %arg10[%add3A_174, %dma_wait3A_175] : memref<64x128xi32, #tpu.memory_space<vmem>> -> memref<1x128xi32, #tpu.memory_space<vmem>>
      %dma_wait3A_177 = tpu.memref_squeeze %dma_wait3A_176 : memref<1x128xi32, #tpu.memory_space<vmem>> -> memref<128xi32, #tpu.memory_space<vmem>>
      %dma_wait3A_178 = arith.constant 0 : i32
      %dma_wait3A_179 = arith.constant 0 : i32
      %dma_wait3A_180 = tpu.memref_slice %arg3[%dma_wait3A_178, %dma_wait3A_179] : memref<10112x128xf32, #tpu.memory_space<hbm>> -> memref<10112x128xf32, #tpu.memory_space<hbm>>
      tpu.wait_indirect_dma semaphore(%arg16 : memref<!tpu.dma_semaphore, #tpu.memory_space<semaphore_mem>>) src(%dma_wait3A_180 : memref<10112x128xf32, #tpu.memory_space<hbm>>) dst(%arg13 : memref<128x128xf32, #tpu.memory_space<vmem>>)
      %sub3A_181 = arith.constant 1 : i32
      %sub3A_182 = arith.subi %select_n3A_8, %sub3A_181 : i32
      %lt3A = arith.cmpi slt, %add3A_157, %sub3A_182 : i32
      %convert_element_type3A = arith.extui %lt3A : i1 to i32
      %cond3A = arith.constant 0 : i32
      %cond3A_183 = arith.cmpi ne, %convert_element_type3A, %cond3A : i32
      scf.if %cond3A_183 {
        %add3A_186 = arith.constant 2 : i32
        %add3A_187 = arith.addi %mul3A_159, %add3A_186 : i32
        %dma_start3A_188 = arith.constant 0 : i32
        %dma_start3A_189 = tpu.memref_slice %arg10[%add3A_187, %dma_start3A_188] : memref<64x128xi32, #tpu.memory_space<vmem>> -> memref<1x128xi32, #tpu.memory_space<vmem>>
        %dma_start3A_190 = tpu.memref_squeeze %dma_start3A_189 : memref<1x128xi32, #tpu.memory_space<vmem>> -> memref<128xi32, #tpu.memory_space<vmem>>
        %dma_start3A_191 = arith.constant 0 : i32
        %dma_start3A_192 = arith.constant 0 : i32
        %dma_start3A_193 = tpu.memref_slice %arg3[%dma_start3A_191, %dma_start3A_192] : memref<10112x128xf32, #tpu.memory_space<hbm>> -> memref<10112x128xf32, #tpu.memory_space<hbm>>
        tpu.enqueue_indirect_dma source(%dma_start3A_193 : memref<10112x128xf32, #tpu.memory_space<hbm>>) target(%arg12 : memref<128x128xf32, #tpu.memory_space<vmem>>) offsets(%dma_start3A_190 : memref<128xi32, #tpu.memory_space<vmem>>) semaphore(%arg15 : memref<!tpu.dma_semaphore, #tpu.memory_space<semaphore_mem>>)
      } else {
      }
      %add3A_184 = arith.constant 1 : i32
      %add3A_185 = arith.addi %mul3A_159, %add3A_184 : i32
      "tpu.region"() ({
        %run_scoped3A_186 = tpu.sem_alloc : memref<!tpu.dma_semaphore, #tpu.memory_space<semaphore_mem>>
        %dma_start3A_187 = arith.constant 0 : i32
        %dma_start3A_188 = tpu.memref_slice %arg11[%add3A_185, %dma_start3A_187] : memref<64x128xi32, #tpu.memory_space<vmem>> -> memref<1x128xi32, #tpu.memory_space<vmem>>
        %dma_start3A_189 = tpu.memref_squeeze %dma_start3A_188 : memref<1x128xi32, #tpu.memory_space<vmem>> -> memref<128xi32, #tpu.memory_space<vmem>>
        %dma_start3A_190 = arith.constant 0 : i32
        %dma_start3A_191 = arith.constant 0 : i32
        %dma_start3A_192 = tpu.memref_slice %arg14[%dma_start3A_190, %dma_start3A_191] : memref<10112x128xf32, #tpu.memory_space<vmem_shared>> -> memref<10112x128xf32, #tpu.memory_space<vmem_shared>>
        tpu.enqueue_indirect_dma source(%arg13 : memref<128x128xf32, #tpu.memory_space<vmem>>) target(%dma_start3A_192 : memref<10112x128xf32, #tpu.memory_space<vmem_shared>>) offsets(%dma_start3A_189 : memref<128xi32, #tpu.memory_space<vmem>>) semaphore(%run_scoped3A_186 : memref<!tpu.dma_semaphore, #tpu.memory_space<semaphore_mem>>) {add = true}
        %dma_wait3A_193 = arith.constant 0 : i32
        %dma_wait3A_194 = tpu.memref_slice %arg11[%add3A_185, %dma_wait3A_193] : memref<64x128xi32, #tpu.memory_space<vmem>> -> memref<1x128xi32, #tpu.memory_space<vmem>>
        %dma_wait3A_195 = tpu.memref_squeeze %dma_wait3A_194 : memref<1x128xi32, #tpu.memory_space<vmem>> -> memref<128xi32, #tpu.memory_space<vmem>>
        %dma_wait3A_196 = arith.constant 0 : i32
        %dma_wait3A_197 = arith.constant 0 : i32
        %dma_wait3A_198 = tpu.memref_slice %arg14[%dma_wait3A_196, %dma_wait3A_197] : memref<10112x128xf32, #tpu.memory_space<vmem_shared>> -> memref<10112x128xf32, #tpu.memory_space<vmem_shared>>
        tpu.wait_indirect_dma semaphore(%run_scoped3A_186 : memref<!tpu.dma_semaphore, #tpu.memory_space<semaphore_mem>>) src(%arg13 : memref<128x128xf32, #tpu.memory_space<vmem>>) dst(%dma_wait3A_198 : memref<10112x128xf32, #tpu.memory_space<vmem_shared>>)
        tpu.yield
      }) : () -> ()
    }
    %while3A_71 = arith.constant 1 : i32
    scf.for %while3A_155 = %while3A_69 to %while3A_65 step %while3A_71  : i32 {
      %mul3A_156 = arith.muli %while3A_155, %while3A_61 : i32
      %add3A_157 = arith.addi %while3A_62, %mul3A_156 : i32
      %mul3A_158 = arith.constant 2 : i32
      %mul3A_159 = arith.muli %add3A_157, %mul3A_158 : i32
      %dma_wait3A = arith.constant 0 : i32
      %dma_wait3A_160 = tpu.memref_slice %arg10[%mul3A_159, %dma_wait3A] : memref<64x128xi32, #tpu.memory_space<vmem>> -> memref<1x128xi32, #tpu.memory_space<vmem>>
      %dma_wait3A_161 = tpu.memref_squeeze %dma_wait3A_160 : memref<1x128xi32, #tpu.memory_space<vmem>> -> memref<128xi32, #tpu.memory_space<vmem>>
      %dma_wait3A_162 = arith.constant 0 : i32
      %dma_wait3A_163 = arith.constant 0 : i32
      %dma_wait3A_164 = tpu.memref_slice %arg3[%dma_wait3A_162, %dma_wait3A_163] : memref<10112x128xf32, #tpu.memory_space<hbm>> -> memref<10112x128xf32, #tpu.memory_space<hbm>>
      tpu.wait_indirect_dma semaphore(%arg15 : memref<!tpu.dma_semaphore, #tpu.memory_space<semaphore_mem>>) src(%dma_wait3A_164 : memref<10112x128xf32, #tpu.memory_space<hbm>>) dst(%arg12 : memref<128x128xf32, #tpu.memory_space<vmem>>)
      %add3A_165 = arith.constant 1 : i32
      %add3A_166 = arith.addi %mul3A_159, %add3A_165 : i32
      %dma_start3A_167 = arith.constant 0 : i32
      %dma_start3A_168 = tpu.memref_slice %arg10[%add3A_166, %dma_start3A_167] : memref<64x128xi32, #tpu.memory_space<vmem>> -> memref<1x128xi32, #tpu.memory_space<vmem>>
      %dma_start3A_169 = tpu.memref_squeeze %dma_start3A_168 : memref<1x128xi32, #tpu.memory_space<vmem>> -> memref<128xi32, #tpu.memory_space<vmem>>
      %dma_start3A_170 = arith.constant 0 : i32
      %dma_start3A_171 = arith.constant 0 : i32
      %dma_start3A_172 = tpu.memref_slice %arg3[%dma_start3A_170, %dma_start3A_171] : memref<10112x128xf32, #tpu.memory_space<hbm>> -> memref<10112x128xf32, #tpu.memory_space<hbm>>
      tpu.enqueue_indirect_dma source(%dma_start3A_172 : memref<10112x128xf32, #tpu.memory_space<hbm>>) target(%arg13 : memref<128x128xf32, #tpu.memory_space<vmem>>) offsets(%dma_start3A_169 : memref<128xi32, #tpu.memory_space<vmem>>) semaphore(%arg16 : memref<!tpu.dma_semaphore, #tpu.memory_space<semaphore_mem>>)
      "tpu.region"() ({
        %run_scoped3A_186 = tpu.sem_alloc : memref<!tpu.dma_semaphore, #tpu.memory_space<semaphore_mem>>
        %dma_start3A_187 = arith.constant 0 : i32
        %dma_start3A_188 = tpu.memref_slice %arg11[%mul3A_159, %dma_start3A_187] : memref<64x128xi32, #tpu.memory_space<vmem>> -> memref<1x128xi32, #tpu.memory_space<vmem>>
        %dma_start3A_189 = tpu.memref_squeeze %dma_start3A_188 : memref<1x128xi32, #tpu.memory_space<vmem>> -> memref<128xi32, #tpu.memory_space<vmem>>
        %dma_start3A_190 = arith.constant 0 : i32
        %dma_start3A_191 = arith.constant 0 : i32
        %dma_start3A_192 = tpu.memref_slice %arg14[%dma_start3A_190, %dma_start3A_191] : memref<10112x128xf32, #tpu.memory_space<vmem_shared>> -> memref<10112x128xf32, #tpu.memory_space<vmem_shared>>
        tpu.enqueue_indirect_dma source(%arg12 : memref<128x128xf32, #tpu.memory_space<vmem>>) target(%dma_start3A_192 : memref<10112x128xf32, #tpu.memory_space<vmem_shared>>) offsets(%dma_start3A_189 : memref<128xi32, #tpu.memory_space<vmem>>) semaphore(%run_scoped3A_186 : memref<!tpu.dma_semaphore, #tpu.memory_space<semaphore_mem>>) {add = true}
        %dma_wait3A_193 = arith.constant 0 : i32
        %dma_wait3A_194 = tpu.memref_slice %arg11[%mul3A_159, %dma_wait3A_193] : memref<64x128xi32, #tpu.memory_space<vmem>> -> memref<1x128xi32, #tpu.memory_space<vmem>>
        %dma_wait3A_195 = tpu.memref_squeeze %dma_wait3A_194 : memref<1x128xi32, #tpu.memory_space<vmem>> -> memref<128xi32, #tpu.memory_space<vmem>>
        %dma_wait3A_196 = arith.constant 0 : i32
        %dma_wait3A_197 = arith.constant 0 : i32
        %dma_wait3A_198 = tpu.memref_slice %arg14[%dma_wait3A_196, %dma_wait3A_197] : memref<10112x128xf32, #tpu.memory_space<vmem_shared>> -> memref<10112x128xf32, #tpu.memory_space<vmem_shared>>
        tpu.wait_indirect_dma semaphore(%run_scoped3A_186 : memref<!tpu.dma_semaphore, #tpu.memory_space<semaphore_mem>>) src(%arg12 : memref<128x128xf32, #tpu.memory_space<vmem>>) dst(%dma_wait3A_198 : memref<10112x128xf32, #tpu.memory_space<vmem_shared>>)
        tpu.yield
      }) : () -> ()
      %add3A_173 = arith.constant 1 : i32
      %add3A_174 = arith.addi %mul3A_159, %add3A_173 : i32
      %dma_wait3A_175 = arith.constant 0 : i32
      %dma_wait3A_176 = tpu.memref_slice %arg10[%add3A_174, %dma_wait3A_175] : memref<64x128xi32, #tpu.memory_space<vmem>> -> memref<1x128xi32, #tpu.memory_space<vmem>>
      %dma_wait3A_177 = tpu.memref_squeeze %dma_wait3A_176 : memref<1x128xi32, #tpu.memory_space<vmem>> -> memref<128xi32, #tpu.memory_space<vmem>>
      %dma_wait3A_178 = arith.constant 0 : i32
      %dma_wait3A_179 = arith.constant 0 : i32
      %dma_wait3A_180 = tpu.memref_slice %arg3[%dma_wait3A_178, %dma_wait3A_179] : memref<10112x128xf32, #tpu.memory_space<hbm>> -> memref<10112x128xf32, #tpu.memory_space<hbm>>
      tpu.wait_indirect_dma semaphore(%arg16 : memref<!tpu.dma_semaphore, #tpu.memory_space<semaphore_mem>>) src(%dma_wait3A_180 : memref<10112x128xf32, #tpu.memory_space<hbm>>) dst(%arg13 : memref<128x128xf32, #tpu.memory_space<vmem>>)
      %sub3A_181 = arith.constant 1 : i32
      %sub3A_182 = arith.subi %select_n3A_8, %sub3A_181 : i32
      %lt3A = arith.cmpi slt, %add3A_157, %sub3A_182 : i32
      %convert_element_type3A = arith.extui %lt3A : i1 to i32
      %cond3A = arith.constant 0 : i32
      %cond3A_183 = arith.cmpi ne, %convert_element_type3A, %cond3A : i32
      scf.if %cond3A_183 {
        %add3A_186 = arith.constant 2 : i32
        %add3A_187 = arith.addi %mul3A_159, %add3A_186 : i32
        %dma_start3A_188 = arith.constant 0 : i32
        %dma_start3A_189 = tpu.memref_slice %arg10[%add3A_187, %dma_start3A_188] : memref<64x128xi32, #tpu.memory_space<vmem>> -> memref<1x128xi32, #tpu.memory_space<vmem>>
        %dma_start3A_190 = tpu.memref_squeeze %dma_start3A_189 : memref<1x128xi32, #tpu.memory_space<vmem>> -> memref<128xi32, #tpu.memory_space<vmem>>
        %dma_start3A_191 = arith.constant 0 : i32
        %dma_start3A_192 = arith.constant 0 : i32
        %dma_start3A_193 = tpu.memref_slice %arg3[%dma_start3A_191, %dma_start3A_192] : memref<10112x128xf32, #tpu.memory_space<hbm>> -> memref<10112x128xf32, #tpu.memory_space<hbm>>
        tpu.enqueue_indirect_dma source(%dma_start3A_193 : memref<10112x128xf32, #tpu.memory_space<hbm>>) target(%arg12 : memref<128x128xf32, #tpu.memory_space<vmem>>) offsets(%dma_start3A_190 : memref<128xi32, #tpu.memory_space<vmem>>) semaphore(%arg15 : memref<!tpu.dma_semaphore, #tpu.memory_space<semaphore_mem>>)
      } else {
      }
      %add3A_184 = arith.constant 1 : i32
      %add3A_185 = arith.addi %mul3A_159, %add3A_184 : i32
      "tpu.region"() ({
        %run_scoped3A_186 = tpu.sem_alloc : memref<!tpu.dma_semaphore, #tpu.memory_space<semaphore_mem>>
        %dma_start3A_187 = arith.constant 0 : i32
        %dma_start3A_188 = tpu.memref_slice %arg11[%add3A_185, %dma_start3A_187] : memref<64x128xi32, #tpu.memory_space<vmem>> -> memref<1x128xi32, #tpu.memory_space<vmem>>
        %dma_start3A_189 = tpu.memref_squeeze %dma_start3A_188 : memref<1x128xi32, #tpu.memory_space<vmem>> -> memref<128xi32, #tpu.memory_space<vmem>>
        %dma_start3A_190 = arith.constant 0 : i32
        %dma_start3A_191 = arith.constant 0 : i32
        %dma_start3A_192 = tpu.memref_slice %arg14[%dma_start3A_190, %dma_start3A_191] : memref<10112x128xf32, #tpu.memory_space<vmem_shared>> -> memref<10112x128xf32, #tpu.memory_space<vmem_shared>>
        tpu.enqueue_indirect_dma source(%arg13 : memref<128x128xf32, #tpu.memory_space<vmem>>) target(%dma_start3A_192 : memref<10112x128xf32, #tpu.memory_space<vmem_shared>>) offsets(%dma_start3A_189 : memref<128xi32, #tpu.memory_space<vmem>>) semaphore(%run_scoped3A_186 : memref<!tpu.dma_semaphore, #tpu.memory_space<semaphore_mem>>) {add = true}
        %dma_wait3A_193 = arith.constant 0 : i32
        %dma_wait3A_194 = tpu.memref_slice %arg11[%add3A_185, %dma_wait3A_193] : memref<64x128xi32, #tpu.memory_space<vmem>> -> memref<1x128xi32, #tpu.memory_space<vmem>>
        %dma_wait3A_195 = tpu.memref_squeeze %dma_wait3A_194 : memref<1x128xi32, #tpu.memory_space<vmem>> -> memref<128xi32, #tpu.memory_space<vmem>>
        %dma_wait3A_196 = arith.constant 0 : i32
        %dma_wait3A_197 = arith.constant 0 : i32
        %dma_wait3A_198 = tpu.memref_slice %arg14[%dma_wait3A_196, %dma_wait3A_197] : memref<10112x128xf32, #tpu.memory_space<vmem_shared>> -> memref<10112x128xf32, #tpu.memory_space<vmem_shared>>
        tpu.wait_indirect_dma semaphore(%run_scoped3A_186 : memref<!tpu.dma_semaphore, #tpu.memory_space<semaphore_mem>>) src(%arg13 : memref<128x128xf32, #tpu.memory_space<vmem>>) dst(%dma_wait3A_198 : memref<10112x128xf32, #tpu.memory_space<vmem_shared>>)
        tpu.yield
      }) : () -> ()
    }
    %barrier3A_72 = arith.constant 0 : index
    tpu.barrier barrier_id(%barrier3A_72)
    %mul3A_73 = arith.constant 632 : i32
    %mul3A_74 = arith.muli %arg1, %mul3A_73 : i32
    %mul3A_75 = arith.constant 632 : i32
    %mul3A_76 = arith.muli %arg1, %mul3A_75 : i32
    %run_scoped3A_77 = arith.constant 1 : i32
    "tpu.region"() ({
      %run_scoped3A_155 = tpu.sem_alloc : memref<!tpu.dma_semaphore, #tpu.memory_space<semaphore_mem>>
      %dma_start3A_156 = arith.constant 0 : i32
      %dma_start3A_157 = tpu.memref_slice %arg9[%run_scoped3A_77, %arg0, %mul3A_76, %dma_start3A_156] : memref<4x2x10112x128xf32, #tpu.memory_space<hbm>> -> memref<1x1x632x128xf32, #tpu.memory_space<hbm>>
      %dma_start3A_158 = tpu.memref_squeeze %dma_start3A_157 : memref<1x1x632x128xf32, #tpu.memory_space<hbm>> -> memref<632x128xf32, #tpu.memory_space<hbm>>
      %dma_start3A_159 = arith.constant 0 : i32
      %dma_start3A_160 = tpu.memref_slice %arg14[%mul3A_74, %dma_start3A_159] : memref<10112x128xf32, #tpu.memory_space<vmem_shared>> -> memref<632x128xf32, #tpu.memory_space<vmem_shared>>
      tpu.enqueue_dma source(%dma_start3A_160 : memref<632x128xf32, #tpu.memory_space<vmem_shared>>) target(%dma_start3A_158 : memref<632x128xf32, #tpu.memory_space<hbm>>) target_semaphore(%run_scoped3A_155 : memref<!tpu.dma_semaphore, #tpu.memory_space<semaphore_mem>>)
      %dma_wait3A = arith.constant 0 : i32
      %dma_wait3A_161 = tpu.memref_slice %arg9[%run_scoped3A_77, %arg0, %mul3A_76, %dma_wait3A] : memref<4x2x10112x128xf32, #tpu.memory_space<hbm>> -> memref<1x1x632x128xf32, #tpu.memory_space<hbm>>
      %dma_wait3A_162 = tpu.memref_squeeze %dma_wait3A_161 : memref<1x1x632x128xf32, #tpu.memory_space<hbm>> -> memref<632x128xf32, #tpu.memory_space<hbm>>
      %dma_wait3A_163 = arith.constant 0 : i32
      %dma_wait3A_164 = tpu.memref_slice %arg14[%mul3A_74, %dma_wait3A_163] : memref<10112x128xf32, #tpu.memory_space<vmem_shared>> -> memref<632x128xf32, #tpu.memory_space<vmem_shared>>
      tpu.wait_dma2 semaphore(%run_scoped3A_155 : memref<!tpu.dma_semaphore, #tpu.memory_space<semaphore_mem>>) src(%dma_wait3A_164 : memref<632x128xf32, #tpu.memory_space<vmem_shared>>) dst(%dma_wait3A_162 : memref<632x128xf32, #tpu.memory_space<hbm>>)
      tpu.yield
    }) : () -> ()
    %barrier3A_78 = arith.constant 0 : index
    tpu.barrier barrier_id(%barrier3A_78)
    %mul3A_79 = arith.constant 632 : i32
    %mul3A_80 = arith.muli %arg1, %mul3A_79 : i32
    %mul3A_81 = arith.constant 632 : i32
    %mul3A_82 = arith.muli %arg1, %mul3A_81 : i32
    "tpu.region"() ({
      %run_scoped3A_155 = tpu.sem_alloc : memref<!tpu.dma_semaphore, #tpu.memory_space<semaphore_mem>>
      %dma_start3A_156 = arith.constant 0 : i32
      %dma_start3A_157 = tpu.memref_slice %arg14[%mul3A_82, %dma_start3A_156] : memref<10112x128xf32, #tpu.memory_space<vmem_shared>> -> memref<632x128xf32, #tpu.memory_space<vmem_shared>>
      %dma_start3A_158 = arith.constant 0 : i32
      %dma_start3A_159 = tpu.memref_slice %arg8[%mul3A_80, %dma_start3A_158] : memref<10112x128xf32, #tpu.memory_space<hbm>> -> memref<632x128xf32, #tpu.memory_space<hbm>>
      tpu.enqueue_dma source(%dma_start3A_159 : memref<632x128xf32, #tpu.memory_space<hbm>>) target(%dma_start3A_157 : memref<632x128xf32, #tpu.memory_space<vmem_shared>>) target_semaphore(%run_scoped3A_155 : memref<!tpu.dma_semaphore, #tpu.memory_space<semaphore_mem>>)
      %dma_wait3A = arith.constant 0 : i32
      %dma_wait3A_160 = tpu.memref_slice %arg14[%mul3A_82, %dma_wait3A] : memref<10112x128xf32, #tpu.memory_space<vmem_shared>> -> memref<632x128xf32, #tpu.memory_space<vmem_shared>>
      %dma_wait3A_161 = arith.constant 0 : i32
      %dma_wait3A_162 = tpu.memref_slice %arg8[%mul3A_80, %dma_wait3A_161] : memref<10112x128xf32, #tpu.memory_space<hbm>> -> memref<632x128xf32, #tpu.memory_space<hbm>>
      tpu.wait_dma2 semaphore(%run_scoped3A_155 : memref<!tpu.dma_semaphore, #tpu.memory_space<semaphore_mem>>) src(%dma_wait3A_162 : memref<632x128xf32, #tpu.memory_space<hbm>>) dst(%dma_wait3A_160 : memref<632x128xf32, #tpu.memory_space<vmem_shared>>)
      tpu.yield
    }) : () -> ()
    %barrier3A_83 = arith.constant 0 : index
    tpu.barrier barrier_id(%barrier3A_83)
    %dma_start3A_84 = arith.constant 0 : i32
    %dma_start3A_85 = arith.constant 0 : i32
    %dma_start3A_86 = tpu.memref_slice %arg10[%dma_start3A_84, %dma_start3A_85] : memref<64x128xi32, #tpu.memory_space<vmem>> -> memref<1x128xi32, #tpu.memory_space<vmem>>
    %dma_start3A_87 = tpu.memref_squeeze %dma_start3A_86 : memref<1x128xi32, #tpu.memory_space<vmem>> -> memref<128xi32, #tpu.memory_space<vmem>>
    %dma_start3A_88 = arith.constant 0 : i32
    %dma_start3A_89 = arith.constant 0 : i32
    %dma_start3A_90 = tpu.memref_slice %arg4[%dma_start3A_88, %dma_start3A_89] : memref<10112x128xf32, #tpu.memory_space<hbm>> -> memref<10112x128xf32, #tpu.memory_space<hbm>>
    tpu.enqueue_indirect_dma source(%dma_start3A_90 : memref<10112x128xf32, #tpu.memory_space<hbm>>) target(%arg12 : memref<128x128xf32, #tpu.memory_space<vmem>>) offsets(%dma_start3A_87 : memref<128xi32, #tpu.memory_space<vmem>>) semaphore(%arg15 : memref<!tpu.dma_semaphore, #tpu.memory_space<semaphore_mem>>)
    %sub3A_91 = arith.constant 0 : i32
    %sub3A_92 = arith.subi %select_n3A_8, %sub3A_91 : i32
    %sub3A_93 = arith.constant 1 : i32
    %sub3A_94 = arith.constant 1 : i32
    %sub3A_95 = arith.subi %sub3A_93, %sub3A_94 : i32
    %add3A_96 = arith.addi %sub3A_92, %sub3A_95 : i32
    %div3A_97 = arith.constant 1 : i32
    %div3A_98 = arith.divsi %add3A_96, %div3A_97 : i32
    %while3A_99 = arith.constant 1 : i32
    %while3A_100 = arith.constant 0 : i32
    %while3A_101 = arith.constant 0 : i32
    %while3A_102 = arith.subi %div3A_98, %while3A_101 : i32
    %while3A_103 = arith.addi %while3A_101, %while3A_102 : i32
    %while3A_104 = arith.constant 1 : i32
    %while3A_105 = arith.divsi %while3A_102, %while3A_104 : i32
    %while3A_106 = arith.muli %while3A_105, %while3A_104 : i32
    %while3A_107 = arith.addi %while3A_101, %while3A_106 : i32
    %while3A_108 = arith.constant 1 : i32
    scf.for %while3A_155 = %while3A_101 to %while3A_107 step %while3A_108  : i32 {
      %mul3A_156 = arith.muli %while3A_155, %while3A_99 : i32
      %add3A_157 = arith.addi %while3A_100, %mul3A_156 : i32
      %mul3A_158 = arith.constant 2 : i32
      %mul3A_159 = arith.muli %add3A_157, %mul3A_158 : i32
      %dma_wait3A = arith.constant 0 : i32
      %dma_wait3A_160 = tpu.memref_slice %arg10[%mul3A_159, %dma_wait3A] : memref<64x128xi32, #tpu.memory_space<vmem>> -> memref<1x128xi32, #tpu.memory_space<vmem>>
      %dma_wait3A_161 = tpu.memref_squeeze %dma_wait3A_160 : memref<1x128xi32, #tpu.memory_space<vmem>> -> memref<128xi32, #tpu.memory_space<vmem>>
      %dma_wait3A_162 = arith.constant 0 : i32
      %dma_wait3A_163 = arith.constant 0 : i32
      %dma_wait3A_164 = tpu.memref_slice %arg4[%dma_wait3A_162, %dma_wait3A_163] : memref<10112x128xf32, #tpu.memory_space<hbm>> -> memref<10112x128xf32, #tpu.memory_space<hbm>>
      tpu.wait_indirect_dma semaphore(%arg15 : memref<!tpu.dma_semaphore, #tpu.memory_space<semaphore_mem>>) src(%dma_wait3A_164 : memref<10112x128xf32, #tpu.memory_space<hbm>>) dst(%arg12 : memref<128x128xf32, #tpu.memory_space<vmem>>)
      %add3A_165 = arith.constant 1 : i32
      %add3A_166 = arith.addi %mul3A_159, %add3A_165 : i32
      %dma_start3A_167 = arith.constant 0 : i32
      %dma_start3A_168 = tpu.memref_slice %arg10[%add3A_166, %dma_start3A_167] : memref<64x128xi32, #tpu.memory_space<vmem>> -> memref<1x128xi32, #tpu.memory_space<vmem>>
      %dma_start3A_169 = tpu.memref_squeeze %dma_start3A_168 : memref<1x128xi32, #tpu.memory_space<vmem>> -> memref<128xi32, #tpu.memory_space<vmem>>
      %dma_start3A_170 = arith.constant 0 : i32
      %dma_start3A_171 = arith.constant 0 : i32
      %dma_start3A_172 = tpu.memref_slice %arg4[%dma_start3A_170, %dma_start3A_171] : memref<10112x128xf32, #tpu.memory_space<hbm>> -> memref<10112x128xf32, #tpu.memory_space<hbm>>
      tpu.enqueue_indirect_dma source(%dma_start3A_172 : memref<10112x128xf32, #tpu.memory_space<hbm>>) target(%arg13 : memref<128x128xf32, #tpu.memory_space<vmem>>) offsets(%dma_start3A_169 : memref<128xi32, #tpu.memory_space<vmem>>) semaphore(%arg16 : memref<!tpu.dma_semaphore, #tpu.memory_space<semaphore_mem>>)
      "tpu.region"() ({
        %run_scoped3A_186 = tpu.sem_alloc : memref<!tpu.dma_semaphore, #tpu.memory_space<semaphore_mem>>
        %dma_start3A_187 = arith.constant 0 : i32
        %dma_start3A_188 = tpu.memref_slice %arg11[%mul3A_159, %dma_start3A_187] : memref<64x128xi32, #tpu.memory_space<vmem>> -> memref<1x128xi32, #tpu.memory_space<vmem>>
        %dma_start3A_189 = tpu.memref_squeeze %dma_start3A_188 : memref<1x128xi32, #tpu.memory_space<vmem>> -> memref<128xi32, #tpu.memory_space<vmem>>
        %dma_start3A_190 = arith.constant 0 : i32
        %dma_start3A_191 = arith.constant 0 : i32
        %dma_start3A_192 = tpu.memref_slice %arg14[%dma_start3A_190, %dma_start3A_191] : memref<10112x128xf32, #tpu.memory_space<vmem_shared>> -> memref<10112x128xf32, #tpu.memory_space<vmem_shared>>
        tpu.enqueue_indirect_dma source(%arg12 : memref<128x128xf32, #tpu.memory_space<vmem>>) target(%dma_start3A_192 : memref<10112x128xf32, #tpu.memory_space<vmem_shared>>) offsets(%dma_start3A_189 : memref<128xi32, #tpu.memory_space<vmem>>) semaphore(%run_scoped3A_186 : memref<!tpu.dma_semaphore, #tpu.memory_space<semaphore_mem>>) {add = true}
        %dma_wait3A_193 = arith.constant 0 : i32
        %dma_wait3A_194 = tpu.memref_slice %arg11[%mul3A_159, %dma_wait3A_193] : memref<64x128xi32, #tpu.memory_space<vmem>> -> memref<1x128xi32, #tpu.memory_space<vmem>>
        %dma_wait3A_195 = tpu.memref_squeeze %dma_wait3A_194 : memref<1x128xi32, #tpu.memory_space<vmem>> -> memref<128xi32, #tpu.memory_space<vmem>>
        %dma_wait3A_196 = arith.constant 0 : i32
        %dma_wait3A_197 = arith.constant 0 : i32
        %dma_wait3A_198 = tpu.memref_slice %arg14[%dma_wait3A_196, %dma_wait3A_197] : memref<10112x128xf32, #tpu.memory_space<vmem_shared>> -> memref<10112x128xf32, #tpu.memory_space<vmem_shared>>
        tpu.wait_indirect_dma semaphore(%run_scoped3A_186 : memref<!tpu.dma_semaphore, #tpu.memory_space<semaphore_mem>>) src(%arg12 : memref<128x128xf32, #tpu.memory_space<vmem>>) dst(%dma_wait3A_198 : memref<10112x128xf32, #tpu.memory_space<vmem_shared>>)
        tpu.yield
      }) : () -> ()
      %add3A_173 = arith.constant 1 : i32
      %add3A_174 = arith.addi %mul3A_159, %add3A_173 : i32
      %dma_wait3A_175 = arith.constant 0 : i32
      %dma_wait3A_176 = tpu.memref_slice %arg10[%add3A_174, %dma_wait3A_175] : memref<64x128xi32, #tpu.memory_space<vmem>> -> memref<1x128xi32, #tpu.memory_space<vmem>>
      %dma_wait3A_177 = tpu.memref_squeeze %dma_wait3A_176 : memref<1x128xi32, #tpu.memory_space<vmem>> -> memref<128xi32, #tpu.memory_space<vmem>>
      %dma_wait3A_178 = arith.constant 0 : i32
      %dma_wait3A_179 = arith.constant 0 : i32
      %dma_wait3A_180 = tpu.memref_slice %arg4[%dma_wait3A_178, %dma_wait3A_179] : memref<10112x128xf32, #tpu.memory_space<hbm>> -> memref<10112x128xf32, #tpu.memory_space<hbm>>
      tpu.wait_indirect_dma semaphore(%arg16 : memref<!tpu.dma_semaphore, #tpu.memory_space<semaphore_mem>>) src(%dma_wait3A_180 : memref<10112x128xf32, #tpu.memory_space<hbm>>) dst(%arg13 : memref<128x128xf32, #tpu.memory_space<vmem>>)
      %sub3A_181 = arith.constant 1 : i32
      %sub3A_182 = arith.subi %select_n3A_8, %sub3A_181 : i32
      %lt3A = arith.cmpi slt, %add3A_157, %sub3A_182 : i32
      %convert_element_type3A = arith.extui %lt3A : i1 to i32
      %cond3A = arith.constant 0 : i32
      %cond3A_183 = arith.cmpi ne, %convert_element_type3A, %cond3A : i32
      scf.if %cond3A_183 {
        %add3A_186 = arith.constant 2 : i32
        %add3A_187 = arith.addi %mul3A_159, %add3A_186 : i32
        %dma_start3A_188 = arith.constant 0 : i32
        %dma_start3A_189 = tpu.memref_slice %arg10[%add3A_187, %dma_start3A_188] : memref<64x128xi32, #tpu.memory_space<vmem>> -> memref<1x128xi32, #tpu.memory_space<vmem>>
        %dma_start3A_190 = tpu.memref_squeeze %dma_start3A_189 : memref<1x128xi32, #tpu.memory_space<vmem>> -> memref<128xi32, #tpu.memory_space<vmem>>
        %dma_start3A_191 = arith.constant 0 : i32
        %dma_start3A_192 = arith.constant 0 : i32
        %dma_start3A_193 = tpu.memref_slice %arg4[%dma_start3A_191, %dma_start3A_192] : memref<10112x128xf32, #tpu.memory_space<hbm>> -> memref<10112x128xf32, #tpu.memory_space<hbm>>
        tpu.enqueue_indirect_dma source(%dma_start3A_193 : memref<10112x128xf32, #tpu.memory_space<hbm>>) target(%arg12 : memref<128x128xf32, #tpu.memory_space<vmem>>) offsets(%dma_start3A_190 : memref<128xi32, #tpu.memory_space<vmem>>) semaphore(%arg15 : memref<!tpu.dma_semaphore, #tpu.memory_space<semaphore_mem>>)
      } else {
      }
      %add3A_184 = arith.constant 1 : i32
      %add3A_185 = arith.addi %mul3A_159, %add3A_184 : i32
      "tpu.region"() ({
        %run_scoped3A_186 = tpu.sem_alloc : memref<!tpu.dma_semaphore, #tpu.memory_space<semaphore_mem>>
        %dma_start3A_187 = arith.constant 0 : i32
        %dma_start3A_188 = tpu.memref_slice %arg11[%add3A_185, %dma_start3A_187] : memref<64x128xi32, #tpu.memory_space<vmem>> -> memref<1x128xi32, #tpu.memory_space<vmem>>
        %dma_start3A_189 = tpu.memref_squeeze %dma_start3A_188 : memref<1x128xi32, #tpu.memory_space<vmem>> -> memref<128xi32, #tpu.memory_space<vmem>>
        %dma_start3A_190 = arith.constant 0 : i32
        %dma_start3A_191 = arith.constant 0 : i32
        %dma_start3A_192 = tpu.memref_slice %arg14[%dma_start3A_190, %dma_start3A_191] : memref<10112x128xf32, #tpu.memory_space<vmem_shared>> -> memref<10112x128xf32, #tpu.memory_space<vmem_shared>>
        tpu.enqueue_indirect_dma source(%arg13 : memref<128x128xf32, #tpu.memory_space<vmem>>) target(%dma_start3A_192 : memref<10112x128xf32, #tpu.memory_space<vmem_shared>>) offsets(%dma_start3A_189 : memref<128xi32, #tpu.memory_space<vmem>>) semaphore(%run_scoped3A_186 : memref<!tpu.dma_semaphore, #tpu.memory_space<semaphore_mem>>) {add = true}
        %dma_wait3A_193 = arith.constant 0 : i32
        %dma_wait3A_194 = tpu.memref_slice %arg11[%add3A_185, %dma_wait3A_193] : memref<64x128xi32, #tpu.memory_space<vmem>> -> memref<1x128xi32, #tpu.memory_space<vmem>>
        %dma_wait3A_195 = tpu.memref_squeeze %dma_wait3A_194 : memref<1x128xi32, #tpu.memory_space<vmem>> -> memref<128xi32, #tpu.memory_space<vmem>>
        %dma_wait3A_196 = arith.constant 0 : i32
        %dma_wait3A_197 = arith.constant 0 : i32
        %dma_wait3A_198 = tpu.memref_slice %arg14[%dma_wait3A_196, %dma_wait3A_197] : memref<10112x128xf32, #tpu.memory_space<vmem_shared>> -> memref<10112x128xf32, #tpu.memory_space<vmem_shared>>
        tpu.wait_indirect_dma semaphore(%run_scoped3A_186 : memref<!tpu.dma_semaphore, #tpu.memory_space<semaphore_mem>>) src(%arg13 : memref<128x128xf32, #tpu.memory_space<vmem>>) dst(%dma_wait3A_198 : memref<10112x128xf32, #tpu.memory_space<vmem_shared>>)
        tpu.yield
      }) : () -> ()
    }
    %while3A_109 = arith.constant 1 : i32
    scf.for %while3A_155 = %while3A_107 to %while3A_103 step %while3A_109  : i32 {
      %mul3A_156 = arith.muli %while3A_155, %while3A_99 : i32
      %add3A_157 = arith.addi %while3A_100, %mul3A_156 : i32
      %mul3A_158 = arith.constant 2 : i32
      %mul3A_159 = arith.muli %add3A_157, %mul3A_158 : i32
      %dma_wait3A = arith.constant 0 : i32
      %dma_wait3A_160 = tpu.memref_slice %arg10[%mul3A_159, %dma_wait3A] : memref<64x128xi32, #tpu.memory_space<vmem>> -> memref<1x128xi32, #tpu.memory_space<vmem>>
      %dma_wait3A_161 = tpu.memref_squeeze %dma_wait3A_160 : memref<1x128xi32, #tpu.memory_space<vmem>> -> memref<128xi32, #tpu.memory_space<vmem>>
      %dma_wait3A_162 = arith.constant 0 : i32
      %dma_wait3A_163 = arith.constant 0 : i32
      %dma_wait3A_164 = tpu.memref_slice %arg4[%dma_wait3A_162, %dma_wait3A_163] : memref<10112x128xf32, #tpu.memory_space<hbm>> -> memref<10112x128xf32, #tpu.memory_space<hbm>>
      tpu.wait_indirect_dma semaphore(%arg15 : memref<!tpu.dma_semaphore, #tpu.memory_space<semaphore_mem>>) src(%dma_wait3A_164 : memref<10112x128xf32, #tpu.memory_space<hbm>>) dst(%arg12 : memref<128x128xf32, #tpu.memory_space<vmem>>)
      %add3A_165 = arith.constant 1 : i32
      %add3A_166 = arith.addi %mul3A_159, %add3A_165 : i32
      %dma_start3A_167 = arith.constant 0 : i32
      %dma_start3A_168 = tpu.memref_slice %arg10[%add3A_166, %dma_start3A_167] : memref<64x128xi32, #tpu.memory_space<vmem>> -> memref<1x128xi32, #tpu.memory_space<vmem>>
      %dma_start3A_169 = tpu.memref_squeeze %dma_start3A_168 : memref<1x128xi32, #tpu.memory_space<vmem>> -> memref<128xi32, #tpu.memory_space<vmem>>
      %dma_start3A_170 = arith.constant 0 : i32
      %dma_start3A_171 = arith.constant 0 : i32
      %dma_start3A_172 = tpu.memref_slice %arg4[%dma_start3A_170, %dma_start3A_171] : memref<10112x128xf32, #tpu.memory_space<hbm>> -> memref<10112x128xf32, #tpu.memory_space<hbm>>
      tpu.enqueue_indirect_dma source(%dma_start3A_172 : memref<10112x128xf32, #tpu.memory_space<hbm>>) target(%arg13 : memref<128x128xf32, #tpu.memory_space<vmem>>) offsets(%dma_start3A_169 : memref<128xi32, #tpu.memory_space<vmem>>) semaphore(%arg16 : memref<!tpu.dma_semaphore, #tpu.memory_space<semaphore_mem>>)
      "tpu.region"() ({
        %run_scoped3A_186 = tpu.sem_alloc : memref<!tpu.dma_semaphore, #tpu.memory_space<semaphore_mem>>
        %dma_start3A_187 = arith.constant 0 : i32
        %dma_start3A_188 = tpu.memref_slice %arg11[%mul3A_159, %dma_start3A_187] : memref<64x128xi32, #tpu.memory_space<vmem>> -> memref<1x128xi32, #tpu.memory_space<vmem>>
        %dma_start3A_189 = tpu.memref_squeeze %dma_start3A_188 : memref<1x128xi32, #tpu.memory_space<vmem>> -> memref<128xi32, #tpu.memory_space<vmem>>
        %dma_start3A_190 = arith.constant 0 : i32
        %dma_start3A_191 = arith.constant 0 : i32
        %dma_start3A_192 = tpu.memref_slice %arg14[%dma_start3A_190, %dma_start3A_191] : memref<10112x128xf32, #tpu.memory_space<vmem_shared>> -> memref<10112x128xf32, #tpu.memory_space<vmem_shared>>
        tpu.enqueue_indirect_dma source(%arg12 : memref<128x128xf32, #tpu.memory_space<vmem>>) target(%dma_start3A_192 : memref<10112x128xf32, #tpu.memory_space<vmem_shared>>) offsets(%dma_start3A_189 : memref<128xi32, #tpu.memory_space<vmem>>) semaphore(%run_scoped3A_186 : memref<!tpu.dma_semaphore, #tpu.memory_space<semaphore_mem>>) {add = true}
        %dma_wait3A_193 = arith.constant 0 : i32
        %dma_wait3A_194 = tpu.memref_slice %arg11[%mul3A_159, %dma_wait3A_193] : memref<64x128xi32, #tpu.memory_space<vmem>> -> memref<1x128xi32, #tpu.memory_space<vmem>>
        %dma_wait3A_195 = tpu.memref_squeeze %dma_wait3A_194 : memref<1x128xi32, #tpu.memory_space<vmem>> -> memref<128xi32, #tpu.memory_space<vmem>>
        %dma_wait3A_196 = arith.constant 0 : i32
        %dma_wait3A_197 = arith.constant 0 : i32
        %dma_wait3A_198 = tpu.memref_slice %arg14[%dma_wait3A_196, %dma_wait3A_197] : memref<10112x128xf32, #tpu.memory_space<vmem_shared>> -> memref<10112x128xf32, #tpu.memory_space<vmem_shared>>
        tpu.wait_indirect_dma semaphore(%run_scoped3A_186 : memref<!tpu.dma_semaphore, #tpu.memory_space<semaphore_mem>>) src(%arg12 : memref<128x128xf32, #tpu.memory_space<vmem>>) dst(%dma_wait3A_198 : memref<10112x128xf32, #tpu.memory_space<vmem_shared>>)
        tpu.yield
      }) : () -> ()
      %add3A_173 = arith.constant 1 : i32
      %add3A_174 = arith.addi %mul3A_159, %add3A_173 : i32
      %dma_wait3A_175 = arith.constant 0 : i32
      %dma_wait3A_176 = tpu.memref_slice %arg10[%add3A_174, %dma_wait3A_175] : memref<64x128xi32, #tpu.memory_space<vmem>> -> memref<1x128xi32, #tpu.memory_space<vmem>>
      %dma_wait3A_177 = tpu.memref_squeeze %dma_wait3A_176 : memref<1x128xi32, #tpu.memory_space<vmem>> -> memref<128xi32, #tpu.memory_space<vmem>>
      %dma_wait3A_178 = arith.constant 0 : i32
      %dma_wait3A_179 = arith.constant 0 : i32
      %dma_wait3A_180 = tpu.memref_slice %arg4[%dma_wait3A_178, %dma_wait3A_179] : memref<10112x128xf32, #tpu.memory_space<hbm>> -> memref<10112x128xf32, #tpu.memory_space<hbm>>
      tpu.wait_indirect_dma semaphore(%arg16 : memref<!tpu.dma_semaphore, #tpu.memory_space<semaphore_mem>>) src(%dma_wait3A_180 : memref<10112x128xf32, #tpu.memory_space<hbm>>) dst(%arg13 : memref<128x128xf32, #tpu.memory_space<vmem>>)
      %sub3A_181 = arith.constant 1 : i32
      %sub3A_182 = arith.subi %select_n3A_8, %sub3A_181 : i32
      %lt3A = arith.cmpi slt, %add3A_157, %sub3A_182 : i32
      %convert_element_type3A = arith.extui %lt3A : i1 to i32
      %cond3A = arith.constant 0 : i32
      %cond3A_183 = arith.cmpi ne, %convert_element_type3A, %cond3A : i32
      scf.if %cond3A_183 {
        %add3A_186 = arith.constant 2 : i32
        %add3A_187 = arith.addi %mul3A_159, %add3A_186 : i32
        %dma_start3A_188 = arith.constant 0 : i32
        %dma_start3A_189 = tpu.memref_slice %arg10[%add3A_187, %dma_start3A_188] : memref<64x128xi32, #tpu.memory_space<vmem>> -> memref<1x128xi32, #tpu.memory_space<vmem>>
        %dma_start3A_190 = tpu.memref_squeeze %dma_start3A_189 : memref<1x128xi32, #tpu.memory_space<vmem>> -> memref<128xi32, #tpu.memory_space<vmem>>
        %dma_start3A_191 = arith.constant 0 : i32
        %dma_start3A_192 = arith.constant 0 : i32
        %dma_start3A_193 = tpu.memref_slice %arg4[%dma_start3A_191, %dma_start3A_192] : memref<10112x128xf32, #tpu.memory_space<hbm>> -> memref<10112x128xf32, #tpu.memory_space<hbm>>
        tpu.enqueue_indirect_dma source(%dma_start3A_193 : memref<10112x128xf32, #tpu.memory_space<hbm>>) target(%arg12 : memref<128x128xf32, #tpu.memory_space<vmem>>) offsets(%dma_start3A_190 : memref<128xi32, #tpu.memory_space<vmem>>) semaphore(%arg15 : memref<!tpu.dma_semaphore, #tpu.memory_space<semaphore_mem>>)
      } else {
      }
      %add3A_184 = arith.constant 1 : i32
      %add3A_185 = arith.addi %mul3A_159, %add3A_184 : i32
      "tpu.region"() ({
        %run_scoped3A_186 = tpu.sem_alloc : memref<!tpu.dma_semaphore, #tpu.memory_space<semaphore_mem>>
        %dma_start3A_187 = arith.constant 0 : i32
        %dma_start3A_188 = tpu.memref_slice %arg11[%add3A_185, %dma_start3A_187] : memref<64x128xi32, #tpu.memory_space<vmem>> -> memref<1x128xi32, #tpu.memory_space<vmem>>
        %dma_start3A_189 = tpu.memref_squeeze %dma_start3A_188 : memref<1x128xi32, #tpu.memory_space<vmem>> -> memref<128xi32, #tpu.memory_space<vmem>>
        %dma_start3A_190 = arith.constant 0 : i32
        %dma_start3A_191 = arith.constant 0 : i32
        %dma_start3A_192 = tpu.memref_slice %arg14[%dma_start3A_190, %dma_start3A_191] : memref<10112x128xf32, #tpu.memory_space<vmem_shared>> -> memref<10112x128xf32, #tpu.memory_space<vmem_shared>>
        tpu.enqueue_indirect_dma source(%arg13 : memref<128x128xf32, #tpu.memory_space<vmem>>) target(%dma_start3A_192 : memref<10112x128xf32, #tpu.memory_space<vmem_shared>>) offsets(%dma_start3A_189 : memref<128xi32, #tpu.memory_space<vmem>>) semaphore(%run_scoped3A_186 : memref<!tpu.dma_semaphore, #tpu.memory_space<semaphore_mem>>) {add = true}
        %dma_wait3A_193 = arith.constant 0 : i32
        %dma_wait3A_194 = tpu.memref_slice %arg11[%add3A_185, %dma_wait3A_193] : memref<64x128xi32, #tpu.memory_space<vmem>> -> memref<1x128xi32, #tpu.memory_space<vmem>>
        %dma_wait3A_195 = tpu.memref_squeeze %dma_wait3A_194 : memref<1x128xi32, #tpu.memory_space<vmem>> -> memref<128xi32, #tpu.memory_space<vmem>>
        %dma_wait3A_196 = arith.constant 0 : i32
        %dma_wait3A_197 = arith.constant 0 : i32
        %dma_wait3A_198 = tpu.memref_slice %arg14[%dma_wait3A_196, %dma_wait3A_197] : memref<10112x128xf32, #tpu.memory_space<vmem_shared>> -> memref<10112x128xf32, #tpu.memory_space<vmem_shared>>
        tpu.wait_indirect_dma semaphore(%run_scoped3A_186 : memref<!tpu.dma_semaphore, #tpu.memory_space<semaphore_mem>>) src(%arg13 : memref<128x128xf32, #tpu.memory_space<vmem>>) dst(%dma_wait3A_198 : memref<10112x128xf32, #tpu.memory_space<vmem_shared>>)
        tpu.yield
      }) : () -> ()
    }
    %barrier3A_110 = arith.constant 0 : index
    tpu.barrier barrier_id(%barrier3A_110)
    %mul3A_111 = arith.constant 632 : i32
    %mul3A_112 = arith.muli %arg1, %mul3A_111 : i32
    %mul3A_113 = arith.constant 632 : i32
    %mul3A_114 = arith.muli %arg1, %mul3A_113 : i32
    %run_scoped3A_115 = arith.constant 2 : i32
    "tpu.region"() ({
      %run_scoped3A_155 = tpu.sem_alloc : memref<!tpu.dma_semaphore, #tpu.memory_space<semaphore_mem>>
      %dma_start3A_156 = arith.constant 0 : i32
      %dma_start3A_157 = tpu.memref_slice %arg9[%run_scoped3A_115, %arg0, %mul3A_114, %dma_start3A_156] : memref<4x2x10112x128xf32, #tpu.memory_space<hbm>> -> memref<1x1x632x128xf32, #tpu.memory_space<hbm>>
      %dma_start3A_158 = tpu.memref_squeeze %dma_start3A_157 : memref<1x1x632x128xf32, #tpu.memory_space<hbm>> -> memref<632x128xf32, #tpu.memory_space<hbm>>
      %dma_start3A_159 = arith.constant 0 : i32
      %dma_start3A_160 = tpu.memref_slice %arg14[%mul3A_112, %dma_start3A_159] : memref<10112x128xf32, #tpu.memory_space<vmem_shared>> -> memref<632x128xf32, #tpu.memory_space<vmem_shared>>
      tpu.enqueue_dma source(%dma_start3A_160 : memref<632x128xf32, #tpu.memory_space<vmem_shared>>) target(%dma_start3A_158 : memref<632x128xf32, #tpu.memory_space<hbm>>) target_semaphore(%run_scoped3A_155 : memref<!tpu.dma_semaphore, #tpu.memory_space<semaphore_mem>>)
      %dma_wait3A = arith.constant 0 : i32
      %dma_wait3A_161 = tpu.memref_slice %arg9[%run_scoped3A_115, %arg0, %mul3A_114, %dma_wait3A] : memref<4x2x10112x128xf32, #tpu.memory_space<hbm>> -> memref<1x1x632x128xf32, #tpu.memory_space<hbm>>
      %dma_wait3A_162 = tpu.memref_squeeze %dma_wait3A_161 : memref<1x1x632x128xf32, #tpu.memory_space<hbm>> -> memref<632x128xf32, #tpu.memory_space<hbm>>
      %dma_wait3A_163 = arith.constant 0 : i32
      %dma_wait3A_164 = tpu.memref_slice %arg14[%mul3A_112, %dma_wait3A_163] : memref<10112x128xf32, #tpu.memory_space<vmem_shared>> -> memref<632x128xf32, #tpu.memory_space<vmem_shared>>
      tpu.wait_dma2 semaphore(%run_scoped3A_155 : memref<!tpu.dma_semaphore, #tpu.memory_space<semaphore_mem>>) src(%dma_wait3A_164 : memref<632x128xf32, #tpu.memory_space<vmem_shared>>) dst(%dma_wait3A_162 : memref<632x128xf32, #tpu.memory_space<hbm>>)
      tpu.yield
    }) : () -> ()
    %barrier3A_116 = arith.constant 0 : index
    tpu.barrier barrier_id(%barrier3A_116)
    %mul3A_117 = arith.constant 632 : i32
    %mul3A_118 = arith.muli %arg1, %mul3A_117 : i32
    %mul3A_119 = arith.constant 632 : i32
    %mul3A_120 = arith.muli %arg1, %mul3A_119 : i32
    "tpu.region"() ({
      %run_scoped3A_155 = tpu.sem_alloc : memref<!tpu.dma_semaphore, #tpu.memory_space<semaphore_mem>>
      %dma_start3A_156 = arith.constant 0 : i32
      %dma_start3A_157 = tpu.memref_slice %arg14[%mul3A_120, %dma_start3A_156] : memref<10112x128xf32, #tpu.memory_space<vmem_shared>> -> memref<632x128xf32, #tpu.memory_space<vmem_shared>>
      %dma_start3A_158 = arith.constant 0 : i32
      %dma_start3A_159 = tpu.memref_slice %arg8[%mul3A_118, %dma_start3A_158] : memref<10112x128xf32, #tpu.memory_space<hbm>> -> memref<632x128xf32, #tpu.memory_space<hbm>>
      tpu.enqueue_dma source(%dma_start3A_159 : memref<632x128xf32, #tpu.memory_space<hbm>>) target(%dma_start3A_157 : memref<632x128xf32, #tpu.memory_space<vmem_shared>>) target_semaphore(%run_scoped3A_155 : memref<!tpu.dma_semaphore, #tpu.memory_space<semaphore_mem>>)
      %dma_wait3A = arith.constant 0 : i32
      %dma_wait3A_160 = tpu.memref_slice %arg14[%mul3A_120, %dma_wait3A] : memref<10112x128xf32, #tpu.memory_space<vmem_shared>> -> memref<632x128xf32, #tpu.memory_space<vmem_shared>>
      %dma_wait3A_161 = arith.constant 0 : i32
      %dma_wait3A_162 = tpu.memref_slice %arg8[%mul3A_118, %dma_wait3A_161] : memref<10112x128xf32, #tpu.memory_space<hbm>> -> memref<632x128xf32, #tpu.memory_space<hbm>>
      tpu.wait_dma2 semaphore(%run_scoped3A_155 : memref<!tpu.dma_semaphore, #tpu.memory_space<semaphore_mem>>) src(%dma_wait3A_162 : memref<632x128xf32, #tpu.memory_space<hbm>>) dst(%dma_wait3A_160 : memref<632x128xf32, #tpu.memory_space<vmem_shared>>)
      tpu.yield
    }) : () -> ()
    %barrier3A_121 = arith.constant 0 : index
    tpu.barrier barrier_id(%barrier3A_121)
    %dma_start3A_122 = arith.constant 0 : i32
    %dma_start3A_123 = arith.constant 0 : i32
    %dma_start3A_124 = tpu.memref_slice %arg10[%dma_start3A_122, %dma_start3A_123] : memref<64x128xi32, #tpu.memory_space<vmem>> -> memref<1x128xi32, #tpu.memory_space<vmem>>
    %dma_start3A_125 = tpu.memref_squeeze %dma_start3A_124 : memref<1x128xi32, #tpu.memory_space<vmem>> -> memref<128xi32, #tpu.memory_space<vmem>>
    %dma_start3A_126 = arith.constant 0 : i32
    %dma_start3A_127 = arith.constant 0 : i32
    %dma_start3A_128 = tpu.memref_slice %arg5[%dma_start3A_126, %dma_start3A_127] : memref<10112x128xf32, #tpu.memory_space<hbm>> -> memref<10112x128xf32, #tpu.memory_space<hbm>>
    tpu.enqueue_indirect_dma source(%dma_start3A_128 : memref<10112x128xf32, #tpu.memory_space<hbm>>) target(%arg12 : memref<128x128xf32, #tpu.memory_space<vmem>>) offsets(%dma_start3A_125 : memref<128xi32, #tpu.memory_space<vmem>>) semaphore(%arg15 : memref<!tpu.dma_semaphore, #tpu.memory_space<semaphore_mem>>)
    %sub3A_129 = arith.constant 0 : i32
    %sub3A_130 = arith.subi %select_n3A_8, %sub3A_129 : i32
    %sub3A_131 = arith.constant 1 : i32
    %sub3A_132 = arith.constant 1 : i32
    %sub3A_133 = arith.subi %sub3A_131, %sub3A_132 : i32
    %add3A_134 = arith.addi %sub3A_130, %sub3A_133 : i32
    %div3A_135 = arith.constant 1 : i32
    %div3A_136 = arith.divsi %add3A_134, %div3A_135 : i32
    %while3A_137 = arith.constant 1 : i32
    %while3A_138 = arith.constant 0 : i32
    %while3A_139 = arith.constant 0 : i32
    %while3A_140 = arith.subi %div3A_136, %while3A_139 : i32
    %while3A_141 = arith.addi %while3A_139, %while3A_140 : i32
    %while3A_142 = arith.constant 1 : i32
    %while3A_143 = arith.divsi %while3A_140, %while3A_142 : i32
    %while3A_144 = arith.muli %while3A_143, %while3A_142 : i32
    %while3A_145 = arith.addi %while3A_139, %while3A_144 : i32
    %while3A_146 = arith.constant 1 : i32
    scf.for %while3A_155 = %while3A_139 to %while3A_145 step %while3A_146  : i32 {
      %mul3A_156 = arith.muli %while3A_155, %while3A_137 : i32
      %add3A_157 = arith.addi %while3A_138, %mul3A_156 : i32
      %mul3A_158 = arith.constant 2 : i32
      %mul3A_159 = arith.muli %add3A_157, %mul3A_158 : i32
      %dma_wait3A = arith.constant 0 : i32
      %dma_wait3A_160 = tpu.memref_slice %arg10[%mul3A_159, %dma_wait3A] : memref<64x128xi32, #tpu.memory_space<vmem>> -> memref<1x128xi32, #tpu.memory_space<vmem>>
      %dma_wait3A_161 = tpu.memref_squeeze %dma_wait3A_160 : memref<1x128xi32, #tpu.memory_space<vmem>> -> memref<128xi32, #tpu.memory_space<vmem>>
      %dma_wait3A_162 = arith.constant 0 : i32
      %dma_wait3A_163 = arith.constant 0 : i32
      %dma_wait3A_164 = tpu.memref_slice %arg5[%dma_wait3A_162, %dma_wait3A_163] : memref<10112x128xf32, #tpu.memory_space<hbm>> -> memref<10112x128xf32, #tpu.memory_space<hbm>>
      tpu.wait_indirect_dma semaphore(%arg15 : memref<!tpu.dma_semaphore, #tpu.memory_space<semaphore_mem>>) src(%dma_wait3A_164 : memref<10112x128xf32, #tpu.memory_space<hbm>>) dst(%arg12 : memref<128x128xf32, #tpu.memory_space<vmem>>)
      %add3A_165 = arith.constant 1 : i32
      %add3A_166 = arith.addi %mul3A_159, %add3A_165 : i32
      %dma_start3A_167 = arith.constant 0 : i32
      %dma_start3A_168 = tpu.memref_slice %arg10[%add3A_166, %dma_start3A_167] : memref<64x128xi32, #tpu.memory_space<vmem>> -> memref<1x128xi32, #tpu.memory_space<vmem>>
      %dma_start3A_169 = tpu.memref_squeeze %dma_start3A_168 : memref<1x128xi32, #tpu.memory_space<vmem>> -> memref<128xi32, #tpu.memory_space<vmem>>
      %dma_start3A_170 = arith.constant 0 : i32
      %dma_start3A_171 = arith.constant 0 : i32
      %dma_start3A_172 = tpu.memref_slice %arg5[%dma_start3A_170, %dma_start3A_171] : memref<10112x128xf32, #tpu.memory_space<hbm>> -> memref<10112x128xf32, #tpu.memory_space<hbm>>
      tpu.enqueue_indirect_dma source(%dma_start3A_172 : memref<10112x128xf32, #tpu.memory_space<hbm>>) target(%arg13 : memref<128x128xf32, #tpu.memory_space<vmem>>) offsets(%dma_start3A_169 : memref<128xi32, #tpu.memory_space<vmem>>) semaphore(%arg16 : memref<!tpu.dma_semaphore, #tpu.memory_space<semaphore_mem>>)
      "tpu.region"() ({
        %run_scoped3A_186 = tpu.sem_alloc : memref<!tpu.dma_semaphore, #tpu.memory_space<semaphore_mem>>
        %dma_start3A_187 = arith.constant 0 : i32
        %dma_start3A_188 = tpu.memref_slice %arg11[%mul3A_159, %dma_start3A_187] : memref<64x128xi32, #tpu.memory_space<vmem>> -> memref<1x128xi32, #tpu.memory_space<vmem>>
        %dma_start3A_189 = tpu.memref_squeeze %dma_start3A_188 : memref<1x128xi32, #tpu.memory_space<vmem>> -> memref<128xi32, #tpu.memory_space<vmem>>
        %dma_start3A_190 = arith.constant 0 : i32
        %dma_start3A_191 = arith.constant 0 : i32
        %dma_start3A_192 = tpu.memref_slice %arg14[%dma_start3A_190, %dma_start3A_191] : memref<10112x128xf32, #tpu.memory_space<vmem_shared>> -> memref<10112x128xf32, #tpu.memory_space<vmem_shared>>
        tpu.enqueue_indirect_dma source(%arg12 : memref<128x128xf32, #tpu.memory_space<vmem>>) target(%dma_start3A_192 : memref<10112x128xf32, #tpu.memory_space<vmem_shared>>) offsets(%dma_start3A_189 : memref<128xi32, #tpu.memory_space<vmem>>) semaphore(%run_scoped3A_186 : memref<!tpu.dma_semaphore, #tpu.memory_space<semaphore_mem>>) {add = true}
        %dma_wait3A_193 = arith.constant 0 : i32
        %dma_wait3A_194 = tpu.memref_slice %arg11[%mul3A_159, %dma_wait3A_193] : memref<64x128xi32, #tpu.memory_space<vmem>> -> memref<1x128xi32, #tpu.memory_space<vmem>>
        %dma_wait3A_195 = tpu.memref_squeeze %dma_wait3A_194 : memref<1x128xi32, #tpu.memory_space<vmem>> -> memref<128xi32, #tpu.memory_space<vmem>>
        %dma_wait3A_196 = arith.constant 0 : i32
        %dma_wait3A_197 = arith.constant 0 : i32
        %dma_wait3A_198 = tpu.memref_slice %arg14[%dma_wait3A_196, %dma_wait3A_197] : memref<10112x128xf32, #tpu.memory_space<vmem_shared>> -> memref<10112x128xf32, #tpu.memory_space<vmem_shared>>
        tpu.wait_indirect_dma semaphore(%run_scoped3A_186 : memref<!tpu.dma_semaphore, #tpu.memory_space<semaphore_mem>>) src(%arg12 : memref<128x128xf32, #tpu.memory_space<vmem>>) dst(%dma_wait3A_198 : memref<10112x128xf32, #tpu.memory_space<vmem_shared>>)
        tpu.yield
      }) : () -> ()
      %add3A_173 = arith.constant 1 : i32
      %add3A_174 = arith.addi %mul3A_159, %add3A_173 : i32
      %dma_wait3A_175 = arith.constant 0 : i32
      %dma_wait3A_176 = tpu.memref_slice %arg10[%add3A_174, %dma_wait3A_175] : memref<64x128xi32, #tpu.memory_space<vmem>> -> memref<1x128xi32, #tpu.memory_space<vmem>>
      %dma_wait3A_177 = tpu.memref_squeeze %dma_wait3A_176 : memref<1x128xi32, #tpu.memory_space<vmem>> -> memref<128xi32, #tpu.memory_space<vmem>>
      %dma_wait3A_178 = arith.constant 0 : i32
      %dma_wait3A_179 = arith.constant 0 : i32
      %dma_wait3A_180 = tpu.memref_slice %arg5[%dma_wait3A_178, %dma_wait3A_179] : memref<10112x128xf32, #tpu.memory_space<hbm>> -> memref<10112x128xf32, #tpu.memory_space<hbm>>
      tpu.wait_indirect_dma semaphore(%arg16 : memref<!tpu.dma_semaphore, #tpu.memory_space<semaphore_mem>>) src(%dma_wait3A_180 : memref<10112x128xf32, #tpu.memory_space<hbm>>) dst(%arg13 : memref<128x128xf32, #tpu.memory_space<vmem>>)
      %sub3A_181 = arith.constant 1 : i32
      %sub3A_182 = arith.subi %select_n3A_8, %sub3A_181 : i32
      %lt3A = arith.cmpi slt, %add3A_157, %sub3A_182 : i32
      %convert_element_type3A = arith.extui %lt3A : i1 to i32
      %cond3A = arith.constant 0 : i32
      %cond3A_183 = arith.cmpi ne, %convert_element_type3A, %cond3A : i32
      scf.if %cond3A_183 {
        %add3A_186 = arith.constant 2 : i32
        %add3A_187 = arith.addi %mul3A_159, %add3A_186 : i32
        %dma_start3A_188 = arith.constant 0 : i32
        %dma_start3A_189 = tpu.memref_slice %arg10[%add3A_187, %dma_start3A_188] : memref<64x128xi32, #tpu.memory_space<vmem>> -> memref<1x128xi32, #tpu.memory_space<vmem>>
        %dma_start3A_190 = tpu.memref_squeeze %dma_start3A_189 : memref<1x128xi32, #tpu.memory_space<vmem>> -> memref<128xi32, #tpu.memory_space<vmem>>
        %dma_start3A_191 = arith.constant 0 : i32
        %dma_start3A_192 = arith.constant 0 : i32
        %dma_start3A_193 = tpu.memref_slice %arg5[%dma_start3A_191, %dma_start3A_192] : memref<10112x128xf32, #tpu.memory_space<hbm>> -> memref<10112x128xf32, #tpu.memory_space<hbm>>
        tpu.enqueue_indirect_dma source(%dma_start3A_193 : memref<10112x128xf32, #tpu.memory_space<hbm>>) target(%arg12 : memref<128x128xf32, #tpu.memory_space<vmem>>) offsets(%dma_start3A_190 : memref<128xi32, #tpu.memory_space<vmem>>) semaphore(%arg15 : memref<!tpu.dma_semaphore, #tpu.memory_space<semaphore_mem>>)
      } else {
      }
      %add3A_184 = arith.constant 1 : i32
      %add3A_185 = arith.addi %mul3A_159, %add3A_184 : i32
      "tpu.region"() ({
        %run_scoped3A_186 = tpu.sem_alloc : memref<!tpu.dma_semaphore, #tpu.memory_space<semaphore_mem>>
        %dma_start3A_187 = arith.constant 0 : i32
        %dma_start3A_188 = tpu.memref_slice %arg11[%add3A_185, %dma_start3A_187] : memref<64x128xi32, #tpu.memory_space<vmem>> -> memref<1x128xi32, #tpu.memory_space<vmem>>
        %dma_start3A_189 = tpu.memref_squeeze %dma_start3A_188 : memref<1x128xi32, #tpu.memory_space<vmem>> -> memref<128xi32, #tpu.memory_space<vmem>>
        %dma_start3A_190 = arith.constant 0 : i32
        %dma_start3A_191 = arith.constant 0 : i32
        %dma_start3A_192 = tpu.memref_slice %arg14[%dma_start3A_190, %dma_start3A_191] : memref<10112x128xf32, #tpu.memory_space<vmem_shared>> -> memref<10112x128xf32, #tpu.memory_space<vmem_shared>>
        tpu.enqueue_indirect_dma source(%arg13 : memref<128x128xf32, #tpu.memory_space<vmem>>) target(%dma_start3A_192 : memref<10112x128xf32, #tpu.memory_space<vmem_shared>>) offsets(%dma_start3A_189 : memref<128xi32, #tpu.memory_space<vmem>>) semaphore(%run_scoped3A_186 : memref<!tpu.dma_semaphore, #tpu.memory_space<semaphore_mem>>) {add = true}
        %dma_wait3A_193 = arith.constant 0 : i32
        %dma_wait3A_194 = tpu.memref_slice %arg11[%add3A_185, %dma_wait3A_193] : memref<64x128xi32, #tpu.memory_space<vmem>> -> memref<1x128xi32, #tpu.memory_space<vmem>>
        %dma_wait3A_195 = tpu.memref_squeeze %dma_wait3A_194 : memref<1x128xi32, #tpu.memory_space<vmem>> -> memref<128xi32, #tpu.memory_space<vmem>>
        %dma_wait3A_196 = arith.constant 0 : i32
        %dma_wait3A_197 = arith.constant 0 : i32
        %dma_wait3A_198 = tpu.memref_slice %arg14[%dma_wait3A_196, %dma_wait3A_197] : memref<10112x128xf32, #tpu.memory_space<vmem_shared>> -> memref<10112x128xf32, #tpu.memory_space<vmem_shared>>
        tpu.wait_indirect_dma semaphore(%run_scoped3A_186 : memref<!tpu.dma_semaphore, #tpu.memory_space<semaphore_mem>>) src(%arg13 : memref<128x128xf32, #tpu.memory_space<vmem>>) dst(%dma_wait3A_198 : memref<10112x128xf32, #tpu.memory_space<vmem_shared>>)
        tpu.yield
      }) : () -> ()
    }
    %while3A_147 = arith.constant 1 : i32
    scf.for %while3A_155 = %while3A_145 to %while3A_141 step %while3A_147  : i32 {
      %mul3A_156 = arith.muli %while3A_155, %while3A_137 : i32
      %add3A_157 = arith.addi %while3A_138, %mul3A_156 : i32
      %mul3A_158 = arith.constant 2 : i32
      %mul3A_159 = arith.muli %add3A_157, %mul3A_158 : i32
      %dma_wait3A = arith.constant 0 : i32
      %dma_wait3A_160 = tpu.memref_slice %arg10[%mul3A_159, %dma_wait3A] : memref<64x128xi32, #tpu.memory_space<vmem>> -> memref<1x128xi32, #tpu.memory_space<vmem>>
      %dma_wait3A_161 = tpu.memref_squeeze %dma_wait3A_160 : memref<1x128xi32, #tpu.memory_space<vmem>> -> memref<128xi32, #tpu.memory_space<vmem>>
      %dma_wait3A_162 = arith.constant 0 : i32
      %dma_wait3A_163 = arith.constant 0 : i32
      %dma_wait3A_164 = tpu.memref_slice %arg5[%dma_wait3A_162, %dma_wait3A_163] : memref<10112x128xf32, #tpu.memory_space<hbm>> -> memref<10112x128xf32, #tpu.memory_space<hbm>>
      tpu.wait_indirect_dma semaphore(%arg15 : memref<!tpu.dma_semaphore, #tpu.memory_space<semaphore_mem>>) src(%dma_wait3A_164 : memref<10112x128xf32, #tpu.memory_space<hbm>>) dst(%arg12 : memref<128x128xf32, #tpu.memory_space<vmem>>)
      %add3A_165 = arith.constant 1 : i32
      %add3A_166 = arith.addi %mul3A_159, %add3A_165 : i32
      %dma_start3A_167 = arith.constant 0 : i32
      %dma_start3A_168 = tpu.memref_slice %arg10[%add3A_166, %dma_start3A_167] : memref<64x128xi32, #tpu.memory_space<vmem>> -> memref<1x128xi32, #tpu.memory_space<vmem>>
      %dma_start3A_169 = tpu.memref_squeeze %dma_start3A_168 : memref<1x128xi32, #tpu.memory_space<vmem>> -> memref<128xi32, #tpu.memory_space<vmem>>
      %dma_start3A_170 = arith.constant 0 : i32
      %dma_start3A_171 = arith.constant 0 : i32
      %dma_start3A_172 = tpu.memref_slice %arg5[%dma_start3A_170, %dma_start3A_171] : memref<10112x128xf32, #tpu.memory_space<hbm>> -> memref<10112x128xf32, #tpu.memory_space<hbm>>
      tpu.enqueue_indirect_dma source(%dma_start3A_172 : memref<10112x128xf32, #tpu.memory_space<hbm>>) target(%arg13 : memref<128x128xf32, #tpu.memory_space<vmem>>) offsets(%dma_start3A_169 : memref<128xi32, #tpu.memory_space<vmem>>) semaphore(%arg16 : memref<!tpu.dma_semaphore, #tpu.memory_space<semaphore_mem>>)
      "tpu.region"() ({
        %run_scoped3A_186 = tpu.sem_alloc : memref<!tpu.dma_semaphore, #tpu.memory_space<semaphore_mem>>
        %dma_start3A_187 = arith.constant 0 : i32
        %dma_start3A_188 = tpu.memref_slice %arg11[%mul3A_159, %dma_start3A_187] : memref<64x128xi32, #tpu.memory_space<vmem>> -> memref<1x128xi32, #tpu.memory_space<vmem>>
        %dma_start3A_189 = tpu.memref_squeeze %dma_start3A_188 : memref<1x128xi32, #tpu.memory_space<vmem>> -> memref<128xi32, #tpu.memory_space<vmem>>
        %dma_start3A_190 = arith.constant 0 : i32
        %dma_start3A_191 = arith.constant 0 : i32
        %dma_start3A_192 = tpu.memref_slice %arg14[%dma_start3A_190, %dma_start3A_191] : memref<10112x128xf32, #tpu.memory_space<vmem_shared>> -> memref<10112x128xf32, #tpu.memory_space<vmem_shared>>
        tpu.enqueue_indirect_dma source(%arg12 : memref<128x128xf32, #tpu.memory_space<vmem>>) target(%dma_start3A_192 : memref<10112x128xf32, #tpu.memory_space<vmem_shared>>) offsets(%dma_start3A_189 : memref<128xi32, #tpu.memory_space<vmem>>) semaphore(%run_scoped3A_186 : memref<!tpu.dma_semaphore, #tpu.memory_space<semaphore_mem>>) {add = true}
        %dma_wait3A_193 = arith.constant 0 : i32
        %dma_wait3A_194 = tpu.memref_slice %arg11[%mul3A_159, %dma_wait3A_193] : memref<64x128xi32, #tpu.memory_space<vmem>> -> memref<1x128xi32, #tpu.memory_space<vmem>>
        %dma_wait3A_195 = tpu.memref_squeeze %dma_wait3A_194 : memref<1x128xi32, #tpu.memory_space<vmem>> -> memref<128xi32, #tpu.memory_space<vmem>>
        %dma_wait3A_196 = arith.constant 0 : i32
        %dma_wait3A_197 = arith.constant 0 : i32
        %dma_wait3A_198 = tpu.memref_slice %arg14[%dma_wait3A_196, %dma_wait3A_197] : memref<10112x128xf32, #tpu.memory_space<vmem_shared>> -> memref<10112x128xf32, #tpu.memory_space<vmem_shared>>
        tpu.wait_indirect_dma semaphore(%run_scoped3A_186 : memref<!tpu.dma_semaphore, #tpu.memory_space<semaphore_mem>>) src(%arg12 : memref<128x128xf32, #tpu.memory_space<vmem>>) dst(%dma_wait3A_198 : memref<10112x128xf32, #tpu.memory_space<vmem_shared>>)
        tpu.yield
      }) : () -> ()
      %add3A_173 = arith.constant 1 : i32
      %add3A_174 = arith.addi %mul3A_159, %add3A_173 : i32
      %dma_wait3A_175 = arith.constant 0 : i32
      %dma_wait3A_176 = tpu.memref_slice %arg10[%add3A_174, %dma_wait3A_175] : memref<64x128xi32, #tpu.memory_space<vmem>> -> memref<1x128xi32, #tpu.memory_space<vmem>>
      %dma_wait3A_177 = tpu.memref_squeeze %dma_wait3A_176 : memref<1x128xi32, #tpu.memory_space<vmem>> -> memref<128xi32, #tpu.memory_space<vmem>>
      %dma_wait3A_178 = arith.constant 0 : i32
      %dma_wait3A_179 = arith.constant 0 : i32
      %dma_wait3A_180 = tpu.memref_slice %arg5[%dma_wait3A_178, %dma_wait3A_179] : memref<10112x128xf32, #tpu.memory_space<hbm>> -> memref<10112x128xf32, #tpu.memory_space<hbm>>
      tpu.wait_indirect_dma semaphore(%arg16 : memref<!tpu.dma_semaphore, #tpu.memory_space<semaphore_mem>>) src(%dma_wait3A_180 : memref<10112x128xf32, #tpu.memory_space<hbm>>) dst(%arg13 : memref<128x128xf32, #tpu.memory_space<vmem>>)
      %sub3A_181 = arith.constant 1 : i32
      %sub3A_182 = arith.subi %select_n3A_8, %sub3A_181 : i32
      %lt3A = arith.cmpi slt, %add3A_157, %sub3A_182 : i32
      %convert_element_type3A = arith.extui %lt3A : i1 to i32
      %cond3A = arith.constant 0 : i32
      %cond3A_183 = arith.cmpi ne, %convert_element_type3A, %cond3A : i32
      scf.if %cond3A_183 {
        %add3A_186 = arith.constant 2 : i32
        %add3A_187 = arith.addi %mul3A_159, %add3A_186 : i32
        %dma_start3A_188 = arith.constant 0 : i32
        %dma_start3A_189 = tpu.memref_slice %arg10[%add3A_187, %dma_start3A_188] : memref<64x128xi32, #tpu.memory_space<vmem>> -> memref<1x128xi32, #tpu.memory_space<vmem>>
        %dma_start3A_190 = tpu.memref_squeeze %dma_start3A_189 : memref<1x128xi32, #tpu.memory_space<vmem>> -> memref<128xi32, #tpu.memory_space<vmem>>
        %dma_start3A_191 = arith.constant 0 : i32
        %dma_start3A_192 = arith.constant 0 : i32
        %dma_start3A_193 = tpu.memref_slice %arg5[%dma_start3A_191, %dma_start3A_192] : memref<10112x128xf32, #tpu.memory_space<hbm>> -> memref<10112x128xf32, #tpu.memory_space<hbm>>
        tpu.enqueue_indirect_dma source(%dma_start3A_193 : memref<10112x128xf32, #tpu.memory_space<hbm>>) target(%arg12 : memref<128x128xf32, #tpu.memory_space<vmem>>) offsets(%dma_start3A_190 : memref<128xi32, #tpu.memory_space<vmem>>) semaphore(%arg15 : memref<!tpu.dma_semaphore, #tpu.memory_space<semaphore_mem>>)
      } else {
      }
      %add3A_184 = arith.constant 1 : i32
      %add3A_185 = arith.addi %mul3A_159, %add3A_184 : i32
      "tpu.region"() ({
        %run_scoped3A_186 = tpu.sem_alloc : memref<!tpu.dma_semaphore, #tpu.memory_space<semaphore_mem>>
        %dma_start3A_187 = arith.constant 0 : i32
        %dma_start3A_188 = tpu.memref_slice %arg11[%add3A_185, %dma_start3A_187] : memref<64x128xi32, #tpu.memory_space<vmem>> -> memref<1x128xi32, #tpu.memory_space<vmem>>
        %dma_start3A_189 = tpu.memref_squeeze %dma_start3A_188 : memref<1x128xi32, #tpu.memory_space<vmem>> -> memref<128xi32, #tpu.memory_space<vmem>>
        %dma_start3A_190 = arith.constant 0 : i32
        %dma_start3A_191 = arith.constant 0 : i32
        %dma_start3A_192 = tpu.memref_slice %arg14[%dma_start3A_190, %dma_start3A_191] : memref<10112x128xf32, #tpu.memory_space<vmem_shared>> -> memref<10112x128xf32, #tpu.memory_space<vmem_shared>>
        tpu.enqueue_indirect_dma source(%arg13 : memref<128x128xf32, #tpu.memory_space<vmem>>) target(%dma_start3A_192 : memref<10112x128xf32, #tpu.memory_space<vmem_shared>>) offsets(%dma_start3A_189 : memref<128xi32, #tpu.memory_space<vmem>>) semaphore(%run_scoped3A_186 : memref<!tpu.dma_semaphore, #tpu.memory_space<semaphore_mem>>) {add = true}
        %dma_wait3A_193 = arith.constant 0 : i32
        %dma_wait3A_194 = tpu.memref_slice %arg11[%add3A_185, %dma_wait3A_193] : memref<64x128xi32, #tpu.memory_space<vmem>> -> memref<1x128xi32, #tpu.memory_space<vmem>>
        %dma_wait3A_195 = tpu.memref_squeeze %dma_wait3A_194 : memref<1x128xi32, #tpu.memory_space<vmem>> -> memref<128xi32, #tpu.memory_space<vmem>>
        %dma_wait3A_196 = arith.constant 0 : i32
        %dma_wait3A_197 = arith.constant 0 : i32
        %dma_wait3A_198 = tpu.memref_slice %arg14[%dma_wait3A_196, %dma_wait3A_197] : memref<10112x128xf32, #tpu.memory_space<vmem_shared>> -> memref<10112x128xf32, #tpu.memory_space<vmem_shared>>
        tpu.wait_indirect_dma semaphore(%run_scoped3A_186 : memref<!tpu.dma_semaphore, #tpu.memory_space<semaphore_mem>>) src(%arg13 : memref<128x128xf32, #tpu.memory_space<vmem>>) dst(%dma_wait3A_198 : memref<10112x128xf32, #tpu.memory_space<vmem_shared>>)
        tpu.yield
      }) : () -> ()
    }
    %barrier3A_148 = arith.constant 0 : index
    tpu.barrier barrier_id(%barrier3A_148)
    %mul3A_149 = arith.constant 632 : i32
    %mul3A_150 = arith.muli %arg1, %mul3A_149 : i32
    %mul3A_151 = arith.constant 632 : i32
    %mul3A_152 = arith.muli %arg1, %mul3A_151 : i32
    %run_scoped3A_153 = arith.constant 3 : i32
    "tpu.region"() ({
      %run_scoped3A_155 = tpu.sem_alloc : memref<!tpu.dma_semaphore, #tpu.memory_space<semaphore_mem>>
      %dma_start3A_156 = arith.constant 0 : i32
      %dma_start3A_157 = tpu.memref_slice %arg9[%run_scoped3A_153, %arg0, %mul3A_152, %dma_start3A_156] : memref<4x2x10112x128xf32, #tpu.memory_space<hbm>> -> memref<1x1x632x128xf32, #tpu.memory_space<hbm>>
      %dma_start3A_158 = tpu.memref_squeeze %dma_start3A_157 : memref<1x1x632x128xf32, #tpu.memory_space<hbm>> -> memref<632x128xf32, #tpu.memory_space<hbm>>
      %dma_start3A_159 = arith.constant 0 : i32
      %dma_start3A_160 = tpu.memref_slice %arg14[%mul3A_150, %dma_start3A_159] : memref<10112x128xf32, #tpu.memory_space<vmem_shared>> -> memref<632x128xf32, #tpu.memory_space<vmem_shared>>
      tpu.enqueue_dma source(%dma_start3A_160 : memref<632x128xf32, #tpu.memory_space<vmem_shared>>) target(%dma_start3A_158 : memref<632x128xf32, #tpu.memory_space<hbm>>) target_semaphore(%run_scoped3A_155 : memref<!tpu.dma_semaphore, #tpu.memory_space<semaphore_mem>>)
      %dma_wait3A = arith.constant 0 : i32
      %dma_wait3A_161 = tpu.memref_slice %arg9[%run_scoped3A_153, %arg0, %mul3A_152, %dma_wait3A] : memref<4x2x10112x128xf32, #tpu.memory_space<hbm>> -> memref<1x1x632x128xf32, #tpu.memory_space<hbm>>
      %dma_wait3A_162 = tpu.memref_squeeze %dma_wait3A_161 : memref<1x1x632x128xf32, #tpu.memory_space<hbm>> -> memref<632x128xf32, #tpu.memory_space<hbm>>
      %dma_wait3A_163 = arith.constant 0 : i32
      %dma_wait3A_164 = tpu.memref_slice %arg14[%mul3A_150, %dma_wait3A_163] : memref<10112x128xf32, #tpu.memory_space<vmem_shared>> -> memref<632x128xf32, #tpu.memory_space<vmem_shared>>
      tpu.wait_dma2 semaphore(%run_scoped3A_155 : memref<!tpu.dma_semaphore, #tpu.memory_space<semaphore_mem>>) src(%dma_wait3A_164 : memref<632x128xf32, #tpu.memory_space<vmem_shared>>) dst(%dma_wait3A_162 : memref<632x128xf32, #tpu.memory_space<hbm>>)
      tpu.yield
    }) : () -> ()
    %barrier3A_154 = arith.constant 0 : index
    tpu.barrier barrier_id(%barrier3A_154)
    return
  }
}

module attributes {stable_mosaic.version = 14 : i64} {
  func.func @_tc1_body(%arg0: i32, %arg1: memref<1264x256xf32, #tpu.memory_space<vmem>>, %arg2: memref<2x1264x128xf32, #tpu.memory_space<vmem>>, %arg3: memref<256x512xf32, #tpu.memory_space<vmem>>, %arg4: memref<1264x128xf32, #tpu.memory_space<vmem>>, %arg5: memref<1264x128xf32, #tpu.memory_space<vmem>>, %arg6: memref<1264x128xf32, #tpu.memory_space<vmem>>, %arg7: memref<1264x128xf32, #tpu.memory_space<vmem>>) attributes {dimension_semantics = [#tpu.dimension_semantics<arbitrary>], iteration_bounds = array<i64: 8>, scalar_prefetch = 0 : i64, scratch_operands = 0 : i64, tpu.core_type = #tpu.core_type<tc>, window_params = [{transform_indices = @transform_0, window_bounds = array<i64: 1264, 256>}, {transform_indices = @transform_1, window_bounds = array<i64: 2, 1264, 128>}, {pipeline_mode = #tpu.pipeline_mode<synchronous>, transform_indices = @transform_2, window_bounds = array<i64: 256, 512>}, {transform_indices = @transform_3, window_bounds = array<i64: 1264, 128>}, {transform_indices = @transform_4, window_bounds = array<i64: 1264, 128>}, {transform_indices = @transform_5, window_bounds = array<i64: 1264, 128>}, {transform_indices = @transform_6, window_bounds = array<i64: 1264, 128>}]} {
    %get3A = arith.constant 0 : index
    %get3A_0 = arith.constant 0 : index
    %get3A_1 = arith.constant 0 : index
    %get3A_2 = vector.load %arg2[%get3A, %get3A_0, %get3A_1] : memref<2x1264x128xf32, #tpu.memory_space<vmem>>, vector<2x1264x128xf32>
    %slice3A = vector.extract_strided_slice %get3A_2 {offsets = [0, 0, 0], sizes = [1, 1264, 1], strides = [1, 1, 1]} : vector<2x1264x128xf32> to vector<1x1264x1xf32>
    %squeeze3A = vector.shape_cast %slice3A : vector<1x1264x1xf32> to vector<1264xf32>
    %slice3A_3 = vector.extract_strided_slice %get3A_2 {offsets = [1, 0, 0], sizes = [1, 1264, 1], strides = [1, 1, 1]} : vector<2x1264x128xf32> to vector<1x1264x1xf32>
    %squeeze3A_4 = vector.shape_cast %slice3A_3 : vector<1x1264x1xf32> to vector<1264xf32>
    %add3A = arith.addf %squeeze3A, %squeeze3A_4 : vector<1264xf32>
    %add3A_5 = arith.constant 1.000000e+00 : f32
    %add3A_6 = vector.broadcast %add3A_5 : f32 to vector<1264xf32>
    %add3A_7 = arith.addf %add3A, %add3A_6 : vector<1264xf32>
    %rsqrt3A = math.rsqrt %add3A_7 : vector<1264xf32>
    %get3A_8 = arith.constant 0 : index
    %get3A_9 = arith.constant 0 : index
    %get3A_10 = vector.load %arg1[%get3A_8, %get3A_9] : memref<1264x256xf32, #tpu.memory_space<vmem>>, vector<1264x256xf32>
    %get3A_11 = arith.constant 0 : index
    %get3A_12 = arith.constant 0 : index
    %get3A_13 = vector.load %arg3[%get3A_11, %get3A_12] : memref<256x512xf32, #tpu.memory_space<vmem>>, vector<256x512xf32>
    %dot_general3A = arith.constant dense<0.000000e+00> : vector<1264x512xf32>
    %dot_general3A_14 = tpu.matmul %get3A_10, %get3A_13, %dot_general3A {dimension_numbers = #tpu.dot_dimension_numbers<[1], [0], [0], [1], [0, 0, 1, 1], [], []>, transpose_lhs_hint = false} : vector<1264x256xf32>, vector<256x512xf32>, vector<1264x512xf32> -> vector<1264x512xf32>
    %broadcast_in_dim3A = vector.shape_cast %rsqrt3A : vector<1264xf32> to vector<1264x1xf32>
    %mul3A = vector.broadcast %broadcast_in_dim3A : vector<1264x1xf32> to vector<1264x512xf32>
    %mul3A_15 = arith.mulf %dot_general3A_14, %mul3A : vector<1264x512xf32>
    %slice3A_16 = vector.extract_strided_slice %mul3A_15 {offsets = [0, 0], sizes = [1264, 128], strides = [1, 1]} : vector<1264x512xf32> to vector<1264x128xf32>
    %swap3A = arith.constant 0 : index
    %swap3A_17 = arith.constant 0 : index
    %swap3A_18 = vector.load %arg4[%swap3A, %swap3A_17] : memref<1264x128xf32, #tpu.memory_space<vmem>>, vector<1264x128xf32>
    tpu.vector_store %arg4[%swap3A, %swap3A_17], %slice3A_16 {strides = array<i32>} : memref<1264x128xf32, #tpu.memory_space<vmem>>, vector<1264x128xf32>,
    %slice3A_19 = vector.extract_strided_slice %mul3A_15 {offsets = [0, 128], sizes = [1264, 128], strides = [1, 1]} : vector<1264x512xf32> to vector<1264x128xf32>
    %swap3A_20 = arith.constant 0 : index
    %swap3A_21 = arith.constant 0 : index
    %swap3A_22 = vector.load %arg5[%swap3A_20, %swap3A_21] : memref<1264x128xf32, #tpu.memory_space<vmem>>, vector<1264x128xf32>
    tpu.vector_store %arg5[%swap3A_20, %swap3A_21], %slice3A_19 {strides = array<i32>} : memref<1264x128xf32, #tpu.memory_space<vmem>>, vector<1264x128xf32>,
    %slice3A_23 = vector.extract_strided_slice %mul3A_15 {offsets = [0, 256], sizes = [1264, 128], strides = [1, 1]} : vector<1264x512xf32> to vector<1264x128xf32>
    %swap3A_24 = arith.constant 0 : index
    %swap3A_25 = arith.constant 0 : index
    %swap3A_26 = vector.load %arg6[%swap3A_24, %swap3A_25] : memref<1264x128xf32, #tpu.memory_space<vmem>>, vector<1264x128xf32>
    tpu.vector_store %arg6[%swap3A_24, %swap3A_25], %slice3A_23 {strides = array<i32>} : memref<1264x128xf32, #tpu.memory_space<vmem>>, vector<1264x128xf32>,
    %slice3A_27 = vector.extract_strided_slice %mul3A_15 {offsets = [0, 384], sizes = [1264, 128], strides = [1, 1]} : vector<1264x512xf32> to vector<1264x128xf32>
    %swap3A_28 = arith.constant 0 : index
    %swap3A_29 = arith.constant 0 : index
    %swap3A_30 = vector.load %arg7[%swap3A_28, %swap3A_29] : memref<1264x128xf32, #tpu.memory_space<vmem>>, vector<1264x128xf32>
    tpu.vector_store %arg7[%swap3A_28, %swap3A_29], %slice3A_27 {strides = array<i32>} : memref<1264x128xf32, #tpu.memory_space<vmem>>, vector<1264x128xf32>,
    return
  }
  func.func @transform_0(%arg0: i32) -> (i32, i32) {
    %c0_i32 = arith.constant 0 : i32
    %c0_i32_0 = arith.constant 0 : i32
    return %arg0, %c0_i32 : i32, i32
  }
  func.func @transform_1(%arg0: i32) -> (i32, i32, i32) {
    %c0_i32 = arith.constant 0 : i32
    %c0_i32_0 = arith.constant 0 : i32
    %c0_i32_1 = arith.constant 0 : i32
    return %c0_i32, %arg0, %c0_i32_0 : i32, i32, i32
  }
  func.func @transform_2(%arg0: i32) -> (i32, i32) {
    %c0_i32 = arith.constant 0 : i32
    %c0_i32_0 = arith.constant 0 : i32
    %c0_i32_1 = arith.constant 0 : i32
    return %c0_i32, %c0_i32_0 : i32, i32
  }
  func.func @transform_3(%arg0: i32) -> (i32, i32) {
    %c0_i32 = arith.constant 0 : i32
    %c0_i32_0 = arith.constant 0 : i32
    return %arg0, %c0_i32 : i32, i32
  }
  func.func @transform_4(%arg0: i32) -> (i32, i32) {
    %c0_i32 = arith.constant 0 : i32
    %c0_i32_0 = arith.constant 0 : i32
    return %arg0, %c0_i32 : i32, i32
  }
  func.func @transform_5(%arg0: i32) -> (i32, i32) {
    %c0_i32 = arith.constant 0 : i32
    %c0_i32_0 = arith.constant 0 : i32
    return %arg0, %c0_i32 : i32, i32
  }
  func.func @transform_6(%arg0: i32) -> (i32, i32) {
    %c0_i32 = arith.constant 0 : i32
    %c0_i32_0 = arith.constant 0 : i32
    return %arg0, %c0_i32 : i32, i32
  }
}

module attributes {stable_mosaic.version = 14 : i64} {
  func.func @_tc_mid_body(%arg0: i32, %arg1: memref<4x2x1264x128xf32, #tpu.memory_space<vmem>>, %arg2: memref<1264x128xf32, #tpu.memory_space<vmem>>, %arg3: memref<1264x128xf32, #tpu.memory_space<vmem>>, %arg4: memref<1264x128xf32, #tpu.memory_space<vmem>>, %arg5: memref<1264x128xf32, #tpu.memory_space<vmem>>, %arg6: memref<2x1264x128xf32, #tpu.memory_space<vmem>>, %arg7: memref<512x512xf32, #tpu.memory_space<vmem>>, %arg8: memref<1x512xf32, #tpu.memory_space<vmem>>, %arg9: memref<1264x128xf32, #tpu.memory_space<vmem>>, %arg10: memref<1264x128xf32, #tpu.memory_space<vmem>>, %arg11: memref<1264x128xf32, #tpu.memory_space<vmem>>, %arg12: memref<1264x128xf32, #tpu.memory_space<vmem>>) attributes {dimension_semantics = [#tpu.dimension_semantics<arbitrary>], iteration_bounds = array<i64: 8>, scalar_prefetch = 0 : i64, scratch_operands = 0 : i64, tpu.core_type = #tpu.core_type<tc>, window_params = [{transform_indices = @transform_0, window_bounds = array<i64: 4, 2, 1264, 128>}, {transform_indices = @transform_1, window_bounds = array<i64: 1264, 128>}, {transform_indices = @transform_2, window_bounds = array<i64: 1264, 128>}, {transform_indices = @transform_3, window_bounds = array<i64: 1264, 128>}, {transform_indices = @transform_4, window_bounds = array<i64: 1264, 128>}, {transform_indices = @transform_5, window_bounds = array<i64: 2, 1264, 128>}, {pipeline_mode = #tpu.pipeline_mode<synchronous>, transform_indices = @transform_6, window_bounds = array<i64: 512, 512>}, {pipeline_mode = #tpu.pipeline_mode<synchronous>, transform_indices = @transform_7, window_bounds = array<i64: 1, 512>}, {transform_indices = @transform_8, window_bounds = array<i64: 1264, 128>}, {transform_indices = @transform_9, window_bounds = array<i64: 1264, 128>}, {transform_indices = @transform_10, window_bounds = array<i64: 1264, 128>}, {transform_indices = @transform_11, window_bounds = array<i64: 1264, 128>}]} {
    %get3A = arith.constant 0 : index
    %get3A_0 = arith.constant 0 : index
    %get3A_1 = arith.constant 0 : index
    %get3A_2 = vector.load %arg6[%get3A, %get3A_0, %get3A_1] : memref<2x1264x128xf32, #tpu.memory_space<vmem>>, vector<2x1264x128xf32>
    %slice3A = vector.extract_strided_slice %get3A_2 {offsets = [0, 0, 0], sizes = [1, 1264, 1], strides = [1, 1, 1]} : vector<2x1264x128xf32> to vector<1x1264x1xf32>
    %squeeze3A = vector.shape_cast %slice3A : vector<1x1264x1xf32> to vector<1264xf32>
    %slice3A_3 = vector.extract_strided_slice %get3A_2 {offsets = [1, 0, 0], sizes = [1, 1264, 1], strides = [1, 1, 1]} : vector<2x1264x128xf32> to vector<1x1264x1xf32>
    %squeeze3A_4 = vector.shape_cast %slice3A_3 : vector<1x1264x1xf32> to vector<1264xf32>
    %add3A = arith.addf %squeeze3A, %squeeze3A_4 : vector<1264xf32>
    %add3A_5 = arith.constant 1.000000e+00 : f32
    %add3A_6 = vector.broadcast %add3A_5 : f32 to vector<1264xf32>
    %add3A_7 = arith.addf %add3A, %add3A_6 : vector<1264xf32>
    %rsqrt3A = math.rsqrt %add3A_7 : vector<1264xf32>
    %get3A_8 = arith.constant 0 : index
    %get3A_9 = arith.constant 0 : index
    %get3A_10 = arith.constant 0 : index
    %get3A_11 = arith.constant 0 : index
    %get3A_12 = vector.load %arg1[%get3A_8, %get3A_9, %get3A_10, %get3A_11] : memref<4x2x1264x128xf32, #tpu.memory_space<vmem>>, vector<1x1x1264x128xf32>
    %get3A_13 = vector.shape_cast %get3A_12 : vector<1x1x1264x128xf32> to vector<1264x128xf32>
    %get3A_14 = arith.constant 0 : index
    %get3A_15 = arith.constant 1 : index
    %get3A_16 = arith.constant 0 : index
    %get3A_17 = arith.constant 0 : index
    %get3A_18 = vector.load %arg1[%get3A_14, %get3A_15, %get3A_16, %get3A_17] : memref<4x2x1264x128xf32, #tpu.memory_space<vmem>>, vector<1x1x1264x128xf32>
    %get3A_19 = vector.shape_cast %get3A_18 : vector<1x1x1264x128xf32> to vector<1264x128xf32>
    %add3A_20 = arith.addf %get3A_13, %get3A_19 : vector<1264x128xf32>
    %get3A_21 = arith.constant 0 : index
    %get3A_22 = arith.constant 0 : index
    %get3A_23 = vector.load %arg2[%get3A_21, %get3A_22] : memref<1264x128xf32, #tpu.memory_space<vmem>>, vector<1264x128xf32>
    %add3A_24 = arith.addf %add3A_20, %get3A_23 : vector<1264x128xf32>
    %get3A_25 = arith.constant 1 : index
    %get3A_26 = arith.constant 0 : index
    %get3A_27 = arith.constant 0 : index
    %get3A_28 = arith.constant 0 : index
    %get3A_29 = vector.load %arg1[%get3A_25, %get3A_26, %get3A_27, %get3A_28] : memref<4x2x1264x128xf32, #tpu.memory_space<vmem>>, vector<1x1x1264x128xf32>
    %get3A_30 = vector.shape_cast %get3A_29 : vector<1x1x1264x128xf32> to vector<1264x128xf32>
    %get3A_31 = arith.constant 1 : index
    %get3A_32 = arith.constant 1 : index
    %get3A_33 = arith.constant 0 : index
    %get3A_34 = arith.constant 0 : index
    %get3A_35 = vector.load %arg1[%get3A_31, %get3A_32, %get3A_33, %get3A_34] : memref<4x2x1264x128xf32, #tpu.memory_space<vmem>>, vector<1x1x1264x128xf32>
    %get3A_36 = vector.shape_cast %get3A_35 : vector<1x1x1264x128xf32> to vector<1264x128xf32>
    %add3A_37 = arith.addf %get3A_30, %get3A_36 : vector<1264x128xf32>
    %get3A_38 = arith.constant 0 : index
    %get3A_39 = arith.constant 0 : index
    %get3A_40 = vector.load %arg3[%get3A_38, %get3A_39] : memref<1264x128xf32, #tpu.memory_space<vmem>>, vector<1264x128xf32>
    %add3A_41 = arith.addf %add3A_37, %get3A_40 : vector<1264x128xf32>
    %get3A_42 = arith.constant 2 : index
    %get3A_43 = arith.constant 0 : index
    %get3A_44 = arith.constant 0 : index
    %get3A_45 = arith.constant 0 : index
    %get3A_46 = vector.load %arg1[%get3A_42, %get3A_43, %get3A_44, %get3A_45] : memref<4x2x1264x128xf32, #tpu.memory_space<vmem>>, vector<1x1x1264x128xf32>
    %get3A_47 = vector.shape_cast %get3A_46 : vector<1x1x1264x128xf32> to vector<1264x128xf32>
    %get3A_48 = arith.constant 2 : index
    %get3A_49 = arith.constant 1 : index
    %get3A_50 = arith.constant 0 : index
    %get3A_51 = arith.constant 0 : index
    %get3A_52 = vector.load %arg1[%get3A_48, %get3A_49, %get3A_50, %get3A_51] : memref<4x2x1264x128xf32, #tpu.memory_space<vmem>>, vector<1x1x1264x128xf32>
    %get3A_53 = vector.shape_cast %get3A_52 : vector<1x1x1264x128xf32> to vector<1264x128xf32>
    %add3A_54 = arith.addf %get3A_47, %get3A_53 : vector<1264x128xf32>
    %get3A_55 = arith.constant 0 : index
    %get3A_56 = arith.constant 0 : index
    %get3A_57 = vector.load %arg4[%get3A_55, %get3A_56] : memref<1264x128xf32, #tpu.memory_space<vmem>>, vector<1264x128xf32>
    %add3A_58 = arith.addf %add3A_54, %get3A_57 : vector<1264x128xf32>
    %get3A_59 = arith.constant 3 : index
    %get3A_60 = arith.constant 0 : index
    %get3A_61 = arith.constant 0 : index
    %get3A_62 = arith.constant 0 : index
    %get3A_63 = vector.load %arg1[%get3A_59, %get3A_60, %get3A_61, %get3A_62] : memref<4x2x1264x128xf32, #tpu.memory_space<vmem>>, vector<1x1x1264x128xf32>
    %get3A_64 = vector.shape_cast %get3A_63 : vector<1x1x1264x128xf32> to vector<1264x128xf32>
    %get3A_65 = arith.constant 3 : index
    %get3A_66 = arith.constant 1 : index
    %get3A_67 = arith.constant 0 : index
    %get3A_68 = arith.constant 0 : index
    %get3A_69 = vector.load %arg1[%get3A_65, %get3A_66, %get3A_67, %get3A_68] : memref<4x2x1264x128xf32, #tpu.memory_space<vmem>>, vector<1x1x1264x128xf32>
    %get3A_70 = vector.shape_cast %get3A_69 : vector<1x1x1264x128xf32> to vector<1264x128xf32>
    %add3A_71 = arith.addf %get3A_64, %get3A_70 : vector<1264x128xf32>
    %get3A_72 = arith.constant 0 : index
    %get3A_73 = arith.constant 0 : index
    %get3A_74 = vector.load %arg5[%get3A_72, %get3A_73] : memref<1264x128xf32, #tpu.memory_space<vmem>>, vector<1264x128xf32>
    %add3A_75 = arith.addf %add3A_71, %get3A_74 : vector<1264x128xf32>
    %concatenate3A = tpu.concatenate %add3A_24, %add3A_41, %add3A_58, %add3A_75 in 1 : vector<1264x128xf32>, vector<1264x128xf32>, vector<1264x128xf32>, vector<1264x128xf32> -> vector<1264x512xf32>
    %broadcast_in_dim3A = vector.shape_cast %rsqrt3A : vector<1264xf32> to vector<1264x1xf32>
    %mul3A = vector.broadcast %broadcast_in_dim3A : vector<1264x1xf32> to vector<1264x512xf32>
    %mul3A_76 = arith.mulf %concatenate3A, %mul3A : vector<1264x512xf32>
    %get3A_77 = arith.constant 0 : index
    %get3A_78 = arith.constant 0 : index
    %get3A_79 = vector.load %arg8[%get3A_77, %get3A_78] : memref<1x512xf32, #tpu.memory_space<vmem>>, vector<1x512xf32>
    %add3A_80 = vector.broadcast %get3A_79 : vector<1x512xf32> to vector<1264x512xf32>
    %add3A_81 = arith.addf %mul3A_76, %add3A_80 : vector<1264x512xf32>
    %max3A = arith.constant 0.000000e+00 : f32
    %max3A_82 = vector.broadcast %max3A : f32 to vector<1264x512xf32>
    %max3A_83 = arith.maximumf %add3A_81, %max3A_82 : vector<1264x512xf32>
    %get3A_84 = arith.constant 0 : index
    %get3A_85 = arith.constant 0 : index
    %get3A_86 = vector.load %arg7[%get3A_84, %get3A_85] : memref<512x512xf32, #tpu.memory_space<vmem>>, vector<512x512xf32>
    %dot_general3A = arith.constant dense<0.000000e+00> : vector<1264x512xf32>
    %dot_general3A_87 = tpu.matmul %max3A_83, %get3A_86, %dot_general3A {dimension_numbers = #tpu.dot_dimension_numbers<[1], [0], [0], [1], [0, 0, 1, 1], [], []>, transpose_lhs_hint = false} : vector<1264x512xf32>, vector<512x512xf32>, vector<1264x512xf32> -> vector<1264x512xf32>
    %broadcast_in_dim3A_88 = vector.shape_cast %rsqrt3A : vector<1264xf32> to vector<1264x1xf32>
    %mul3A_89 = vector.broadcast %broadcast_in_dim3A_88 : vector<1264x1xf32> to vector<1264x512xf32>
    %mul3A_90 = arith.mulf %dot_general3A_87, %mul3A_89 : vector<1264x512xf32>
    %slice3A_91 = vector.extract_strided_slice %mul3A_90 {offsets = [0, 0], sizes = [1264, 128], strides = [1, 1]} : vector<1264x512xf32> to vector<1264x128xf32>
    %swap3A = arith.constant 0 : index
    %swap3A_92 = arith.constant 0 : index
    %swap3A_93 = vector.load %arg9[%swap3A, %swap3A_92] : memref<1264x128xf32, #tpu.memory_space<vmem>>, vector<1264x128xf32>
    tpu.vector_store %arg9[%swap3A, %swap3A_92], %slice3A_91 {strides = array<i32>} : memref<1264x128xf32, #tpu.memory_space<vmem>>, vector<1264x128xf32>,
    %slice3A_94 = vector.extract_strided_slice %mul3A_90 {offsets = [0, 128], sizes = [1264, 128], strides = [1, 1]} : vector<1264x512xf32> to vector<1264x128xf32>
    %swap3A_95 = arith.constant 0 : index
    %swap3A_96 = arith.constant 0 : index
    %swap3A_97 = vector.load %arg10[%swap3A_95, %swap3A_96] : memref<1264x128xf32, #tpu.memory_space<vmem>>, vector<1264x128xf32>
    tpu.vector_store %arg10[%swap3A_95, %swap3A_96], %slice3A_94 {strides = array<i32>} : memref<1264x128xf32, #tpu.memory_space<vmem>>, vector<1264x128xf32>,
    %slice3A_98 = vector.extract_strided_slice %mul3A_90 {offsets = [0, 256], sizes = [1264, 128], strides = [1, 1]} : vector<1264x512xf32> to vector<1264x128xf32>
    %swap3A_99 = arith.constant 0 : index
    %swap3A_100 = arith.constant 0 : index
    %swap3A_101 = vector.load %arg11[%swap3A_99, %swap3A_100] : memref<1264x128xf32, #tpu.memory_space<vmem>>, vector<1264x128xf32>
    tpu.vector_store %arg11[%swap3A_99, %swap3A_100], %slice3A_98 {strides = array<i32>} : memref<1264x128xf32, #tpu.memory_space<vmem>>, vector<1264x128xf32>,
    %slice3A_102 = vector.extract_strided_slice %mul3A_90 {offsets = [0, 384], sizes = [1264, 128], strides = [1, 1]} : vector<1264x512xf32> to vector<1264x128xf32>
    %swap3A_103 = arith.constant 0 : index
    %swap3A_104 = arith.constant 0 : index
    %swap3A_105 = vector.load %arg12[%swap3A_103, %swap3A_104] : memref<1264x128xf32, #tpu.memory_space<vmem>>, vector<1264x128xf32>
    tpu.vector_store %arg12[%swap3A_103, %swap3A_104], %slice3A_102 {strides = array<i32>} : memref<1264x128xf32, #tpu.memory_space<vmem>>, vector<1264x128xf32>,
    return
  }
  func.func @transform_0(%arg0: i32) -> (i32, i32, i32, i32) {
    %c0_i32 = arith.constant 0 : i32
    %c0_i32_0 = arith.constant 0 : i32
    %c0_i32_1 = arith.constant 0 : i32
    %c0_i32_2 = arith.constant 0 : i32
    return %c0_i32, %c0_i32_0, %arg0, %c0_i32_1 : i32, i32, i32, i32
  }
  func.func @transform_1(%arg0: i32) -> (i32, i32) {
    %c0_i32 = arith.constant 0 : i32
    %c0_i32_0 = arith.constant 0 : i32
    return %arg0, %c0_i32 : i32, i32
  }
  func.func @transform_2(%arg0: i32) -> (i32, i32) {
    %c0_i32 = arith.constant 0 : i32
    %c0_i32_0 = arith.constant 0 : i32
    return %arg0, %c0_i32 : i32, i32
  }
  func.func @transform_3(%arg0: i32) -> (i32, i32) {
    %c0_i32 = arith.constant 0 : i32
    %c0_i32_0 = arith.constant 0 : i32
    return %arg0, %c0_i32 : i32, i32
  }
  func.func @transform_4(%arg0: i32) -> (i32, i32) {
    %c0_i32 = arith.constant 0 : i32
    %c0_i32_0 = arith.constant 0 : i32
    return %arg0, %c0_i32 : i32, i32
  }
  func.func @transform_5(%arg0: i32) -> (i32, i32, i32) {
    %c0_i32 = arith.constant 0 : i32
    %c0_i32_0 = arith.constant 0 : i32
    %c0_i32_1 = arith.constant 0 : i32
    return %c0_i32, %arg0, %c0_i32_0 : i32, i32, i32
  }
  func.func @transform_6(%arg0: i32) -> (i32, i32) {
    %c0_i32 = arith.constant 0 : i32
    %c0_i32_0 = arith.constant 0 : i32
    %c0_i32_1 = arith.constant 0 : i32
    return %c0_i32, %c0_i32_0 : i32, i32
  }
  func.func @transform_7(%arg0: i32) -> (i32, i32) {
    %c0_i32 = arith.constant 0 : i32
    %c0_i32_0 = arith.constant 0 : i32
    %c0_i32_1 = arith.constant 0 : i32
    return %c0_i32, %c0_i32_0 : i32, i32
  }
  func.func @transform_8(%arg0: i32) -> (i32, i32) {
    %c0_i32 = arith.constant 0 : i32
    %c0_i32_0 = arith.constant 0 : i32
    return %arg0, %c0_i32 : i32, i32
  }
  func.func @transform_9(%arg0: i32) -> (i32, i32) {
    %c0_i32 = arith.constant 0 : i32
    %c0_i32_0 = arith.constant 0 : i32
    return %arg0, %c0_i32 : i32, i32
  }
  func.func @transform_10(%arg0: i32) -> (i32, i32) {
    %c0_i32 = arith.constant 0 : i32
    %c0_i32_0 = arith.constant 0 : i32
    return %arg0, %c0_i32 : i32, i32
  }
  func.func @transform_11(%arg0: i32) -> (i32, i32) {
    %c0_i32 = arith.constant 0 : i32
    %c0_i32_0 = arith.constant 0 : i32
    return %arg0, %c0_i32 : i32, i32
  }
}

module attributes {stable_mosaic.version = 14 : i64} {
  func.func @_tc4_body(%arg0: i32, %arg1: memref<2048x512xf32, #tpu.memory_space<vmem>>, %arg2: memref<2048x512xf32, #tpu.memory_space<vmem>>, %arg3: memref<512x256xf32, #tpu.memory_space<vmem>>, %arg4: memref<1x256xf32, #tpu.memory_space<vmem>>, %arg5: memref<1x256xf32, #tpu.memory_space<vmem>>, %arg6: memref<1x1xf32, #tpu.memory_space<vmem>>, %arg7: memref<2048x1xf32, #tpu.memory_space<vmem>>) attributes {dimension_semantics = [#tpu.dimension_semantics<arbitrary>], iteration_bounds = array<i64: 80>, scalar_prefetch = 0 : i64, scratch_operands = 0 : i64, tpu.core_type = #tpu.core_type<tc>, window_params = [{transform_indices = @transform_0, window_bounds = array<i64: 2048, 512>}, {transform_indices = @transform_1, window_bounds = array<i64: 2048, 512>}, {pipeline_mode = #tpu.pipeline_mode<synchronous>, transform_indices = @transform_2, window_bounds = array<i64: 512, 256>}, {pipeline_mode = #tpu.pipeline_mode<synchronous>, transform_indices = @transform_3, window_bounds = array<i64: 1, 256>}, {pipeline_mode = #tpu.pipeline_mode<synchronous>, transform_indices = @transform_4, window_bounds = array<i64: 1, 256>}, {pipeline_mode = #tpu.pipeline_mode<synchronous>, transform_indices = @transform_5, window_bounds = array<i64: 1, 1>}, {transform_indices = @transform_6, window_bounds = array<i64: 2048, 1>}]} {
    %get3A = arith.constant 0 : index
    %get3A_0 = arith.constant 0 : index
    %get3A_1 = vector.load %arg1[%get3A, %get3A_0] : memref<2048x512xf32, #tpu.memory_space<vmem>>, vector<2048x512xf32>
    %get3A_2 = arith.constant 0 : index
    %get3A_3 = arith.constant 0 : index
    %get3A_4 = vector.load %arg2[%get3A_2, %get3A_3] : memref<2048x512xf32, #tpu.memory_space<vmem>>, vector<2048x512xf32>
    %add3A = arith.addf %get3A_1, %get3A_4 : vector<2048x512xf32>
    %max3A = arith.constant 0.000000e+00 : f32
    %max3A_5 = vector.broadcast %max3A : f32 to vector<2048x512xf32>
    %max3A_6 = arith.maximumf %add3A, %max3A_5 : vector<2048x512xf32>
    %get3A_7 = arith.constant 0 : index
    %get3A_8 = arith.constant 0 : index
    %get3A_9 = vector.load %arg3[%get3A_7, %get3A_8] : memref<512x256xf32, #tpu.memory_space<vmem>>, vector<512x256xf32>
    %dot_general3A = arith.constant dense<0.000000e+00> : vector<2048x256xf32>
    %dot_general3A_10 = tpu.matmul %max3A_6, %get3A_9, %dot_general3A {dimension_numbers = #tpu.dot_dimension_numbers<[1], [0], [0], [1], [0, 0, 1, 1], [], []>, transpose_lhs_hint = false} : vector<2048x512xf32>, vector<512x256xf32>, vector<2048x256xf32> -> vector<2048x256xf32>
    %get3A_11 = arith.constant 0 : index
    %get3A_12 = arith.constant 0 : index
    %get3A_13 = vector.load %arg4[%get3A_11, %get3A_12] : memref<1x256xf32, #tpu.memory_space<vmem>>, vector<1x256xf32>
    %add3A_14 = vector.broadcast %get3A_13 : vector<1x256xf32> to vector<2048x256xf32>
    %add3A_15 = arith.addf %dot_general3A_10, %add3A_14 : vector<2048x256xf32>
    %max3A_16 = arith.constant 0.000000e+00 : f32
    %max3A_17 = vector.broadcast %max3A_16 : f32 to vector<2048x256xf32>
    %max3A_18 = arith.maximumf %add3A_15, %max3A_17 : vector<2048x256xf32>
    %get3A_19 = arith.constant 0 : index
    %get3A_20 = arith.constant 0 : index
    %get3A_21 = vector.load %arg5[%get3A_19, %get3A_20] : memref<1x256xf32, #tpu.memory_space<vmem>>, vector<1x256xf32>
    %mul3A = vector.broadcast %get3A_21 : vector<1x256xf32> to vector<2048x256xf32>
    %mul3A_22 = arith.mulf %max3A_18, %mul3A : vector<2048x256xf32>
    %reduce_sum3A = arith.constant dense<0.000000e+00> : vector<2048xf32>
    %reduce_sum3A_23 = vector.multi_reduction <add>, %mul3A_22, %reduce_sum3A [1] : vector<2048x256xf32> to vector<2048xf32>
    %broadcast_in_dim3A = vector.shape_cast %reduce_sum3A_23 : vector<2048xf32> to vector<2048x1xf32>
    %get3A_24 = arith.constant 0 : index
    %get3A_25 = arith.constant 0 : index
    %get3A_26 = vector.load %arg6[%get3A_24, %get3A_25] : memref<1x1xf32, #tpu.memory_space<vmem>>, vector<1x1xf32>
    %add3A_27 = vector.broadcast %get3A_26 : vector<1x1xf32> to vector<2048x1xf32>
    %add3A_28 = arith.addf %broadcast_in_dim3A, %add3A_27 : vector<2048x1xf32>
    %swap3A = arith.constant 0 : index
    %swap3A_29 = arith.constant 0 : index
    %swap3A_30 = vector.load %arg7[%swap3A, %swap3A_29] : memref<2048x1xf32, #tpu.memory_space<vmem>>, vector<2048x1xf32>
    tpu.vector_store %arg7[%swap3A, %swap3A_29], %add3A_28 {strides = array<i32>} : memref<2048x1xf32, #tpu.memory_space<vmem>>, vector<2048x1xf32>,
    return
  }
  func.func @transform_0(%arg0: i32) -> (i32, i32) {
    %c0_i32 = arith.constant 0 : i32
    %c0_i32_0 = arith.constant 0 : i32
    return %arg0, %c0_i32 : i32, i32
  }
  func.func @transform_1(%arg0: i32) -> (i32, i32) {
    %c0_i32 = arith.constant 0 : i32
    %c0_i32_0 = arith.constant 0 : i32
    return %arg0, %c0_i32 : i32, i32
  }
  func.func @transform_2(%arg0: i32) -> (i32, i32) {
    %c0_i32 = arith.constant 0 : i32
    %c0_i32_0 = arith.constant 0 : i32
    %c0_i32_1 = arith.constant 0 : i32
    return %c0_i32, %c0_i32_0 : i32, i32
  }
  func.func @transform_3(%arg0: i32) -> (i32, i32) {
    %c0_i32 = arith.constant 0 : i32
    %c0_i32_0 = arith.constant 0 : i32
    %c0_i32_1 = arith.constant 0 : i32
    return %c0_i32, %c0_i32_0 : i32, i32
  }
  func.func @transform_4(%arg0: i32) -> (i32, i32) {
    %c0_i32 = arith.constant 0 : i32
    %c0_i32_0 = arith.constant 0 : i32
    %c0_i32_1 = arith.constant 0 : i32
    return %c0_i32, %c0_i32_0 : i32, i32
  }
  func.func @transform_5(%arg0: i32) -> (i32, i32) {
    %c0_i32 = arith.constant 0 : i32
    %c0_i32_0 = arith.constant 0 : i32
    %c0_i32_1 = arith.constant 0 : i32
    return %c0_i32, %c0_i32_0 : i32, i32
  }
  func.func @transform_6(%arg0: i32) -> (i32, i32) {
    %c0_i32 = arith.constant 0 : i32
    %c0_i32_0 = arith.constant 0 : i32
    return %arg0, %c0_i32 : i32, i32
  }
}

module attributes {stable_mosaic.version = 14 : i64} {
  func.func @_tc3_body(%arg0: i32, %arg1: memref<4x2x1264x128xf32, #tpu.memory_space<vmem>>, %arg2: memref<1264x128xf32, #tpu.memory_space<vmem>>, %arg3: memref<1264x128xf32, #tpu.memory_space<vmem>>, %arg4: memref<1264x128xf32, #tpu.memory_space<vmem>>, %arg5: memref<1264x128xf32, #tpu.memory_space<vmem>>, %arg6: memref<2x1264x128xf32, #tpu.memory_space<vmem>>, %arg7: memref<512x512xf32, #tpu.memory_space<vmem>>, %arg8: memref<512x512xf32, #tpu.memory_space<vmem>>, %arg9: memref<1x512xf32, #tpu.memory_space<vmem>>, %arg10: memref<1x512xf32, #tpu.memory_space<vmem>>, %arg11: memref<1264x512xf32, #tpu.memory_space<vmem>>, %arg12: memref<1264x512xf32, #tpu.memory_space<vmem>>) attributes {dimension_semantics = [#tpu.dimension_semantics<arbitrary>], iteration_bounds = array<i64: 8>, scalar_prefetch = 0 : i64, scratch_operands = 0 : i64, tpu.core_type = #tpu.core_type<tc>, window_params = [{transform_indices = @transform_0, window_bounds = array<i64: 4, 2, 1264, 128>}, {transform_indices = @transform_1, window_bounds = array<i64: 1264, 128>}, {transform_indices = @transform_2, window_bounds = array<i64: 1264, 128>}, {transform_indices = @transform_3, window_bounds = array<i64: 1264, 128>}, {transform_indices = @transform_4, window_bounds = array<i64: 1264, 128>}, {transform_indices = @transform_5, window_bounds = array<i64: 2, 1264, 128>}, {pipeline_mode = #tpu.pipeline_mode<synchronous>, transform_indices = @transform_6, window_bounds = array<i64: 512, 512>}, {pipeline_mode = #tpu.pipeline_mode<synchronous>, transform_indices = @transform_7, window_bounds = array<i64: 512, 512>}, {pipeline_mode = #tpu.pipeline_mode<synchronous>, transform_indices = @transform_8, window_bounds = array<i64: 1, 512>}, {pipeline_mode = #tpu.pipeline_mode<synchronous>, transform_indices = @transform_9, window_bounds = array<i64: 1, 512>}, {transform_indices = @transform_10, window_bounds = array<i64: 1264, 512>}, {transform_indices = @transform_11, window_bounds = array<i64: 1264, 512>}]} {
    %get3A = arith.constant 0 : index
    %get3A_0 = arith.constant 0 : index
    %get3A_1 = arith.constant 0 : index
    %get3A_2 = vector.load %arg6[%get3A, %get3A_0, %get3A_1] : memref<2x1264x128xf32, #tpu.memory_space<vmem>>, vector<2x1264x128xf32>
    %slice3A = vector.extract_strided_slice %get3A_2 {offsets = [0, 0, 0], sizes = [1, 1264, 1], strides = [1, 1, 1]} : vector<2x1264x128xf32> to vector<1x1264x1xf32>
    %squeeze3A = vector.shape_cast %slice3A : vector<1x1264x1xf32> to vector<1264xf32>
    %slice3A_3 = vector.extract_strided_slice %get3A_2 {offsets = [1, 0, 0], sizes = [1, 1264, 1], strides = [1, 1, 1]} : vector<2x1264x128xf32> to vector<1x1264x1xf32>
    %squeeze3A_4 = vector.shape_cast %slice3A_3 : vector<1x1264x1xf32> to vector<1264xf32>
    %add3A = arith.addf %squeeze3A, %squeeze3A_4 : vector<1264xf32>
    %add3A_5 = arith.constant 1.000000e+00 : f32
    %add3A_6 = vector.broadcast %add3A_5 : f32 to vector<1264xf32>
    %add3A_7 = arith.addf %add3A, %add3A_6 : vector<1264xf32>
    %rsqrt3A = math.rsqrt %add3A_7 : vector<1264xf32>
    %get3A_8 = arith.constant 0 : index
    %get3A_9 = arith.constant 0 : index
    %get3A_10 = arith.constant 0 : index
    %get3A_11 = arith.constant 0 : index
    %get3A_12 = vector.load %arg1[%get3A_8, %get3A_9, %get3A_10, %get3A_11] : memref<4x2x1264x128xf32, #tpu.memory_space<vmem>>, vector<1x1x1264x128xf32>
    %get3A_13 = vector.shape_cast %get3A_12 : vector<1x1x1264x128xf32> to vector<1264x128xf32>
    %get3A_14 = arith.constant 0 : index
    %get3A_15 = arith.constant 1 : index
    %get3A_16 = arith.constant 0 : index
    %get3A_17 = arith.constant 0 : index
    %get3A_18 = vector.load %arg1[%get3A_14, %get3A_15, %get3A_16, %get3A_17] : memref<4x2x1264x128xf32, #tpu.memory_space<vmem>>, vector<1x1x1264x128xf32>
    %get3A_19 = vector.shape_cast %get3A_18 : vector<1x1x1264x128xf32> to vector<1264x128xf32>
    %add3A_20 = arith.addf %get3A_13, %get3A_19 : vector<1264x128xf32>
    %get3A_21 = arith.constant 0 : index
    %get3A_22 = arith.constant 0 : index
    %get3A_23 = vector.load %arg2[%get3A_21, %get3A_22] : memref<1264x128xf32, #tpu.memory_space<vmem>>, vector<1264x128xf32>
    %add3A_24 = arith.addf %add3A_20, %get3A_23 : vector<1264x128xf32>
    %get3A_25 = arith.constant 1 : index
    %get3A_26 = arith.constant 0 : index
    %get3A_27 = arith.constant 0 : index
    %get3A_28 = arith.constant 0 : index
    %get3A_29 = vector.load %arg1[%get3A_25, %get3A_26, %get3A_27, %get3A_28] : memref<4x2x1264x128xf32, #tpu.memory_space<vmem>>, vector<1x1x1264x128xf32>
    %get3A_30 = vector.shape_cast %get3A_29 : vector<1x1x1264x128xf32> to vector<1264x128xf32>
    %get3A_31 = arith.constant 1 : index
    %get3A_32 = arith.constant 1 : index
    %get3A_33 = arith.constant 0 : index
    %get3A_34 = arith.constant 0 : index
    %get3A_35 = vector.load %arg1[%get3A_31, %get3A_32, %get3A_33, %get3A_34] : memref<4x2x1264x128xf32, #tpu.memory_space<vmem>>, vector<1x1x1264x128xf32>
    %get3A_36 = vector.shape_cast %get3A_35 : vector<1x1x1264x128xf32> to vector<1264x128xf32>
    %add3A_37 = arith.addf %get3A_30, %get3A_36 : vector<1264x128xf32>
    %get3A_38 = arith.constant 0 : index
    %get3A_39 = arith.constant 0 : index
    %get3A_40 = vector.load %arg3[%get3A_38, %get3A_39] : memref<1264x128xf32, #tpu.memory_space<vmem>>, vector<1264x128xf32>
    %add3A_41 = arith.addf %add3A_37, %get3A_40 : vector<1264x128xf32>
    %get3A_42 = arith.constant 2 : index
    %get3A_43 = arith.constant 0 : index
    %get3A_44 = arith.constant 0 : index
    %get3A_45 = arith.constant 0 : index
    %get3A_46 = vector.load %arg1[%get3A_42, %get3A_43, %get3A_44, %get3A_45] : memref<4x2x1264x128xf32, #tpu.memory_space<vmem>>, vector<1x1x1264x128xf32>
    %get3A_47 = vector.shape_cast %get3A_46 : vector<1x1x1264x128xf32> to vector<1264x128xf32>
    %get3A_48 = arith.constant 2 : index
    %get3A_49 = arith.constant 1 : index
    %get3A_50 = arith.constant 0 : index
    %get3A_51 = arith.constant 0 : index
    %get3A_52 = vector.load %arg1[%get3A_48, %get3A_49, %get3A_50, %get3A_51] : memref<4x2x1264x128xf32, #tpu.memory_space<vmem>>, vector<1x1x1264x128xf32>
    %get3A_53 = vector.shape_cast %get3A_52 : vector<1x1x1264x128xf32> to vector<1264x128xf32>
    %add3A_54 = arith.addf %get3A_47, %get3A_53 : vector<1264x128xf32>
    %get3A_55 = arith.constant 0 : index
    %get3A_56 = arith.constant 0 : index
    %get3A_57 = vector.load %arg4[%get3A_55, %get3A_56] : memref<1264x128xf32, #tpu.memory_space<vmem>>, vector<1264x128xf32>
    %add3A_58 = arith.addf %add3A_54, %get3A_57 : vector<1264x128xf32>
    %get3A_59 = arith.constant 3 : index
    %get3A_60 = arith.constant 0 : index
    %get3A_61 = arith.constant 0 : index
    %get3A_62 = arith.constant 0 : index
    %get3A_63 = vector.load %arg1[%get3A_59, %get3A_60, %get3A_61, %get3A_62] : memref<4x2x1264x128xf32, #tpu.memory_space<vmem>>, vector<1x1x1264x128xf32>
    %get3A_64 = vector.shape_cast %get3A_63 : vector<1x1x1264x128xf32> to vector<1264x128xf32>
    %get3A_65 = arith.constant 3 : index
    %get3A_66 = arith.constant 1 : index
    %get3A_67 = arith.constant 0 : index
    %get3A_68 = arith.constant 0 : index
    %get3A_69 = vector.load %arg1[%get3A_65, %get3A_66, %get3A_67, %get3A_68] : memref<4x2x1264x128xf32, #tpu.memory_space<vmem>>, vector<1x1x1264x128xf32>
    %get3A_70 = vector.shape_cast %get3A_69 : vector<1x1x1264x128xf32> to vector<1264x128xf32>
    %add3A_71 = arith.addf %get3A_64, %get3A_70 : vector<1264x128xf32>
    %get3A_72 = arith.constant 0 : index
    %get3A_73 = arith.constant 0 : index
    %get3A_74 = vector.load %arg5[%get3A_72, %get3A_73] : memref<1264x128xf32, #tpu.memory_space<vmem>>, vector<1264x128xf32>
    %add3A_75 = arith.addf %add3A_71, %get3A_74 : vector<1264x128xf32>
    %concatenate3A = tpu.concatenate %add3A_24, %add3A_41, %add3A_58, %add3A_75 in 1 : vector<1264x128xf32>, vector<1264x128xf32>, vector<1264x128xf32>, vector<1264x128xf32> -> vector<1264x512xf32>
    %broadcast_in_dim3A = vector.shape_cast %rsqrt3A : vector<1264xf32> to vector<1264x1xf32>
    %mul3A = vector.broadcast %broadcast_in_dim3A : vector<1264x1xf32> to vector<1264x512xf32>
    %mul3A_76 = arith.mulf %concatenate3A, %mul3A : vector<1264x512xf32>
    %get3A_77 = arith.constant 0 : index
    %get3A_78 = arith.constant 0 : index
    %get3A_79 = vector.load %arg9[%get3A_77, %get3A_78] : memref<1x512xf32, #tpu.memory_space<vmem>>, vector<1x512xf32>
    %add3A_80 = vector.broadcast %get3A_79 : vector<1x512xf32> to vector<1264x512xf32>
    %add3A_81 = arith.addf %mul3A_76, %add3A_80 : vector<1264x512xf32>
    %max3A = arith.constant 0.000000e+00 : f32
    %max3A_82 = vector.broadcast %max3A : f32 to vector<1264x512xf32>
    %max3A_83 = arith.maximumf %add3A_81, %max3A_82 : vector<1264x512xf32>
    %get3A_84 = arith.constant 0 : index
    %get3A_85 = arith.constant 0 : index
    %get3A_86 = vector.load %arg7[%get3A_84, %get3A_85] : memref<512x512xf32, #tpu.memory_space<vmem>>, vector<512x512xf32>
    %dot_general3A = arith.constant dense<0.000000e+00> : vector<1264x512xf32>
    %dot_general3A_87 = tpu.matmul %max3A_83, %get3A_86, %dot_general3A {dimension_numbers = #tpu.dot_dimension_numbers<[1], [0], [0], [1], [0, 0, 1, 1], [], []>, transpose_lhs_hint = false} : vector<1264x512xf32>, vector<512x512xf32>, vector<1264x512xf32> -> vector<1264x512xf32>
    %get3A_88 = arith.constant 0 : index
    %get3A_89 = arith.constant 0 : index
    %get3A_90 = vector.load %arg10[%get3A_88, %get3A_89] : memref<1x512xf32, #tpu.memory_space<vmem>>, vector<1x512xf32>
    %add3A_91 = vector.broadcast %get3A_90 : vector<1x512xf32> to vector<1264x512xf32>
    %add3A_92 = arith.addf %dot_general3A_87, %add3A_91 : vector<1264x512xf32>
    %swap3A = arith.constant 0 : index
    %swap3A_93 = arith.constant 0 : index
    %swap3A_94 = vector.load %arg11[%swap3A, %swap3A_93] : memref<1264x512xf32, #tpu.memory_space<vmem>>, vector<1264x512xf32>
    tpu.vector_store %arg11[%swap3A, %swap3A_93], %add3A_92 {strides = array<i32>} : memref<1264x512xf32, #tpu.memory_space<vmem>>, vector<1264x512xf32>,
    %get3A_95 = arith.constant 0 : index
    %get3A_96 = arith.constant 0 : index
    %get3A_97 = vector.load %arg8[%get3A_95, %get3A_96] : memref<512x512xf32, #tpu.memory_space<vmem>>, vector<512x512xf32>
    %dot_general3A_98 = arith.constant dense<0.000000e+00> : vector<1264x512xf32>
    %dot_general3A_99 = tpu.matmul %max3A_83, %get3A_97, %dot_general3A_98 {dimension_numbers = #tpu.dot_dimension_numbers<[1], [0], [0], [1], [0, 0, 1, 1], [], []>, transpose_lhs_hint = false} : vector<1264x512xf32>, vector<512x512xf32>, vector<1264x512xf32> -> vector<1264x512xf32>
    %swap3A_100 = arith.constant 0 : index
    %swap3A_101 = arith.constant 0 : index
    %swap3A_102 = vector.load %arg12[%swap3A_100, %swap3A_101] : memref<1264x512xf32, #tpu.memory_space<vmem>>, vector<1264x512xf32>
    tpu.vector_store %arg12[%swap3A_100, %swap3A_101], %dot_general3A_99 {strides = array<i32>} : memref<1264x512xf32, #tpu.memory_space<vmem>>, vector<1264x512xf32>,
    return
  }
  func.func @transform_0(%arg0: i32) -> (i32, i32, i32, i32) {
    %c0_i32 = arith.constant 0 : i32
    %c0_i32_0 = arith.constant 0 : i32
    %c0_i32_1 = arith.constant 0 : i32
    %c0_i32_2 = arith.constant 0 : i32
    return %c0_i32, %c0_i32_0, %arg0, %c0_i32_1 : i32, i32, i32, i32
  }
  func.func @transform_1(%arg0: i32) -> (i32, i32) {
    %c0_i32 = arith.constant 0 : i32
    %c0_i32_0 = arith.constant 0 : i32
    return %arg0, %c0_i32 : i32, i32
  }
  func.func @transform_2(%arg0: i32) -> (i32, i32) {
    %c0_i32 = arith.constant 0 : i32
    %c0_i32_0 = arith.constant 0 : i32
    return %arg0, %c0_i32 : i32, i32
  }
  func.func @transform_3(%arg0: i32) -> (i32, i32) {
    %c0_i32 = arith.constant 0 : i32
    %c0_i32_0 = arith.constant 0 : i32
    return %arg0, %c0_i32 : i32, i32
  }
  func.func @transform_4(%arg0: i32) -> (i32, i32) {
    %c0_i32 = arith.constant 0 : i32
    %c0_i32_0 = arith.constant 0 : i32
    return %arg0, %c0_i32 : i32, i32
  }
  func.func @transform_5(%arg0: i32) -> (i32, i32, i32) {
    %c0_i32 = arith.constant 0 : i32
    %c0_i32_0 = arith.constant 0 : i32
    %c0_i32_1 = arith.constant 0 : i32
    return %c0_i32, %arg0, %c0_i32_0 : i32, i32, i32
  }
  func.func @transform_6(%arg0: i32) -> (i32, i32) {
    %c0_i32 = arith.constant 0 : i32
    %c0_i32_0 = arith.constant 0 : i32
    %c0_i32_1 = arith.constant 0 : i32
    return %c0_i32, %c0_i32_0 : i32, i32
  }
  func.func @transform_7(%arg0: i32) -> (i32, i32) {
    %c0_i32 = arith.constant 0 : i32
    %c0_i32_0 = arith.constant 0 : i32
    %c0_i32_1 = arith.constant 0 : i32
    return %c0_i32, %c0_i32_0 : i32, i32
  }
  func.func @transform_8(%arg0: i32) -> (i32, i32) {
    %c0_i32 = arith.constant 0 : i32
    %c0_i32_0 = arith.constant 0 : i32
    %c0_i32_1 = arith.constant 0 : i32
    return %c0_i32, %c0_i32_0 : i32, i32
  }
  func.func @transform_9(%arg0: i32) -> (i32, i32) {
    %c0_i32 = arith.constant 0 : i32
    %c0_i32_0 = arith.constant 0 : i32
    %c0_i32_1 = arith.constant 0 : i32
    return %c0_i32, %c0_i32_0 : i32, i32
  }
  func.func @transform_10(%arg0: i32) -> (i32, i32) {
    %c0_i32 = arith.constant 0 : i32
    %c0_i32_0 = arith.constant 0 : i32
    return %arg0, %c0_i32 : i32, i32
  }
  func.func @transform_11(%arg0: i32) -> (i32, i32) {
    %c0_i32 = arith.constant 0 : i32
    %c0_i32_0 = arith.constant 0 : i32
    return %arg0, %c0_i32 : i32, i32
  }
}

</mosaic_0001>

<sc_bundles>
// kernel: kernel.10.cloned.1.call-start
scs
__scs_entry_jumppad:
0x0: {  	(pc) =	sbr.rel $0x88, $3  }
0x1: {  	(tag) =	ssettag $0x0;
	lr =	simm.s32 $0x1  }
0x2: {  	[smem:$0x3F95] =	sst lr;
	_ =	strace $0xD0000000  }
0x3: {  	_ = 	snop  }
0x4: {  	_ = 	snop  }
0x5: {  	_ = 	snop  }
0x6: {  	_ = 	snop  }
0x7: {  	_ = 	snop  }
__scs_overlays_trampoline_lowered:
0x8: {  	[smem:$0x3FA4] =	sst s0  }
0x9: {  	[smem:$0x3FA5] =	sst s1  }
0xa: {  	[smem:$0x3FA6] =	sst s2  }
0xb: {  	[smem:$0x3FA7] =	sst s3  }
0xc: {  	[smem:$0x3FA8] =	sst s4  }
0xd: {  	[smem:$0x3FA9] =	sst s5  }
0xe: {  	[smem:$0x3FAA] =	sst s6  }
0xf: {  	[smem:$0x3FAB] =	sst s7  }
0x10: {  	[smem:$0x3FAC] =	sst s8  }
0x11: {  	[smem:$0x3FAD] =	sst s9;
	s0 =	simm.s32 @!p0 $0x0  }
0x12: {  	s1 =	sld [smem:$0x3F93];
	s0 =	simm.s32 @p0 $0x1  }
0x13: {  	[smem:$0x3FAE] =	sst s0;
	s0 =	simm.s32 @!p1 $0x0  }
0x14: {  	s2 =	sld [smem:$0x3F92];
	s0 =	simm.s32 @p1 $0x1  }
0x15: {  	[smem:$0x3FAF] =	sst s0;
	s0 =	simm.s32 @!p2 $0x0  }
0x16: {  	s3 =	sld [smem:$0x3FDB];
	s0 =	simm.s32 @p2 $0x1  }
0x17: {  	s4 =	simm.s32 $0x1BF5;
	[smem:$0x3FB1] =	sst s0  }
0x18: {  	s0 =	sld [smem:$0x3F94];
	_ =	swait.ge [sflag:s4], $0x0  }
0x19: {  	s7 =	sld [smem:$0x3F95]  }
0x1a: {  	s8 =	sadd.s32 $0xFFFFE003, lr  }
0x1b: {  	s9 =	sadd.s32 $0xFFFFFEF7, lr;
	s5 =	simm.s32 $0xFFFFFFFF;
	p2 =	slt.u32 s8, $0xFFFFF086  }
0x1c: {  	p1 =	slt.u32 s9, $0xF7A;
	s5 =	simm.s32 @!p2 $0x0  }
0x1d: {  	s5 =	simm.s32 @p1 $0x1;
	p0 =	seq.s32 s7, s2  }
0x1e: {  	s7 =	smul.u32 @!p0 $0xF7A, s2;
	p2 =	seq.s32 @!p0 s5, $0x0  }
0x1f: {  	s9 =	smul.u32 $0xF7A, s1;
	s8 =	simm.s32 @!p0 $0x1BF5;
	p2 =	por !p2, p0  }
0x20: {  	[sflag:s8] =	ssyncset.s32 @!p0 $0xFFFFF086;
	s6 =	sadd.s32 @!p0 s3, s7;
	s7 =	simm.s32 @!p0 $0x108  }
0x21: {  	s3 =	sadd.s32 s3, s9;
	s6 =	sadd.s32 @!p0 $0x88, s6;
	s7 =	simm.s32 @p2 $0x1082  }
0x22: {  	[simem:s7], [sflag:s8] =	dma.local @!p0 [hbm:s6], $0xF7A  }
0x23: {  	s9 =	sor.u32 $0xD0000000, s2;
	s6 =	simm.s32 $0x108;
	_ =	swait.ge @!p0 [sflag:s8], $0x0  }
0x24: {  	s3 =	sadd.s32 $0x88, s3;
	s6 =	simm.s32 @!p1 $0x1082;
	[sflag:s4] =	ssyncset.s32 $0xFFFFF086  }
0x25: {  	[simem:s6], [sflag:s4] =	dma.local [hbm:s3], $0xF7A  }
0x26: {  	[smem:$0x3F95] =	sst s1;
	(tag) =	ssettag s2;
	_ =	strace s9  }
0x27: {  	s1 =	sld [smem:$0x3FA5]  }
0x28: {  	s2 =	sld [smem:$0x3FA6]  }
0x29: {  	s4 =	sld [smem:$0x3FA8]  }
0x2a: {  	p0 =	seq.s32 s5, $0x0;
	s5 =	sld [smem:$0x3FA9]  }
0x2b: {  	s6 =	sld [smem:$0x3FAA]  }
0x2c: {  	s7 =	sld [smem:$0x3FAB]  }
0x2d: {  	s3 =	simm.s32 $0x108;
	s8 =	sld [smem:$0x3FAC]  }
0x2e: {  	s3 =	simm.s32 @!p0 $0x1082;
	s9 =	sld [smem:$0x3FAD]  }
0x2f: {  	lr =	sadd.s32 s0, s3;
	s0 =	sld [smem:$0x3FA4]  }
0x30: {  	s3 =	sld [smem:$0x3FA7]  }
0x31: {  	[smem:$0x3FB0] =	sst s10  }
0x32: {  	s10 =	sld [smem:$0x3FAE];
	_ =	sdelay $0x3  }
0x33: {  	p0 =	seq.s32 s10, $0x1;
	s10 =	sld [smem:$0x3FB0];
	_ =	sdelay $0x3  }
0x34: {  	[smem:$0x3FB0] =	sst s10  }
0x35: {  	s10 =	sld [smem:$0x3FAF];
	_ =	sdelay $0x3  }
0x36: {  	p1 =	seq.s32 s10, $0x1;
	s10 =	sld [smem:$0x3FB0];
	_ =	sdelay $0x3  }
0x37: {  	[smem:$0x3FB0] =	sst s10  }
0x38: {  	s10 =	sld [smem:$0x3FB1]  }
0x39: {  	_ = 	snop;
	(pc) =	sbr.ind lr, $3  }
0x3a: {  	_ = 	snop  }
0x3b: {  	_ = 	snop  }
0x3c: {  	p2 =	seq.s32 s10, $0x1;
	s10 =	sld [smem:$0x3FB0]  }
0x3d: {  	_ =	shalt  }
0x3e: {  	_ =	shalt  }
0x3f: {  	_ =	shalt  }
0x40: {  	_ =	shalt  }
0x41: {  	_ =	shalt  }
0x42: {  	_ =	shalt  }
0x43: {  	_ =	shalt  }
0x44: {  	_ =	shalt  }
0x45: {  	_ =	shalt  }
0x46: {  	_ =	shalt  }
0x47: {  	_ =	shalt  }
0x48: {  	_ =	shalt  }
0x49: {  	_ =	shalt  }
0x4a: {  	_ =	shalt  }
0x4b: {  	_ =	shalt  }
0x4c: {  	_ =	shalt  }
0x4d: {  	_ =	shalt  }
0x4e: {  	_ =	shalt  }
0x4f: {  	_ =	shalt  }
0x50: {  	_ =	shalt  }
0x51: {  	_ =	shalt  }
0x52: {  	_ =	shalt  }
0x53: {  	_ =	shalt  }
0x54: {  	_ =	shalt  }
0x55: {  	_ =	shalt  }
0x56: {  	_ =	shalt  }
0x57: {  	_ =	shalt  }
0x58: {  	_ =	shalt  }
0x59: {  	_ =	shalt  }
0x5a: {  	_ =	shalt  }
0x5b: {  	_ =	shalt  }
0x5c: {  	_ =	shalt  }
0x5d: {  	_ =	shalt  }
0x5e: {  	_ =	shalt  }
0x5f: {  	_ =	shalt  }
0x60: {  	_ =	shalt  }
0x61: {  	_ =	shalt  }
0x62: {  	_ =	shalt  }
0x63: {  	_ =	shalt  }
0x64: {  	_ =	shalt  }
0x65: {  	_ =	shalt  }
0x66: {  	_ =	shalt  }
0x67: {  	_ =	shalt  }
0x68: {  	_ =	shalt  }
0x69: {  	_ =	shalt  }
0x6a: {  	_ =	shalt  }
0x6b: {  	_ =	shalt  }
0x6c: {  	_ =	shalt  }
0x6d: {  	_ =	shalt  }
0x6e: {  	_ =	shalt  }
0x6f: {  	_ =	shalt  }
0x70: {  	_ =	shalt  }
0x71: {  	_ =	shalt  }
0x72: {  	_ =	shalt  }
0x73: {  	_ =	shalt  }
0x74: {  	_ =	shalt  }
0x75: {  	_ =	shalt  }
0x76: {  	_ =	shalt  }
0x77: {  	_ =	shalt  }
0x78: {  	_ =	shalt  }
0x79: {  	_ =	shalt  }
0x7a: {  	_ =	shalt  }
0x7b: {  	_ =	shalt  }
0x7c: {  	_ =	shalt  }
0x7d: {  	_ =	shalt  }
0x7e: {  	_ =	shalt  }
0x7f: {  	_ =	shalt  }
0x80: {  	_ =	shalt  }
0x81: {  	_ =	shalt  }
0x82: {  	_ =	shalt  }
0x83: {  	_ =	shalt  }
0x84: {  	_ =	shalt  }
0x85: {  	_ =	shalt  }
0x86: {  	_ =	shalt  }
0x87: {  	_ =	shalt  }
.Lfunc_end0:
.L_simem_size_0:
called_computation_lowered:
.L_overlay_start_0:
0x88: {  	s2 =	sld [smem:$0x3FD9]  }
0x89: {  	s3 =	sld [smem:$0x3FFE];
	_ =	sdelay $0x1  }
0x8a: {  	s1 =	srdreg.scid  }
0x8b: {  	s0 =	sand.u32 $0x1, s1  }
0x8c: {  	s17 =	sshll.u32 s0, $0xA;
	s2 =	sadd.s32 s3, s2  }
0x8d: {  	s2 =	sadd.s32 s2, s17  }
0x8e: {  	[smem:$0x3FBC] =	sst s2  }
0x8f: {  	_ = 	snop  }
0x90: {  	s2 =	sld [smem:$0x3FD0];
	(tm) =	ssettm $0x1  }
0x91: {  	s18 =	sld [smem:$0x3FFB];
	_ =	sdelay $0x3  }
0x92: {  	_ =	strace s18  }
0x93: {  	s3 =	sld [smem:$0x3FFC];
	_ =	sdelay $0x3  }
0x94: {  	_ =	strace s3  }
0x95: {  	s3 =	sld [smem:$0x3FFD];
	_ =	sdelay $0x3  }
0x96: {  	_ =	strace s3  }
0x97: {  	_ =	strace $0x8FFFFFFF  }
0x98: {  	s19 =	sld [smem:$0x3FDB];
	_ =	sdelay $0x1  }
0x99: {  	s4 =	simm.s32 $_scs_section_size  }
0x9a: {  	s5 =	simm.s32 $_size__tile_overlayer_lowered;
	s6 =	simm.s32 $_tile_overlayer_lowered  }
0x9b: {  	s22 =	simm.s32 $0x1BFF;
	s21 =	sshll.u32 s6, $0x1;
	s3 =	sadd.s32 s4, s19  }
0x9c: {  	s7 =	simm.s32 $0x0;
	s20 =	sshll.u32 s5, $0x1;
	s5 =	sadd.s32 s21, s3  }
0x9d: {  	[timem:s7], [sflag:s22] =	dma.local [hbm:s5], s20  }
0x9e: {  	_ =	swait.ge [sflag:s22], s20  }
0x9f: {  	s4 =	ssub.s32 $0x0, s20;
	[sflag:s22] =	ssyncset.done $0x0  }
0xa0: {  	[sflag:s22] =	ssyncadd.s32 s4;
	_ =	sdelay $0x1  }
0xa1: {  	s23 =	simm.s32 $0x1B8B  }
0xa2: {  	_ =	swait.ge [sflag:s23], $0x1  }
0xa3: {  	[sflag:s23] =	ssyncset.done $0x0  }
0xa4: {  	s25 =	simm.s32 $0x1B8E;
	s24 =	sld [smem:$0x3FFE];
	[sflag:s23] =	ssyncadd.s32 $0xFFFFFFFF  }
0xa5: {  	s26 =	simm.s32 $execute0_lowered;
	[smem:$0x3FD2] =	sst s25  }
0xa6: {  	s5 =	sshll.u32 s26, $0x1;
	_ =	strace $0x80000046;
	[dreg:$0x1] =	wrdreg $0xFFFFFFFF  }
0xa7: {  	s28 =	simm.s32 $_size_execute0_lowered;
	s3 =	sadd.s32 s3, s5;
	[dreg:$0x0] =	wrdreg $0x0  }
0xa8: {  	s5 =	sshll.u32 s28, $0x1;
	[dreg:$0x2] =	wrdreg s3  }
0xa9: {  	[dreg:$0x3] =	wrdreg s5  }
0xaa: {  	[dreg:$0x4] =	wrdreg $0xC0  }
0xab: {  	_ =	task [dreg:s7], $0x5FFFF  }
0xac: {  	[dreg:$0x1] =	wrdreg $0xFFFFFFFF  }
0xad: {  	[dreg:$0x0] =	wrdreg $0x60  }
0xae: {  	[dreg:$0x2] =	wrdreg s24  }
0xaf: {  	[dreg:$0x3] =	wrdreg s2  }
0xb0: {  	[dreg:$0x4] =	wrdreg $0x54000  }
0xb1: {  	[dreg:$0x5] =	wrdreg $0x9  }
0xb2: {  	_ =	task.clear_ibuf [dreg:s7], $0x6FFFF;
	_ =	strace $0x90000046  }
0xb3: {  	s29 =	simm.s32 $0x9;
	_ =	strace $0x80000048  }
0xb4: {  	_ =	swait.ge [sflag:s29], $0x1  }
0xb5: {  	[sflag:s29] =	ssyncadd.s32 $0xFFFFFFFF  }
0xb6: {  	_ =	strace $0x90000048  }
0xb7: {  	_ =	sfence  }
0xb8: {  	s30 =	sld [smem:$0x0];
	_ =	sdelay $0x2  }
0xb9: {  	s31 =	sshll.u32 s1, $0xD;
	s1 =	sshrl.u32 s1, $0x2  }
0xba: {  	s3 =	sand.u32 $0x4000, s31;
	s1 =	sadd.s32 s1, s30  }
0xbb: {  	s0 =	sor.u32 s3, s0;
	s1 =	sshll.u32 s1, $0x11  }
0xbc: {  	s0 =	sor.u32 s1, s0  }
0xbd: {  	s0 =	sadd.s32 $0x8F2B, s0  }
0xbe: {  	[sflag:s0] =	ssyncadd.remote.s32 $0x1  }
0xbf: {  	_ =	sfence.sel $0xFFFF  }
0xc0: {  	[dreg:$0x0] =	wrdreg $0xFFFFFFFF;
	(pc) =	sbr.abs _section_cstart, $3  }
0xc1: {  	[dreg:$0x1] =	wrdreg $0xFFFFFFFF  }
0xc2: {  	_ =	task.clear_ibuf [dreg:s7], $0x2FFFF;
	_ =	strace $0x9FFFFFFF  }
0xc3: {  	(tm) =	ssettm $0x7FFFFFFF  }
tec
execute0_lowered:
.L_overlay_start_1:
0x0: {  	(tag) =	ssettag $0x1  }
0x1: {  	s5 =	rddreg [dreg:$0x0]  }
0x2: {  	s1 =	srdreg.scid;
	s2 =	rddreg [dreg:$0x1]  }
0x3: {  	s0 =	stileid.u32;
	s3 =	rddreg [dreg:$0x2]  }
0x4: {  	s4 =	simm.s32 $0x0;
	s13 =	simm.s32 $0x80;
	s14 =	simm.s32 $0x0  }
0x5: {  	s6 =	sand.u32 $0x1, s1;
	s28 =	sshll.u32 s0, $0x1;
	s8 =	smul.u32 $0x13C00, s0  }
0x6: {  	[smem:$0x7FF] =	sst s4;
	s29 =	smul.u32 $0x4F000, s0;
	s31 =	sshll.u32 s0, $0x6  }
0x7: {  	s1 =	sor.u32 s6, s28;
	s9 =	smul.u32 $0x13C000, s6;
	s6 =	ssub.s32 $0x2, s6  }
0x8: {  	s7 =	smul.u32 $0x280, s1;
	s1 =	rddreg [dreg:$0x3];
	_ =	strace $0x80000047  }
0x9: {  	s10 =	sshrl.u32 s8, $0x3;
	s11 =	sshrl.u32 s6, $0x1;
	s30 =	sshrl.u32 s29, $0x2  }
0xa: {  	s8 =	sadd.s32 s8, s9;
	s10 =	sadd.s32 s10, s5;
	s11 =	ssub.s32 s6, s11  }
0xb: {  	s12 =	sadd.s32 s30, s3;
	s9 =	simm.s32 $0x1;
	s7 =	sadd.s32 s7, s5  }
0xc: {  	s8 =	sshrl.u32 s8, $0x3;
	s6 =	sadd.s32 $0xF200, s10;
	s10 =	simm.s32 $0x1400  }
0xd: {  	s12 =	sshrl.u32 s12, $0x3;
	s8 =	sadd.s32 s8, s5;
	s5 =	sadd.s32 $0xA200, s7  }
0xe: {  	s7 =	sadd.s32 $0x36A00, s8;
	s8 =	smax.u32 s11, $0x1;
	s11 =	sor.u32 $0x1C01, s31  }
.LBB2_1:
0xf: {  	[tilespmem:s4], [sflag:$0x1] =	stream.linear.gather [hbm4b:s5+s4], $0x1400, $0x38;
	[tilespmem:$0x19000] =	vst v63  }
0x10: {  	_ =	swait.ge [sflag:s9], $0x1400  }
0x11: {  	[sflag:s9] =	ssyncset.done $0x0  }
0x12: {  	[sflag:s9] =	ssyncadd.s32 $0xFFFFEC00  }
0x13: {  	[tilespmem:s10], [sflag:$0x1] =	stream.linear.gather [hbm4b:s2+s4], $0x4000, $0x38;
	[tilespmem:$0x19000] =	vst v63  }
0x14: {  	_ =	swait.ge [sflag:s9], $0x4000  }
0x15: {  	[sflag:s9] =	ssyncset.done $0x0  }
0x16: {  	[sflag:s9] =	ssyncadd.s32 $0xFFFFC000  }
0x17: {  	[spmem:s12], [sflag:s11] =	dma.local [hbm:s6], $0x2780  }
0x18: {  	_ =	swait.ge [sflag:s9], $0x2780  }
0x19: {  	[sflag:s9] =	ssyncset.done $0x0  }
0x1a: {  	[sflag:s9] =	ssyncadd.s32 $0xFFFFD880  }
0x1b: {  	s15 =	simm.s32 $0x0;
	[bflag:$0x0] =	sbarrier.arrive $0xFFFF  }
0x1c: {  	[spmem:s3] =	stream.indirect.scatter.add.f32 [tilespmem:s10], [sflag:$0x1], $0x80, s15, s13, $0xb8;
	[tilespmem:$0x19000] =	vst v63  }
0x1d: {  	_ =	swait.ge [sflag:s9], $0x4000  }
0x1e: {  	s15 =	simm.s32 $0x200;
	[sflag:s9] =	ssyncset.done $0x0  }
.LBB2_2:
0x1f: {  	s16 =	sshra.s32 s15, $0x2;
	[sflag:s9] =	ssyncadd.s32 $0xFFFFC000;
	p0 =	sne.s32 s15, $0x4E00  }
0x20: {  	[spmem:s3] =	stream.indirect.scatter.add.f32 [tilespmem:s10], [sflag:$0x1], $0x80, s16, s13, $0xb8;
	[tilespmem:$0x19000] =	vst v63  }
.Ltmp0:
0x21: {  	_ = 	snop;
	(pc) =	sbr.rel @p0 .LBB2_2-.Ltmp0, $4  }
0x22: {  	_ = 	snop  }
0x23: {  	s15 =	sadd.s32 $0x200, s15  }
0x24: {  	_ =	swait.ge [sflag:s9], $0x4000  }
0x25: {  	[sflag:s9] =	ssyncset.done $0x0  }
0x26: {  	s14 =	sadd.s32 $0x1, s14  }
0x27: {  	[sflag:s9] =	ssyncadd.s32 $0xFFFFC000;
	p0 =	sne.s32 s14, s8  }
.Ltmp1:
0x28: {  	[bflag:$0x0] =	sbarrier.arrive $0xFFFF;
	(pc) =	sbr.rel @p0 .LBB2_1-.Ltmp1, $4  }
0x29: {  	[hbm:s7], [sflag:s11] =	dma.local [spmem:s12], $0x2780  }
0x2a: {  	_ =	swait.ge [sflag:s9], $0x2780  }
0x2b: {  	[sflag:s9] =	ssyncset.done $0x0  }
0x2c: {  	[sflag:s9] =	ssyncadd.s32 $0xFFFFD880  }
0x2d: {  	_ =	sfence.sel $0x180000  }
0x2e: {  	[bflag:$0x0] =	sbarrier.arrive $0xFFFF  }
0x2f: {  	p0 =	sne.s32 s0, $0x0;
	_ =	strace $0x90000047  }
0x30: {  	s0 =	sadd.s32 @!p0 $0x100000, s1;
	[bflag:$0x2] =	sbarrier.arrive $0xFFFF  }
0x31: {  	[sflag:s0] =	ssyncadd.tile.s32 @!p0 $0x1;
	_ =	shalt  }
.Lfunc_end2:
_tile_overlayer_lowered:
.L_overlay_start_2:
0x32: {  	(tag) =	ssettag $0x2  }
0x33: {  	s0 =	rddreg [dreg:$0x0];
	s2 =	stileid.u32  }
0x34: {  	s1 =	rddreg [dreg:$0x1];
	p0 =	sne.s32 s2, $0x0  }
0x35: {  	s3 =	rddreg [dreg:$0x2];
	[bflag:$0x3] =	sbarrier.arrive $0xFFFF;
	s2 =	simm.s32 @!p0 $0x1C01  }
0x36: {  	[timem:s3], [sflag:s2] =	dma.local @!p0 [hbm:s0], s1  }
0x37: {  	s0 =	simm.s32 @!p0 $0x1  }
0x38: {  	_ =	swait.ge @!p0 [sflag:s0], s1  }
0x39: {  	s1 =	ssub.s32 @!p0 $0x0, s1;
	[sflag:s0] =	ssyncset.done @!p0 $0x0  }
0x3a: {  	[sflag:s0] =	ssyncadd.s32 @!p0 s1  }
0x3b: {  	[bflag:$0x3] =	sbarrier.arrive $0xFFFF  }
0x3c: {  	_ =	shalt  }

// kernel: kernel.13.cloned.1.call-start
scs
__scs_entry_jumppad:
0x0: {  	(pc) =	sbr.rel $0x88, $3  }
0x1: {  	(tag) =	ssettag $0x0;
	lr =	simm.s32 $0x1  }
0x2: {  	[smem:$0x3F95] =	sst lr;
	_ =	strace $0xD0000000  }
0x3: {  	_ = 	snop  }
0x4: {  	_ = 	snop  }
0x5: {  	_ = 	snop  }
0x6: {  	_ = 	snop  }
0x7: {  	_ = 	snop  }
__scs_overlays_trampoline_lowered:
0x8: {  	[smem:$0x3FA4] =	sst s0  }
0x9: {  	[smem:$0x3FA5] =	sst s1  }
0xa: {  	[smem:$0x3FA6] =	sst s2  }
0xb: {  	[smem:$0x3FA7] =	sst s3  }
0xc: {  	[smem:$0x3FA8] =	sst s4  }
0xd: {  	[smem:$0x3FA9] =	sst s5  }
0xe: {  	[smem:$0x3FAA] =	sst s6  }
0xf: {  	[smem:$0x3FAB] =	sst s7  }
0x10: {  	[smem:$0x3FAC] =	sst s8  }
0x11: {  	[smem:$0x3FAD] =	sst s9;
	s0 =	simm.s32 @!p0 $0x0  }
0x12: {  	s1 =	sld [smem:$0x3F93];
	s0 =	simm.s32 @p0 $0x1  }
0x13: {  	[smem:$0x3FAE] =	sst s0;
	s0 =	simm.s32 @!p1 $0x0  }
0x14: {  	s2 =	sld [smem:$0x3F92];
	s0 =	simm.s32 @p1 $0x1  }
0x15: {  	[smem:$0x3FAF] =	sst s0;
	s0 =	simm.s32 @!p2 $0x0  }
0x16: {  	s3 =	sld [smem:$0x3FDB];
	s0 =	simm.s32 @p2 $0x1  }
0x17: {  	s4 =	simm.s32 $0x1BF5;
	[smem:$0x3FB1] =	sst s0  }
0x18: {  	s0 =	sld [smem:$0x3F94];
	_ =	swait.ge [sflag:s4], $0x0  }
0x19: {  	s7 =	sld [smem:$0x3F95]  }
0x1a: {  	s8 =	sadd.s32 $0xFFFFE003, lr  }
0x1b: {  	s9 =	sadd.s32 $0xFFFFFEF7, lr;
	s5 =	simm.s32 $0xFFFFFFFF;
	p2 =	slt.u32 s8, $0xFFFFF086  }
0x1c: {  	p1 =	slt.u32 s9, $0xF7A;
	s5 =	simm.s32 @!p2 $0x0  }
0x1d: {  	s5 =	simm.s32 @p1 $0x1;
	p0 =	seq.s32 s7, s2  }
0x1e: {  	s7 =	smul.u32 @!p0 $0xF7A, s2;
	p2 =	seq.s32 @!p0 s5, $0x0  }
0x1f: {  	s9 =	smul.u32 $0xF7A, s1;
	s8 =	simm.s32 @!p0 $0x1BF5;
	p2 =	por !p2, p0  }
0x20: {  	[sflag:s8] =	ssyncset.s32 @!p0 $0xFFFFF086;
	s6 =	sadd.s32 @!p0 s3, s7;
	s7 =	simm.s32 @!p0 $0x108  }
0x21: {  	s3 =	sadd.s32 s3, s9;
	s6 =	sadd.s32 @!p0 $0x88, s6;
	s7 =	simm.s32 @p2 $0x1082  }
0x22: {  	[simem:s7], [sflag:s8] =	dma.local @!p0 [hbm:s6], $0xF7A  }
0x23: {  	s9 =	sor.u32 $0xD0000000, s2;
	s6 =	simm.s32 $0x108;
	_ =	swait.ge @!p0 [sflag:s8], $0x0  }
0x24: {  	s3 =	sadd.s32 $0x88, s3;
	s6 =	simm.s32 @!p1 $0x1082;
	[sflag:s4] =	ssyncset.s32 $0xFFFFF086  }
0x25: {  	[simem:s6], [sflag:s4] =	dma.local [hbm:s3], $0xF7A  }
0x26: {  	[smem:$0x3F95] =	sst s1;
	(tag) =	ssettag s2;
	_ =	strace s9  }
0x27: {  	s1 =	sld [smem:$0x3FA5]  }
0x28: {  	s2 =	sld [smem:$0x3FA6]  }
0x29: {  	s4 =	sld [smem:$0x3FA8]  }
0x2a: {  	p0 =	seq.s32 s5, $0x0;
	s5 =	sld [smem:$0x3FA9]  }
0x2b: {  	s6 =	sld [smem:$0x3FAA]  }
0x2c: {  	s7 =	sld [smem:$0x3FAB]  }
0x2d: {  	s3 =	simm.s32 $0x108;
	s8 =	sld [smem:$0x3FAC]  }
0x2e: {  	s3 =	simm.s32 @!p0 $0x1082;
	s9 =	sld [smem:$0x3FAD]  }
0x2f: {  	lr =	sadd.s32 s0, s3;
	s0 =	sld [smem:$0x3FA4]  }
0x30: {  	s3 =	sld [smem:$0x3FA7]  }
0x31: {  	[smem:$0x3FB0] =	sst s10  }
0x32: {  	s10 =	sld [smem:$0x3FAE];
	_ =	sdelay $0x3  }
0x33: {  	p0 =	seq.s32 s10, $0x1;
	s10 =	sld [smem:$0x3FB0];
	_ =	sdelay $0x3  }
0x34: {  	[smem:$0x3FB0] =	sst s10  }
0x35: {  	s10 =	sld [smem:$0x3FAF];
	_ =	sdelay $0x3  }
0x36: {  	p1 =	seq.s32 s10, $0x1;
	s10 =	sld [smem:$0x3FB0];
	_ =	sdelay $0x3  }
0x37: {  	[smem:$0x3FB0] =	sst s10  }
0x38: {  	s10 =	sld [smem:$0x3FB1]  }
0x39: {  	_ = 	snop;
	(pc) =	sbr.ind lr, $3  }
0x3a: {  	_ = 	snop  }
0x3b: {  	_ = 	snop  }
0x3c: {  	p2 =	seq.s32 s10, $0x1;
	s10 =	sld [smem:$0x3FB0]  }
0x3d: {  	_ =	shalt  }
0x3e: {  	_ =	shalt  }
0x3f: {  	_ =	shalt  }
0x40: {  	_ =	shalt  }
0x41: {  	_ =	shalt  }
0x42: {  	_ =	shalt  }
0x43: {  	_ =	shalt  }
0x44: {  	_ =	shalt  }
0x45: {  	_ =	shalt  }
0x46: {  	_ =	shalt  }
0x47: {  	_ =	shalt  }
0x48: {  	_ =	shalt  }
0x49: {  	_ =	shalt  }
0x4a: {  	_ =	shalt  }
0x4b: {  	_ =	shalt  }
0x4c: {  	_ =	shalt  }
0x4d: {  	_ =	shalt  }
0x4e: {  	_ =	shalt  }
0x4f: {  	_ =	shalt  }
0x50: {  	_ =	shalt  }
0x51: {  	_ =	shalt  }
0x52: {  	_ =	shalt  }
0x53: {  	_ =	shalt  }
0x54: {  	_ =	shalt  }
0x55: {  	_ =	shalt  }
0x56: {  	_ =	shalt  }
0x57: {  	_ =	shalt  }
0x58: {  	_ =	shalt  }
0x59: {  	_ =	shalt  }
0x5a: {  	_ =	shalt  }
0x5b: {  	_ =	shalt  }
0x5c: {  	_ =	shalt  }
0x5d: {  	_ =	shalt  }
0x5e: {  	_ =	shalt  }
0x5f: {  	_ =	shalt  }
0x60: {  	_ =	shalt  }
0x61: {  	_ =	shalt  }
0x62: {  	_ =	shalt  }
0x63: {  	_ =	shalt  }
0x64: {  	_ =	shalt  }
0x65: {  	_ =	shalt  }
0x66: {  	_ =	shalt  }
0x67: {  	_ =	shalt  }
0x68: {  	_ =	shalt  }
0x69: {  	_ =	shalt  }
0x6a: {  	_ =	shalt  }
0x6b: {  	_ =	shalt  }
0x6c: {  	_ =	shalt  }
0x6d: {  	_ =	shalt  }
0x6e: {  	_ =	shalt  }
0x6f: {  	_ =	shalt  }
0x70: {  	_ =	shalt  }
0x71: {  	_ =	shalt  }
0x72: {  	_ =	shalt  }
0x73: {  	_ =	shalt  }
0x74: {  	_ =	shalt  }
0x75: {  	_ =	shalt  }
0x76: {  	_ =	shalt  }
0x77: {  	_ =	shalt  }
0x78: {  	_ =	shalt  }
0x79: {  	_ =	shalt  }
0x7a: {  	_ =	shalt  }
0x7b: {  	_ =	shalt  }
0x7c: {  	_ =	shalt  }
0x7d: {  	_ =	shalt  }
0x7e: {  	_ =	shalt  }
0x7f: {  	_ =	shalt  }
0x80: {  	_ =	shalt  }
0x81: {  	_ =	shalt  }
0x82: {  	_ =	shalt  }
0x83: {  	_ =	shalt  }
0x84: {  	_ =	shalt  }
0x85: {  	_ =	shalt  }
0x86: {  	_ =	shalt  }
0x87: {  	_ =	shalt  }
.Lfunc_end0:
.L_simem_size_0:
called_computation.1_lowered:
.L_overlay_start_0:
0x88: {  	s2 =	sld [smem:$0x3FD9]  }
0x89: {  	s3 =	sld [smem:$0x3FFE];
	_ =	sdelay $0x1  }
0x8a: {  	s1 =	srdreg.scid  }
0x8b: {  	s0 =	sand.u32 $0x1, s1  }
0x8c: {  	s16 =	sshll.u32 s0, $0xA;
	s2 =	sadd.s32 s3, s2  }
0x8d: {  	s2 =	sadd.s32 s2, s16  }
0x8e: {  	[smem:$0x3FBC] =	sst s2  }
0x8f: {  	_ = 	snop  }
0x90: {  	(tm) =	ssettm $0x1  }
0x91: {  	s17 =	sld [smem:$0x3FFB];
	_ =	sdelay $0x3  }
0x92: {  	_ =	strace s17  }
0x93: {  	s2 =	sld [smem:$0x3FFC];
	_ =	sdelay $0x3  }
0x94: {  	_ =	strace s2  }
0x95: {  	s2 =	sld [smem:$0x3FFD];
	_ =	sdelay $0x3  }
0x96: {  	_ =	strace s2  }
0x97: {  	_ =	strace $0x8FFFFFFF  }
0x98: {  	s18 =	sld [smem:$0x3FDB];
	_ =	sdelay $0x1  }
0x99: {  	s19 =	simm.s32 $_scs_section_size  }
0x9a: {  	s4 =	simm.s32 $_size__tile_overlayer_lowered;
	s5 =	simm.s32 $_tile_overlayer_lowered  }
0x9b: {  	s22 =	simm.s32 $0x1BFF;
	s21 =	sshll.u32 s5, $0x1;
	s2 =	sadd.s32 s19, s18  }
0x9c: {  	s6 =	simm.s32 $0x0;
	s20 =	sshll.u32 s4, $0x1;
	s4 =	sadd.s32 s21, s2  }
0x9d: {  	[timem:s6], [sflag:s22] =	dma.local [hbm:s4], s20  }
0x9e: {  	_ =	swait.ge [sflag:s22], s20  }
0x9f: {  	s3 =	ssub.s32 $0x0, s20;
	[sflag:s22] =	ssyncset.done $0x0  }
0xa0: {  	[sflag:s22] =	ssyncadd.s32 s3;
	_ =	sdelay $0x1  }
0xa1: {  	s23 =	simm.s32 $0x1B8B  }
0xa2: {  	_ =	swait.ge [sflag:s23], $0x1  }
0xa3: {  	[sflag:s23] =	ssyncset.done $0x0  }
0xa4: {  	s25 =	simm.s32 $0x1B8E;
	s24 =	sld [smem:$0x3FFE];
	[sflag:s23] =	ssyncadd.s32 $0xFFFFFFFF  }
0xa5: {  	s26 =	simm.s32 $execute0_lowered;
	[smem:$0x3FD2] =	sst s25  }
0xa6: {  	s4 =	sshll.u32 s26, $0x1;
	_ =	strace $0x80000049;
	[dreg:$0x1] =	wrdreg $0xFFFFFFFF  }
0xa7: {  	s28 =	simm.s32 $_size_execute0_lowered;
	s2 =	sadd.s32 s2, s4;
	[dreg:$0x0] =	wrdreg $0x0  }
0xa8: {  	s4 =	sshll.u32 s28, $0x1;
	[dreg:$0x2] =	wrdreg s2  }
0xa9: {  	[dreg:$0x3] =	wrdreg s4  }
0xaa: {  	[dreg:$0x4] =	wrdreg $0xC0  }
0xab: {  	_ =	task [dreg:s6], $0x5FFFF  }
0xac: {  	[dreg:$0x1] =	wrdreg $0xFFFFFFFF  }
0xad: {  	[dreg:$0x0] =	wrdreg $0x60  }
0xae: {  	[dreg:$0x2] =	wrdreg s24  }
0xaf: {  	[dreg:$0x3] =	wrdreg $0xC0000  }
0xb0: {  	[dreg:$0x4] =	wrdreg $0x9  }
0xb1: {  	_ =	task.clear_ibuf [dreg:s6], $0x5FFFF;
	_ =	strace $0x90000049  }
0xb2: {  	s29 =	simm.s32 $0x9;
	_ =	strace $0x8000004B  }
0xb3: {  	_ =	swait.ge [sflag:s29], $0x1  }
0xb4: {  	[sflag:s29] =	ssyncadd.s32 $0xFFFFFFFF  }
0xb5: {  	_ =	strace $0x9000004B  }
0xb6: {  	_ =	sfence  }
0xb7: {  	s30 =	sld [smem:$0x0];
	_ =	sdelay $0x2  }
0xb8: {  	s31 =	sshll.u32 s1, $0xD;
	s1 =	sshrl.u32 s1, $0x2  }
0xb9: {  	s3 =	sand.u32 $0x4000, s31;
	s1 =	sadd.s32 s1, s30  }
0xba: {  	s0 =	sor.u32 s3, s0;
	s1 =	sshll.u32 s1, $0x11  }
0xbb: {  	s0 =	sor.u32 s1, s0  }
0xbc: {  	s0 =	sadd.s32 $0x8F2B, s0  }
0xbd: {  	[sflag:s0] =	ssyncadd.remote.s32 $0x1  }
0xbe: {  	_ =	sfence.sel $0xFFFF  }
0xbf: {  	[dreg:$0x0] =	wrdreg $0xFFFFFFFF;
	(pc) =	sbr.abs _section_cstart, $3  }
0xc0: {  	[dreg:$0x1] =	wrdreg $0xFFFFFFFF  }
0xc1: {  	_ =	task.clear_ibuf [dreg:s6], $0x2FFFF;
	_ =	strace $0x9FFFFFFF  }
0xc2: {  	(tm) =	ssettm $0x7FFFFFFF  }
0xc3: {  	_ =	shalt  }
tec
execute0_lowered:
.L_overlay_start_1:
0x0: {  	(tag) =	ssettag $0x1  }
0x1: {  	s0 =	rddreg [dreg:$0x0]  }
0x2: {  	s1 =	rddreg [dreg:$0x1];
	s2 =	simm.s32 $0x0;
	s3 =	srdreg.scid  }
0x3: {  	s18 =	stileid.u32;
	s21 =	simm.s32 $0x80;
	s22 =	simm.s32 $0x4000  }
0x4: {  	s23 =	simm.s32 $0x1;
	[smem:$0x7FF] =	sst s2;
	s4 =	sadd.s32 $0x85A00, s0  }
0x5: {  	s5 =	sadd.s32 $0xAD200, s0;
	s3 =	sand.u32 $0x1, s3;
	s6 =	sshll.u32 s18, $0x8  }
0x6: {  	s8 =	smul.u32 $0x13C00, s18;
	s9 =	sshll.u32 s18, $0xA;
	s7 =	sadd.s32 $0x106A00, s0  }
0x7: {  	s13 =	smul.u32 $0x4F000, s18;
	s31 =	sshll.u32 s18, $0x6;
	s18 =	simm.s32 $0x3  }
0x8: {  	_ =	strace $0x8000004A;
	p0 =	seq.s32 s3, $0x0;
	s10 =	sor.u32 $0x4000, s6  }
0x9: {  	s11 =	smul.u32 $0x13C000, s3;
	s6 =	sadd.s32 $0xDF200, s0;
	s3 =	ssub.s32 $0x2, s3  }
0xa: {  	s19 =	sor.u32 $0x1C03, s31;
	s10 =	smov.u32 @p0 s9;
	s24 =	sshrl.u32 s8, $0x3  }
0xb: {  	s12 =	sshrl.u32 s3, $0x1;
	s29 =	sshrl.u32 s13, $0x2;
	s9 =	sadd.s32 s10, s0  }
0xc: {  	s8 =	sadd.s32 s8, s11;
	s25 =	sadd.s32 s24, s0;
	s3 =	ssub.s32 s3, s12  }
0xd: {  	s24 =	simm.s32 $0x8000;
	s26 =	sshrl.u32 s8, $0x3;
	s8 =	simm.s32 $0x20  }
0xe: {  	s28 =	sadd.s32 $0xD9E00, s9;
	s9 =	sadd.s32 $0xD4A00, s9;
	s11 =	sadd.s32 $0xF200, s25  }
0xf: {  	s17 =	smax.u32 s3, $0x1;
	s25 =	simm.s32 $0x2;
	[dreg:$0x3] =	wrdreg s28  }
0x10: {  	s0 =	sadd.s32 s26, s0;
	s8 =	simm.s32 @!p0 $0x8;
	[dreg:$0x4] =	wrdreg s9  }
0x11: {  	s9 =	sadd.s32 s29, s1;
	s26 =	simm.s32 $0x0;
	s30 =	sadd.s32 $0x12E200, s0  }
0x12: {  	s13 =	sadd.s32 $0xFFFFFFFF, s8;
	s14 =	sadd.s32 $0x17D200, s0;
	s15 =	sadd.s32 $0x1CC200, s0  }
0x13: {  	s16 =	sadd.s32 $0x21B200, s0;
	s20 =	sshrl.u32 s9, $0x3;
	[dreg:$0x5] =	wrdreg s30  }
.LBB2_1:
0x14: {  	s0 =	rddreg [dreg:$0x3]  }
0x15: {  	[tilespmem:s2], [sflag:$0x3] =	stream.linear.gather [hbm4b:s0+s2], $0x2000, $0x38;
	[tilespmem:$0x1FC00] =	vst v63  }
0x16: {  	_ =	swait.ge [sflag:s18], $0x2000  }
0x17: {  	[sflag:s18] =	ssyncset.done $0x0  }
0x18: {  	s29 =	simm.s32 $0x2000;
	s12 =	rddreg [dreg:$0x4];
	[sflag:s18] =	ssyncadd.s32 $0xFFFFE000  }
0x19: {  	[tilespmem:s29], [sflag:$0x3] =	stream.linear.gather [hbm4b:s12+s2], $0x2000, $0x38;
	[tilespmem:$0x1FC00] =	vst v63  }
0x1a: {  	_ =	swait.ge [sflag:s18], $0x2000  }
0x1b: {  	[sflag:s18] =	ssyncset.done $0x0  }
0x1c: {  	[sflag:s18] =	ssyncadd.s32 $0xFFFFE000  }
0x1d: {  	[spmem:s20], [sflag:s19] =	dma.local [hbm:s11], $0x2780  }
0x1e: {  	_ =	swait.ge [sflag:s18], $0x2780  }
0x1f: {  	[sflag:s18] =	ssyncset.done $0x0  }
0x20: {  	[sflag:s18] =	ssyncadd.s32 $0xFFFFD880  }
0x21: {  	[bflag:$0x0] =	sbarrier.arrive $0xFFFF  }
0x22: {  	[tilespmem:s22], [sflag:$0x1] =	stream.indirect.gather [hbm4b:s4+s21], $0x80, s2, s21, $0xb8;
	[tilespmem:$0x1FC00] =	vst v63  }
0x23: {  	_ =	swait.ge [sflag:s23], $0x4000  }
0x24: {  	[sflag:s23] =	ssyncset.done $0x0  }
0x25: {  	s30 =	simm.s32 $0x80;
	[sflag:s23] =	ssyncadd.s32 $0xFFFFC000  }
0x26: {  	[tilespmem:s24], [sflag:$0x2] =	stream.indirect.gather [hbm4b:s4+s21], $0x80, s30, s21, $0xb8;
	[tilespmem:$0x1FC00] =	vst v63  }
0x27: {  	_ = 	snop  }
0x28: {  	[spmem:s1] =	stream.indirect.scatter.add.f32 [tilespmem:s22], [sflag:$0x3], $0x80, s29, s21, $0xb8;
	[tilespmem:$0x1FC00] =	vst v63  }
0x29: {  	_ =	swait.ge [sflag:s18], $0x4000  }
0x2a: {  	[sflag:s18] =	ssyncset.done $0x0  }
0x2b: {  	[sflag:s18] =	ssyncadd.s32 $0xFFFFC000  }
0x2c: {  	_ =	swait.ge [sflag:s25], $0x4000  }
0x2d: {  	s28 =	simm.s32 $0x100;
	p0 =	sle.s32 s13, $0x0;
	[sflag:s25] =	ssyncset.done $0x0  }
0x2e: {  	s0 =	simm.s32 @!p0 $0x80;
	s3 =	simm.s32 @!p0 $0x4000;
	[sflag:s25] =	ssyncadd.s32 $0xFFFFC000  }
0x2f: {  	[tilespmem:s3], [sflag:$0x1] =	stream.indirect.gather @!p0 [hbm4b:s4+s0], $0x80, s28, s0, $0xb8;
	[tilespmem:$0x1FC00] =	vst v63  }
0x30: {  	p0 =	sne.s32 s8, $0x1  }
.Ltmp0:
0x31: {  	_ = 	snop;
	(pc) =	sbr.rel @!p0 .LBB2_3-.Ltmp0, $4  }
0x32: {  	s31 =	simm.s32 $0x2080  }
0x33: {  	[spmem:s1] =	stream.indirect.scatter.add.f32 [tilespmem:s24], [sflag:$0x3], $0x80, s31, s21, $0xb8;
	[tilespmem:$0x1FC00] =	vst v63  }
0x34: {  	s9 =	simm.s32 $0x100;
	_ =	swait.ge [sflag:s18], $0x4000  }
0x35: {  	s0 =	simm.s32 $0x1;
	s3 =	simm.s32 $0x2100;
	[sflag:s18] =	ssyncset.done $0x0  }
.LBB2_2:
0x36: {  	[sflag:s18] =	ssyncadd.s32 $0xFFFFC000  }
0x37: {  	s9 =	sadd.s32 $0x100, s9;
	s10 =	smov.u32 s0;
	s0 =	sadd.s32 $0x1, s0  }
0x38: {  	p0 =	sne.s32 s8, s0  }
0x39: {  	_ =	swait.ge [sflag:s23], $0x4000  }
0x3a: {  	[sflag:s23] =	ssyncset.done $0x0  }
0x3b: {  	s12 =	sadd.s32 $0xFFFFFF80, s9;
	[sflag:s23] =	ssyncadd.s32 $0xFFFFC000  }
0x3c: {  	[tilespmem:s24], [sflag:$0x2] =	stream.indirect.gather [hbm4b:s4+s21], $0x80, s12, s21, $0xb8;
	[tilespmem:$0x1FC00] =	vst v63  }
0x3d: {  	_ = 	snop  }
0x3e: {  	[spmem:s1] =	stream.indirect.scatter.add.f32 [tilespmem:s22], [sflag:$0x3], $0x80, s3, s21, $0xb8;
	[tilespmem:$0x1FC00] =	vst v63  }
0x3f: {  	_ =	swait.ge [sflag:s18], $0x4000  }
0x40: {  	[sflag:s18] =	ssyncset.done $0x0  }
0x41: {  	[sflag:s18] =	ssyncadd.s32 $0xFFFFC000  }
0x42: {  	_ =	swait.ge [sflag:s25], $0x4000  }
0x43: {  	p1 =	sge.s32 s10, s13;
	[sflag:s25] =	ssyncset.done $0x0  }
0x44: {  	s10 =	simm.s32 @!p1 $0x80;
	s12 =	simm.s32 @!p1 $0x4000;
	[sflag:s25] =	ssyncadd.s32 $0xFFFFC000  }
0x45: {  	[tilespmem:s12], [sflag:$0x1] =	stream.indirect.gather @!p1 [hbm4b:s4+s10], $0x80, s9, s10, $0xb8;
	[tilespmem:$0x1FC00] =	vst v63  }
.Ltmp1:
0x46: {  	_ = 	snop;
	(pc) =	sbr.rel @p0 .LBB2_2-.Ltmp1, $4  }
0x47: {  	s10 =	sadd.s32 $0x80, s3  }
0x48: {  	[spmem:s1] =	stream.indirect.scatter.add.f32 [tilespmem:s24], [sflag:$0x3], $0x80, s10, s21, $0xb8;
	[tilespmem:$0x1FC00] =	vst v63  }
0x49: {  	_ =	swait.ge [sflag:s18], $0x4000  }
0x4a: {  	s3 =	sadd.s32 $0x100, s3;
	[sflag:s18] =	ssyncset.done $0x0  }
.LBB2_3:
0x4b: {  	[sflag:s18] =	ssyncadd.s32 $0xFFFFC000  }
0x4c: {  	[bflag:$0x0] =	sbarrier.arrive $0xFFFF  }
0x4d: {  	s0 =	rddreg [dreg:$0x5]  }
0x4e: {  	[hbm:s0], [sflag:s19] =	dma.local [spmem:s20], $0x2780  }
0x4f: {  	_ =	swait.ge [sflag:s18], $0x2780  }
0x50: {  	[sflag:s18] =	ssyncset.done $0x0  }
0x51: {  	[sflag:s18] =	ssyncadd.s32 $0xFFFFD880  }
0x52: {  	[bflag:$0x0] =	sbarrier.arrive $0xFFFF  }
0x53: {  	[spmem:s20], [sflag:s19] =	dma.local [hbm:s11], $0x2780  }
0x54: {  	_ =	swait.ge [sflag:s18], $0x2780  }
0x55: {  	[sflag:s18] =	ssyncset.done $0x0  }
0x56: {  	[sflag:s18] =	ssyncadd.s32 $0xFFFFD880  }
0x57: {  	s0 =	simm.s32 $0x0;
	[bflag:$0x0] =	sbarrier.arrive $0xFFFF  }
0x58: {  	[tilespmem:s22], [sflag:$0x1] =	stream.indirect.gather [hbm4b:s5+s21], $0x80, s0, s21, $0xb8;
	[tilespmem:$0x1FC00] =	vst v63  }
0x59: {  	_ =	swait.ge [sflag:s23], $0x4000  }
0x5a: {  	[sflag:s23] =	ssyncset.done $0x0  }
0x5b: {  	[sflag:s23] =	ssyncadd.s32 $0xFFFFC000  }
0x5c: {  	[tilespmem:s24], [sflag:$0x2] =	stream.indirect.gather [hbm4b:s5+s21], $0x80, s30, s21, $0xb8;
	[tilespmem:$0x1FC00] =	vst v63  }
0x5d: {  	_ = 	snop  }
0x5e: {  	[spmem:s1] =	stream.indirect.scatter.add.f32 [tilespmem:s22], [sflag:$0x3], $0x80, s29, s21, $0xb8;
	[tilespmem:$0x1FC00] =	vst v63  }
0x5f: {  	_ =	swait.ge [sflag:s18], $0x4000  }
0x60: {  	[sflag:s18] =	ssyncset.done $0x0  }
0x61: {  	[sflag:s18] =	ssyncadd.s32 $0xFFFFC000  }
0x62: {  	_ =	swait.ge [sflag:s25], $0x4000  }
0x63: {  	p0 =	sle.s32 s13, $0x0;
	p1 =	sne.s32 s8, $0x1;
	[sflag:s25] =	ssyncset.done $0x0  }
0x64: {  	s3 =	simm.s32 @!p0 $0x4000;
	s30 =	simm.s32 @!p0 $0x80;
	[sflag:s25] =	ssyncadd.s32 $0xFFFFC000  }
0x65: {  	[tilespmem:s3], [sflag:$0x1] =	stream.indirect.gather @!p0 [hbm4b:s5+s30], $0x80, s28, s30, $0xb8;
	[tilespmem:$0x1FC00] =	vst v63  }
.Ltmp2:
0x66: {  	_ = 	snop;
	(pc) =	sbr.rel @!p1 .LBB2_5-.Ltmp2, $4  }
0x67: {  	_ = 	snop  }
0x68: {  	[spmem:s1] =	stream.indirect.scatter.add.f32 [tilespmem:s24], [sflag:$0x3], $0x80, s31, s21, $0xb8;
	[tilespmem:$0x1FC00] =	vst v63  }
0x69: {  	_ =	swait.ge [sflag:s18], $0x4000  }
0x6a: {  	s9 =	simm.s32 $0x2100;
	s29 =	simm.s32 $0x1;
	[sflag:s18] =	ssyncset.done $0x0  }
.LBB2_4:
0x6b: {  	[sflag:s18] =	ssyncadd.s32 $0xFFFFC000  }
0x6c: {  	s28 =	sadd.s32 $0x100, s28;
	s10 =	smov.u32 s29;
	s29 =	sadd.s32 $0x1, s29  }
0x6d: {  	p1 =	sne.s32 s8, s29  }
0x6e: {  	_ =	swait.ge [sflag:s23], $0x4000  }
0x6f: {  	[sflag:s23] =	ssyncset.done $0x0  }
0x70: {  	s12 =	sadd.s32 $0xFFFFFF80, s28;
	[sflag:s23] =	ssyncadd.s32 $0xFFFFC000  }
0x71: {  	[tilespmem:s24], [sflag:$0x2] =	stream.indirect.gather [hbm4b:s5+s21], $0x80, s12, s21, $0xb8;
	[tilespmem:$0x1FC00] =	vst v63  }
0x72: {  	_ = 	snop  }
0x73: {  	[spmem:s1] =	stream.indirect.scatter.add.f32 [tilespmem:s22], [sflag:$0x3], $0x80, s9, s21, $0xb8;
	[tilespmem:$0x1FC00] =	vst v63  }
0x74: {  	_ =	swait.ge [sflag:s18], $0x4000  }
0x75: {  	[sflag:s18] =	ssyncset.done $0x0  }
0x76: {  	[sflag:s18] =	ssyncadd.s32 $0xFFFFC000  }
0x77: {  	_ =	swait.ge [sflag:s25], $0x4000  }
0x78: {  	p2 =	sge.s32 s10, s13;
	[sflag:s25] =	ssyncset.done $0x0  }
0x79: {  	s10 =	simm.s32 @!p2 $0x80;
	s12 =	simm.s32 @!p2 $0x4000;
	[sflag:s25] =	ssyncadd.s32 $0xFFFFC000  }
0x7a: {  	[tilespmem:s12], [sflag:$0x1] =	stream.indirect.gather @!p2 [hbm4b:s5+s10], $0x80, s28, s10, $0xb8;
	[tilespmem:$0x1FC00] =	vst v63  }
.Ltmp3:
0x7b: {  	_ = 	snop;
	(pc) =	sbr.rel @p1 .LBB2_4-.Ltmp3, $4  }
0x7c: {  	s10 =	sadd.s32 $0x80, s9  }
0x7d: {  	[spmem:s1] =	stream.indirect.scatter.add.f32 [tilespmem:s24], [sflag:$0x3], $0x80, s10, s21, $0xb8;
	[tilespmem:$0x1FC00] =	vst v63  }
0x7e: {  	_ =	swait.ge [sflag:s18], $0x4000  }
0x7f: {  	s9 =	sadd.s32 $0x100, s9;
	[sflag:s18] =	ssyncset.done $0x0  }
.LBB2_5:
0x80: {  	[sflag:s18] =	ssyncadd.s32 $0xFFFFC000  }
0x81: {  	[bflag:$0x0] =	sbarrier.arrive $0xFFFF  }
0x82: {  	[hbm:s14], [sflag:s19] =	dma.local [spmem:s20], $0x2780  }
0x83: {  	_ =	swait.ge [sflag:s18], $0x2780  }
0x84: {  	[sflag:s18] =	ssyncset.done $0x0  }
0x85: {  	[sflag:s18] =	ssyncadd.s32 $0xFFFFD880  }
0x86: {  	[bflag:$0x0] =	sbarrier.arrive $0xFFFF  }
0x87: {  	[spmem:s20], [sflag:s19] =	dma.local [hbm:s11], $0x2780  }
0x88: {  	_ =	swait.ge [sflag:s18], $0x2780  }
0x89: {  	[sflag:s18] =	ssyncset.done $0x0  }
0x8a: {  	[sflag:s18] =	ssyncadd.s32 $0xFFFFD880  }
0x8b: {  	[bflag:$0x0] =	sbarrier.arrive $0xFFFF  }
0x8c: {  	[tilespmem:s22], [sflag:$0x1] =	stream.indirect.gather [hbm4b:s6+s21], $0x80, s0, s21, $0xb8;
	[tilespmem:$0x1FC00] =	vst v63  }
0x8d: {  	_ =	swait.ge [sflag:s23], $0x4000  }
0x8e: {  	[sflag:s23] =	ssyncset.done $0x0  }
0x8f: {  	s29 =	simm.s32 $0x80;
	[sflag:s23] =	ssyncadd.s32 $0xFFFFC000  }
0x90: {  	[tilespmem:s24], [sflag:$0x2] =	stream.indirect.gather [hbm4b:s6+s21], $0x80, s29, s21, $0xb8;
	[tilespmem:$0x1FC00] =	vst v63  }
0x91: {  	s31 =	simm.s32 $0x2000  }
0x92: {  	[spmem:s1] =	stream.indirect.scatter.add.f32 [tilespmem:s22], [sflag:$0x3], $0x80, s31, s21, $0xb8;
	[tilespmem:$0x1FC00] =	vst v63  }
0x93: {  	_ =	swait.ge [sflag:s18], $0x4000  }
0x94: {  	[sflag:s18] =	ssyncset.done $0x0  }
0x95: {  	[sflag:s18] =	ssyncadd.s32 $0xFFFFC000  }
0x96: {  	_ =	swait.ge [sflag:s25], $0x4000  }
0x97: {  	[sflag:s25] =	ssyncset.done $0x0  }
0x98: {  	s28 =	simm.s32 $0x100;
	[sflag:s25] =	ssyncadd.s32 $0xFFFFC000  }
0x99: {  	[tilespmem:s3], [sflag:$0x1] =	stream.indirect.gather @!p0 [hbm4b:s6+s30], $0x80, s28, s30, $0xb8;
	[tilespmem:$0x1FC00] =	vst v63  }
0x9a: {  	p0 =	sne.s32 s8, $0x1  }
.Ltmp4:
0x9b: {  	_ = 	snop;
	(pc) =	sbr.rel @!p0 .LBB2_7-.Ltmp4, $4  }
0x9c: {  	s30 =	simm.s32 $0x2080  }
0x9d: {  	[spmem:s1] =	stream.indirect.scatter.add.f32 [tilespmem:s24], [sflag:$0x3], $0x80, s30, s21, $0xb8;
	[tilespmem:$0x1FC00] =	vst v63  }
0x9e: {  	s9 =	simm.s32 $0x100;
	_ =	swait.ge [sflag:s18], $0x4000  }
0x9f: {  	s0 =	simm.s32 $0x1;
	s3 =	simm.s32 $0x2100;
	[sflag:s18] =	ssyncset.done $0x0  }
.LBB2_6:
0xa0: {  	[sflag:s18] =	ssyncadd.s32 $0xFFFFC000  }
0xa1: {  	s9 =	sadd.s32 $0x100, s9;
	s10 =	smov.u32 s0;
	s0 =	sadd.s32 $0x1, s0  }
0xa2: {  	p0 =	sne.s32 s8, s0  }
0xa3: {  	_ =	swait.ge [sflag:s23], $0x4000  }
0xa4: {  	[sflag:s23] =	ssyncset.done $0x0  }
0xa5: {  	s12 =	sadd.s32 $0xFFFFFF80, s9;
	[sflag:s23] =	ssyncadd.s32 $0xFFFFC000  }
0xa6: {  	[tilespmem:s24], [sflag:$0x2] =	stream.indirect.gather [hbm4b:s6+s21], $0x80, s12, s21, $0xb8;
	[tilespmem:$0x1FC00] =	vst v63  }
0xa7: {  	_ = 	snop  }
0xa8: {  	[spmem:s1] =	stream.indirect.scatter.add.f32 [tilespmem:s22], [sflag:$0x3], $0x80, s3, s21, $0xb8;
	[tilespmem:$0x1FC00] =	vst v63  }
0xa9: {  	_ =	swait.ge [sflag:s18], $0x4000  }
0xaa: {  	[sflag:s18] =	ssyncset.done $0x0  }
0xab: {  	[sflag:s18] =	ssyncadd.s32 $0xFFFFC000  }
0xac: {  	_ =	swait.ge [sflag:s25], $0x4000  }
0xad: {  	p1 =	sge.s32 s10, s13;
	[sflag:s25] =	ssyncset.done $0x0  }
0xae: {  	s10 =	simm.s32 @!p1 $0x80;
	s12 =	simm.s32 @!p1 $0x4000;
	[sflag:s25] =	ssyncadd.s32 $0xFFFFC000  }
0xaf: {  	[tilespmem:s12], [sflag:$0x1] =	stream.indirect.gather @!p1 [hbm4b:s6+s10], $0x80, s9, s10, $0xb8;
	[tilespmem:$0x1FC00] =	vst v63  }
.Ltmp5:
0xb0: {  	_ = 	snop;
	(pc) =	sbr.rel @p0 .LBB2_6-.Ltmp5, $4  }
0xb1: {  	s10 =	sadd.s32 $0x80, s3  }
0xb2: {  	[spmem:s1] =	stream.indirect.scatter.add.f32 [tilespmem:s24], [sflag:$0x3], $0x80, s10, s21, $0xb8;
	[tilespmem:$0x1FC00] =	vst v63  }
0xb3: {  	_ =	swait.ge [sflag:s18], $0x4000  }
0xb4: {  	s3 =	sadd.s32 $0x100, s3;
	[sflag:s18] =	ssyncset.done $0x0  }
.LBB2_7:
0xb5: {  	[sflag:s18] =	ssyncadd.s32 $0xFFFFC000  }
0xb6: {  	[bflag:$0x0] =	sbarrier.arrive $0xFFFF  }
0xb7: {  	[hbm:s15], [sflag:s19] =	dma.local [spmem:s20], $0x2780  }
0xb8: {  	_ =	swait.ge [sflag:s18], $0x2780  }
0xb9: {  	[sflag:s18] =	ssyncset.done $0x0  }
0xba: {  	[sflag:s18] =	ssyncadd.s32 $0xFFFFD880  }
0xbb: {  	[bflag:$0x0] =	sbarrier.arrive $0xFFFF  }
0xbc: {  	[spmem:s20], [sflag:s19] =	dma.local [hbm:s11], $0x2780  }
0xbd: {  	_ =	swait.ge [sflag:s18], $0x2780  }
0xbe: {  	[sflag:s18] =	ssyncset.done $0x0  }
0xbf: {  	[sflag:s18] =	ssyncadd.s32 $0xFFFFD880  }
0xc0: {  	s0 =	simm.s32 $0x0;
	[bflag:$0x0] =	sbarrier.arrive $0xFFFF  }
0xc1: {  	[tilespmem:s22], [sflag:$0x1] =	stream.indirect.gather [hbm4b:s7+s21], $0x80, s0, s21, $0xb8;
	[tilespmem:$0x1FC00] =	vst v63  }
0xc2: {  	_ =	swait.ge [sflag:s23], $0x4000  }
0xc3: {  	[sflag:s23] =	ssyncset.done $0x0  }
0xc4: {  	[sflag:s23] =	ssyncadd.s32 $0xFFFFC000  }
0xc5: {  	[tilespmem:s24], [sflag:$0x2] =	stream.indirect.gather [hbm4b:s7+s21], $0x80, s29, s21, $0xb8;
	[tilespmem:$0x1FC00] =	vst v63  }
0xc6: {  	_ = 	snop  }
0xc7: {  	[spmem:s1] =	stream.indirect.scatter.add.f32 [tilespmem:s22], [sflag:$0x3], $0x80, s31, s21, $0xb8;
	[tilespmem:$0x1FC00] =	vst v63  }
0xc8: {  	_ =	swait.ge [sflag:s18], $0x4000  }
0xc9: {  	[sflag:s18] =	ssyncset.done $0x0  }
0xca: {  	[sflag:s18] =	ssyncadd.s32 $0xFFFFC000  }
0xcb: {  	_ =	swait.ge [sflag:s25], $0x4000  }
0xcc: {  	p0 =	sle.s32 s13, $0x0;
	[sflag:s25] =	ssyncset.done $0x0  }
0xcd: {  	s3 =	simm.s32 @!p0 $0x4000;
	s0 =	simm.s32 @!p0 $0x80;
	[sflag:s25] =	ssyncadd.s32 $0xFFFFC000  }
0xce: {  	[tilespmem:s3], [sflag:$0x1] =	stream.indirect.gather @!p0 [hbm4b:s7+s0], $0x80, s28, s0, $0xb8;
	[tilespmem:$0x1FC00] =	vst v63  }
0xcf: {  	p0 =	sne.s32 s8, $0x1  }
.Ltmp6:
0xd0: {  	_ = 	snop;
	(pc) =	sbr.rel @!p0 .LBB2_9-.Ltmp6, $4  }
0xd1: {  	_ = 	snop  }
0xd2: {  	[spmem:s1] =	stream.indirect.scatter.add.f32 [tilespmem:s24], [sflag:$0x3], $0x80, s30, s21, $0xb8;
	[tilespmem:$0x1FC00] =	vst v63  }
0xd3: {  	_ =	swait.ge [sflag:s18], $0x4000  }
0xd4: {  	s0 =	simm.s32 $0x1;
	s3 =	simm.s32 $0x2100;
	[sflag:s18] =	ssyncset.done $0x0  }
.LBB2_8:
0xd5: {  	[sflag:s18] =	ssyncadd.s32 $0xFFFFC000  }
0xd6: {  	s28 =	sadd.s32 $0x100, s28;
	s9 =	smov.u32 s0;
	s0 =	sadd.s32 $0x1, s0  }
0xd7: {  	p0 =	sne.s32 s8, s0  }
0xd8: {  	_ =	swait.ge [sflag:s23], $0x4000  }
0xd9: {  	[sflag:s23] =	ssyncset.done $0x0  }
0xda: {  	s10 =	sadd.s32 $0xFFFFFF80, s28;
	[sflag:s23] =	ssyncadd.s32 $0xFFFFC000  }
0xdb: {  	[tilespmem:s24], [sflag:$0x2] =	stream.indirect.gather [hbm4b:s7+s21], $0x80, s10, s21, $0xb8;
	[tilespmem:$0x1FC00] =	vst v63  }
0xdc: {  	_ = 	snop  }
0xdd: {  	[spmem:s1] =	stream.indirect.scatter.add.f32 [tilespmem:s22], [sflag:$0x3], $0x80, s3, s21, $0xb8;
	[tilespmem:$0x1FC00] =	vst v63  }
0xde: {  	_ =	swait.ge [sflag:s18], $0x4000  }
0xdf: {  	[sflag:s18] =	ssyncset.done $0x0  }
0xe0: {  	[sflag:s18] =	ssyncadd.s32 $0xFFFFC000  }
0xe1: {  	_ =	swait.ge [sflag:s25], $0x4000  }
0xe2: {  	p1 =	sge.s32 s9, s13;
	[sflag:s25] =	ssyncset.done $0x0  }
0xe3: {  	s9 =	simm.s32 @!p1 $0x80;
	s10 =	simm.s32 @!p1 $0x4000;
	[sflag:s25] =	ssyncadd.s32 $0xFFFFC000  }
0xe4: {  	[tilespmem:s10], [sflag:$0x1] =	stream.indirect.gather @!p1 [hbm4b:s7+s9], $0x80, s28, s9, $0xb8;
	[tilespmem:$0x1FC00] =	vst v63  }
.Ltmp7:
0xe5: {  	_ = 	snop;
	(pc) =	sbr.rel @p0 .LBB2_8-.Ltmp7, $4  }
0xe6: {  	s9 =	sadd.s32 $0x80, s3  }
0xe7: {  	[spmem:s1] =	stream.indirect.scatter.add.f32 [tilespmem:s24], [sflag:$0x3], $0x80, s9, s21, $0xb8;
	[tilespmem:$0x1FC00] =	vst v63  }
0xe8: {  	_ =	swait.ge [sflag:s18], $0x4000  }
0xe9: {  	s3 =	sadd.s32 $0x100, s3;
	[sflag:s18] =	ssyncset.done $0x0  }
.LBB2_9:
0xea: {  	[sflag:s18] =	ssyncadd.s32 $0xFFFFC000;
	s26 =	sadd.s32 $0x1, s26  }
0xeb: {  	[bflag:$0x0] =	sbarrier.arrive $0xFFFF;
	p0 =	sne.s32 s26, s17  }
0xec: {  	[hbm:s16], [sflag:s19] =	dma.local [spmem:s20], $0x2780  }
.Ltmp8:
0xed: {  	_ =	swait.ge [sflag:s18], $0x2780;
	(pc) =	sbr.rel @p0 .LBB2_1-.Ltmp8, $3  }
0xee: {  	[sflag:s18] =	ssyncset.done $0x0  }
0xef: {  	[sflag:s18] =	ssyncadd.s32 $0xFFFFD880  }
0xf0: {  	[bflag:$0x0] =	sbarrier.arrive $0xFFFF;
	_ =	sdelay $0x1  }
0xf1: {  	_ =	sfence.sel $0x180000  }
0xf2: {  	[bflag:$0x0] =	sbarrier.arrive $0xFFFF  }
0xf3: {  	_ =	strace $0x9000004A  }
0xf4: {  	s0 =	stileid.u32;
	[bflag:$0x2] =	sbarrier.arrive $0xFFFF  }
0xf5: {  	p0 =	sne.s32 s0, $0x0;
	s0 =	rddreg [dreg:$0x2]  }
0xf6: {  	s0 =	sadd.s32 @!p0 $0x100000, s0  }
0xf7: {  	[sflag:s0] =	ssyncadd.tile.s32 @!p0 $0x1;
	_ =	shalt  }
.Lfunc_end2:
_tile_overlayer_lowered:
.L_overlay_start_2:
0xf8: {  	(tag) =	ssettag $0x2  }
0xf9: {  	s0 =	rddreg [dreg:$0x0];
	s2 =	stileid.u32  }
0xfa: {  	s1 =	rddreg [dreg:$0x1];
	p0 =	sne.s32 s2, $0x0  }
0xfb: {  	s3 =	rddreg [dreg:$0x2];
	[bflag:$0x3] =	sbarrier.arrive $0xFFFF;
	s2 =	simm.s32 @!p0 $0x1C03  }
0xfc: {  	[timem:s3], [sflag:s2] =	dma.local @!p0 [hbm:s0], s1  }
0xfd: {  	s0 =	simm.s32 @!p0 $0x3  }
0xfe: {  	_ =	swait.ge @!p0 [sflag:s0], s1  }
0xff: {  	s1 =	ssub.s32 @!p0 $0x0, s1;
	[sflag:s0] =	ssyncset.done @!p0 $0x0  }
0x100: {  	[sflag:s0] =	ssyncadd.s32 @!p0 s1  }
0x101: {  	[bflag:$0x3] =	sbarrier.arrive $0xFFFF  }
0x102: {  	_ =	shalt  }

// kernel: kernel.16.cloned.1.call-start
scs
__scs_entry_jumppad:
0x0: {  	(pc) =	sbr.rel $0x88, $3  }
0x1: {  	(tag) =	ssettag $0x0;
	lr =	simm.s32 $0x1  }
0x2: {  	[smem:$0x3F95] =	sst lr;
	_ =	strace $0xD0000000  }
0x3: {  	_ = 	snop  }
0x4: {  	_ = 	snop  }
0x5: {  	_ = 	snop  }
0x6: {  	_ = 	snop  }
0x7: {  	_ = 	snop  }
__scs_overlays_trampoline_lowered:
0x8: {  	[smem:$0x3FA4] =	sst s0  }
0x9: {  	[smem:$0x3FA5] =	sst s1  }
0xa: {  	[smem:$0x3FA6] =	sst s2  }
0xb: {  	[smem:$0x3FA7] =	sst s3  }
0xc: {  	[smem:$0x3FA8] =	sst s4  }
0xd: {  	[smem:$0x3FA9] =	sst s5  }
0xe: {  	[smem:$0x3FAA] =	sst s6  }
0xf: {  	[smem:$0x3FAB] =	sst s7  }
0x10: {  	[smem:$0x3FAC] =	sst s8  }
0x11: {  	[smem:$0x3FAD] =	sst s9;
	s0 =	simm.s32 @!p0 $0x0  }
0x12: {  	s1 =	sld [smem:$0x3F93];
	s0 =	simm.s32 @p0 $0x1  }
0x13: {  	[smem:$0x3FAE] =	sst s0;
	s0 =	simm.s32 @!p1 $0x0  }
0x14: {  	s2 =	sld [smem:$0x3F92];
	s0 =	simm.s32 @p1 $0x1  }
0x15: {  	[smem:$0x3FAF] =	sst s0;
	s0 =	simm.s32 @!p2 $0x0  }
0x16: {  	s3 =	sld [smem:$0x3FDB];
	s0 =	simm.s32 @p2 $0x1  }
0x17: {  	s4 =	simm.s32 $0x1BF5;
	[smem:$0x3FB1] =	sst s0  }
0x18: {  	s0 =	sld [smem:$0x3F94];
	_ =	swait.ge [sflag:s4], $0x0  }
0x19: {  	s7 =	sld [smem:$0x3F95]  }
0x1a: {  	s8 =	sadd.s32 $0xFFFFE003, lr  }
0x1b: {  	s9 =	sadd.s32 $0xFFFFFEF7, lr;
	s5 =	simm.s32 $0xFFFFFFFF;
	p2 =	slt.u32 s8, $0xFFFFF086  }
0x1c: {  	p1 =	slt.u32 s9, $0xF7A;
	s5 =	simm.s32 @!p2 $0x0  }
0x1d: {  	s5 =	simm.s32 @p1 $0x1;
	p0 =	seq.s32 s7, s2  }
0x1e: {  	s7 =	smul.u32 @!p0 $0xF7A, s2;
	p2 =	seq.s32 @!p0 s5, $0x0  }
0x1f: {  	s9 =	smul.u32 $0xF7A, s1;
	s8 =	simm.s32 @!p0 $0x1BF5;
	p2 =	por !p2, p0  }
0x20: {  	[sflag:s8] =	ssyncset.s32 @!p0 $0xFFFFF086;
	s6 =	sadd.s32 @!p0 s3, s7;
	s7 =	simm.s32 @!p0 $0x108  }
0x21: {  	s3 =	sadd.s32 s3, s9;
	s6 =	sadd.s32 @!p0 $0x88, s6;
	s7 =	simm.s32 @p2 $0x1082  }
0x22: {  	[simem:s7], [sflag:s8] =	dma.local @!p0 [hbm:s6], $0xF7A  }
0x23: {  	s9 =	sor.u32 $0xD0000000, s2;
	s6 =	simm.s32 $0x108;
	_ =	swait.ge @!p0 [sflag:s8], $0x0  }
0x24: {  	s3 =	sadd.s32 $0x88, s3;
	s6 =	simm.s32 @!p1 $0x1082;
	[sflag:s4] =	ssyncset.s32 $0xFFFFF086  }
0x25: {  	[simem:s6], [sflag:s4] =	dma.local [hbm:s3], $0xF7A  }
0x26: {  	[smem:$0x3F95] =	sst s1;
	(tag) =	ssettag s2;
	_ =	strace s9  }
0x27: {  	s1 =	sld [smem:$0x3FA5]  }
0x28: {  	s2 =	sld [smem:$0x3FA6]  }
0x29: {  	s4 =	sld [smem:$0x3FA8]  }
0x2a: {  	p0 =	seq.s32 s5, $0x0;
	s5 =	sld [smem:$0x3FA9]  }
0x2b: {  	s6 =	sld [smem:$0x3FAA]  }
0x2c: {  	s7 =	sld [smem:$0x3FAB]  }
0x2d: {  	s3 =	simm.s32 $0x108;
	s8 =	sld [smem:$0x3FAC]  }
0x2e: {  	s3 =	simm.s32 @!p0 $0x1082;
	s9 =	sld [smem:$0x3FAD]  }
0x2f: {  	lr =	sadd.s32 s0, s3;
	s0 =	sld [smem:$0x3FA4]  }
0x30: {  	s3 =	sld [smem:$0x3FA7]  }
0x31: {  	[smem:$0x3FB0] =	sst s10  }
0x32: {  	s10 =	sld [smem:$0x3FAE];
	_ =	sdelay $0x3  }
0x33: {  	p0 =	seq.s32 s10, $0x1;
	s10 =	sld [smem:$0x3FB0];
	_ =	sdelay $0x3  }
0x34: {  	[smem:$0x3FB0] =	sst s10  }
0x35: {  	s10 =	sld [smem:$0x3FAF];
	_ =	sdelay $0x3  }
0x36: {  	p1 =	seq.s32 s10, $0x1;
	s10 =	sld [smem:$0x3FB0];
	_ =	sdelay $0x3  }
0x37: {  	[smem:$0x3FB0] =	sst s10  }
0x38: {  	s10 =	sld [smem:$0x3FB1]  }
0x39: {  	_ = 	snop;
	(pc) =	sbr.ind lr, $3  }
0x3a: {  	_ = 	snop  }
0x3b: {  	_ = 	snop  }
0x3c: {  	p2 =	seq.s32 s10, $0x1;
	s10 =	sld [smem:$0x3FB0]  }
0x3d: {  	_ =	shalt  }
0x3e: {  	_ =	shalt  }
0x3f: {  	_ =	shalt  }
0x40: {  	_ =	shalt  }
0x41: {  	_ =	shalt  }
0x42: {  	_ =	shalt  }
0x43: {  	_ =	shalt  }
0x44: {  	_ =	shalt  }
0x45: {  	_ =	shalt  }
0x46: {  	_ =	shalt  }
0x47: {  	_ =	shalt  }
0x48: {  	_ =	shalt  }
0x49: {  	_ =	shalt  }
0x4a: {  	_ =	shalt  }
0x4b: {  	_ =	shalt  }
0x4c: {  	_ =	shalt  }
0x4d: {  	_ =	shalt  }
0x4e: {  	_ =	shalt  }
0x4f: {  	_ =	shalt  }
0x50: {  	_ =	shalt  }
0x51: {  	_ =	shalt  }
0x52: {  	_ =	shalt  }
0x53: {  	_ =	shalt  }
0x54: {  	_ =	shalt  }
0x55: {  	_ =	shalt  }
0x56: {  	_ =	shalt  }
0x57: {  	_ =	shalt  }
0x58: {  	_ =	shalt  }
0x59: {  	_ =	shalt  }
0x5a: {  	_ =	shalt  }
0x5b: {  	_ =	shalt  }
0x5c: {  	_ =	shalt  }
0x5d: {  	_ =	shalt  }
0x5e: {  	_ =	shalt  }
0x5f: {  	_ =	shalt  }
0x60: {  	_ =	shalt  }
0x61: {  	_ =	shalt  }
0x62: {  	_ =	shalt  }
0x63: {  	_ =	shalt  }
0x64: {  	_ =	shalt  }
0x65: {  	_ =	shalt  }
0x66: {  	_ =	shalt  }
0x67: {  	_ =	shalt  }
0x68: {  	_ =	shalt  }
0x69: {  	_ =	shalt  }
0x6a: {  	_ =	shalt  }
0x6b: {  	_ =	shalt  }
0x6c: {  	_ =	shalt  }
0x6d: {  	_ =	shalt  }
0x6e: {  	_ =	shalt  }
0x6f: {  	_ =	shalt  }
0x70: {  	_ =	shalt  }
0x71: {  	_ =	shalt  }
0x72: {  	_ =	shalt  }
0x73: {  	_ =	shalt  }
0x74: {  	_ =	shalt  }
0x75: {  	_ =	shalt  }
0x76: {  	_ =	shalt  }
0x77: {  	_ =	shalt  }
0x78: {  	_ =	shalt  }
0x79: {  	_ =	shalt  }
0x7a: {  	_ =	shalt  }
0x7b: {  	_ =	shalt  }
0x7c: {  	_ =	shalt  }
0x7d: {  	_ =	shalt  }
0x7e: {  	_ =	shalt  }
0x7f: {  	_ =	shalt  }
0x80: {  	_ =	shalt  }
0x81: {  	_ =	shalt  }
0x82: {  	_ =	shalt  }
0x83: {  	_ =	shalt  }
0x84: {  	_ =	shalt  }
0x85: {  	_ =	shalt  }
0x86: {  	_ =	shalt  }
0x87: {  	_ =	shalt  }
.Lfunc_end0:
.L_simem_size_0:
called_computation.2_lowered:
.L_overlay_start_0:
0x88: {  	s2 =	sld [smem:$0x3FD9]  }
0x89: {  	s3 =	sld [smem:$0x3FFE];
	_ =	sdelay $0x1  }
0x8a: {  	s1 =	srdreg.scid  }
0x8b: {  	s0 =	sand.u32 $0x1, s1  }
0x8c: {  	s16 =	sshll.u32 s0, $0xA;
	s2 =	sadd.s32 s3, s2  }
0x8d: {  	s2 =	sadd.s32 s2, s16  }
0x8e: {  	[smem:$0x3FBC] =	sst s2  }
0x8f: {  	_ = 	snop  }
0x90: {  	(tm) =	ssettm $0x1  }
0x91: {  	s17 =	sld [smem:$0x3FFB];
	_ =	sdelay $0x3  }
0x92: {  	_ =	strace s17  }
0x93: {  	s2 =	sld [smem:$0x3FFC];
	_ =	sdelay $0x3  }
0x94: {  	_ =	strace s2  }
0x95: {  	s2 =	sld [smem:$0x3FFD];
	_ =	sdelay $0x3  }
0x96: {  	_ =	strace s2  }
0x97: {  	_ =	strace $0x8FFFFFFF  }
0x98: {  	s18 =	sld [smem:$0x3FDB];
	_ =	sdelay $0x1  }
0x99: {  	s19 =	simm.s32 $_scs_section_size  }
0x9a: {  	s4 =	simm.s32 $_size__tile_overlayer_lowered;
	s5 =	simm.s32 $_tile_overlayer_lowered  }
0x9b: {  	s22 =	simm.s32 $0x1BFF;
	s21 =	sshll.u32 s5, $0x1;
	s2 =	sadd.s32 s19, s18  }
0x9c: {  	s6 =	simm.s32 $0x0;
	s20 =	sshll.u32 s4, $0x1;
	s4 =	sadd.s32 s21, s2  }
0x9d: {  	[timem:s6], [sflag:s22] =	dma.local [hbm:s4], s20  }
0x9e: {  	_ =	swait.ge [sflag:s22], s20  }
0x9f: {  	s3 =	ssub.s32 $0x0, s20;
	[sflag:s22] =	ssyncset.done $0x0  }
0xa0: {  	[sflag:s22] =	ssyncadd.s32 s3;
	_ =	sdelay $0x1  }
0xa1: {  	s23 =	simm.s32 $0x1B8B  }
0xa2: {  	_ =	swait.ge [sflag:s23], $0x1  }
0xa3: {  	[sflag:s23] =	ssyncset.done $0x0  }
0xa4: {  	s25 =	simm.s32 $0x1B8E;
	s24 =	sld [smem:$0x3FFE];
	[sflag:s23] =	ssyncadd.s32 $0xFFFFFFFF  }
0xa5: {  	s26 =	simm.s32 $execute0_lowered;
	[smem:$0x3FD2] =	sst s25  }
0xa6: {  	s4 =	sshll.u32 s26, $0x1;
	_ =	strace $0x8000004C;
	[dreg:$0x1] =	wrdreg $0xFFFFFFFF  }
0xa7: {  	s28 =	simm.s32 $_size_execute0_lowered;
	s2 =	sadd.s32 s2, s4;
	[dreg:$0x0] =	wrdreg $0x0  }
0xa8: {  	s4 =	sshll.u32 s28, $0x1;
	[dreg:$0x2] =	wrdreg s2  }
0xa9: {  	[dreg:$0x3] =	wrdreg s4  }
0xaa: {  	[dreg:$0x4] =	wrdreg $0xC0  }
0xab: {  	_ =	task [dreg:s6], $0x5FFFF  }
0xac: {  	[dreg:$0x1] =	wrdreg $0xFFFFFFFF  }
0xad: {  	[dreg:$0x0] =	wrdreg $0x60  }
0xae: {  	[dreg:$0x2] =	wrdreg s24  }
0xaf: {  	[dreg:$0x3] =	wrdreg $0xC0000  }
0xb0: {  	[dreg:$0x4] =	wrdreg $0x9  }
0xb1: {  	_ =	task.clear_ibuf [dreg:s6], $0x5FFFF;
	_ =	strace $0x9000004C  }
0xb2: {  	s29 =	simm.s32 $0x9;
	_ =	strace $0x8000004E  }
0xb3: {  	_ =	swait.ge [sflag:s29], $0x1  }
0xb4: {  	[sflag:s29] =	ssyncadd.s32 $0xFFFFFFFF  }
0xb5: {  	_ =	strace $0x9000004E  }
0xb6: {  	_ =	sfence  }
0xb7: {  	s30 =	sld [smem:$0x0];
	_ =	sdelay $0x2  }
0xb8: {  	s31 =	sshll.u32 s1, $0xD;
	s1 =	sshrl.u32 s1, $0x2  }
0xb9: {  	s3 =	sand.u32 $0x4000, s31;
	s1 =	sadd.s32 s1, s30  }
0xba: {  	s0 =	sor.u32 s3, s0;
	s1 =	sshll.u32 s1, $0x11  }
0xbb: {  	s0 =	sor.u32 s1, s0  }
0xbc: {  	s0 =	sadd.s32 $0x8F2B, s0  }
0xbd: {  	[sflag:s0] =	ssyncadd.remote.s32 $0x1  }
0xbe: {  	_ =	sfence.sel $0xFFFF  }
0xbf: {  	[dreg:$0x0] =	wrdreg $0xFFFFFFFF;
	(pc) =	sbr.abs _section_cstart, $3  }
0xc0: {  	[dreg:$0x1] =	wrdreg $0xFFFFFFFF  }
0xc1: {  	_ =	task.clear_ibuf [dreg:s6], $0x2FFFF;
	_ =	strace $0x9FFFFFFF  }
0xc2: {  	(tm) =	ssettm $0x7FFFFFFF  }
0xc3: {  	_ =	shalt  }
tec
execute0_lowered:
.L_overlay_start_1:
0x0: {  	(tag) =	ssettag $0x1  }
0x1: {  	s0 =	rddreg [dreg:$0x0]  }
0x2: {  	s1 =	rddreg [dreg:$0x1];
	s2 =	simm.s32 $0x0;
	s3 =	srdreg.scid  }
0x3: {  	s18 =	stileid.u32;
	s21 =	simm.s32 $0x80;
	s22 =	simm.s32 $0x4000  }
0x4: {  	s23 =	simm.s32 $0x1;
	[smem:$0x7FF] =	sst s2;
	s4 =	sadd.s32 $0x85A00, s0  }
0x5: {  	s5 =	sadd.s32 $0xAD200, s0;
	s3 =	sand.u32 $0x1, s3;
	s6 =	sshll.u32 s18, $0x8  }
0x6: {  	s8 =	smul.u32 $0x13C00, s18;
	s9 =	sshll.u32 s18, $0xA;
	s7 =	sadd.s32 $0x106A00, s0  }
0x7: {  	s13 =	smul.u32 $0x4F000, s18;
	s31 =	sshll.u32 s18, $0x6;
	s18 =	simm.s32 $0x3  }
0x8: {  	_ =	strace $0x8000004D;
	p0 =	seq.s32 s3, $0x0;
	s10 =	sor.u32 $0x4000, s6  }
0x9: {  	s11 =	smul.u32 $0x13C000, s3;
	s6 =	sadd.s32 $0xDF200, s0;
	s3 =	ssub.s32 $0x2, s3  }
0xa: {  	s19 =	sor.u32 $0x1C03, s31;
	s10 =	smov.u32 @p0 s9;
	s24 =	sshrl.u32 s8, $0x3  }
0xb: {  	s12 =	sshrl.u32 s3, $0x1;
	s29 =	sshrl.u32 s13, $0x2;
	s9 =	sadd.s32 s10, s0  }
0xc: {  	s8 =	sadd.s32 s8, s11;
	s25 =	sadd.s32 s24, s0;
	s3 =	ssub.s32 s3, s12  }
0xd: {  	s24 =	simm.s32 $0x8000;
	s26 =	sshrl.u32 s8, $0x3;
	s8 =	simm.s32 $0x20  }
0xe: {  	s28 =	sadd.s32 $0xD9E00, s9;
	s9 =	sadd.s32 $0xD4A00, s9;
	s11 =	sadd.s32 $0xF200, s25  }
0xf: {  	s17 =	smax.u32 s3, $0x1;
	s25 =	simm.s32 $0x2;
	[dreg:$0x3] =	wrdreg s28  }
0x10: {  	s0 =	sadd.s32 s26, s0;
	s8 =	simm.s32 @!p0 $0x8;
	[dreg:$0x4] =	wrdreg s9  }
0x11: {  	s9 =	sadd.s32 s29, s1;
	s26 =	simm.s32 $0x0;
	s30 =	sadd.s32 $0x12E200, s0  }
0x12: {  	s13 =	sadd.s32 $0xFFFFFFFF, s8;
	s14 =	sadd.s32 $0x17D200, s0;
	s15 =	sadd.s32 $0x1CC200, s0  }
0x13: {  	s16 =	sadd.s32 $0x21B200, s0;
	s20 =	sshrl.u32 s9, $0x3;
	[dreg:$0x5] =	wrdreg s30  }
.LBB2_1:
0x14: {  	s0 =	rddreg [dreg:$0x3]  }
0x15: {  	[tilespmem:s2], [sflag:$0x3] =	stream.linear.gather [hbm4b:s0+s2], $0x2000, $0x38;
	[tilespmem:$0x1FC00] =	vst v63  }
0x16: {  	_ =	swait.ge [sflag:s18], $0x2000  }
0x17: {  	[sflag:s18] =	ssyncset.done $0x0  }
0x18: {  	s29 =	simm.s32 $0x2000;
	s12 =	rddreg [dreg:$0x4];
	[sflag:s18] =	ssyncadd.s32 $0xFFFFE000  }
0x19: {  	[tilespmem:s29], [sflag:$0x3] =	stream.linear.gather [hbm4b:s12+s2], $0x2000, $0x38;
	[tilespmem:$0x1FC00] =	vst v63  }
0x1a: {  	_ =	swait.ge [sflag:s18], $0x2000  }
0x1b: {  	[sflag:s18] =	ssyncset.done $0x0  }
0x1c: {  	[sflag:s18] =	ssyncadd.s32 $0xFFFFE000  }
0x1d: {  	[spmem:s20], [sflag:s19] =	dma.local [hbm:s11], $0x2780  }
0x1e: {  	_ =	swait.ge [sflag:s18], $0x2780  }
0x1f: {  	[sflag:s18] =	ssyncset.done $0x0  }
0x20: {  	[sflag:s18] =	ssyncadd.s32 $0xFFFFD880  }
0x21: {  	[bflag:$0x0] =	sbarrier.arrive $0xFFFF  }
0x22: {  	[tilespmem:s22], [sflag:$0x1] =	stream.indirect.gather [hbm4b:s4+s21], $0x80, s2, s21, $0xb8;
	[tilespmem:$0x1FC00] =	vst v63  }
0x23: {  	_ =	swait.ge [sflag:s23], $0x4000  }
0x24: {  	[sflag:s23] =	ssyncset.done $0x0  }
0x25: {  	s30 =	simm.s32 $0x80;
	[sflag:s23] =	ssyncadd.s32 $0xFFFFC000  }
0x26: {  	[tilespmem:s24], [sflag:$0x2] =	stream.indirect.gather [hbm4b:s4+s21], $0x80, s30, s21, $0xb8;
	[tilespmem:$0x1FC00] =	vst v63  }
0x27: {  	_ = 	snop  }
0x28: {  	[spmem:s1] =	stream.indirect.scatter.add.f32 [tilespmem:s22], [sflag:$0x3], $0x80, s29, s21, $0xb8;
	[tilespmem:$0x1FC00] =	vst v63  }
0x29: {  	_ =	swait.ge [sflag:s18], $0x4000  }
0x2a: {  	[sflag:s18] =	ssyncset.done $0x0  }
0x2b: {  	[sflag:s18] =	ssyncadd.s32 $0xFFFFC000  }
0x2c: {  	_ =	swait.ge [sflag:s25], $0x4000  }
0x2d: {  	s28 =	simm.s32 $0x100;
	p0 =	sle.s32 s13, $0x0;
	[sflag:s25] =	ssyncset.done $0x0  }
0x2e: {  	s0 =	simm.s32 @!p0 $0x80;
	s3 =	simm.s32 @!p0 $0x4000;
	[sflag:s25] =	ssyncadd.s32 $0xFFFFC000  }
0x2f: {  	[tilespmem:s3], [sflag:$0x1] =	stream.indirect.gather @!p0 [hbm4b:s4+s0], $0x80, s28, s0, $0xb8;
	[tilespmem:$0x1FC00] =	vst v63  }
0x30: {  	p0 =	sne.s32 s8, $0x1  }
.Ltmp0:
0x31: {  	_ = 	snop;
	(pc) =	sbr.rel @!p0 .LBB2_3-.Ltmp0, $4  }
0x32: {  	s31 =	simm.s32 $0x2080  }
0x33: {  	[spmem:s1] =	stream.indirect.scatter.add.f32 [tilespmem:s24], [sflag:$0x3], $0x80, s31, s21, $0xb8;
	[tilespmem:$0x1FC00] =	vst v63  }
0x34: {  	s9 =	simm.s32 $0x100;
	_ =	swait.ge [sflag:s18], $0x4000  }
0x35: {  	s0 =	simm.s32 $0x1;
	s3 =	simm.s32 $0x2100;
	[sflag:s18] =	ssyncset.done $0x0  }
.LBB2_2:
0x36: {  	[sflag:s18] =	ssyncadd.s32 $0xFFFFC000  }
0x37: {  	s9 =	sadd.s32 $0x100, s9;
	s10 =	smov.u32 s0;
	s0 =	sadd.s32 $0x1, s0  }
0x38: {  	p0 =	sne.s32 s8, s0  }
0x39: {  	_ =	swait.ge [sflag:s23], $0x4000  }
0x3a: {  	[sflag:s23] =	ssyncset.done $0x0  }
0x3b: {  	s12 =	sadd.s32 $0xFFFFFF80, s9;
	[sflag:s23] =	ssyncadd.s32 $0xFFFFC000  }
0x3c: {  	[tilespmem:s24], [sflag:$0x2] =	stream.indirect.gather [hbm4b:s4+s21], $0x80, s12, s21, $0xb8;
	[tilespmem:$0x1FC00] =	vst v63  }
0x3d: {  	_ = 	snop  }
0x3e: {  	[spmem:s1] =	stream.indirect.scatter.add.f32 [tilespmem:s22], [sflag:$0x3], $0x80, s3, s21, $0xb8;
	[tilespmem:$0x1FC00] =	vst v63  }
0x3f: {  	_ =	swait.ge [sflag:s18], $0x4000  }
0x40: {  	[sflag:s18] =	ssyncset.done $0x0  }
0x41: {  	[sflag:s18] =	ssyncadd.s32 $0xFFFFC000  }
0x42: {  	_ =	swait.ge [sflag:s25], $0x4000  }
0x43: {  	p1 =	sge.s32 s10, s13;
	[sflag:s25] =	ssyncset.done $0x0  }
0x44: {  	s10 =	simm.s32 @!p1 $0x80;
	s12 =	simm.s32 @!p1 $0x4000;
	[sflag:s25] =	ssyncadd.s32 $0xFFFFC000  }
0x45: {  	[tilespmem:s12], [sflag:$0x1] =	stream.indirect.gather @!p1 [hbm4b:s4+s10], $0x80, s9, s10, $0xb8;
	[tilespmem:$0x1FC00] =	vst v63  }
.Ltmp1:
0x46: {  	_ = 	snop;
	(pc) =	sbr.rel @p0 .LBB2_2-.Ltmp1, $4  }
0x47: {  	s10 =	sadd.s32 $0x80, s3  }
0x48: {  	[spmem:s1] =	stream.indirect.scatter.add.f32 [tilespmem:s24], [sflag:$0x3], $0x80, s10, s21, $0xb8;
	[tilespmem:$0x1FC00] =	vst v63  }
0x49: {  	_ =	swait.ge [sflag:s18], $0x4000  }
0x4a: {  	s3 =	sadd.s32 $0x100, s3;
	[sflag:s18] =	ssyncset.done $0x0  }
.LBB2_3:
0x4b: {  	[sflag:s18] =	ssyncadd.s32 $0xFFFFC000  }
0x4c: {  	[bflag:$0x0] =	sbarrier.arrive $0xFFFF  }
0x4d: {  	s0 =	rddreg [dreg:$0x5]  }
0x4e: {  	[hbm:s0], [sflag:s19] =	dma.local [spmem:s20], $0x2780  }
0x4f: {  	_ =	swait.ge [sflag:s18], $0x2780  }
0x50: {  	[sflag:s18] =	ssyncset.done $0x0  }
0x51: {  	[sflag:s18] =	ssyncadd.s32 $0xFFFFD880  }
0x52: {  	[bflag:$0x0] =	sbarrier.arrive $0xFFFF  }
0x53: {  	[spmem:s20], [sflag:s19] =	dma.local [hbm:s11], $0x2780  }
0x54: {  	_ =	swait.ge [sflag:s18], $0x2780  }
0x55: {  	[sflag:s18] =	ssyncset.done $0x0  }
0x56: {  	[sflag:s18] =	ssyncadd.s32 $0xFFFFD880  }
0x57: {  	s0 =	simm.s32 $0x0;
	[bflag:$0x0] =	sbarrier.arrive $0xFFFF  }
0x58: {  	[tilespmem:s22], [sflag:$0x1] =	stream.indirect.gather [hbm4b:s5+s21], $0x80, s0, s21, $0xb8;
	[tilespmem:$0x1FC00] =	vst v63  }
0x59: {  	_ =	swait.ge [sflag:s23], $0x4000  }
0x5a: {  	[sflag:s23] =	ssyncset.done $0x0  }
0x5b: {  	[sflag:s23] =	ssyncadd.s32 $0xFFFFC000  }
0x5c: {  	[tilespmem:s24], [sflag:$0x2] =	stream.indirect.gather [hbm4b:s5+s21], $0x80, s30, s21, $0xb8;
	[tilespmem:$0x1FC00] =	vst v63  }
0x5d: {  	_ = 	snop  }
0x5e: {  	[spmem:s1] =	stream.indirect.scatter.add.f32 [tilespmem:s22], [sflag:$0x3], $0x80, s29, s21, $0xb8;
	[tilespmem:$0x1FC00] =	vst v63  }
0x5f: {  	_ =	swait.ge [sflag:s18], $0x4000  }
0x60: {  	[sflag:s18] =	ssyncset.done $0x0  }
0x61: {  	[sflag:s18] =	ssyncadd.s32 $0xFFFFC000  }
0x62: {  	_ =	swait.ge [sflag:s25], $0x4000  }
0x63: {  	p0 =	sle.s32 s13, $0x0;
	p1 =	sne.s32 s8, $0x1;
	[sflag:s25] =	ssyncset.done $0x0  }
0x64: {  	s3 =	simm.s32 @!p0 $0x4000;
	s30 =	simm.s32 @!p0 $0x80;
	[sflag:s25] =	ssyncadd.s32 $0xFFFFC000  }
0x65: {  	[tilespmem:s3], [sflag:$0x1] =	stream.indirect.gather @!p0 [hbm4b:s5+s30], $0x80, s28, s30, $0xb8;
	[tilespmem:$0x1FC00] =	vst v63  }
.Ltmp2:
0x66: {  	_ = 	snop;
	(pc) =	sbr.rel @!p1 .LBB2_5-.Ltmp2, $4  }
0x67: {  	_ = 	snop  }
0x68: {  	[spmem:s1] =	stream.indirect.scatter.add.f32 [tilespmem:s24], [sflag:$0x3], $0x80, s31, s21, $0xb8;
	[tilespmem:$0x1FC00] =	vst v63  }
0x69: {  	_ =	swait.ge [sflag:s18], $0x4000  }
0x6a: {  	s9 =	simm.s32 $0x2100;
	s29 =	simm.s32 $0x1;
	[sflag:s18] =	ssyncset.done $0x0  }
.LBB2_4:
0x6b: {  	[sflag:s18] =	ssyncadd.s32 $0xFFFFC000  }
0x6c: {  	s28 =	sadd.s32 $0x100, s28;
	s10 =	smov.u32 s29;
	s29 =	sadd.s32 $0x1, s29  }
0x6d: {  	p1 =	sne.s32 s8, s29  }
0x6e: {  	_ =	swait.ge [sflag:s23], $0x4000  }
0x6f: {  	[sflag:s23] =	ssyncset.done $0x0  }
0x70: {  	s12 =	sadd.s32 $0xFFFFFF80, s28;
	[sflag:s23] =	ssyncadd.s32 $0xFFFFC000  }
0x71: {  	[tilespmem:s24], [sflag:$0x2] =	stream.indirect.gather [hbm4b:s5+s21], $0x80, s12, s21, $0xb8;
	[tilespmem:$0x1FC00] =	vst v63  }
0x72: {  	_ = 	snop  }
0x73: {  	[spmem:s1] =	stream.indirect.scatter.add.f32 [tilespmem:s22], [sflag:$0x3], $0x80, s9, s21, $0xb8;
	[tilespmem:$0x1FC00] =	vst v63  }
0x74: {  	_ =	swait.ge [sflag:s18], $0x4000  }
0x75: {  	[sflag:s18] =	ssyncset.done $0x0  }
0x76: {  	[sflag:s18] =	ssyncadd.s32 $0xFFFFC000  }
0x77: {  	_ =	swait.ge [sflag:s25], $0x4000  }
0x78: {  	p2 =	sge.s32 s10, s13;
	[sflag:s25] =	ssyncset.done $0x0  }
0x79: {  	s10 =	simm.s32 @!p2 $0x80;
	s12 =	simm.s32 @!p2 $0x4000;
	[sflag:s25] =	ssyncadd.s32 $0xFFFFC000  }
0x7a: {  	[tilespmem:s12], [sflag:$0x1] =	stream.indirect.gather @!p2 [hbm4b:s5+s10], $0x80, s28, s10, $0xb8;
	[tilespmem:$0x1FC00] =	vst v63  }
.Ltmp3:
0x7b: {  	_ = 	snop;
	(pc) =	sbr.rel @p1 .LBB2_4-.Ltmp3, $4  }
0x7c: {  	s10 =	sadd.s32 $0x80, s9  }
0x7d: {  	[spmem:s1] =	stream.indirect.scatter.add.f32 [tilespmem:s24], [sflag:$0x3], $0x80, s10, s21, $0xb8;
	[tilespmem:$0x1FC00] =	vst v63  }
0x7e: {  	_ =	swait.ge [sflag:s18], $0x4000  }
0x7f: {  	s9 =	sadd.s32 $0x100, s9;
	[sflag:s18] =	ssyncset.done $0x0  }
.LBB2_5:
0x80: {  	[sflag:s18] =	ssyncadd.s32 $0xFFFFC000  }
0x81: {  	[bflag:$0x0] =	sbarrier.arrive $0xFFFF  }
0x82: {  	[hbm:s14], [sflag:s19] =	dma.local [spmem:s20], $0x2780  }
0x83: {  	_ =	swait.ge [sflag:s18], $0x2780  }
0x84: {  	[sflag:s18] =	ssyncset.done $0x0  }
0x85: {  	[sflag:s18] =	ssyncadd.s32 $0xFFFFD880  }
0x86: {  	[bflag:$0x0] =	sbarrier.arrive $0xFFFF  }
0x87: {  	[spmem:s20], [sflag:s19] =	dma.local [hbm:s11], $0x2780  }
0x88: {  	_ =	swait.ge [sflag:s18], $0x2780  }
0x89: {  	[sflag:s18] =	ssyncset.done $0x0  }
0x8a: {  	[sflag:s18] =	ssyncadd.s32 $0xFFFFD880  }
0x8b: {  	[bflag:$0x0] =	sbarrier.arrive $0xFFFF  }
0x8c: {  	[tilespmem:s22], [sflag:$0x1] =	stream.indirect.gather [hbm4b:s6+s21], $0x80, s0, s21, $0xb8;
	[tilespmem:$0x1FC00] =	vst v63  }
0x8d: {  	_ =	swait.ge [sflag:s23], $0x4000  }
0x8e: {  	[sflag:s23] =	ssyncset.done $0x0  }
0x8f: {  	s29 =	simm.s32 $0x80;
	[sflag:s23] =	ssyncadd.s32 $0xFFFFC000  }
0x90: {  	[tilespmem:s24], [sflag:$0x2] =	stream.indirect.gather [hbm4b:s6+s21], $0x80, s29, s21, $0xb8;
	[tilespmem:$0x1FC00] =	vst v63  }
0x91: {  	s31 =	simm.s32 $0x2000  }
0x92: {  	[spmem:s1] =	stream.indirect.scatter.add.f32 [tilespmem:s22], [sflag:$0x3], $0x80, s31, s21, $0xb8;
	[tilespmem:$0x1FC00] =	vst v63  }
0x93: {  	_ =	swait.ge [sflag:s18], $0x4000  }
0x94: {  	[sflag:s18] =	ssyncset.done $0x0  }
0x95: {  	[sflag:s18] =	ssyncadd.s32 $0xFFFFC000  }
0x96: {  	_ =	swait.ge [sflag:s25], $0x4000  }
0x97: {  	[sflag:s25] =	ssyncset.done $0x0  }
0x98: {  	s28 =	simm.s32 $0x100;
	[sflag:s25] =	ssyncadd.s32 $0xFFFFC000  }
0x99: {  	[tilespmem:s3], [sflag:$0x1] =	stream.indirect.gather @!p0 [hbm4b:s6+s30], $0x80, s28, s30, $0xb8;
	[tilespmem:$0x1FC00] =	vst v63  }
0x9a: {  	p0 =	sne.s32 s8, $0x1  }
.Ltmp4:
0x9b: {  	_ = 	snop;
	(pc) =	sbr.rel @!p0 .LBB2_7-.Ltmp4, $4  }
0x9c: {  	s30 =	simm.s32 $0x2080  }
0x9d: {  	[spmem:s1] =	stream.indirect.scatter.add.f32 [tilespmem:s24], [sflag:$0x3], $0x80, s30, s21, $0xb8;
	[tilespmem:$0x1FC00] =	vst v63  }
0x9e: {  	s9 =	simm.s32 $0x100;
	_ =	swait.ge [sflag:s18], $0x4000  }
0x9f: {  	s0 =	simm.s32 $0x1;
	s3 =	simm.s32 $0x2100;
	[sflag:s18] =	ssyncset.done $0x0  }
.LBB2_6:
0xa0: {  	[sflag:s18] =	ssyncadd.s32 $0xFFFFC000  }
0xa1: {  	s9 =	sadd.s32 $0x100, s9;
	s10 =	smov.u32 s0;
	s0 =	sadd.s32 $0x1, s0  }
0xa2: {  	p0 =	sne.s32 s8, s0  }
0xa3: {  	_ =	swait.ge [sflag:s23], $0x4000  }
0xa4: {  	[sflag:s23] =	ssyncset.done $0x0  }
0xa5: {  	s12 =	sadd.s32 $0xFFFFFF80, s9;
	[sflag:s23] =	ssyncadd.s32 $0xFFFFC000  }
0xa6: {  	[tilespmem:s24], [sflag:$0x2] =	stream.indirect.gather [hbm4b:s6+s21], $0x80, s12, s21, $0xb8;
	[tilespmem:$0x1FC00] =	vst v63  }
0xa7: {  	_ = 	snop  }
0xa8: {  	[spmem:s1] =	stream.indirect.scatter.add.f32 [tilespmem:s22], [sflag:$0x3], $0x80, s3, s21, $0xb8;
	[tilespmem:$0x1FC00] =	vst v63  }
0xa9: {  	_ =	swait.ge [sflag:s18], $0x4000  }
0xaa: {  	[sflag:s18] =	ssyncset.done $0x0  }
0xab: {  	[sflag:s18] =	ssyncadd.s32 $0xFFFFC000  }
0xac: {  	_ =	swait.ge [sflag:s25], $0x4000  }
0xad: {  	p1 =	sge.s32 s10, s13;
	[sflag:s25] =	ssyncset.done $0x0  }
0xae: {  	s10 =	simm.s32 @!p1 $0x80;
	s12 =	simm.s32 @!p1 $0x4000;
	[sflag:s25] =	ssyncadd.s32 $0xFFFFC000  }
0xaf: {  	[tilespmem:s12], [sflag:$0x1] =	stream.indirect.gather @!p1 [hbm4b:s6+s10], $0x80, s9, s10, $0xb8;
	[tilespmem:$0x1FC00] =	vst v63  }
.Ltmp5:
0xb0: {  	_ = 	snop;
	(pc) =	sbr.rel @p0 .LBB2_6-.Ltmp5, $4  }
0xb1: {  	s10 =	sadd.s32 $0x80, s3  }
0xb2: {  	[spmem:s1] =	stream.indirect.scatter.add.f32 [tilespmem:s24], [sflag:$0x3], $0x80, s10, s21, $0xb8;
	[tilespmem:$0x1FC00] =	vst v63  }
0xb3: {  	_ =	swait.ge [sflag:s18], $0x4000  }
0xb4: {  	s3 =	sadd.s32 $0x100, s3;
	[sflag:s18] =	ssyncset.done $0x0  }
.LBB2_7:
0xb5: {  	[sflag:s18] =	ssyncadd.s32 $0xFFFFC000  }
0xb6: {  	[bflag:$0x0] =	sbarrier.arrive $0xFFFF  }
0xb7: {  	[hbm:s15], [sflag:s19] =	dma.local [spmem:s20], $0x2780  }
0xb8: {  	_ =	swait.ge [sflag:s18], $0x2780  }
0xb9: {  	[sflag:s18] =	ssyncset.done $0x0  }
0xba: {  	[sflag:s18] =	ssyncadd.s32 $0xFFFFD880  }
0xbb: {  	[bflag:$0x0] =	sbarrier.arrive $0xFFFF  }
0xbc: {  	[spmem:s20], [sflag:s19] =	dma.local [hbm:s11], $0x2780  }
0xbd: {  	_ =	swait.ge [sflag:s18], $0x2780  }
0xbe: {  	[sflag:s18] =	ssyncset.done $0x0  }
0xbf: {  	[sflag:s18] =	ssyncadd.s32 $0xFFFFD880  }
0xc0: {  	s0 =	simm.s32 $0x0;
	[bflag:$0x0] =	sbarrier.arrive $0xFFFF  }
0xc1: {  	[tilespmem:s22], [sflag:$0x1] =	stream.indirect.gather [hbm4b:s7+s21], $0x80, s0, s21, $0xb8;
	[tilespmem:$0x1FC00] =	vst v63  }
0xc2: {  	_ =	swait.ge [sflag:s23], $0x4000  }
0xc3: {  	[sflag:s23] =	ssyncset.done $0x0  }
0xc4: {  	[sflag:s23] =	ssyncadd.s32 $0xFFFFC000  }
0xc5: {  	[tilespmem:s24], [sflag:$0x2] =	stream.indirect.gather [hbm4b:s7+s21], $0x80, s29, s21, $0xb8;
	[tilespmem:$0x1FC00] =	vst v63  }
0xc6: {  	_ = 	snop  }
0xc7: {  	[spmem:s1] =	stream.indirect.scatter.add.f32 [tilespmem:s22], [sflag:$0x3], $0x80, s31, s21, $0xb8;
	[tilespmem:$0x1FC00] =	vst v63  }
0xc8: {  	_ =	swait.ge [sflag:s18], $0x4000  }
0xc9: {  	[sflag:s18] =	ssyncset.done $0x0  }
0xca: {  	[sflag:s18] =	ssyncadd.s32 $0xFFFFC000  }
0xcb: {  	_ =	swait.ge [sflag:s25], $0x4000  }
0xcc: {  	p0 =	sle.s32 s13, $0x0;
	[sflag:s25] =	ssyncset.done $0x0  }
0xcd: {  	s3 =	simm.s32 @!p0 $0x4000;
	s0 =	simm.s32 @!p0 $0x80;
	[sflag:s25] =	ssyncadd.s32 $0xFFFFC000  }
0xce: {  	[tilespmem:s3], [sflag:$0x1] =	stream.indirect.gather @!p0 [hbm4b:s7+s0], $0x80, s28, s0, $0xb8;
	[tilespmem:$0x1FC00] =	vst v63  }
0xcf: {  	p0 =	sne.s32 s8, $0x1  }
.Ltmp6:
0xd0: {  	_ = 	snop;
	(pc) =	sbr.rel @!p0 .LBB2_9-.Ltmp6, $4  }
0xd1: {  	_ = 	snop  }
0xd2: {  	[spmem:s1] =	stream.indirect.scatter.add.f32 [tilespmem:s24], [sflag:$0x3], $0x80, s30, s21, $0xb8;
	[tilespmem:$0x1FC00] =	vst v63  }
0xd3: {  	_ =	swait.ge [sflag:s18], $0x4000  }
0xd4: {  	s0 =	simm.s32 $0x1;
	s3 =	simm.s32 $0x2100;
	[sflag:s18] =	ssyncset.done $0x0  }
.LBB2_8:
0xd5: {  	[sflag:s18] =	ssyncadd.s32 $0xFFFFC000  }
0xd6: {  	s28 =	sadd.s32 $0x100, s28;
	s9 =	smov.u32 s0;
	s0 =	sadd.s32 $0x1, s0  }
0xd7: {  	p0 =	sne.s32 s8, s0  }
0xd8: {  	_ =	swait.ge [sflag:s23], $0x4000  }
0xd9: {  	[sflag:s23] =	ssyncset.done $0x0  }
0xda: {  	s10 =	sadd.s32 $0xFFFFFF80, s28;
	[sflag:s23] =	ssyncadd.s32 $0xFFFFC000  }
0xdb: {  	[tilespmem:s24], [sflag:$0x2] =	stream.indirect.gather [hbm4b:s7+s21], $0x80, s10, s21, $0xb8;
	[tilespmem:$0x1FC00] =	vst v63  }
0xdc: {  	_ = 	snop  }
0xdd: {  	[spmem:s1] =	stream.indirect.scatter.add.f32 [tilespmem:s22], [sflag:$0x3], $0x80, s3, s21, $0xb8;
	[tilespmem:$0x1FC00] =	vst v63  }
0xde: {  	_ =	swait.ge [sflag:s18], $0x4000  }
0xdf: {  	[sflag:s18] =	ssyncset.done $0x0  }
0xe0: {  	[sflag:s18] =	ssyncadd.s32 $0xFFFFC000  }
0xe1: {  	_ =	swait.ge [sflag:s25], $0x4000  }
0xe2: {  	p1 =	sge.s32 s9, s13;
	[sflag:s25] =	ssyncset.done $0x0  }
0xe3: {  	s9 =	simm.s32 @!p1 $0x80;
	s10 =	simm.s32 @!p1 $0x4000;
	[sflag:s25] =	ssyncadd.s32 $0xFFFFC000  }
0xe4: {  	[tilespmem:s10], [sflag:$0x1] =	stream.indirect.gather @!p1 [hbm4b:s7+s9], $0x80, s28, s9, $0xb8;
	[tilespmem:$0x1FC00] =	vst v63  }
.Ltmp7:
0xe5: {  	_ = 	snop;
	(pc) =	sbr.rel @p0 .LBB2_8-.Ltmp7, $4  }
0xe6: {  	s9 =	sadd.s32 $0x80, s3  }
0xe7: {  	[spmem:s1] =	stream.indirect.scatter.add.f32 [tilespmem:s24], [sflag:$0x3], $0x80, s9, s21, $0xb8;
	[tilespmem:$0x1FC00] =	vst v63  }
0xe8: {  	_ =	swait.ge [sflag:s18], $0x4000  }
0xe9: {  	s3 =	sadd.s32 $0x100, s3;
	[sflag:s18] =	ssyncset.done $0x0  }
.LBB2_9:
0xea: {  	[sflag:s18] =	ssyncadd.s32 $0xFFFFC000;
	s26 =	sadd.s32 $0x1, s26  }
0xeb: {  	[bflag:$0x0] =	sbarrier.arrive $0xFFFF;
	p0 =	sne.s32 s26, s17  }
0xec: {  	[hbm:s16], [sflag:s19] =	dma.local [spmem:s20], $0x2780  }
.Ltmp8:
0xed: {  	_ =	swait.ge [sflag:s18], $0x2780;
	(pc) =	sbr.rel @p0 .LBB2_1-.Ltmp8, $3  }
0xee: {  	[sflag:s18] =	ssyncset.done $0x0  }
0xef: {  	[sflag:s18] =	ssyncadd.s32 $0xFFFFD880  }
0xf0: {  	[bflag:$0x0] =	sbarrier.arrive $0xFFFF;
	_ =	sdelay $0x1  }
0xf1: {  	_ =	sfence.sel $0x180000  }
0xf2: {  	[bflag:$0x0] =	sbarrier.arrive $0xFFFF  }
0xf3: {  	_ =	strace $0x9000004D  }
0xf4: {  	s0 =	stileid.u32;
	[bflag:$0x2] =	sbarrier.arrive $0xFFFF  }
0xf5: {  	p0 =	sne.s32 s0, $0x0;
	s0 =	rddreg [dreg:$0x2]  }
0xf6: {  	s0 =	sadd.s32 @!p0 $0x100000, s0  }
0xf7: {  	[sflag:s0] =	ssyncadd.tile.s32 @!p0 $0x1;
	_ =	shalt  }
.Lfunc_end2:
_tile_overlayer_lowered:
.L_overlay_start_2:
0xf8: {  	(tag) =	ssettag $0x2  }
0xf9: {  	s0 =	rddreg [dreg:$0x0];
	s2 =	stileid.u32  }
0xfa: {  	s1 =	rddreg [dreg:$0x1];
	p0 =	sne.s32 s2, $0x0  }
0xfb: {  	s3 =	rddreg [dreg:$0x2];
	[bflag:$0x3] =	sbarrier.arrive $0xFFFF;
	s2 =	simm.s32 @!p0 $0x1C03  }
0xfc: {  	[timem:s3], [sflag:s2] =	dma.local @!p0 [hbm:s0], s1  }
0xfd: {  	s0 =	simm.s32 @!p0 $0x3  }
0xfe: {  	_ =	swait.ge @!p0 [sflag:s0], s1  }
0xff: {  	s1 =	ssub.s32 @!p0 $0x0, s1;
	[sflag:s0] =	ssyncset.done @!p0 $0x0  }
0x100: {  	[sflag:s0] =	ssyncadd.s32 @!p0 s1  }
0x101: {  	[bflag:$0x3] =	sbarrier.arrive $0xFFFF  }
0x102: {  	_ =	shalt  }

// kernel: kernel.19.cloned.1.call-start
scs
__scs_entry_jumppad:
0x0: {  	(pc) =	sbr.rel $0x88, $3  }
0x1: {  	(tag) =	ssettag $0x0;
	lr =	simm.s32 $0x1  }
0x2: {  	[smem:$0x3F95] =	sst lr;
	_ =	strace $0xD0000000  }
0x3: {  	_ = 	snop  }
0x4: {  	_ = 	snop  }
0x5: {  	_ = 	snop  }
0x6: {  	_ = 	snop  }
0x7: {  	_ = 	snop  }
__scs_overlays_trampoline_lowered:
0x8: {  	[smem:$0x3FA4] =	sst s0  }
0x9: {  	[smem:$0x3FA5] =	sst s1  }
0xa: {  	[smem:$0x3FA6] =	sst s2  }
0xb: {  	[smem:$0x3FA7] =	sst s3  }
0xc: {  	[smem:$0x3FA8] =	sst s4  }
0xd: {  	[smem:$0x3FA9] =	sst s5  }
0xe: {  	[smem:$0x3FAA] =	sst s6  }
0xf: {  	[smem:$0x3FAB] =	sst s7  }
0x10: {  	[smem:$0x3FAC] =	sst s8  }
0x11: {  	[smem:$0x3FAD] =	sst s9;
	s0 =	simm.s32 @!p0 $0x0  }
0x12: {  	s1 =	sld [smem:$0x3F93];
	s0 =	simm.s32 @p0 $0x1  }
0x13: {  	[smem:$0x3FAE] =	sst s0;
	s0 =	simm.s32 @!p1 $0x0  }
0x14: {  	s2 =	sld [smem:$0x3F92];
	s0 =	simm.s32 @p1 $0x1  }
0x15: {  	[smem:$0x3FAF] =	sst s0;
	s0 =	simm.s32 @!p2 $0x0  }
0x16: {  	s3 =	sld [smem:$0x3FDB];
	s0 =	simm.s32 @p2 $0x1  }
0x17: {  	s4 =	simm.s32 $0x1BF5;
	[smem:$0x3FB1] =	sst s0  }
0x18: {  	s0 =	sld [smem:$0x3F94];
	_ =	swait.ge [sflag:s4], $0x0  }
0x19: {  	s7 =	sld [smem:$0x3F95]  }
0x1a: {  	s8 =	sadd.s32 $0xFFFFE003, lr  }
0x1b: {  	s9 =	sadd.s32 $0xFFFFFEF7, lr;
	s5 =	simm.s32 $0xFFFFFFFF;
	p2 =	slt.u32 s8, $0xFFFFF086  }
0x1c: {  	p1 =	slt.u32 s9, $0xF7A;
	s5 =	simm.s32 @!p2 $0x0  }
0x1d: {  	s5 =	simm.s32 @p1 $0x1;
	p0 =	seq.s32 s7, s2  }
0x1e: {  	s7 =	smul.u32 @!p0 $0xF7A, s2;
	p2 =	seq.s32 @!p0 s5, $0x0  }
0x1f: {  	s9 =	smul.u32 $0xF7A, s1;
	s8 =	simm.s32 @!p0 $0x1BF5;
	p2 =	por !p2, p0  }
0x20: {  	[sflag:s8] =	ssyncset.s32 @!p0 $0xFFFFF086;
	s6 =	sadd.s32 @!p0 s3, s7;
	s7 =	simm.s32 @!p0 $0x108  }
0x21: {  	s3 =	sadd.s32 s3, s9;
	s6 =	sadd.s32 @!p0 $0x88, s6;
	s7 =	simm.s32 @p2 $0x1082  }
0x22: {  	[simem:s7], [sflag:s8] =	dma.local @!p0 [hbm:s6], $0xF7A  }
0x23: {  	s9 =	sor.u32 $0xD0000000, s2;
	s6 =	simm.s32 $0x108;
	_ =	swait.ge @!p0 [sflag:s8], $0x0  }
0x24: {  	s3 =	sadd.s32 $0x88, s3;
	s6 =	simm.s32 @!p1 $0x1082;
	[sflag:s4] =	ssyncset.s32 $0xFFFFF086  }
0x25: {  	[simem:s6], [sflag:s4] =	dma.local [hbm:s3], $0xF7A  }
0x26: {  	[smem:$0x3F95] =	sst s1;
	(tag) =	ssettag s2;
	_ =	strace s9  }
0x27: {  	s1 =	sld [smem:$0x3FA5]  }
0x28: {  	s2 =	sld [smem:$0x3FA6]  }
0x29: {  	s4 =	sld [smem:$0x3FA8]  }
0x2a: {  	p0 =	seq.s32 s5, $0x0;
	s5 =	sld [smem:$0x3FA9]  }
0x2b: {  	s6 =	sld [smem:$0x3FAA]  }
0x2c: {  	s7 =	sld [smem:$0x3FAB]  }
0x2d: {  	s3 =	simm.s32 $0x108;
	s8 =	sld [smem:$0x3FAC]  }
0x2e: {  	s3 =	simm.s32 @!p0 $0x1082;
	s9 =	sld [smem:$0x3FAD]  }
0x2f: {  	lr =	sadd.s32 s0, s3;
	s0 =	sld [smem:$0x3FA4]  }
0x30: {  	s3 =	sld [smem:$0x3FA7]  }
0x31: {  	[smem:$0x3FB0] =	sst s10  }
0x32: {  	s10 =	sld [smem:$0x3FAE];
	_ =	sdelay $0x3  }
0x33: {  	p0 =	seq.s32 s10, $0x1;
	s10 =	sld [smem:$0x3FB0];
	_ =	sdelay $0x3  }
0x34: {  	[smem:$0x3FB0] =	sst s10  }
0x35: {  	s10 =	sld [smem:$0x3FAF];
	_ =	sdelay $0x3  }
0x36: {  	p1 =	seq.s32 s10, $0x1;
	s10 =	sld [smem:$0x3FB0];
	_ =	sdelay $0x3  }
0x37: {  	[smem:$0x3FB0] =	sst s10  }
0x38: {  	s10 =	sld [smem:$0x3FB1]  }
0x39: {  	_ = 	snop;
	(pc) =	sbr.ind lr, $3  }
0x3a: {  	_ = 	snop  }
0x3b: {  	_ = 	snop  }
0x3c: {  	p2 =	seq.s32 s10, $0x1;
	s10 =	sld [smem:$0x3FB0]  }
0x3d: {  	_ =	shalt  }
0x3e: {  	_ =	shalt  }
0x3f: {  	_ =	shalt  }
0x40: {  	_ =	shalt  }
0x41: {  	_ =	shalt  }
0x42: {  	_ =	shalt  }
0x43: {  	_ =	shalt  }
0x44: {  	_ =	shalt  }
0x45: {  	_ =	shalt  }
0x46: {  	_ =	shalt  }
0x47: {  	_ =	shalt  }
0x48: {  	_ =	shalt  }
0x49: {  	_ =	shalt  }
0x4a: {  	_ =	shalt  }
0x4b: {  	_ =	shalt  }
0x4c: {  	_ =	shalt  }
0x4d: {  	_ =	shalt  }
0x4e: {  	_ =	shalt  }
0x4f: {  	_ =	shalt  }
0x50: {  	_ =	shalt  }
0x51: {  	_ =	shalt  }
0x52: {  	_ =	shalt  }
0x53: {  	_ =	shalt  }
0x54: {  	_ =	shalt  }
0x55: {  	_ =	shalt  }
0x56: {  	_ =	shalt  }
0x57: {  	_ =	shalt  }
0x58: {  	_ =	shalt  }
0x59: {  	_ =	shalt  }
0x5a: {  	_ =	shalt  }
0x5b: {  	_ =	shalt  }
0x5c: {  	_ =	shalt  }
0x5d: {  	_ =	shalt  }
0x5e: {  	_ =	shalt  }
0x5f: {  	_ =	shalt  }
0x60: {  	_ =	shalt  }
0x61: {  	_ =	shalt  }
0x62: {  	_ =	shalt  }
0x63: {  	_ =	shalt  }
0x64: {  	_ =	shalt  }
0x65: {  	_ =	shalt  }
0x66: {  	_ =	shalt  }
0x67: {  	_ =	shalt  }
0x68: {  	_ =	shalt  }
0x69: {  	_ =	shalt  }
0x6a: {  	_ =	shalt  }
0x6b: {  	_ =	shalt  }
0x6c: {  	_ =	shalt  }
0x6d: {  	_ =	shalt  }
0x6e: {  	_ =	shalt  }
0x6f: {  	_ =	shalt  }
0x70: {  	_ =	shalt  }
0x71: {  	_ =	shalt  }
0x72: {  	_ =	shalt  }
0x73: {  	_ =	shalt  }
0x74: {  	_ =	shalt  }
0x75: {  	_ =	shalt  }
0x76: {  	_ =	shalt  }
0x77: {  	_ =	shalt  }
0x78: {  	_ =	shalt  }
0x79: {  	_ =	shalt  }
0x7a: {  	_ =	shalt  }
0x7b: {  	_ =	shalt  }
0x7c: {  	_ =	shalt  }
0x7d: {  	_ =	shalt  }
0x7e: {  	_ =	shalt  }
0x7f: {  	_ =	shalt  }
0x80: {  	_ =	shalt  }
0x81: {  	_ =	shalt  }
0x82: {  	_ =	shalt  }
0x83: {  	_ =	shalt  }
0x84: {  	_ =	shalt  }
0x85: {  	_ =	shalt  }
0x86: {  	_ =	shalt  }
0x87: {  	_ =	shalt  }
.Lfunc_end0:
.L_simem_size_0:
called_computation.3_lowered:
.L_overlay_start_0:
0x88: {  	s2 =	sld [smem:$0x3FD9]  }
0x89: {  	s3 =	sld [smem:$0x3FFE];
	_ =	sdelay $0x1  }
0x8a: {  	s1 =	srdreg.scid  }
0x8b: {  	s0 =	sand.u32 $0x1, s1  }
0x8c: {  	s16 =	sshll.u32 s0, $0xA;
	s2 =	sadd.s32 s3, s2  }
0x8d: {  	s2 =	sadd.s32 s2, s16  }
0x8e: {  	[smem:$0x3FBC] =	sst s2  }
0x8f: {  	_ = 	snop  }
0x90: {  	(tm) =	ssettm $0x1  }
0x91: {  	s17 =	sld [smem:$0x3FFB];
	_ =	sdelay $0x3  }
0x92: {  	_ =	strace s17  }
0x93: {  	s2 =	sld [smem:$0x3FFC];
	_ =	sdelay $0x3  }
0x94: {  	_ =	strace s2  }
0x95: {  	s2 =	sld [smem:$0x3FFD];
	_ =	sdelay $0x3  }
0x96: {  	_ =	strace s2  }
0x97: {  	_ =	strace $0x8FFFFFFF  }
0x98: {  	s18 =	sld [smem:$0x3FDB];
	_ =	sdelay $0x1  }
0x99: {  	s19 =	simm.s32 $_scs_section_size  }
0x9a: {  	s4 =	simm.s32 $_size__tile_overlayer_lowered;
	s5 =	simm.s32 $_tile_overlayer_lowered  }
0x9b: {  	s22 =	simm.s32 $0x1BFF;
	s21 =	sshll.u32 s5, $0x1;
	s2 =	sadd.s32 s19, s18  }
0x9c: {  	s6 =	simm.s32 $0x0;
	s20 =	sshll.u32 s4, $0x1;
	s4 =	sadd.s32 s21, s2  }
0x9d: {  	[timem:s6], [sflag:s22] =	dma.local [hbm:s4], s20  }
0x9e: {  	_ =	swait.ge [sflag:s22], s20  }
0x9f: {  	s3 =	ssub.s32 $0x0, s20;
	[sflag:s22] =	ssyncset.done $0x0  }
0xa0: {  	[sflag:s22] =	ssyncadd.s32 s3;
	_ =	sdelay $0x1  }
0xa1: {  	s23 =	simm.s32 $0x1B8B  }
0xa2: {  	_ =	swait.ge [sflag:s23], $0x1  }
0xa3: {  	[sflag:s23] =	ssyncset.done $0x0  }
0xa4: {  	s25 =	simm.s32 $0x1B8E;
	s24 =	sld [smem:$0x3FFE];
	[sflag:s23] =	ssyncadd.s32 $0xFFFFFFFF  }
0xa5: {  	s26 =	simm.s32 $execute0_lowered;
	[smem:$0x3FD2] =	sst s25  }
0xa6: {  	s4 =	sshll.u32 s26, $0x1;
	_ =	strace $0x8000004F;
	[dreg:$0x1] =	wrdreg $0xFFFFFFFF  }
0xa7: {  	s28 =	simm.s32 $_size_execute0_lowered;
	s2 =	sadd.s32 s2, s4;
	[dreg:$0x0] =	wrdreg $0x0  }
0xa8: {  	s4 =	sshll.u32 s28, $0x1;
	[dreg:$0x2] =	wrdreg s2  }
0xa9: {  	[dreg:$0x3] =	wrdreg s4  }
0xaa: {  	[dreg:$0x4] =	wrdreg $0xC0  }
0xab: {  	_ =	task [dreg:s6], $0x5FFFF  }
0xac: {  	[dreg:$0x1] =	wrdreg $0xFFFFFFFF  }
0xad: {  	[dreg:$0x0] =	wrdreg $0x60  }
0xae: {  	[dreg:$0x2] =	wrdreg s24  }
0xaf: {  	[dreg:$0x3] =	wrdreg $0x9  }
0xb0: {  	_ =	task.clear_ibuf [dreg:s6], $0x4FFFF;
	_ =	strace $0x9000004F  }
0xb1: {  	s29 =	simm.s32 $0x9;
	_ =	strace $0x80000051  }
0xb2: {  	_ =	swait.ge [sflag:s29], $0x1  }
0xb3: {  	[sflag:s29] =	ssyncadd.s32 $0xFFFFFFFF  }
0xb4: {  	_ =	strace $0x90000051  }
0xb5: {  	_ =	sfence  }
0xb6: {  	s30 =	sld [smem:$0x0];
	_ =	sdelay $0x2  }
0xb7: {  	s31 =	sshll.u32 s1, $0xD;
	s1 =	sshrl.u32 s1, $0x2  }
0xb8: {  	s3 =	sand.u32 $0x4000, s31;
	s1 =	sadd.s32 s1, s30  }
0xb9: {  	s0 =	sor.u32 s3, s0;
	s1 =	sshll.u32 s1, $0x11  }
0xba: {  	s0 =	sor.u32 s1, s0  }
0xbb: {  	s0 =	sadd.s32 $0x8F2B, s0  }
0xbc: {  	[sflag:s0] =	ssyncadd.remote.s32 $0x1  }
0xbd: {  	_ =	sfence.sel $0xFFFF  }
0xbe: {  	[dreg:$0x0] =	wrdreg $0xFFFFFFFF;
	(pc) =	sbr.abs _section_cstart, $3  }
0xbf: {  	[dreg:$0x1] =	wrdreg $0xFFFFFFFF  }
0xc0: {  	_ =	task.clear_ibuf [dreg:s6], $0x2FFFF;
	_ =	strace $0x9FFFFFFF  }
0xc1: {  	(tm) =	ssettm $0x7FFFFFFF  }
tec
execute0_lowered:
.L_overlay_start_1:
0x0: {  	(tag) =	ssettag $0x1  }
0x1: {  	s0 =	rddreg [dreg:$0x0];
	s1 =	srdreg.scid  }
0x2: {  	s6 =	stileid.u32;
	s2 =	simm.s32 $0x0;
	s16 =	simm.s32 $0xA000  }
0x3: {  	s15 =	simm.s32 $0x2;
	s20 =	simm.s32 $0x15800;
	s21 =	simm.s32 $0x16000  }
0x4: {  	s22 =	simm.s32 $0x16800;
	s28 =	simm.s32 $0x18800;
	s29 =	simm.s32 $0x19000  }
0x5: {  	s30 =	simm.s32 $0x19800;
	s31 =	simm.s32 $0x3;
	s18 =	simm.s32 $0x0  }
0x6: {  	s1 =	sand.u32 $0x1, s1;
	s3 =	sshll.u32 s6, $0x1;
	s4 =	sadd.s32 $0x292200, s0  }
0x7: {  	[smem:$0x7FF] =	sst s2;
	s6 =	smul.u32 $0x500000, s6;
	s9 =	sadd.s32 $0x330200, s0  }
0x8: {  	s13 =	sadd.s32 $0xD30200, s0;
	s3 =	sor.u32 s1, s3;
	s7 =	ssub.s32 $0x2, s1  }
0x9: {  	_ =	strace $0x80000050;
	s1 =	smul.u32 $0x280000, s1;
	s8 =	sshrl.u32 s7, $0x1  }
0xa: {  	s5 =	smul.u32 $0xA00, s3;
	s3 =	sadd.s32 $0x85A00, s0;
	s10 =	ssub.s32 s7, s8  }
0xb: {  	s1 =	sadd.s32 s1, s6;
	s7 =	sadd.s32 $0x85B00, s0;
	s8 =	sadd.s32 $0x292300, s0  }
0xc: {  	s6 =	simm.s32 $0x5;
	s5 =	sadd.s32 s5, s0;
	s24 =	sor.u32 $0x4000, s1  }
0xd: {  	s1 =	sshrl.u32 s1, $0x3;
	s26 =	smax.u32 s10, $0x1;
	s0 =	simm.s32 $0x4  }
0xe: {  	s23 =	sadd.s32 $0x27E200, s5;
	s5 =	sadd.s32 $0x26A200, s5;
	s25 =	sshrl.u32 s24, $0x3  }
.Ltmp0:
0xf: {  	[dreg:$0x4] =	wrdreg s26;
	s11 =	sadd.s32 s1, s13;
	(pc) =	sbr.rel .LBB2_1-.Ltmp0, $4  }
0x10: {  	s12 =	sadd.s32 s1, s9;
	s24 =	simm.s32 $0xE000;
	[dreg:$0x2] =	wrdreg s23  }
0x11: {  	v2 =	vlaneseq.u32;
	s1 =	simm.s32 $0x1;
	s26 =	simm.s32 $0x18000;
	[dreg:$0x3] =	wrdreg s5  }
0x12: {  	vm0 =	vmmov $0xffff;
	v1 =	vshrl.u32 v2, $0x3;
	s10 =	sadd.s32 s25, s9;
	s13 =	sadd.s32 s25, s13;
	s5 =	simm.s32 $0x12000  }
0x13: {  	v0 =	vand.u32 $0x7, v2;
	v2 =	vor.u32 $0x8, v2;
	v1 =	vmul.u32 $0x8, v1;
	s23 =	simm.s32 $0x17000;
	s25 =	simm.s32 $0x17800;
	s9 =	simm.s32 $0x6  }
.LBB2_5:
0x14: {  	s14 =	simm.s32 $0x7  }
0x15: {  	_ =	swait.ge [sflag:s14], $0x4000  }
0x16: {  	[sflag:s14] =	ssyncset.done $0x0  }
0x17: {  	s17 =	simm.s32 $0x8;
	[sflag:s14] =	ssyncadd.s32 $0xFFFFC000  }
0x18: {  	_ =	swait.ge [sflag:s17], $0x4000  }
0x19: {  	s18 =	rddreg [dreg:$0x5]  }
0x1a: {  	s19 =	rddreg [dreg:$0x4];
	s18 =	sadd.s32 $0x1, s18  }
0x1b: {  	p0 =	sne.s32 s18, s19  }
.Ltmp1:
0x1c: {  	_ = 	snop;
	(pc) =	sbr.rel @!p0 .LBB2_6-.Ltmp1, $3  }
0x1d: {  	_ =	sdelay $0x1  }
0x1e: {  	[sflag:s17] =	ssyncset.done $0x0  }
0x1f: {  	[sflag:s17] =	ssyncadd.s32 $0xFFFFC000  }
.LBB2_1:
0x20: {  	[dreg:$0x5] =	wrdreg s18  }
0x21: {  	s14 =	rddreg [dreg:$0x2];
	s17 =	simm.s32 $0x9  }
0x22: {  	[tilespmem:s2], [sflag:$0x9] =	stream.linear.gather [hbm4b:s14+s2], $0x5000, $0x38;
	[tilespmem:$0x1A000] =	vst v63  }
0x23: {  	_ =	swait.ge [sflag:s17], $0x5000  }
0x24: {  	[sflag:s17] =	ssyncset.done $0x0  }
0x25: {  	s19 =	simm.s32 $0x5000;
	s18 =	rddreg [dreg:$0x3];
	[sflag:s17] =	ssyncadd.s32 $0xFFFFB000  }
0x26: {  	[tilespmem:s19], [sflag:$0x9] =	stream.linear.gather [hbm4b:s18+s2], $0x5000, $0x38;
	[tilespmem:$0x1A000] =	vst v63  }
0x27: {  	_ =	swait.ge [sflag:s17], $0x5000  }
0x28: {  	[sflag:s17] =	ssyncset.done $0x0  }
0x29: {  	[sflag:s17] =	ssyncadd.s32 $0xFFFFB000  }
0x2a: {  	v3 =	vld [tilespmem:$0x0];
	_ =	sdelay $0x4  }
0x2b: {  	v4 =	vshll.u32 v3, $0x2  }
0x2c: {  	v3 =	vand.u32 $0x7, v3;
	v4 =	vand.u32 $0xFFFFFFE0, v4  }
0x2d: {  	v3 =	vor.u32 v3, v4  }
0x2e: {  	v4 =	vperm.xlane v3, v0;
	_ =	sdelay $0x1  }
0x2f: {  	v4 =	vadd.s32 v1, v4;
	_ =	sdelay $0x1  }
0x30: {  	v3 =	vperm.xlane v3, v2;
	_ =	sdelay $0x1  }
0x31: {  	v3 =	vadd.s32 v1, v3  }
0x32: {  	[tilespmem:s16], [sflag:$0x1] =	stream.indirect_vreg.gather [hbm4b:s3+s2], $0x80, v4, vm0, $0xb8;
	[tilespmem:$0x1A000] =	vst v63  }
0x33: {  	s18 =	simm.s32 $0xA800  }
0x34: {  	[tilespmem:s18], [sflag:$0x1] =	stream.indirect_vreg.gather [hbm4b:s7+s2], $0x80, v4, vm0, $0xb8;
	[tilespmem:$0x1A000] =	vst v63  }
0x35: {  	s19 =	simm.s32 $0xB000  }
0x36: {  	[tilespmem:s19], [sflag:$0x1] =	stream.indirect_vreg.gather [hbm4b:s3+s2], $0x80, v3, vm0, $0xb8;
	[tilespmem:$0x1A000] =	vst v63  }
0x37: {  	s17 =	simm.s32 $0xB800  }
0x38: {  	[tilespmem:s17], [sflag:$0x1] =	stream.indirect_vreg.gather [hbm4b:s7+s2], $0x80, v3, vm0, $0xb8;
	[tilespmem:$0x1A000] =	vst v63  }
0x39: {  	v3 =	vld [tilespmem:$0x10];
	_ =	sdelay $0x4  }
0x3a: {  	v61 =	vshll.u32 v3, $0x2  }
0x3b: {  	v3 =	vand.u32 $0x7, v3;
	v4 =	vand.u32 $0xFFFFFFE0, v61  }
0x3c: {  	v3 =	vor.u32 v3, v4  }
0x3d: {  	v4 =	vperm.xlane v3, v0;
	_ =	sdelay $0x1  }
0x3e: {  	v4 =	vadd.s32 v1, v4;
	_ =	sdelay $0x1  }
0x3f: {  	v3 =	vperm.xlane v3, v2;
	_ =	sdelay $0x1  }
0x40: {  	s18 =	simm.s32 $0xC000;
	v3 =	vadd.s32 v1, v3  }
0x41: {  	[tilespmem:s18], [sflag:$0x1] =	stream.indirect_vreg.gather [hbm4b:s3+s2], $0x80, v4, vm0, $0xb8;
	[tilespmem:$0x1A000] =	vst v63  }
0x42: {  	s19 =	simm.s32 $0xC800  }
0x43: {  	[tilespmem:s19], [sflag:$0x1] =	stream.indirect_vreg.gather [hbm4b:s7+s2], $0x80, v4, vm0, $0xb8;
	[tilespmem:$0x1A000] =	vst v63  }
0x44: {  	s17 =	simm.s32 $0xD000  }
0x45: {  	[tilespmem:s17], [sflag:$0x1] =	stream.indirect_vreg.gather [hbm4b:s3+s2], $0x80, v3, vm0, $0xb8;
	[tilespmem:$0x1A000] =	vst v63  }
0x46: {  	s18 =	simm.s32 $0xD800  }
0x47: {  	[tilespmem:s18], [sflag:$0x1] =	stream.indirect_vreg.gather [hbm4b:s7+s2], $0x80, v3, vm0, $0xb8;
	[tilespmem:$0x1A000] =	vst v63  }
0x48: {  	v3 =	vld [tilespmem:$0x5000];
	_ =	sdelay $0x4  }
0x49: {  	v62 =	vshll.u32 v3, $0x2  }
0x4a: {  	v3 =	vand.u32 $0x7, v3;
	v4 =	vand.u32 $0xFFFFFFE0, v62  }
0x4b: {  	v3 =	vor.u32 v3, v4  }
0x4c: {  	v4 =	vperm.xlane v3, v0;
	_ =	sdelay $0x1  }
0x4d: {  	v4 =	vadd.s32 v1, v4;
	_ =	sdelay $0x1  }
0x4e: {  	v3 =	vperm.xlane v3, v2;
	_ =	sdelay $0x1  }
0x4f: {  	v3 =	vadd.s32 v1, v3  }
0x50: {  	[tilespmem:s24], [sflag:$0x2] =	stream.indirect_vreg.gather [hbm4b:s4+s2], $0x80, v4, vm0, $0xb8;
	[tilespmem:$0x1A000] =	vst v63  }
0x51: {  	s19 =	simm.s32 $0xE800  }
0x52: {  	[tilespmem:s19], [sflag:$0x2] =	stream.indirect_vreg.gather [hbm4b:s8+s2], $0x80, v4, vm0, $0xb8;
	[tilespmem:$0x1A000] =	vst v63  }
0x53: {  	s17 =	simm.s32 $0xF000  }
0x54: {  	[tilespmem:s17], [sflag:$0x2] =	stream.indirect_vreg.gather [hbm4b:s4+s2], $0x80, v3, vm0, $0xb8;
	[tilespmem:$0x1A000] =	vst v63  }
0x55: {  	s18 =	simm.s32 $0xF800  }
0x56: {  	[tilespmem:s18], [sflag:$0x2] =	stream.indirect_vreg.gather [hbm4b:s8+s2], $0x80, v3, vm0, $0xb8;
	[tilespmem:$0x1A000] =	vst v63  }
0x57: {  	v3 =	vld [tilespmem:$0x5010];
	_ =	sdelay $0x4  }
0x58: {  	v63 =	vshll.u32 v3, $0x2  }
0x59: {  	v3 =	vand.u32 $0x7, v3;
	v4 =	vand.u32 $0xFFFFFFE0, v63  }
0x5a: {  	v3 =	vor.u32 v3, v4  }
0x5b: {  	v4 =	vperm.xlane v3, v0;
	_ =	sdelay $0x1  }
0x5c: {  	v4 =	vadd.s32 v1, v4;
	_ =	sdelay $0x2  }
0x5d: {  	v3 =	vperm.xlane v3, v2  }
0x5e: {  	s19 =	simm.s32 $0x10000  }
0x5f: {  	v3 =	vadd.s32 v1, v3;
	[tilespmem:s19], [sflag:$0x2] =	stream.indirect_vreg.gather [hbm4b:s4+s2], $0x80, v4, vm0, $0xb8;
	[tilespmem:$0x1A000] =	vst v63  }
0x60: {  	s17 =	simm.s32 $0x10800  }
0x61: {  	[tilespmem:s17], [sflag:$0x2] =	stream.indirect_vreg.gather [hbm4b:s8+s2], $0x80, v4, vm0, $0xb8;
	[tilespmem:$0x1A000] =	vst v63  }
.Ltmp2:
0x62: {  	_ = 	snop;
	(pc) =	sbr.rel .LBB2_2-.Ltmp2, $4  }
0x63: {  	s14 =	simm.s32 $0x5090;
	s18 =	simm.s32 $0x11000  }
0x64: {  	[tilespmem:s18], [sflag:$0x2] =	stream.indirect_vreg.gather [hbm4b:s4+s2], $0x80, v3, vm0, $0xb8;
	[tilespmem:$0x1A000] =	vst v63  }
0x65: {  	s19 =	simm.s32 $0x11800;
	s17 =	simm.s32 $0x90;
	s18 =	simm.s32 $0x0  }
0x66: {  	[tilespmem:s19], [sflag:$0x2] =	stream.indirect_vreg.gather [hbm4b:s8+s2], $0x80, v3, vm0, $0xb8;
	[tilespmem:$0x1A000] =	vst v63  }
.LBB2_4:
0x67: {  	s19 =	sadd.s32 s18, s10  }
0x68: {  	[hbm4b:s19+s2] =	stream.linear.scatter [tilespmem:s5], [sflag:$0x7], $0x4000, $0x38;
	[tilespmem:$0x1A000] =	vst v63  }
0x69: {  	s19 =	sadd.s32 s18, s13;
	s18 =	sadd.s32 $0x1000, s18  }
0x6a: {  	p0 =	sne.s32 s18, $0x50000  }
.Ltmp3:
0x6b: {  	_ = 	snop;
	(pc) =	sbr.rel @!p0 .LBB2_5-.Ltmp3, $3  }
0x6c: {  	_ =	sdelay $0x1  }
0x6d: {  	s14 =	sadd.s32 $0x100, s14;
	s17 =	sadd.s32 $0x100, s17  }
0x6e: {  	[hbm4b:s19+s2] =	stream.linear.scatter [tilespmem:s21], [sflag:$0x8], $0x4000, $0x38;
	[tilespmem:$0x1A000] =	vst v63  }
.LBB2_2:
0x6f: {  	_ =	swait.ge [sflag:s1], $0x4000  }
0x70: {  	[sflag:s1] =	ssyncset.done $0x0  }
0x71: {  	[sflag:s1] =	ssyncadd.s32 $0xFFFFC000  }
0x72: {  	_ =	swait.ge [sflag:s15], $0x4000  }
0x73: {  	p0 =	seq.s32 s18, $0x0;
	[sflag:s15] =	ssyncset.done $0x0  }
0x74: {  	s19 =	simm.s32 @!p0 $0x7;
	[sflag:s15] =	ssyncadd.s32 $0xFFFFC000  }
0x75: {  	_ =	swait.ge @!p0 [sflag:s19], $0x4000  }
0x76: {  	[sflag:s19] =	ssyncset.done @!p0 $0x0  }
0x77: {  	[sflag:s19] =	ssyncadd.s32 @!p0 $0xFFFFC000;
	s19 =	simm.s32 @!p0 $0x8  }
0x78: {  	_ =	swait.ge @!p0 [sflag:s19], $0x4000  }
0x79: {  	[sflag:s19] =	ssyncset.done @!p0 $0x0  }
0x7a: {  	[sflag:s19] =	ssyncadd.s32 @!p0 $0xFFFFC000  }
0x7b: {  	v3 =	vld [tilespmem:s17+$0xFFFFFFF0];
	_ =	sdelay $0x4  }
0x7c: {  	v4 =	vshll.u32 v3, $0x2  }
0x7d: {  	v3 =	vand.u32 $0x7, v3;
	v4 =	vand.u32 $0xFFFFFFE0, v4  }
0x7e: {  	v3 =	vor.u32 v3, v4  }
0x7f: {  	v4 =	vperm.xlane v3, v0;
	_ =	sdelay $0x1  }
0x80: {  	v4 =	vadd.s32 v1, v4;
	_ =	sdelay $0x1  }
0x81: {  	v3 =	vperm.xlane v3, v2;
	_ =	sdelay $0x1  }
0x82: {  	v3 =	vadd.s32 v1, v3  }
0x83: {  	[tilespmem:s5], [sflag:$0x3] =	stream.indirect_vreg.gather [hbm4b:s3+s2], $0x80, v4, vm0, $0xb8;
	[tilespmem:$0x1A000] =	vst v63  }
0x84: {  	s19 =	simm.s32 $0x12800  }
0x85: {  	[tilespmem:s19], [sflag:$0x3] =	stream.indirect_vreg.gather [hbm4b:s7+s2], $0x80, v4, vm0, $0xb8;
	[tilespmem:$0x1A000] =	vst v63  }
0x86: {  	s19 =	simm.s32 $0x13000  }
0x87: {  	[tilespmem:s19], [sflag:$0x3] =	stream.indirect_vreg.gather [hbm4b:s3+s2], $0x80, v3, vm0, $0xb8;
	[tilespmem:$0x1A000] =	vst v63  }
0x88: {  	s19 =	simm.s32 $0x13800  }
0x89: {  	[tilespmem:s19], [sflag:$0x3] =	stream.indirect_vreg.gather [hbm4b:s7+s2], $0x80, v3, vm0, $0xb8;
	[tilespmem:$0x1A000] =	vst v63  }
0x8a: {  	v3 =	vld [tilespmem:s17+$0x0];
	_ =	sdelay $0x4  }
0x8b: {  	v61 =	vshll.u32 v3, $0x2  }
0x8c: {  	v3 =	vand.u32 $0x7, v3;
	v4 =	vand.u32 $0xFFFFFFE0, v61  }
0x8d: {  	v3 =	vor.u32 v3, v4  }
0x8e: {  	v4 =	vperm.xlane v3, v0;
	_ =	sdelay $0x1  }
0x8f: {  	v4 =	vadd.s32 v1, v4;
	_ =	sdelay $0x1  }
0x90: {  	v3 =	vperm.xlane v3, v2;
	_ =	sdelay $0x1  }
0x91: {  	s19 =	simm.s32 $0x14000;
	v3 =	vadd.s32 v1, v3  }
0x92: {  	[tilespmem:s19], [sflag:$0x3] =	stream.indirect_vreg.gather [hbm4b:s3+s2], $0x80, v4, vm0, $0xb8;
	[tilespmem:$0x1A000] =	vst v63  }
0x93: {  	s19 =	simm.s32 $0x14800  }
0x94: {  	[tilespmem:s19], [sflag:$0x3] =	stream.indirect_vreg.gather [hbm4b:s7+s2], $0x80, v4, vm0, $0xb8;
	[tilespmem:$0x1A000] =	vst v63  }
0x95: {  	s19 =	simm.s32 $0x15000  }
0x96: {  	[tilespmem:s19], [sflag:$0x3] =	stream.indirect_vreg.gather [hbm4b:s3+s2], $0x80, v3, vm0, $0xb8;
	[tilespmem:$0x1A000] =	vst v63  }
0x97: {  	_ = 	snop  }
0x98: {  	[tilespmem:s20], [sflag:$0x3] =	stream.indirect_vreg.gather [hbm4b:s7+s2], $0x80, v3, vm0, $0xb8;
	[tilespmem:$0x1A000] =	vst v63  }
0x99: {  	v3 =	vld [tilespmem:s14+$0xFFFFFFF0];
	_ =	sdelay $0x4  }
0x9a: {  	v62 =	vshll.u32 v3, $0x2  }
0x9b: {  	v3 =	vand.u32 $0x7, v3;
	v4 =	vand.u32 $0xFFFFFFE0, v62  }
0x9c: {  	v3 =	vor.u32 v3, v4  }
0x9d: {  	v4 =	vperm.xlane v3, v0;
	_ =	sdelay $0x1  }
0x9e: {  	v4 =	vadd.s32 v1, v4;
	_ =	sdelay $0x1  }
0x9f: {  	v3 =	vperm.xlane v3, v2;
	_ =	sdelay $0x1  }
0xa0: {  	v3 =	vadd.s32 v1, v3  }
0xa1: {  	[tilespmem:s21], [sflag:$0x4] =	stream.indirect_vreg.gather [hbm4b:s4+s2], $0x80, v4, vm0, $0xb8;
	[tilespmem:$0x1A000] =	vst v63  }
0xa2: {  	_ = 	snop  }
0xa3: {  	[tilespmem:s22], [sflag:$0x4] =	stream.indirect_vreg.gather [hbm4b:s8+s2], $0x80, v4, vm0, $0xb8;
	[tilespmem:$0x1A000] =	vst v63  }
0xa4: {  	_ = 	snop  }
0xa5: {  	[tilespmem:s23], [sflag:$0x4] =	stream.indirect_vreg.gather [hbm4b:s4+s2], $0x80, v3, vm0, $0xb8;
	[tilespmem:$0x1A000] =	vst v63  }
0xa6: {  	_ = 	snop  }
0xa7: {  	[tilespmem:s25], [sflag:$0x4] =	stream.indirect_vreg.gather [hbm4b:s8+s2], $0x80, v3, vm0, $0xb8;
	[tilespmem:$0x1A000] =	vst v63  }
0xa8: {  	v3 =	vld [tilespmem:s14+$0x0];
	_ =	sdelay $0x4  }
0xa9: {  	v63 =	vshll.u32 v3, $0x2  }
0xaa: {  	v3 =	vand.u32 $0x7, v3;
	v4 =	vand.u32 $0xFFFFFFE0, v63  }
0xab: {  	v3 =	vor.u32 v3, v4  }
0xac: {  	v4 =	vperm.xlane v3, v0;
	_ =	sdelay $0x1  }
0xad: {  	v4 =	vadd.s32 v1, v4;
	_ =	sdelay $0x1  }
0xae: {  	v3 =	vperm.xlane v3, v2;
	_ =	sdelay $0x1  }
0xaf: {  	v3 =	vadd.s32 v1, v3  }
0xb0: {  	[tilespmem:s26], [sflag:$0x4] =	stream.indirect_vreg.gather [hbm4b:s4+s2], $0x80, v4, vm0, $0xb8;
	[tilespmem:$0x1A000] =	vst v63  }
0xb1: {  	_ = 	snop  }
0xb2: {  	[tilespmem:s28], [sflag:$0x4] =	stream.indirect_vreg.gather [hbm4b:s8+s2], $0x80, v4, vm0, $0xb8;
	[tilespmem:$0x1A000] =	vst v63  }
0xb3: {  	_ = 	snop  }
0xb4: {  	[tilespmem:s29], [sflag:$0x4] =	stream.indirect_vreg.gather [hbm4b:s4+s2], $0x80, v3, vm0, $0xb8;
	[tilespmem:$0x1A000] =	vst v63  }
0xb5: {  	_ = 	snop  }
0xb6: {  	[tilespmem:s30], [sflag:$0x4] =	stream.indirect_vreg.gather [hbm4b:s8+s2], $0x80, v3, vm0, $0xb8;
	[tilespmem:$0x1A000] =	vst v63  }
0xb7: {  	s19 =	sadd.s32 s18, s12  }
0xb8: {  	[hbm4b:s19+s2] =	stream.linear.scatter [tilespmem:s16], [sflag:$0x5], $0x4000, $0x38;
	[tilespmem:$0x1A000] =	vst v63  }
0xb9: {  	s19 =	sadd.s32 s18, s11  }
0xba: {  	[hbm4b:s19+s2] =	stream.linear.scatter [tilespmem:s24], [sflag:$0x6], $0x4000, $0x38;
	[tilespmem:$0x1A000] =	vst v63  }
0xbb: {  	_ =	swait.ge [sflag:s31], $0x4000  }
0xbc: {  	[sflag:s31] =	ssyncset.done $0x0  }
0xbd: {  	[sflag:s31] =	ssyncadd.s32 $0xFFFFC000  }
0xbe: {  	_ =	swait.ge [sflag:s0], $0x4000  }
0xbf: {  	[sflag:s0] =	ssyncset.done $0x0  }
0xc0: {  	[sflag:s0] =	ssyncadd.s32 $0xFFFFC000  }
0xc1: {  	p0 =	seq.s32 s18, $0x4F000;
	_ =	swait.ge [sflag:s6], $0x4000  }
.Ltmp4:
0xc2: {  	[sflag:s6] =	ssyncset.done $0x0;
	(pc) =	sbr.rel @p0 .LBB2_4-.Ltmp4, $4  }
0xc3: {  	[sflag:s6] =	ssyncadd.s32 $0xFFFFC000  }
0xc4: {  	_ =	swait.ge [sflag:s9], $0x4000  }
0xc5: {  	[sflag:s9] =	ssyncset.done $0x0  }
0xc6: {  	[sflag:s9] =	ssyncadd.s32 $0xFFFFC000  }
0xc7: {  	v3 =	vld [tilespmem:s17+$0x70];
	_ =	sdelay $0x4  }
0xc8: {  	v4 =	vshll.u32 v3, $0x2  }
0xc9: {  	v3 =	vand.u32 $0x7, v3;
	v4 =	vand.u32 $0xFFFFFFE0, v4  }
0xca: {  	v3 =	vor.u32 v3, v4  }
0xcb: {  	v4 =	vperm.xlane v3, v0;
	_ =	sdelay $0x1  }
0xcc: {  	v4 =	vadd.s32 v1, v4;
	_ =	sdelay $0x1  }
0xcd: {  	v3 =	vperm.xlane v3, v2;
	_ =	sdelay $0x1  }
0xce: {  	v3 =	vadd.s32 v1, v3  }
0xcf: {  	[tilespmem:s16], [sflag:$0x1] =	stream.indirect_vreg.gather [hbm4b:s3+s2], $0x80, v4, vm0, $0xb8;
	[tilespmem:$0x1A000] =	vst v63  }
0xd0: {  	s19 =	simm.s32 $0xA800  }
0xd1: {  	[tilespmem:s19], [sflag:$0x1] =	stream.indirect_vreg.gather [hbm4b:s7+s2], $0x80, v4, vm0, $0xb8;
	[tilespmem:$0x1A000] =	vst v63  }
0xd2: {  	s19 =	simm.s32 $0xB000  }
0xd3: {  	[tilespmem:s19], [sflag:$0x1] =	stream.indirect_vreg.gather [hbm4b:s3+s2], $0x80, v3, vm0, $0xb8;
	[tilespmem:$0x1A000] =	vst v63  }
0xd4: {  	s19 =	simm.s32 $0xB800  }
0xd5: {  	[tilespmem:s19], [sflag:$0x1] =	stream.indirect_vreg.gather [hbm4b:s7+s2], $0x80, v3, vm0, $0xb8;
	[tilespmem:$0x1A000] =	vst v63  }
0xd6: {  	v3 =	vld [tilespmem:s17+$0x80];
	_ =	sdelay $0x4  }
0xd7: {  	v61 =	vshll.u32 v3, $0x2  }
0xd8: {  	v3 =	vand.u32 $0x7, v3;
	v4 =	vand.u32 $0xFFFFFFE0, v61  }
0xd9: {  	v3 =	vor.u32 v3, v4  }
0xda: {  	v4 =	vperm.xlane v3, v0;
	_ =	sdelay $0x1  }
0xdb: {  	v4 =	vadd.s32 v1, v4;
	_ =	sdelay $0x1  }
0xdc: {  	v3 =	vperm.xlane v3, v2;
	_ =	sdelay $0x1  }
0xdd: {  	s19 =	simm.s32 $0xC000;
	v3 =	vadd.s32 v1, v3  }
0xde: {  	[tilespmem:s19], [sflag:$0x1] =	stream.indirect_vreg.gather [hbm4b:s3+s2], $0x80, v4, vm0, $0xb8;
	[tilespmem:$0x1A000] =	vst v63  }
0xdf: {  	s19 =	simm.s32 $0xC800  }
0xe0: {  	[tilespmem:s19], [sflag:$0x1] =	stream.indirect_vreg.gather [hbm4b:s7+s2], $0x80, v4, vm0, $0xb8;
	[tilespmem:$0x1A000] =	vst v63  }
0xe1: {  	s19 =	simm.s32 $0xD000  }
0xe2: {  	[tilespmem:s19], [sflag:$0x1] =	stream.indirect_vreg.gather [hbm4b:s3+s2], $0x80, v3, vm0, $0xb8;
	[tilespmem:$0x1A000] =	vst v63  }
0xe3: {  	s19 =	simm.s32 $0xD800  }
0xe4: {  	[tilespmem:s19], [sflag:$0x1] =	stream.indirect_vreg.gather [hbm4b:s7+s2], $0x80, v3, vm0, $0xb8;
	[tilespmem:$0x1A000] =	vst v63  }
0xe5: {  	v3 =	vld [tilespmem:s14+$0x70];
	_ =	sdelay $0x4  }
0xe6: {  	v62 =	vshll.u32 v3, $0x2  }
0xe7: {  	v3 =	vand.u32 $0x7, v3;
	v4 =	vand.u32 $0xFFFFFFE0, v62  }
0xe8: {  	v3 =	vor.u32 v3, v4  }
0xe9: {  	v4 =	vperm.xlane v3, v0;
	_ =	sdelay $0x1  }
0xea: {  	v4 =	vadd.s32 v1, v4;
	_ =	sdelay $0x1  }
0xeb: {  	v3 =	vperm.xlane v3, v2;
	_ =	sdelay $0x1  }
0xec: {  	v3 =	vadd.s32 v1, v3  }
0xed: {  	[tilespmem:s24], [sflag:$0x2] =	stream.indirect_vreg.gather [hbm4b:s4+s2], $0x80, v4, vm0, $0xb8;
	[tilespmem:$0x1A000] =	vst v63  }
0xee: {  	s19 =	simm.s32 $0xE800  }
0xef: {  	[tilespmem:s19], [sflag:$0x2] =	stream.indirect_vreg.gather [hbm4b:s8+s2], $0x80, v4, vm0, $0xb8;
	[tilespmem:$0x1A000] =	vst v63  }
0xf0: {  	s19 =	simm.s32 $0xF000  }
0xf1: {  	[tilespmem:s19], [sflag:$0x2] =	stream.indirect_vreg.gather [hbm4b:s4+s2], $0x80, v3, vm0, $0xb8;
	[tilespmem:$0x1A000] =	vst v63  }
0xf2: {  	s19 =	simm.s32 $0xF800  }
0xf3: {  	[tilespmem:s19], [sflag:$0x2] =	stream.indirect_vreg.gather [hbm4b:s8+s2], $0x80, v3, vm0, $0xb8;
	[tilespmem:$0x1A000] =	vst v63  }
0xf4: {  	v3 =	vld [tilespmem:s14+$0x80];
	_ =	sdelay $0x4  }
0xf5: {  	v63 =	vshll.u32 v3, $0x2  }
0xf6: {  	v3 =	vand.u32 $0x7, v3;
	v4 =	vand.u32 $0xFFFFFFE0, v63  }
0xf7: {  	v3 =	vor.u32 v3, v4  }
0xf8: {  	v4 =	vperm.xlane v3, v0;
	_ =	sdelay $0x1  }
0xf9: {  	v4 =	vadd.s32 v1, v4;
	_ =	sdelay $0x2  }
0xfa: {  	v3 =	vperm.xlane v3, v2  }
0xfb: {  	s19 =	simm.s32 $0x10000  }
0xfc: {  	v3 =	vadd.s32 v1, v3;
	[tilespmem:s19], [sflag:$0x2] =	stream.indirect_vreg.gather [hbm4b:s4+s2], $0x80, v4, vm0, $0xb8;
	[tilespmem:$0x1A000] =	vst v63  }
0xfd: {  	s19 =	simm.s32 $0x10800  }
0xfe: {  	[tilespmem:s19], [sflag:$0x2] =	stream.indirect_vreg.gather [hbm4b:s8+s2], $0x80, v4, vm0, $0xb8;
	[tilespmem:$0x1A000] =	vst v63  }
.Ltmp5:
0xff: {  	_ = 	snop;
	(pc) =	sbr.rel .LBB2_4-.Ltmp5, $4  }
0x100: {  	s19 =	simm.s32 $0x11000  }
0x101: {  	[tilespmem:s19], [sflag:$0x2] =	stream.indirect_vreg.gather [hbm4b:s4+s2], $0x80, v3, vm0, $0xb8;
	[tilespmem:$0x1A000] =	vst v63  }
0x102: {  	s19 =	simm.s32 $0x11800  }
0x103: {  	[tilespmem:s19], [sflag:$0x2] =	stream.indirect_vreg.gather [hbm4b:s8+s2], $0x80, v3, vm0, $0xb8;
	[tilespmem:$0x1A000] =	vst v63  }
.LBB2_6:
0x104: {  	_ =	sfence.sel $0x180000  }
0x105: {  	[bflag:$0x0] =	sbarrier.arrive $0xFFFF  }
0x106: {  	_ =	strace $0x90000050  }
0x107: {  	s0 =	stileid.u32;
	[bflag:$0x2] =	sbarrier.arrive $0xFFFF  }
0x108: {  	p0 =	sne.s32 s0, $0x0;
	s0 =	rddreg [dreg:$0x1]  }
0x109: {  	s0 =	sadd.s32 @!p0 $0x100000, s0  }
0x10a: {  	[sflag:s0] =	ssyncadd.tile.s32 @!p0 $0x1;
	_ =	shalt  }
.Lfunc_end2:
_tile_overlayer_lowered:
.L_overlay_start_2:
0x10b: {  	(tag) =	ssettag $0x2  }
0x10c: {  	s0 =	rddreg [dreg:$0x0];
	s2 =	stileid.u32  }
0x10d: {  	s1 =	rddreg [dreg:$0x1];
	p0 =	sne.s32 s2, $0x0  }
0x10e: {  	s3 =	rddreg [dreg:$0x2];
	[bflag:$0x3] =	sbarrier.arrive $0xFFFF;
	s2 =	simm.s32 @!p0 $0x1C09  }
0x10f: {  	[timem:s3], [sflag:s2] =	dma.local @!p0 [hbm:s0], s1  }
0x110: {  	s0 =	simm.s32 @!p0 $0x9  }
0x111: {  	_ =	swait.ge @!p0 [sflag:s0], s1  }
0x112: {  	s1 =	ssub.s32 @!p0 $0x0, s1;
	[sflag:s0] =	ssyncset.done @!p0 $0x0  }
0x113: {  	[sflag:s0] =	ssyncadd.s32 @!p0 s1  }
0x114: {  	[bflag:$0x3] =	sbarrier.arrive $0xFFFF  }
0x115: {  	_ =	shalt  }

</sc_bundles>
